<compile_context>
chip_gen: v7x
topology: tpu7x:2x2x1
jax: 0.10.2.dev20260603
libtpu: 0.0.44.dev20260713+nightly
codegen_flags: <defaults>
</compile_context>

<pallas_src>
import functools

import jax
import jax.numpy as jnp
import numpy as np
from jax import lax
from jax.experimental import pallas as pl
from jax.experimental.pallas import tpu as pltpu
from jax.experimental.pallas import tpu_sc as plsc

N = 10000
F = 128
H = 4
D = 32
E = 160000

NSUB = 16
ROWS_PER_SUB = N // NSUB
EDGES_PER_SUB = E // NSUB
CHUNK = 80
NCHUNK = EDGES_PER_SUB // CHUNK
NGRP = CHUNK // 16
WROW = 144
ROWBLK = 1000

_INV_SCALE = 1.0 / np.sqrt(128.0)


def _proj_body(x_ref, w_ref, b_ref, q_ref, k_ref, v_ref, f_ref):
    acc = jnp.dot(x_ref[...], w_ref[...], preferred_element_type=jnp.float32)
    acc = acc + b_ref[...]
    q_ref[...] = acc[:, 0:128]
    k_ref[...] = acc[:, 128:256]
    v_ref[...] = acc[:, 256:384]
    f_ref[...] = acc[:, 384:512]


def _project(x99, W, b):
    out_shape = [jax.ShapeDtypeStruct((NACC, F), jnp.float32)] * 3 + [
        jax.ShapeDtypeStruct((N, F), jnp.float32)]
    return pl.pallas_call(
        _proj_body,
        grid=(N // ROWBLK,),
        in_specs=[
            pl.BlockSpec((ROWBLK, 2 * F), lambda i: (i, 0)),
            pl.BlockSpec((2 * F, 4 * F), lambda i: (0, 0)),
            pl.BlockSpec((1, 4 * F), lambda i: (0, 0)),
        ],
        out_specs=[pl.BlockSpec((ROWBLK, F), lambda i: (i, 0))] * 4,
        out_shape=out_shape,
    )(x99, W, b)


EPV = 160256
NSTG = EPV // (16 * 32)
SROW = EPV // 32
NACC = N + 8


def _edge_body(q_hbm, k_hbm, v_hbm, src_hbm, dst_hbm, zeros_hbm,
               out_hbm, srcb, dstb, dsc, kb, qb, vb, wb, acc,
               sem_g0, sem_g1, sem_i0, sem_i1, sem_s0, sem_s1):
    c = lax.axis_index("c")
    s = lax.axis_index("s")
    rbase = s * ROWS_PER_SUB
    gbase = c * SROW + s

    sem_g = [sem_g0, sem_g1]
    sem_i = [sem_i0, sem_i1]
    sem_s = [sem_s0, sem_s1]

    pltpu.sync_copy(zeros_hbm.at[pl.ds(rbase, ROWS_PER_SUB)],
                    acc.at[pl.ds(rbase, ROWS_PER_SUB)])
    plsc.subcore_barrier()

    lane = lax.iota(jnp.int32, 16)
    zero16 = jnp.zeros((16,), jnp.float32)
    zero16i = jnp.zeros((16,), jnp.int32)
    hbase = [jnp.full((16,), h * 32, jnp.int32) for h in range(H)]
    zcol = [jnp.full((16,), 128 + h, jnp.int32) for h in range(H)]
    pv = [jnp.full((16,), p, jnp.int32) for p in range(2)]

    def wzero(r, carry):
        for p in range(2):
            for jj in range(WROW // 16):
                wb[p, r, pl.ds(jj * 16, 16)] = zero16
        return carry

    lax.fori_loop(0, 32, wzero, 0)
    for p in range(2):
        dsc[p, pl.ds(0, 16)] = zero16i
        dsc[p, pl.ds(16, 16)] = zero16i

    pltpu.sync_copy(src_hbm.at[gbase], srcb.at[0])
    pltpu.sync_copy(dst_hbm.at[gbase], dstb.at[0])
    pltpu.async_copy(src_hbm.at[gbase + 16], srcb.at[1], sem_i[1])
    pltpu.async_copy(dst_hbm.at[gbase + 16], dstb.at[1], sem_i[1])
    pltpu.async_copy(k_hbm.at[srcb.at[0]], kb.at[0], sem_g[0])
    pltpu.async_copy(q_hbm.at[dstb.at[0]], qb.at[0], sem_g[0])
    pltpu.async_copy(v_hbm.at[srcb.at[0]], vb.at[0], sem_g[0])
    pltpu.async_copy(wb.at[0], acc.at[dsc.at[0]], sem_s[0], add=True)
    pltpu.async_copy(wb.at[1], acc.at[dsc.at[1]], sem_s[1], add=True)

    def stage_step(j, p):
        pn = 1 - p
        rn = gbase + 16 * jnp.minimum(j + 1, NSTG - 1)
        rnn = gbase + 16 * jnp.minimum(j + 2, NSTG - 1)
        pvec = pv[p]

        pltpu.make_async_copy(k_hbm.at[srcb.at[p]], kb.at[p], sem_g[p]).wait()
        pltpu.make_async_copy(q_hbm.at[srcb.at[p]], qb.at[p], sem_g[p]).wait()
        pltpu.make_async_copy(v_hbm.at[srcb.at[p]], vb.at[p], sem_g[p]).wait()

        pltpu.make_async_copy(wb.at[p], acc.at[dsc.at[p]], sem_s[p]).wait()

        dsc[p, pl.ds(0, 16)] = dstb[p, pl.ds(0, 16)]
        dsc[p, pl.ds(16, 16)] = dstb[p, pl.ds(16, 16)]

        pltpu.async_copy(src_hbm.at[rnn], srcb.at[p], sem_i[p])
        pltpu.async_copy(dst_hbm.at[rnn], dstb.at[p], sem_i[p])

        pltpu.make_async_copy(src_hbm.at[rn], srcb.at[pn], sem_i[pn]).wait()
        pltpu.make_async_copy(dst_hbm.at[rn], dstb.at[pn], sem_i[pn]).wait()
        pltpu.async_copy(k_hbm.at[srcb.at[pn]], kb.at[pn], sem_g[pn])
        pltpu.async_copy(q_hbm.at[dstb.at[pn]], qb.at[pn], sem_g[pn])
        pltpu.async_copy(v_hbm.at[srcb.at[pn]], vb.at[pn], sem_g[pn])

        for sg in range(2):
            rows = sg * 16 + lane

            def score_body(d2, accs):
                for u in range(2):
                    skew = jnp.bitwise_and(d2 * 2 + u + lane, D - 1)
                    for h in range(H):
                        col = hbase[h] + skew
                        accs = tuple(
                            accs[hh] + plsc.load_gather(kb, [pvec, rows, col])
                            * plsc.load_gather(qb, [pvec, rows, col])
                            if hh == h else accs[hh]
                            for hh in range(H)
                        )
                return accs

            accs = lax.fori_loop(0, D // 2, score_body,
                                 (zero16, zero16, zero16, zero16))
            esc = []
            for h in range(H):
                t = accs[h] * _INV_SCALE
                t = jnp.minimum(jnp.maximum(t, -5.0), 5.0)
                esc.append(jnp.exp(t))

            def scale_body(d2, scarry):
                for u in range(2):
                    skew = jnp.bitwise_and(d2 * 2 + u + lane, D - 1)
                    for h in range(H):
                        col = hbase[h] + skew
                        vvals = plsc.load_gather(vb, [pvec, rows, col])
                        plsc.store_scatter(wb, [pvec, rows, col],
                                           vvals * esc[h])
                return scarry

            lax.fori_loop(0, D // 2, scale_body, 0)
            for h in range(H):
                plsc.store_scatter(wb, [pvec, rows, zcol[h]], esc[h])

        pltpu.async_copy(wb.at[p], acc.at[dsc.at[p]], sem_s[p], add=True)

    def pair_body(t, carry):
        stage_step(2 * t, 0)
        stage_step(2 * t + 1, 1)
        return carry

    lax.fori_loop(0, NSTG // 2, pair_body, 0)
    stage_step(NSTG - 1, 0)

    pltpu.make_async_copy(wb.at[0], acc.at[dsc.at[0]], sem_s[0]).wait()
    pltpu.make_async_copy(wb.at[1], acc.at[dsc.at[1]], sem_s[1]).wait()
    pltpu.make_async_copy(k_hbm.at[srcb.at[1]], kb.at[1], sem_g[1]).wait()
    pltpu.make_async_copy(q_hbm.at[srcb.at[1]], qb.at[1], sem_g[1]).wait()
    pltpu.make_async_copy(v_hbm.at[srcb.at[1]], vb.at[1], sem_g[1]).wait()
    pltpu.make_async_copy(src_hbm.at[gbase], srcb.at[0], sem_i[0]).wait()
    pltpu.make_async_copy(dst_hbm.at[gbase], dstb.at[0], sem_i[0]).wait()

    plsc.subcore_barrier()
    pltpu.sync_copy(acc.at[pl.ds(rbase, ROWS_PER_SUB)],
                    out_hbm.at[c, pl.ds(rbase, ROWS_PER_SUB)])


_edge_kernel = functools.partial(
    pl.kernel,
    out_type=jax.ShapeDtypeStruct((2, N, WROW), jnp.float32),
    mesh=plsc.VectorSubcoreMesh(core_axis_name="c", subcore_axis_name="s"),
    scratch_types=[
        pltpu.VMEM((2, 32), jnp.int32),
        pltpu.VMEM((2, 32), jnp.int32),
        pltpu.VMEM((2, 32), jnp.int32),
        pltpu.VMEM((2, 32, F), jnp.float32),
        pltpu.VMEM((2, 32, F), jnp.float32),
        pltpu.VMEM((2, 32, F), jnp.float32),
        pltpu.VMEM((2, 32, WROW), jnp.float32),
        pltpu.VMEM_SHARED((NACC, WROW), jnp.float32),
        pltpu.SemaphoreType.DMA,
        pltpu.SemaphoreType.DMA,
        pltpu.SemaphoreType.DMA,
        pltpu.SemaphoreType.DMA,
        pltpu.SemaphoreType.DMA,
        pltpu.SemaphoreType.DMA,
    ],
    compiler_params=pltpu.CompilerParams(
        use_tc_tiling_on_sc=False, needs_layout_passes=False),
)(_edge_body)


def _epi_body(wvz_ref, xf_ref, wo_ref, bo_ref, g_ref, b_ref, out_ref):
    wvz = wvz_ref[0]
    wv = wvz[:, 0:128]
    parts = []
    for h in range(H):
        zh = wvz[:, 128 + h:129 + h]
        parts.append(wv[:, h * 32:(h + 1) * 32] / (zh + 1.0))
    y = jnp.concatenate(parts, axis=1)
    ao = jnp.dot(y, wo_ref[...], preferred_element_type=jnp.float32) + bo_ref[...]
    hh = xf_ref[...] + ao
    m = jnp.mean(hh, axis=1, keepdims=True)
    va = jnp.mean((hh - m) ** 2, axis=1, keepdims=True)
    ln = (hh - m) / jnp.sqrt(va + 1e-5) * g_ref[...] + b_ref[...]
    out_ref[0] = hh + ln


def _epilogue(wvz, xf, Wo, bo, g, b):
    return pl.pallas_call(
        _epi_body,
        grid=(2, N // ROWBLK),
        in_specs=[
            pl.BlockSpec((1, ROWBLK, WROW), lambda v, i: (v, i, 0)),
            pl.BlockSpec((ROWBLK, F), lambda v, i: (i, 0)),
            pl.BlockSpec((F, F), lambda v, i: (0, 0)),
            pl.BlockSpec((1, F), lambda v, i: (0, 0)),
            pl.BlockSpec((1, F), lambda v, i: (0, 0)),
            pl.BlockSpec((1, F), lambda v, i: (0, 0)),
        ],
        out_specs=pl.BlockSpec((1, ROWBLK, F), lambda v, i: (v, i, 0)),
        out_shape=jax.ShapeDtypeStruct((2, N, F), jnp.float32),
    )(wvz, xf, Wo, bo, g, b)


def kernel(x0, x1, x99, edge_index_0, edge_index_1, Wq, bq, Wk, bk, Wv, bv,
           Wo, bo, Wf, bf, aWq, abq, aWk, abk, aWv, abv, aWo, abo, aWf, abf,
           ln_g, ln_b, aln_g, aln_b):
    W = jnp.concatenate([aWq, aWk, aWv, aWf], axis=1)
    b = jnp.concatenate([abq, abk, abv, abf]).reshape(1, 4 * F)
    q99, k99, v99, xf = _project(x99, W, b)

    ei0 = edge_index_0.astype(jnp.int32)
    ei1 = edge_index_1.astype(jnp.int32)
    pad0 = jnp.zeros((EPV - E,), jnp.int32)
    padn = jnp.full((EPV - E,), N, jnp.int32)
    src2 = jnp.concatenate([ei0[0], pad0, ei1[0], pad0]).reshape(2 * SROW, 32)
    dst2 = jnp.concatenate([ei0[1], padn, ei1[1], padn]).reshape(2 * SROW, 32)
    zeros = jnp.zeros((N, WROW), jnp.float32)
    wvz = _edge_kernel(q99, k99, v99, src2, dst2, zeros)

    out = _epilogue(wvz, xf, aWo, abo.reshape(1, F), aln_g.reshape(1, F),
                    aln_b.reshape(1, F))
    return out[0], out[1]

# --- scband reference (transcript-rebuilt; emitter-appended) ---
"""Pipeline reference for scband-base-transformer-layer-68358699483732 (READ-ONLY COPY).

The authoritative reference and input builder live on the scoring server;
editing this copy changes nothing except your own understanding.
"""

import jax, jax.numpy as jnp
import numpy as np

N = 10000
F = 128
H = 4
D = 32
OH = H * D
E = 160000


def _layer_norm(x, g, b):
    m = jnp.mean(x, axis=-1, keepdims=True)
    va = jnp.mean((x - m) ** 2, axis=-1, keepdims=True)
    return (x - m) / jnp.sqrt(va + 1e-5) * g + b


def setup_inputs(seed: int = 0):
    key = jax.random.key(seed)
    ks = jax.random.split(key, 32)
    inp = {}
    inp["x0"] = jax.random.normal(ks[0], (N, F), jnp.float32)
    inp["x1"] = jax.random.normal(ks[1], (N, F), jnp.float32)
    inp["x99"] = jax.random.normal(ks[2], (N, 2 * F), jnp.float32)
    inp["edge_index_0"] = jax.random.randint(ks[3], (2, E), 0, N)
    inp["edge_index_1"] = jax.random.randint(ks[4], (2, E), 0, N)
    s = 0.05
    wspecs = [("Wq", F), ("Wk", F), ("Wv", F), ("Wo", OH), ("Wf", F), ("aWq", 2 * F), ("aWk", 2 * F), ("aWv", 2 * F), ("aWo", OH), ("aWf", 2 * F)]
    bnames = ["bq", "bk", "bv", "bo", "bf", "abq", "abk", "abv", "abo", "abf"]
    for i, ((wn, din), bn) in enumerate(zip(wspecs, bnames)):
        inp[wn] = jax.random.normal(ks[5 + i], (din, OH), jnp.float32) * s
        inp[bn] = jnp.zeros((OH,), jnp.float32)
    inp["ln_g"] = jnp.ones((OH,), jnp.float32)
    inp["ln_b"] = jnp.zeros((OH,), jnp.float32)
    inp["aln_g"] = jnp.ones((OH,), jnp.float32)
    inp["aln_b"] = jnp.zeros((OH,), jnp.float32)
    return inp


def reference(x0, x1, x99, edge_index_0, edge_index_1, Wq, bq, Wk, bk, Wv, bv, Wo, bo, Wf, bf, aWq, abq, aWk, abk, aWv, abv, aWo, abo, aWf, abf, ln_g, ln_b, aln_g, aln_b):
    scale = np.sqrt(F)
    xd = {0: x0, 1: x1}
    ei = {0: edge_index_0, 1: edge_index_1}
    qd, kd, vd = {}, {}, {}
    for vid in (0, 1):
        qd[vid] = (xd[vid] @ Wq + bq).reshape(N, H, D)
        kd[vid] = (xd[vid] @ Wk + bk).reshape(N, H, D)
        vd[vid] = (xd[vid] @ Wv + bv).reshape(N, H, D)
    q99 = (x99 @ aWq + abq).reshape(N, H, D)
    k99 = (x99 @ aWk + abk).reshape(N, H, D)
    v99 = (x99 @ aWv + abv).reshape(N, H, D)
    outs = []
    for vid in (0, 1):
        src = ei[vid][0]
        dst = ei[vid][1]
        sc = jnp.exp(jnp.clip(jnp.sum(kd[vid][src] * qd[vid][dst], axis=-1, keepdims=True) / scale, -5.0, 5.0))
        sc99 = jnp.exp(jnp.clip(jnp.sum(k99[src] * q99[dst], axis=-1, keepdims=True) / scale, -5.0, 5.0))
        wv = jnp.zeros((N, H, D), jnp.float32).at[dst].add(vd[vid][src] * sc)
        z = jnp.zeros((N, H, 1), jnp.float32).at[dst].add(sc)
        wv99 = jnp.zeros((N, H, D), jnp.float32).at[dst].add(v99[src] * sc99)
        z99 = jnp.zeros((N, H, 1), jnp.float32).at[dst].add(sc99)
        o = (wv / (z + 1.0)).reshape(N, OH) @ Wo + bo
        h = xd[vid] @ Wf + bf + o
        h = h + _layer_norm(h, ln_g, ln_b)
        ao = (wv99 / (z99 + 1.0)).reshape(N, OH) @ aWo + abo
        ah = x99 @ aWf + abf + ao
        ah = ah + _layer_norm(ah, aln_g, aln_b)
        outs.append(ah)
    return tuple(outs)

if __name__ == "__main__":
    import jax
    _d = setup_inputs()
    print(jax.jit(kernel)(*tuple(_d.values())))

</pallas_src>

<mosaic_0001>
#map = affine_map<(d0, d1) -> (0, 0)>
#map1 = affine_map<(d0, d1) -> (0, 0, 0)>
module attributes {stable_mosaic.version = 14 : i64} {
  func.func @_edge_body(%arg0: i32, %arg1: i32, %arg2: memref<10008x128xf32, #tpu.memory_space<hbm>>, %arg3: memref<10008x128xf32, #tpu.memory_space<hbm>>, %arg4: memref<10008x128xf32, #tpu.memory_space<hbm>>, %arg5: memref<10016x32xi32, #tpu.memory_space<hbm>>, %arg6: memref<10016x32xi32, #tpu.memory_space<hbm>>, %arg7: memref<10000x144xf32, #tpu.memory_space<hbm>>, %arg8: memref<2x10000x144xf32, #tpu.memory_space<hbm>>, %arg9: memref<2x32xi32, #tpu.memory_space<vmem>>, %arg10: memref<2x32xi32, #tpu.memory_space<vmem>>, %arg11: memref<2x32xi32, #tpu.memory_space<vmem>>, %arg12: memref<2x32x128xf32, #tpu.memory_space<vmem>>, %arg13: memref<2x32x128xf32, #tpu.memory_space<vmem>>, %arg14: memref<2x32x128xf32, #tpu.memory_space<vmem>>, %arg15: memref<2x32x144xf32, #tpu.memory_space<vmem>>, %arg16: memref<10008x144xf32, #tpu.memory_space<vmem_shared>>, %arg17: memref<!tpu.dma_semaphore, #tpu.memory_space<semaphore_mem>>, %arg18: memref<!tpu.dma_semaphore, #tpu.memory_space<semaphore_mem>>, %arg19: memref<!tpu.dma_semaphore, #tpu.memory_space<semaphore_mem>>, %arg20: memref<!tpu.dma_semaphore, #tpu.memory_space<semaphore_mem>>, %arg21: memref<!tpu.dma_semaphore, #tpu.memory_space<semaphore_mem>>, %arg22: memref<!tpu.dma_semaphore, #tpu.memory_space<semaphore_mem>>) attributes {dimension_semantics = [#tpu.dimension_semantics<core_parallel>, #tpu.dimension_semantics<subcore_parallel>], iteration_bounds = array<i64: 2, 16>, scalar_prefetch = 0 : i64, scratch_operands = 14 : i64, tpu.core_type = #tpu.core_type<sc_vector_subcore>, window_params = [{transform_indices = #map}, {transform_indices = #map}, {transform_indices = #map}, {transform_indices = #map}, {transform_indices = #map}, {transform_indices = #map}, {transform_indices = #map1}]} {
    %mul3A = arith.constant 625 : i32
    %mul3A_0 = arith.muli %arg1, %mul3A : i32
    %mul3A_1 = arith.constant 5008 : i32
    %mul3A_2 = arith.muli %arg0, %mul3A_1 : i32
    %add3A = arith.addi %mul3A_2, %arg1 : i32
    "tpu.region"() ({
      %run_scoped3A_510 = tpu.sem_alloc : memref<!tpu.dma_semaphore, #tpu.memory_space<semaphore_mem>>
      %dma_start3A_511 = arith.constant 0 : i32
      %dma_start3A_512 = tpu.memref_slice %arg16[%mul3A_0, %dma_start3A_511] : memref<10008x144xf32, #tpu.memory_space<vmem_shared>> -> memref<625x144xf32, #tpu.memory_space<vmem_shared>>
      %dma_start3A_513 = arith.constant 0 : i32
      %dma_start3A_514 = tpu.memref_slice %arg7[%mul3A_0, %dma_start3A_513] : memref<10000x144xf32, #tpu.memory_space<hbm>> -> memref<625x144xf32, #tpu.memory_space<hbm>>
      tpu.enqueue_dma source(%dma_start3A_514 : memref<625x144xf32, #tpu.memory_space<hbm>>) target(%dma_start3A_512 : memref<625x144xf32, #tpu.memory_space<vmem_shared>>) target_semaphore(%run_scoped3A_510 : memref<!tpu.dma_semaphore, #tpu.memory_space<semaphore_mem>>)
      %dma_wait3A_515 = arith.constant 0 : i32
      %dma_wait3A_516 = tpu.memref_slice %arg16[%mul3A_0, %dma_wait3A_515] : memref<10008x144xf32, #tpu.memory_space<vmem_shared>> -> memref<625x144xf32, #tpu.memory_space<vmem_shared>>
      %dma_wait3A_517 = arith.constant 0 : i32
      %dma_wait3A_518 = tpu.memref_slice %arg7[%mul3A_0, %dma_wait3A_517] : memref<10000x144xf32, #tpu.memory_space<hbm>> -> memref<625x144xf32, #tpu.memory_space<hbm>>
      tpu.wait_dma2 semaphore(%run_scoped3A_510 : memref<!tpu.dma_semaphore, #tpu.memory_space<semaphore_mem>>) src(%dma_wait3A_518 : memref<625x144xf32, #tpu.memory_space<hbm>>) dst(%dma_wait3A_516 : memref<625x144xf32, #tpu.memory_space<vmem_shared>>)
      tpu.yield
    }) : () -> ()
    %barrier3A = arith.constant 0 : index
    tpu.barrier barrier_id(%barrier3A)
    %iota3A = tpu.iota {dimensions = array<i32: 0>} : vector<16xi32>
    %broadcast_in_dim3A = arith.constant 0.000000e+00 : f32
    %broadcast_in_dim3A_3 = vector.broadcast %broadcast_in_dim3A : f32 to vector<16xf32>
    %broadcast_in_dim3A_4 = arith.constant 0 : i32
    %broadcast_in_dim3A_5 = vector.broadcast %broadcast_in_dim3A_4 : i32 to vector<16xi32>
    %broadcast_in_dim3A_6 = arith.constant 0 : i32
    %broadcast_in_dim3A_7 = vector.broadcast %broadcast_in_dim3A_6 : i32 to vector<16xi32>
    %broadcast_in_dim3A_8 = arith.constant 32 : i32
    %broadcast_in_dim3A_9 = vector.broadcast %broadcast_in_dim3A_8 : i32 to vector<16xi32>
    %broadcast_in_dim3A_10 = arith.constant 64 : i32
    %broadcast_in_dim3A_11 = vector.broadcast %broadcast_in_dim3A_10 : i32 to vector<16xi32>
    %broadcast_in_dim3A_12 = arith.constant 96 : i32
    %broadcast_in_dim3A_13 = vector.broadcast %broadcast_in_dim3A_12 : i32 to vector<16xi32>
    %broadcast_in_dim3A_14 = arith.constant 128 : i32
    %broadcast_in_dim3A_15 = vector.broadcast %broadcast_in_dim3A_14 : i32 to vector<16xi32>
    %broadcast_in_dim3A_16 = arith.constant 129 : i32
    %broadcast_in_dim3A_17 = vector.broadcast %broadcast_in_dim3A_16 : i32 to vector<16xi32>
    %broadcast_in_dim3A_18 = arith.constant 130 : i32
    %broadcast_in_dim3A_19 = vector.broadcast %broadcast_in_dim3A_18 : i32 to vector<16xi32>
    %broadcast_in_dim3A_20 = arith.constant 131 : i32
    %broadcast_in_dim3A_21 = vector.broadcast %broadcast_in_dim3A_20 : i32 to vector<16xi32>
    %broadcast_in_dim3A_22 = arith.constant 0 : i32
    %broadcast_in_dim3A_23 = vector.broadcast %broadcast_in_dim3A_22 : i32 to vector<16xi32>
    %broadcast_in_dim3A_24 = arith.constant 1 : i32
    %broadcast_in_dim3A_25 = vector.broadcast %broadcast_in_dim3A_24 : i32 to vector<16xi32>
    %scan3A = arith.constant 0 : i32
    %scan3A_26 = arith.constant 0 : i32
    %scan3A_27 = arith.constant 32 : i32
    %scan3A_28 = arith.addi %scan3A_26, %scan3A_27 : i32
    %scan3A_29 = arith.constant 1 : i32
    scf.for %scan3A_510 = %scan3A_26 to %scan3A_28 step %scan3A_29  : i32 {
      %swap3A_511 = arith.constant 0 : i32
      %swap3A_512 = arith.index_cast %swap3A_511 : i32 to index
      %swap3A_513 = arith.index_cast %scan3A_510 : i32 to index
      %swap3A_514 = arith.constant 0 : index
      %swap3A_515 = tpu.vector_load %arg15[%swap3A_512, %swap3A_513, %swap3A_514] {strides = array<i32>} : memref<2x32x144xf32, #tpu.memory_space<vmem>>, vector<16xf32>,
      tpu.vector_store %arg15[%swap3A_512, %swap3A_513, %swap3A_514], %broadcast_in_dim3A_3 {strides = array<i32>} : memref<2x32x144xf32, #tpu.memory_space<vmem>>, vector<16xf32>,
      %swap3A_516 = arith.constant 0 : i32
      %swap3A_517 = arith.index_cast %swap3A_516 : i32 to index
      %swap3A_518 = arith.index_cast %scan3A_510 : i32 to index
      %swap3A_519 = arith.constant 16 : index
      %swap3A_520 = tpu.vector_load %arg15[%swap3A_517, %swap3A_518, %swap3A_519] {strides = array<i32>} : memref<2x32x144xf32, #tpu.memory_space<vmem>>, vector<16xf32>,
      tpu.vector_store %arg15[%swap3A_517, %swap3A_518, %swap3A_519], %broadcast_in_dim3A_3 {strides = array<i32>} : memref<2x32x144xf32, #tpu.memory_space<vmem>>, vector<16xf32>,
      %swap3A_521 = arith.constant 0 : i32
      %swap3A_522 = arith.index_cast %swap3A_521 : i32 to index
      %swap3A_523 = arith.index_cast %scan3A_510 : i32 to index
      %swap3A_524 = arith.constant 32 : index
      %swap3A_525 = tpu.vector_load %arg15[%swap3A_522, %swap3A_523, %swap3A_524] {strides = array<i32>} : memref<2x32x144xf32, #tpu.memory_space<vmem>>, vector<16xf32>,
      tpu.vector_store %arg15[%swap3A_522, %swap3A_523, %swap3A_524], %broadcast_in_dim3A_3 {strides = array<i32>} : memref<2x32x144xf32, #tpu.memory_space<vmem>>, vector<16xf32>,
      %swap3A_526 = arith.constant 0 : i32
      %swap3A_527 = arith.index_cast %swap3A_526 : i32 to index
      %swap3A_528 = arith.index_cast %scan3A_510 : i32 to index
      %swap3A_529 = arith.constant 48 : index
      %swap3A_530 = tpu.vector_load %arg15[%swap3A_527, %swap3A_528, %swap3A_529] {strides = array<i32>} : memref<2x32x144xf32, #tpu.memory_space<vmem>>, vector<16xf32>,
      tpu.vector_store %arg15[%swap3A_527, %swap3A_528, %swap3A_529], %broadcast_in_dim3A_3 {strides = array<i32>} : memref<2x32x144xf32, #tpu.memory_space<vmem>>, vector<16xf32>,
      %swap3A_531 = arith.constant 0 : i32
      %swap3A_532 = arith.index_cast %swap3A_531 : i32 to index
      %swap3A_533 = arith.index_cast %scan3A_510 : i32 to index
      %swap3A_534 = arith.constant 64 : index
      %swap3A_535 = tpu.vector_load %arg15[%swap3A_532, %swap3A_533, %swap3A_534] {strides = array<i32>} : memref<2x32x144xf32, #tpu.memory_space<vmem>>, vector<16xf32>,
      tpu.vector_store %arg15[%swap3A_532, %swap3A_533, %swap3A_534], %broadcast_in_dim3A_3 {strides = array<i32>} : memref<2x32x144xf32, #tpu.memory_space<vmem>>, vector<16xf32>,
      %swap3A_536 = arith.constant 0 : i32
      %swap3A_537 = arith.index_cast %swap3A_536 : i32 to index
      %swap3A_538 = arith.index_cast %scan3A_510 : i32 to index
      %swap3A_539 = arith.constant 80 : index
      %swap3A_540 = tpu.vector_load %arg15[%swap3A_537, %swap3A_538, %swap3A_539] {strides = array<i32>} : memref<2x32x144xf32, #tpu.memory_space<vmem>>, vector<16xf32>,
      tpu.vector_store %arg15[%swap3A_537, %swap3A_538, %swap3A_539], %broadcast_in_dim3A_3 {strides = array<i32>} : memref<2x32x144xf32, #tpu.memory_space<vmem>>, vector<16xf32>,
      %swap3A_541 = arith.constant 0 : i32
      %swap3A_542 = arith.index_cast %swap3A_541 : i32 to index
      %swap3A_543 = arith.index_cast %scan3A_510 : i32 to index
      %swap3A_544 = arith.constant 96 : index
      %swap3A_545 = tpu.vector_load %arg15[%swap3A_542, %swap3A_543, %swap3A_544] {strides = array<i32>} : memref<2x32x144xf32, #tpu.memory_space<vmem>>, vector<16xf32>,
      tpu.vector_store %arg15[%swap3A_542, %swap3A_543, %swap3A_544], %broadcast_in_dim3A_3 {strides = array<i32>} : memref<2x32x144xf32, #tpu.memory_space<vmem>>, vector<16xf32>,
      %swap3A_546 = arith.constant 0 : i32
      %swap3A_547 = arith.index_cast %swap3A_546 : i32 to index
      %swap3A_548 = arith.index_cast %scan3A_510 : i32 to index
      %swap3A_549 = arith.constant 112 : index
      %swap3A_550 = tpu.vector_load %arg15[%swap3A_547, %swap3A_548, %swap3A_549] {strides = array<i32>} : memref<2x32x144xf32, #tpu.memory_space<vmem>>, vector<16xf32>,
      tpu.vector_store %arg15[%swap3A_547, %swap3A_548, %swap3A_549], %broadcast_in_dim3A_3 {strides = array<i32>} : memref<2x32x144xf32, #tpu.memory_space<vmem>>, vector<16xf32>,
      %swap3A_551 = arith.constant 0 : i32
      %swap3A_552 = arith.index_cast %swap3A_551 : i32 to index
      %swap3A_553 = arith.index_cast %scan3A_510 : i32 to index
      %swap3A_554 = arith.constant 128 : index
      %swap3A_555 = tpu.vector_load %arg15[%swap3A_552, %swap3A_553, %swap3A_554] {strides = array<i32>} : memref<2x32x144xf32, #tpu.memory_space<vmem>>, vector<16xf32>,
      tpu.vector_store %arg15[%swap3A_552, %swap3A_553, %swap3A_554], %broadcast_in_dim3A_3 {strides = array<i32>} : memref<2x32x144xf32, #tpu.memory_space<vmem>>, vector<16xf32>,
      %swap3A_556 = arith.constant 1 : i32
      %swap3A_557 = arith.index_cast %swap3A_556 : i32 to index
      %swap3A_558 = arith.index_cast %scan3A_510 : i32 to index
      %swap3A_559 = arith.constant 0 : index
      %swap3A_560 = tpu.vector_load %arg15[%swap3A_557, %swap3A_558, %swap3A_559] {strides = array<i32>} : memref<2x32x144xf32, #tpu.memory_space<vmem>>, vector<16xf32>,
      tpu.vector_store %arg15[%swap3A_557, %swap3A_558, %swap3A_559], %broadcast_in_dim3A_3 {strides = array<i32>} : memref<2x32x144xf32, #tpu.memory_space<vmem>>, vector<16xf32>,
      %swap3A_561 = arith.constant 1 : i32
      %swap3A_562 = arith.index_cast %swap3A_561 : i32 to index
      %swap3A_563 = arith.index_cast %scan3A_510 : i32 to index
      %swap3A_564 = arith.constant 16 : index
      %swap3A_565 = tpu.vector_load %arg15[%swap3A_562, %swap3A_563, %swap3A_564] {strides = array<i32>} : memref<2x32x144xf32, #tpu.memory_space<vmem>>, vector<16xf32>,
      tpu.vector_store %arg15[%swap3A_562, %swap3A_563, %swap3A_564], %broadcast_in_dim3A_3 {strides = array<i32>} : memref<2x32x144xf32, #tpu.memory_space<vmem>>, vector<16xf32>,
      %swap3A_566 = arith.constant 1 : i32
      %swap3A_567 = arith.index_cast %swap3A_566 : i32 to index
      %swap3A_568 = arith.index_cast %scan3A_510 : i32 to index
      %swap3A_569 = arith.constant 32 : index
      %swap3A_570 = tpu.vector_load %arg15[%swap3A_567, %swap3A_568, %swap3A_569] {strides = array<i32>} : memref<2x32x144xf32, #tpu.memory_space<vmem>>, vector<16xf32>,
      tpu.vector_store %arg15[%swap3A_567, %swap3A_568, %swap3A_569], %broadcast_in_dim3A_3 {strides = array<i32>} : memref<2x32x144xf32, #tpu.memory_space<vmem>>, vector<16xf32>,
      %swap3A_571 = arith.constant 1 : i32
      %swap3A_572 = arith.index_cast %swap3A_571 : i32 to index
      %swap3A_573 = arith.index_cast %scan3A_510 : i32 to index
      %swap3A_574 = arith.constant 48 : index
      %swap3A_575 = tpu.vector_load %arg15[%swap3A_572, %swap3A_573, %swap3A_574] {strides = array<i32>} : memref<2x32x144xf32, #tpu.memory_space<vmem>>, vector<16xf32>,
      tpu.vector_store %arg15[%swap3A_572, %swap3A_573, %swap3A_574], %broadcast_in_dim3A_3 {strides = array<i32>} : memref<2x32x144xf32, #tpu.memory_space<vmem>>, vector<16xf32>,
      %swap3A_576 = arith.constant 1 : i32
      %swap3A_577 = arith.index_cast %swap3A_576 : i32 to index
      %swap3A_578 = arith.index_cast %scan3A_510 : i32 to index
      %swap3A_579 = arith.constant 64 : index
      %swap3A_580 = tpu.vector_load %arg15[%swap3A_577, %swap3A_578, %swap3A_579] {strides = array<i32>} : memref<2x32x144xf32, #tpu.memory_space<vmem>>, vector<16xf32>,
      tpu.vector_store %arg15[%swap3A_577, %swap3A_578, %swap3A_579], %broadcast_in_dim3A_3 {strides = array<i32>} : memref<2x32x144xf32, #tpu.memory_space<vmem>>, vector<16xf32>,
      %swap3A_581 = arith.constant 1 : i32
      %swap3A_582 = arith.index_cast %swap3A_581 : i32 to index
      %swap3A_583 = arith.index_cast %scan3A_510 : i32 to index
      %swap3A_584 = arith.constant 80 : index
      %swap3A_585 = tpu.vector_load %arg15[%swap3A_582, %swap3A_583, %swap3A_584] {strides = array<i32>} : memref<2x32x144xf32, #tpu.memory_space<vmem>>, vector<16xf32>,
      tpu.vector_store %arg15[%swap3A_582, %swap3A_583, %swap3A_584], %broadcast_in_dim3A_3 {strides = array<i32>} : memref<2x32x144xf32, #tpu.memory_space<vmem>>, vector<16xf32>,
      %swap3A_586 = arith.constant 1 : i32
      %swap3A_587 = arith.index_cast %swap3A_586 : i32 to index
      %swap3A_588 = arith.index_cast %scan3A_510 : i32 to index
      %swap3A_589 = arith.constant 96 : index
      %swap3A_590 = tpu.vector_load %arg15[%swap3A_587, %swap3A_588, %swap3A_589] {strides = array<i32>} : memref<2x32x144xf32, #tpu.memory_space<vmem>>, vector<16xf32>,
      tpu.vector_store %arg15[%swap3A_587, %swap3A_588, %swap3A_589], %broadcast_in_dim3A_3 {strides = array<i32>} : memref<2x32x144xf32, #tpu.memory_space<vmem>>, vector<16xf32>,
      %swap3A_591 = arith.constant 1 : i32
      %swap3A_592 = arith.index_cast %swap3A_591 : i32 to index
      %swap3A_593 = arith.index_cast %scan3A_510 : i32 to index
      %swap3A_594 = arith.constant 112 : index
      %swap3A_595 = tpu.vector_load %arg15[%swap3A_592, %swap3A_593, %swap3A_594] {strides = array<i32>} : memref<2x32x144xf32, #tpu.memory_space<vmem>>, vector<16xf32>,
      tpu.vector_store %arg15[%swap3A_592, %swap3A_593, %swap3A_594], %broadcast_in_dim3A_3 {strides = array<i32>} : memref<2x32x144xf32, #tpu.memory_space<vmem>>, vector<16xf32>,
      %swap3A_596 = arith.constant 1 : i32
      %swap3A_597 = arith.index_cast %swap3A_596 : i32 to index
      %swap3A_598 = arith.index_cast %scan3A_510 : i32 to index
      %swap3A_599 = arith.constant 128 : index
      %swap3A_600 = tpu.vector_load %arg15[%swap3A_597, %swap3A_598, %swap3A_599] {strides = array<i32>} : memref<2x32x144xf32, #tpu.memory_space<vmem>>, vector<16xf32>,
      tpu.vector_store %arg15[%swap3A_597, %swap3A_598, %swap3A_599], %broadcast_in_dim3A_3 {strides = array<i32>} : memref<2x32x144xf32, #tpu.memory_space<vmem>>, vector<16xf32>,
    }
    %scan3A_30 = arith.constant 32 : i32
    %swap3A = arith.constant 0 : i32
    %swap3A_31 = arith.index_cast %swap3A : i32 to index
    %swap3A_32 = arith.constant 0 : index
    %swap3A_33 = tpu.vector_load %arg11[%swap3A_31, %swap3A_32] {strides = array<i32>} : memref<2x32xi32, #tpu.memory_space<vmem>>, vector<16xi32>,
    tpu.vector_store %arg11[%swap3A_31, %swap3A_32], %broadcast_in_dim3A_5 {strides = array<i32>} : memref<2x32xi32, #tpu.memory_space<vmem>>, vector<16xi32>,
    %swap3A_34 = arith.constant 0 : i32
    %swap3A_35 = arith.index_cast %swap3A_34 : i32 to index
    %swap3A_36 = arith.constant 16 : index
    %swap3A_37 = tpu.vector_load %arg11[%swap3A_35, %swap3A_36] {strides = array<i32>} : memref<2x32xi32, #tpu.memory_space<vmem>>, vector<16xi32>,
    tpu.vector_store %arg11[%swap3A_35, %swap3A_36], %broadcast_in_dim3A_5 {strides = array<i32>} : memref<2x32xi32, #tpu.memory_space<vmem>>, vector<16xi32>,
    %swap3A_38 = arith.constant 1 : i32
    %swap3A_39 = arith.index_cast %swap3A_38 : i32 to index
    %swap3A_40 = arith.constant 0 : index
    %swap3A_41 = tpu.vector_load %arg11[%swap3A_39, %swap3A_40] {strides = array<i32>} : memref<2x32xi32, #tpu.memory_space<vmem>>, vector<16xi32>,
    tpu.vector_store %arg11[%swap3A_39, %swap3A_40], %broadcast_in_dim3A_5 {strides = array<i32>} : memref<2x32xi32, #tpu.memory_space<vmem>>, vector<16xi32>,
    %swap3A_42 = arith.constant 1 : i32
    %swap3A_43 = arith.index_cast %swap3A_42 : i32 to index
    %swap3A_44 = arith.constant 16 : index
    %swap3A_45 = tpu.vector_load %arg11[%swap3A_43, %swap3A_44] {strides = array<i32>} : memref<2x32xi32, #tpu.memory_space<vmem>>, vector<16xi32>,
    tpu.vector_store %arg11[%swap3A_43, %swap3A_44], %broadcast_in_dim3A_5 {strides = array<i32>} : memref<2x32xi32, #tpu.memory_space<vmem>>, vector<16xi32>,
    %run_scoped3A = arith.constant 0 : i32
    "tpu.region"() ({
      %run_scoped3A_510 = tpu.sem_alloc : memref<!tpu.dma_semaphore, #tpu.memory_space<semaphore_mem>>
      %dma_start3A_511 = arith.constant 0 : i32
      %dma_start3A_512 = tpu.memref_slice %arg9[%run_scoped3A, %dma_start3A_511] : memref<2x32xi32, #tpu.memory_space<vmem>> -> memref<1x32xi32, #tpu.memory_space<vmem>>
      %dma_start3A_513 = tpu.memref_squeeze %dma_start3A_512 : memref<1x32xi32, #tpu.memory_space<vmem>> -> memref<32xi32, #tpu.memory_space<vmem>>
      %dma_start3A_514 = arith.constant 0 : i32
      %dma_start3A_515 = tpu.memref_slice %arg5[%add3A, %dma_start3A_514] : memref<10016x32xi32, #tpu.memory_space<hbm>> -> memref<1x32xi32, #tpu.memory_space<hbm>>
      %dma_start3A_516 = tpu.memref_squeeze %dma_start3A_515 : memref<1x32xi32, #tpu.memory_space<hbm>> -> memref<32xi32, #tpu.memory_space<hbm>>
      %dma_start3A_517 = arith.constant 0 : i32
      %dma_start3A_518 = tpu.memref_slice %arg9[%run_scoped3A, %dma_start3A_517] : memref<2x32xi32, #tpu.memory_space<vmem>> -> memref<1x32xi32, #tpu.memory_space<vmem>>
      %dma_start3A_519 = tpu.memref_squeeze %dma_start3A_518 : memref<1x32xi32, #tpu.memory_space<vmem>> -> memref<32xi32, #tpu.memory_space<vmem>>
      %dma_start3A_520 = arith.constant 0 : i32
      %dma_start3A_521 = tpu.memref_slice %arg5[%add3A, %dma_start3A_520] : memref<10016x32xi32, #tpu.memory_space<hbm>> -> memref<1x32xi32, #tpu.memory_space<hbm>>
      %dma_start3A_522 = tpu.memref_squeeze %dma_start3A_521 : memref<1x32xi32, #tpu.memory_space<hbm>> -> memref<32xi32, #tpu.memory_space<hbm>>
      tpu.enqueue_dma source(%dma_start3A_522 : memref<32xi32, #tpu.memory_space<hbm>>) target(%dma_start3A_519 : memref<32xi32, #tpu.memory_space<vmem>>) target_semaphore(%run_scoped3A_510 : memref<!tpu.dma_semaphore, #tpu.memory_space<semaphore_mem>>)
      %dma_wait3A_523 = arith.constant 0 : i32
      %dma_wait3A_524 = tpu.memref_slice %arg9[%run_scoped3A, %dma_wait3A_523] : memref<2x32xi32, #tpu.memory_space<vmem>> -> memref<1x32xi32, #tpu.memory_space<vmem>>
      %dma_wait3A_525 = tpu.memref_squeeze %dma_wait3A_524 : memref<1x32xi32, #tpu.memory_space<vmem>> -> memref<32xi32, #tpu.memory_space<vmem>>
      %dma_wait3A_526 = arith.constant 0 : i32
      %dma_wait3A_527 = tpu.memref_slice %arg5[%add3A, %dma_wait3A_526] : memref<10016x32xi32, #tpu.memory_space<hbm>> -> memref<1x32xi32, #tpu.memory_space<hbm>>
      %dma_wait3A_528 = tpu.memref_squeeze %dma_wait3A_527 : memref<1x32xi32, #tpu.memory_space<hbm>> -> memref<32xi32, #tpu.memory_space<hbm>>
      %dma_wait3A_529 = arith.constant 0 : i32
      %dma_wait3A_530 = tpu.memref_slice %arg9[%run_scoped3A, %dma_wait3A_529] : memref<2x32xi32, #tpu.memory_space<vmem>> -> memref<1x32xi32, #tpu.memory_space<vmem>>
      %dma_wait3A_531 = tpu.memref_squeeze %dma_wait3A_530 : memref<1x32xi32, #tpu.memory_space<vmem>> -> memref<32xi32, #tpu.memory_space<vmem>>
      %dma_wait3A_532 = arith.constant 0 : i32
      %dma_wait3A_533 = tpu.memref_slice %arg5[%add3A, %dma_wait3A_532] : memref<10016x32xi32, #tpu.memory_space<hbm>> -> memref<1x32xi32, #tpu.memory_space<hbm>>
      %dma_wait3A_534 = tpu.memref_squeeze %dma_wait3A_533 : memref<1x32xi32, #tpu.memory_space<hbm>> -> memref<32xi32, #tpu.memory_space<hbm>>
      tpu.wait_dma2 semaphore(%run_scoped3A_510 : memref<!tpu.dma_semaphore, #tpu.memory_space<semaphore_mem>>) src(%dma_wait3A_534 : memref<32xi32, #tpu.memory_space<hbm>>) dst(%dma_wait3A_531 : memref<32xi32, #tpu.memory_space<vmem>>)
      tpu.yield
    }) : () -> ()
    %run_scoped3A_46 = arith.constant 0 : i32
    "tpu.region"() ({
      %run_scoped3A_510 = tpu.sem_alloc : memref<!tpu.dma_semaphore, #tpu.memory_space<semaphore_mem>>
      %dma_start3A_511 = arith.constant 0 : i32
      %dma_start3A_512 = tpu.memref_slice %arg10[%run_scoped3A_46, %dma_start3A_511] : memref<2x32xi32, #tpu.memory_space<vmem>> -> memref<1x32xi32, #tpu.memory_space<vmem>>
      %dma_start3A_513 = tpu.memref_squeeze %dma_start3A_512 : memref<1x32xi32, #tpu.memory_space<vmem>> -> memref<32xi32, #tpu.memory_space<vmem>>
      %dma_start3A_514 = arith.constant 0 : i32
      %dma_start3A_515 = tpu.memref_slice %arg6[%add3A, %dma_start3A_514] : memref<10016x32xi32, #tpu.memory_space<hbm>> -> memref<1x32xi32, #tpu.memory_space<hbm>>
      %dma_start3A_516 = tpu.memref_squeeze %dma_start3A_515 : memref<1x32xi32, #tpu.memory_space<hbm>> -> memref<32xi32, #tpu.memory_space<hbm>>
      %dma_start3A_517 = arith.constant 0 : i32
      %dma_start3A_518 = tpu.memref_slice %arg10[%run_scoped3A_46, %dma_start3A_517] : memref<2x32xi32, #tpu.memory_space<vmem>> -> memref<1x32xi32, #tpu.memory_space<vmem>>
      %dma_start3A_519 = tpu.memref_squeeze %dma_start3A_518 : memref<1x32xi32, #tpu.memory_space<vmem>> -> memref<32xi32, #tpu.memory_space<vmem>>
      %dma_start3A_520 = arith.constant 0 : i32
      %dma_start3A_521 = tpu.memref_slice %arg6[%add3A, %dma_start3A_520] : memref<10016x32xi32, #tpu.memory_space<hbm>> -> memref<1x32xi32, #tpu.memory_space<hbm>>
      %dma_start3A_522 = tpu.memref_squeeze %dma_start3A_521 : memref<1x32xi32, #tpu.memory_space<hbm>> -> memref<32xi32, #tpu.memory_space<hbm>>
      tpu.enqueue_dma source(%dma_start3A_522 : memref<32xi32, #tpu.memory_space<hbm>>) target(%dma_start3A_519 : memref<32xi32, #tpu.memory_space<vmem>>) target_semaphore(%run_scoped3A_510 : memref<!tpu.dma_semaphore, #tpu.memory_space<semaphore_mem>>)
      %dma_wait3A_523 = arith.constant 0 : i32
      %dma_wait3A_524 = tpu.memref_slice %arg10[%run_scoped3A_46, %dma_wait3A_523] : memref<2x32xi32, #tpu.memory_space<vmem>> -> memref<1x32xi32, #tpu.memory_space<vmem>>
      %dma_wait3A_525 = tpu.memref_squeeze %dma_wait3A_524 : memref<1x32xi32, #tpu.memory_space<vmem>> -> memref<32xi32, #tpu.memory_space<vmem>>
      %dma_wait3A_526 = arith.constant 0 : i32
      %dma_wait3A_527 = tpu.memref_slice %arg6[%add3A, %dma_wait3A_526] : memref<10016x32xi32, #tpu.memory_space<hbm>> -> memref<1x32xi32, #tpu.memory_space<hbm>>
      %dma_wait3A_528 = tpu.memref_squeeze %dma_wait3A_527 : memref<1x32xi32, #tpu.memory_space<hbm>> -> memref<32xi32, #tpu.memory_space<hbm>>
      %dma_wait3A_529 = arith.constant 0 : i32
      %dma_wait3A_530 = tpu.memref_slice %arg10[%run_scoped3A_46, %dma_wait3A_529] : memref<2x32xi32, #tpu.memory_space<vmem>> -> memref<1x32xi32, #tpu.memory_space<vmem>>
      %dma_wait3A_531 = tpu.memref_squeeze %dma_wait3A_530 : memref<1x32xi32, #tpu.memory_space<vmem>> -> memref<32xi32, #tpu.memory_space<vmem>>
      %dma_wait3A_532 = arith.constant 0 : i32
      %dma_wait3A_533 = tpu.memref_slice %arg6[%add3A, %dma_wait3A_532] : memref<10016x32xi32, #tpu.memory_space<hbm>> -> memref<1x32xi32, #tpu.memory_space<hbm>>
      %dma_wait3A_534 = tpu.memref_squeeze %dma_wait3A_533 : memref<1x32xi32, #tpu.memory_space<hbm>> -> memref<32xi32, #tpu.memory_space<hbm>>
      tpu.wait_dma2 semaphore(%run_scoped3A_510 : memref<!tpu.dma_semaphore, #tpu.memory_space<semaphore_mem>>) src(%dma_wait3A_534 : memref<32xi32, #tpu.memory_space<hbm>>) dst(%dma_wait3A_531 : memref<32xi32, #tpu.memory_space<vmem>>)
      tpu.yield
    }) : () -> ()
    %add3A_47 = arith.constant 16 : i32
    %add3A_48 = arith.addi %add3A, %add3A_47 : i32
    %dma_start3A = arith.constant 1 : i32
    %dma_start3A_49 = arith.constant 0 : i32
    %dma_start3A_50 = tpu.memref_slice %arg9[%dma_start3A, %dma_start3A_49] : memref<2x32xi32, #tpu.memory_space<vmem>> -> memref<1x32xi32, #tpu.memory_space<vmem>>
    %dma_start3A_51 = tpu.memref_squeeze %dma_start3A_50 : memref<1x32xi32, #tpu.memory_space<vmem>> -> memref<32xi32, #tpu.memory_space<vmem>>
    %dma_start3A_52 = arith.constant 0 : i32
    %dma_start3A_53 = tpu.memref_slice %arg5[%add3A_48, %dma_start3A_52] : memref<10016x32xi32, #tpu.memory_space<hbm>> -> memref<1x32xi32, #tpu.memory_space<hbm>>
    %dma_start3A_54 = tpu.memref_squeeze %dma_start3A_53 : memref<1x32xi32, #tpu.memory_space<hbm>> -> memref<32xi32, #tpu.memory_space<hbm>>
    %dma_start3A_55 = arith.constant 0 : i32
    %dma_start3A_56 = tpu.memref_slice %arg9[%dma_start3A, %dma_start3A_55] : memref<2x32xi32, #tpu.memory_space<vmem>> -> memref<1x32xi32, #tpu.memory_space<vmem>>
    %dma_start3A_57 = tpu.memref_squeeze %dma_start3A_56 : memref<1x32xi32, #tpu.memory_space<vmem>> -> memref<32xi32, #tpu.memory_space<vmem>>
    %dma_start3A_58 = arith.constant 0 : i32
    %dma_start3A_59 = tpu.memref_slice %arg5[%add3A_48, %dma_start3A_58] : memref<10016x32xi32, #tpu.memory_space<hbm>> -> memref<1x32xi32, #tpu.memory_space<hbm>>
    %dma_start3A_60 = tpu.memref_squeeze %dma_start3A_59 : memref<1x32xi32, #tpu.memory_space<hbm>> -> memref<32xi32, #tpu.memory_space<hbm>>
    tpu.enqueue_dma source(%dma_start3A_60 : memref<32xi32, #tpu.memory_space<hbm>>) target(%dma_start3A_57 : memref<32xi32, #tpu.memory_space<vmem>>) target_semaphore(%arg20 : memref<!tpu.dma_semaphore, #tpu.memory_space<semaphore_mem>>)
    %add3A_61 = arith.constant 16 : i32
    %add3A_62 = arith.addi %add3A, %add3A_61 : i32
    %dma_start3A_63 = arith.constant 1 : i32
    %dma_start3A_64 = arith.constant 0 : i32
    %dma_start3A_65 = tpu.memref_slice %arg10[%dma_start3A_63, %dma_start3A_64] : memref<2x32xi32, #tpu.memory_space<vmem>> -> memref<1x32xi32, #tpu.memory_space<vmem>>
    %dma_start3A_66 = tpu.memref_squeeze %dma_start3A_65 : memref<1x32xi32, #tpu.memory_space<vmem>> -> memref<32xi32, #tpu.memory_space<vmem>>
    %dma_start3A_67 = arith.constant 0 : i32
    %dma_start3A_68 = tpu.memref_slice %arg6[%add3A_62, %dma_start3A_67] : memref<10016x32xi32, #tpu.memory_space<hbm>> -> memref<1x32xi32, #tpu.memory_space<hbm>>
    %dma_start3A_69 = tpu.memref_squeeze %dma_start3A_68 : memref<1x32xi32, #tpu.memory_space<hbm>> -> memref<32xi32, #tpu.memory_space<hbm>>
    %dma_start3A_70 = arith.constant 0 : i32
    %dma_start3A_71 = tpu.memref_slice %arg10[%dma_start3A_63, %dma_start3A_70] : memref<2x32xi32, #tpu.memory_space<vmem>> -> memref<1x32xi32, #tpu.memory_space<vmem>>
    %dma_start3A_72 = tpu.memref_squeeze %dma_start3A_71 : memref<1x32xi32, #tpu.memory_space<vmem>> -> memref<32xi32, #tpu.memory_space<vmem>>
    %dma_start3A_73 = arith.constant 0 : i32
    %dma_start3A_74 = tpu.memref_slice %arg6[%add3A_62, %dma_start3A_73] : memref<10016x32xi32, #tpu.memory_space<hbm>> -> memref<1x32xi32, #tpu.memory_space<hbm>>
    %dma_start3A_75 = tpu.memref_squeeze %dma_start3A_74 : memref<1x32xi32, #tpu.memory_space<hbm>> -> memref<32xi32, #tpu.memory_space<hbm>>
    tpu.enqueue_dma source(%dma_start3A_75 : memref<32xi32, #tpu.memory_space<hbm>>) target(%dma_start3A_72 : memref<32xi32, #tpu.memory_space<vmem>>) target_semaphore(%arg20 : memref<!tpu.dma_semaphore, #tpu.memory_space<semaphore_mem>>)
    %dma_start3A_76 = arith.constant 0 : i32
    %dma_start3A_77 = arith.constant 0 : i32
    %dma_start3A_78 = arith.constant 0 : i32
    %dma_start3A_79 = arith.constant 0 : i32
    %dma_start3A_80 = tpu.memref_slice %arg12[%dma_start3A_77, %dma_start3A_78, %dma_start3A_79] : memref<2x32x128xf32, #tpu.memory_space<vmem>> -> memref<1x32x128xf32, #tpu.memory_space<vmem>>
    %dma_start3A_81 = tpu.memref_squeeze %dma_start3A_80 : memref<1x32x128xf32, #tpu.memory_space<vmem>> -> memref<32x128xf32, #tpu.memory_space<vmem>>
    %dma_start3A_82 = arith.constant 0 : i32
    %dma_start3A_83 = tpu.memref_slice %arg9[%dma_start3A_76, %dma_start3A_82] : memref<2x32xi32, #tpu.memory_space<vmem>> -> memref<1x32xi32, #tpu.memory_space<vmem>>
    %dma_start3A_84 = tpu.memref_squeeze %dma_start3A_83 : memref<1x32xi32, #tpu.memory_space<vmem>> -> memref<32xi32, #tpu.memory_space<vmem>>
    %dma_start3A_85 = arith.constant 0 : i32
    %dma_start3A_86 = arith.constant 0 : i32
    %dma_start3A_87 = tpu.memref_slice %arg3[%dma_start3A_85, %dma_start3A_86] : memref<10008x128xf32, #tpu.memory_space<hbm>> -> memref<10008x128xf32, #tpu.memory_space<hbm>>
    tpu.enqueue_indirect_dma source(%dma_start3A_87 : memref<10008x128xf32, #tpu.memory_space<hbm>>) target(%dma_start3A_81 : memref<32x128xf32, #tpu.memory_space<vmem>>) offsets(%dma_start3A_84 : memref<32xi32, #tpu.memory_space<vmem>>) semaphore(%arg17 : memref<!tpu.dma_semaphore, #tpu.memory_space<semaphore_mem>>)
    %dma_start3A_88 = arith.constant 0 : i32
    %dma_start3A_89 = arith.constant 0 : i32
    %dma_start3A_90 = arith.constant 0 : i32
    %dma_start3A_91 = arith.constant 0 : i32
    %dma_start3A_92 = tpu.memref_slice %arg13[%dma_start3A_89, %dma_start3A_90, %dma_start3A_91] : memref<2x32x128xf32, #tpu.memory_space<vmem>> -> memref<1x32x128xf32, #tpu.memory_space<vmem>>
    %dma_start3A_93 = tpu.memref_squeeze %dma_start3A_92 : memref<1x32x128xf32, #tpu.memory_space<vmem>> -> memref<32x128xf32, #tpu.memory_space<vmem>>
    %dma_start3A_94 = arith.constant 0 : i32
    %dma_start3A_95 = tpu.memref_slice %arg10[%dma_start3A_88, %dma_start3A_94] : memref<2x32xi32, #tpu.memory_space<vmem>> -> memref<1x32xi32, #tpu.memory_space<vmem>>
    %dma_start3A_96 = tpu.memref_squeeze %dma_start3A_95 : memref<1x32xi32, #tpu.memory_space<vmem>> -> memref<32xi32, #tpu.memory_space<vmem>>
    %dma_start3A_97 = arith.constant 0 : i32
    %dma_start3A_98 = arith.constant 0 : i32
    %dma_start3A_99 = tpu.memref_slice %arg2[%dma_start3A_97, %dma_start3A_98] : memref<10008x128xf32, #tpu.memory_space<hbm>> -> memref<10008x128xf32, #tpu.memory_space<hbm>>
    tpu.enqueue_indirect_dma source(%dma_start3A_99 : memref<10008x128xf32, #tpu.memory_space<hbm>>) target(%dma_start3A_93 : memref<32x128xf32, #tpu.memory_space<vmem>>) offsets(%dma_start3A_96 : memref<32xi32, #tpu.memory_space<vmem>>) semaphore(%arg17 : memref<!tpu.dma_semaphore, #tpu.memory_space<semaphore_mem>>)
    %dma_start3A_100 = arith.constant 0 : i32
    %dma_start3A_101 = arith.constant 0 : i32
    %dma_start3A_102 = arith.constant 0 : i32
    %dma_start3A_103 = arith.constant 0 : i32
    %dma_start3A_104 = tpu.memref_slice %arg14[%dma_start3A_101, %dma_start3A_102, %dma_start3A_103] : memref<2x32x128xf32, #tpu.memory_space<vmem>> -> memref<1x32x128xf32, #tpu.memory_space<vmem>>
    %dma_start3A_105 = tpu.memref_squeeze %dma_start3A_104 : memref<1x32x128xf32, #tpu.memory_space<vmem>> -> memref<32x128xf32, #tpu.memory_space<vmem>>
    %dma_start3A_106 = arith.constant 0 : i32
    %dma_start3A_107 = tpu.memref_slice %arg9[%dma_start3A_100, %dma_start3A_106] : memref<2x32xi32, #tpu.memory_space<vmem>> -> memref<1x32xi32, #tpu.memory_space<vmem>>
    %dma_start3A_108 = tpu.memref_squeeze %dma_start3A_107 : memref<1x32xi32, #tpu.memory_space<vmem>> -> memref<32xi32, #tpu.memory_space<vmem>>
    %dma_start3A_109 = arith.constant 0 : i32
    %dma_start3A_110 = arith.constant 0 : i32
    %dma_start3A_111 = tpu.memref_slice %arg4[%dma_start3A_109, %dma_start3A_110] : memref<10008x128xf32, #tpu.memory_space<hbm>> -> memref<10008x128xf32, #tpu.memory_space<hbm>>
    tpu.enqueue_indirect_dma source(%dma_start3A_111 : memref<10008x128xf32, #tpu.memory_space<hbm>>) target(%dma_start3A_105 : memref<32x128xf32, #tpu.memory_space<vmem>>) offsets(%dma_start3A_108 : memref<32xi32, #tpu.memory_space<vmem>>) semaphore(%arg17 : memref<!tpu.dma_semaphore, #tpu.memory_space<semaphore_mem>>)
    %dma_start3A_112 = arith.constant 0 : i32
    %dma_start3A_113 = arith.constant 0 : i32
    %dma_start3A_114 = arith.constant 0 : i32
    %dma_start3A_115 = arith.constant 0 : i32
    %dma_start3A_116 = tpu.memref_slice %arg15[%dma_start3A_112, %dma_start3A_114, %dma_start3A_115] : memref<2x32x144xf32, #tpu.memory_space<vmem>> -> memref<1x32x144xf32, #tpu.memory_space<vmem>>
    %dma_start3A_117 = tpu.memref_squeeze %dma_start3A_116 : memref<1x32x144xf32, #tpu.memory_space<vmem>> -> memref<32x144xf32, #tpu.memory_space<vmem>>
    %dma_start3A_118 = arith.constant 0 : i32
    %dma_start3A_119 = tpu.memref_slice %arg11[%dma_start3A_113, %dma_start3A_118] : memref<2x32xi32, #tpu.memory_space<vmem>> -> memref<1x32xi32, #tpu.memory_space<vmem>>
    %dma_start3A_120 = tpu.memref_squeeze %dma_start3A_119 : memref<1x32xi32, #tpu.memory_space<vmem>> -> memref<32xi32, #tpu.memory_space<vmem>>
    %dma_start3A_121 = arith.constant 0 : i32
    %dma_start3A_122 = arith.constant 0 : i32
    %dma_start3A_123 = tpu.memref_slice %arg16[%dma_start3A_121, %dma_start3A_122] : memref<10008x144xf32, #tpu.memory_space<vmem_shared>> -> memref<10008x144xf32, #tpu.memory_space<vmem_shared>>
    tpu.enqueue_indirect_dma source(%dma_start3A_117 : memref<32x144xf32, #tpu.memory_space<vmem>>) target(%dma_start3A_123 : memref<10008x144xf32, #tpu.memory_space<vmem_shared>>) offsets(%dma_start3A_120 : memref<32xi32, #tpu.memory_space<vmem>>) semaphore(%arg21 : memref<!tpu.dma_semaphore, #tpu.memory_space<semaphore_mem>>) {add = true}
    %dma_start3A_124 = arith.constant 1 : i32
    %dma_start3A_125 = arith.constant 1 : i32
    %dma_start3A_126 = arith.constant 0 : i32
    %dma_start3A_127 = arith.constant 0 : i32
    %dma_start3A_128 = tpu.memref_slice %arg15[%dma_start3A_124, %dma_start3A_126, %dma_start3A_127] : memref<2x32x144xf32, #tpu.memory_space<vmem>> -> memref<1x32x144xf32, #tpu.memory_space<vmem>>
    %dma_start3A_129 = tpu.memref_squeeze %dma_start3A_128 : memref<1x32x144xf32, #tpu.memory_space<vmem>> -> memref<32x144xf32, #tpu.memory_space<vmem>>
    %dma_start3A_130 = arith.constant 0 : i32
    %dma_start3A_131 = tpu.memref_slice %arg11[%dma_start3A_125, %dma_start3A_130] : memref<2x32xi32, #tpu.memory_space<vmem>> -> memref<1x32xi32, #tpu.memory_space<vmem>>
    %dma_start3A_132 = tpu.memref_squeeze %dma_start3A_131 : memref<1x32xi32, #tpu.memory_space<vmem>> -> memref<32xi32, #tpu.memory_space<vmem>>
    %dma_start3A_133 = arith.constant 0 : i32
    %dma_start3A_134 = arith.constant 0 : i32
    %dma_start3A_135 = tpu.memref_slice %arg16[%dma_start3A_133, %dma_start3A_134] : memref<10008x144xf32, #tpu.memory_space<vmem_shared>> -> memref<10008x144xf32, #tpu.memory_space<vmem_shared>>
    tpu.enqueue_indirect_dma source(%dma_start3A_129 : memref<32x144xf32, #tpu.memory_space<vmem>>) target(%dma_start3A_135 : memref<10008x144xf32, #tpu.memory_space<vmem_shared>>) offsets(%dma_start3A_132 : memref<32xi32, #tpu.memory_space<vmem>>) semaphore(%arg22 : memref<!tpu.dma_semaphore, #tpu.memory_space<semaphore_mem>>) {add = true}
    %scan3A_136 = arith.constant 0 : i32
    %scan3A_137 = arith.constant 0 : i32
    %scan3A_138 = arith.constant 156 : i32
    %scan3A_139 = arith.addi %scan3A_137, %scan3A_138 : i32
    %scan3A_140 = arith.constant 1 : i32
    scf.for %scan3A_510 = %scan3A_137 to %scan3A_139 step %scan3A_140  : i32 {
      %mul3A_511 = arith.constant 2 : i32
      %mul3A_512 = arith.muli %mul3A_511, %scan3A_510 : i32
      %add3A_513 = arith.constant 1 : i32
      %add3A_514 = arith.addi %mul3A_512, %add3A_513 : i32
      %min3A_515 = arith.constant 312 : i32
      %min3A_516 = arith.minsi %add3A_514, %min3A_515 : i32
      %mul3A_517 = arith.constant 16 : i32
      %mul3A_518 = arith.muli %mul3A_517, %min3A_516 : i32
      %add3A_519 = arith.addi %add3A, %mul3A_518 : i32
      %add3A_520 = arith.constant 2 : i32
      %add3A_521 = arith.addi %mul3A_512, %add3A_520 : i32
      %min3A_522 = arith.constant 312 : i32
      %min3A_523 = arith.minsi %add3A_521, %min3A_522 : i32
      %mul3A_524 = arith.constant 16 : i32
      %mul3A_525 = arith.muli %mul3A_524, %min3A_523 : i32
      %add3A_526 = arith.addi %add3A, %mul3A_525 : i32
      %dma_wait3A_527 = arith.constant 0 : i32
      %dma_wait3A_528 = arith.constant 0 : i32
      %dma_wait3A_529 = arith.constant 0 : i32
      %dma_wait3A_530 = arith.constant 0 : i32
      %dma_wait3A_531 = tpu.memref_slice %arg12[%dma_wait3A_528, %dma_wait3A_529, %dma_wait3A_530] : memref<2x32x128xf32, #tpu.memory_space<vmem>> -> memref<1x32x128xf32, #tpu.memory_space<vmem>>
      %dma_wait3A_532 = tpu.memref_squeeze %dma_wait3A_531 : memref<1x32x128xf32, #tpu.memory_space<vmem>> -> memref<32x128xf32, #tpu.memory_space<vmem>>
      %dma_wait3A_533 = arith.constant 0 : i32
      %dma_wait3A_534 = tpu.memref_slice %arg9[%dma_wait3A_527, %dma_wait3A_533] : memref<2x32xi32, #tpu.memory_space<vmem>> -> memref<1x32xi32, #tpu.memory_space<vmem>>
      %dma_wait3A_535 = tpu.memref_squeeze %dma_wait3A_534 : memref<1x32xi32, #tpu.memory_space<vmem>> -> memref<32xi32, #tpu.memory_space<vmem>>
      %dma_wait3A_536 = arith.constant 0 : i32
      %dma_wait3A_537 = arith.constant 0 : i32
      %dma_wait3A_538 = tpu.memref_slice %arg3[%dma_wait3A_536, %dma_wait3A_537] : memref<10008x128xf32, #tpu.memory_space<hbm>> -> memref<10008x128xf32, #tpu.memory_space<hbm>>
      tpu.wait_indirect_dma semaphore(%arg17 : memref<!tpu.dma_semaphore, #tpu.memory_space<semaphore_mem>>) src(%dma_wait3A_538 : memref<10008x128xf32, #tpu.memory_space<hbm>>) dst(%dma_wait3A_532 : memref<32x128xf32, #tpu.memory_space<vmem>>)
      %dma_wait3A_539 = arith.constant 0 : i32
      %dma_wait3A_540 = arith.constant 0 : i32
      %dma_wait3A_541 = arith.constant 0 : i32
      %dma_wait3A_542 = arith.constant 0 : i32
      %dma_wait3A_543 = tpu.memref_slice %arg13[%dma_wait3A_540, %dma_wait3A_541, %dma_wait3A_542] : memref<2x32x128xf32, #tpu.memory_space<vmem>> -> memref<1x32x128xf32, #tpu.memory_space<vmem>>
      %dma_wait3A_544 = tpu.memref_squeeze %dma_wait3A_543 : memref<1x32x128xf32, #tpu.memory_space<vmem>> -> memref<32x128xf32, #tpu.memory_space<vmem>>
      %dma_wait3A_545 = arith.constant 0 : i32
      %dma_wait3A_546 = tpu.memref_slice %arg9[%dma_wait3A_539, %dma_wait3A_545] : memref<2x32xi32, #tpu.memory_space<vmem>> -> memref<1x32xi32, #tpu.memory_space<vmem>>
      %dma_wait3A_547 = tpu.memref_squeeze %dma_wait3A_546 : memref<1x32xi32, #tpu.memory_space<vmem>> -> memref<32xi32, #tpu.memory_space<vmem>>
      %dma_wait3A_548 = arith.constant 0 : i32
      %dma_wait3A_549 = arith.constant 0 : i32
      %dma_wait3A_550 = tpu.memref_slice %arg2[%dma_wait3A_548, %dma_wait3A_549] : memref<10008x128xf32, #tpu.memory_space<hbm>> -> memref<10008x128xf32, #tpu.memory_space<hbm>>
      tpu.wait_indirect_dma semaphore(%arg17 : memref<!tpu.dma_semaphore, #tpu.memory_space<semaphore_mem>>) src(%dma_wait3A_550 : memref<10008x128xf32, #tpu.memory_space<hbm>>) dst(%dma_wait3A_544 : memref<32x128xf32, #tpu.memory_space<vmem>>)
      %dma_wait3A_551 = arith.constant 0 : i32
      %dma_wait3A_552 = arith.constant 0 : i32
      %dma_wait3A_553 = arith.constant 0 : i32
      %dma_wait3A_554 = arith.constant 0 : i32
      %dma_wait3A_555 = tpu.memref_slice %arg14[%dma_wait3A_552, %dma_wait3A_553, %dma_wait3A_554] : memref<2x32x128xf32, #tpu.memory_space<vmem>> -> memref<1x32x128xf32, #tpu.memory_space<vmem>>
      %dma_wait3A_556 = tpu.memref_squeeze %dma_wait3A_555 : memref<1x32x128xf32, #tpu.memory_space<vmem>> -> memref<32x128xf32, #tpu.memory_space<vmem>>
      %dma_wait3A_557 = arith.constant 0 : i32
      %dma_wait3A_558 = tpu.memref_slice %arg9[%dma_wait3A_551, %dma_wait3A_557] : memref<2x32xi32, #tpu.memory_space<vmem>> -> memref<1x32xi32, #tpu.memory_space<vmem>>
      %dma_wait3A_559 = tpu.memref_squeeze %dma_wait3A_558 : memref<1x32xi32, #tpu.memory_space<vmem>> -> memref<32xi32, #tpu.memory_space<vmem>>
      %dma_wait3A_560 = arith.constant 0 : i32
      %dma_wait3A_561 = arith.constant 0 : i32
      %dma_wait3A_562 = tpu.memref_slice %arg4[%dma_wait3A_560, %dma_wait3A_561] : memref<10008x128xf32, #tpu.memory_space<hbm>> -> memref<10008x128xf32, #tpu.memory_space<hbm>>
      tpu.wait_indirect_dma semaphore(%arg17 : memref<!tpu.dma_semaphore, #tpu.memory_space<semaphore_mem>>) src(%dma_wait3A_562 : memref<10008x128xf32, #tpu.memory_space<hbm>>) dst(%dma_wait3A_556 : memref<32x128xf32, #tpu.memory_space<vmem>>)
      %dma_wait3A_563 = arith.constant 0 : i32
      %dma_wait3A_564 = arith.constant 0 : i32
      %dma_wait3A_565 = arith.constant 0 : i32
      %dma_wait3A_566 = arith.constant 0 : i32
      %dma_wait3A_567 = tpu.memref_slice %arg15[%dma_wait3A_563, %dma_wait3A_565, %dma_wait3A_566] : memref<2x32x144xf32, #tpu.memory_space<vmem>> -> memref<1x32x144xf32, #tpu.memory_space<vmem>>
      %dma_wait3A_568 = tpu.memref_squeeze %dma_wait3A_567 : memref<1x32x144xf32, #tpu.memory_space<vmem>> -> memref<32x144xf32, #tpu.memory_space<vmem>>
      %dma_wait3A_569 = arith.constant 0 : i32
      %dma_wait3A_570 = tpu.memref_slice %arg11[%dma_wait3A_564, %dma_wait3A_569] : memref<2x32xi32, #tpu.memory_space<vmem>> -> memref<1x32xi32, #tpu.memory_space<vmem>>
      %dma_wait3A_571 = tpu.memref_squeeze %dma_wait3A_570 : memref<1x32xi32, #tpu.memory_space<vmem>> -> memref<32xi32, #tpu.memory_space<vmem>>
      %dma_wait3A_572 = arith.constant 0 : i32
      %dma_wait3A_573 = arith.constant 0 : i32
      %dma_wait3A_574 = tpu.memref_slice %arg16[%dma_wait3A_572, %dma_wait3A_573] : memref<10008x144xf32, #tpu.memory_space<vmem_shared>> -> memref<10008x144xf32, #tpu.memory_space<vmem_shared>>
      tpu.wait_indirect_dma semaphore(%arg21 : memref<!tpu.dma_semaphore, #tpu.memory_space<semaphore_mem>>) src(%dma_wait3A_568 : memref<32x144xf32, #tpu.memory_space<vmem>>) dst(%dma_wait3A_574 : memref<10008x144xf32, #tpu.memory_space<vmem_shared>>)
      %get3A_575 = arith.constant 0 : i32
      %get3A_576 = arith.index_cast %get3A_575 : i32 to index
      %get3A_577 = arith.constant 0 : index
      %get3A_578 = tpu.vector_load %arg10[%get3A_576, %get3A_577] {strides = array<i32>} : memref<2x32xi32, #tpu.memory_space<vmem>>, vector<16xi32>,
      %swap3A_579 = arith.constant 0 : i32
      %swap3A_580 = arith.index_cast %swap3A_579 : i32 to index
      %swap3A_581 = arith.constant 0 : index
      %swap3A_582 = tpu.vector_load %arg11[%swap3A_580, %swap3A_581] {strides = array<i32>} : memref<2x32xi32, #tpu.memory_space<vmem>>, vector<16xi32>,
      tpu.vector_store %arg11[%swap3A_580, %swap3A_581], %get3A_578 {strides = array<i32>} : memref<2x32xi32, #tpu.memory_space<vmem>>, vector<16xi32>,
      %get3A_583 = arith.constant 0 : i32
      %get3A_584 = arith.index_cast %get3A_583 : i32 to index
      %get3A_585 = arith.constant 16 : index
      %get3A_586 = tpu.vector_load %arg10[%get3A_584, %get3A_585] {strides = array<i32>} : memref<2x32xi32, #tpu.memory_space<vmem>>, vector<16xi32>,
      %swap3A_587 = arith.constant 0 : i32
      %swap3A_588 = arith.index_cast %swap3A_587 : i32 to index
      %swap3A_589 = arith.constant 16 : index
      %swap3A_590 = tpu.vector_load %arg11[%swap3A_588, %swap3A_589] {strides = array<i32>} : memref<2x32xi32, #tpu.memory_space<vmem>>, vector<16xi32>,
      tpu.vector_store %arg11[%swap3A_588, %swap3A_589], %get3A_586 {strides = array<i32>} : memref<2x32xi32, #tpu.memory_space<vmem>>, vector<16xi32>,
      %dma_start3A_591 = arith.constant 0 : i32
      %dma_start3A_592 = arith.constant 0 : i32
      %dma_start3A_593 = tpu.memref_slice %arg9[%dma_start3A_591, %dma_start3A_592] : memref<2x32xi32, #tpu.memory_space<vmem>> -> memref<1x32xi32, #tpu.memory_space<vmem>>
      %dma_start3A_594 = tpu.memref_squeeze %dma_start3A_593 : memref<1x32xi32, #tpu.memory_space<vmem>> -> memref<32xi32, #tpu.memory_space<vmem>>
      %dma_start3A_595 = arith.constant 0 : i32
      %dma_start3A_596 = tpu.memref_slice %arg5[%add3A_526, %dma_start3A_595] : memref<10016x32xi32, #tpu.memory_space<hbm>> -> memref<1x32xi32, #tpu.memory_space<hbm>>
      %dma_start3A_597 = tpu.memref_squeeze %dma_start3A_596 : memref<1x32xi32, #tpu.memory_space<hbm>> -> memref<32xi32, #tpu.memory_space<hbm>>
      %dma_start3A_598 = arith.constant 0 : i32
      %dma_start3A_599 = tpu.memref_slice %arg9[%dma_start3A_591, %dma_start3A_598] : memref<2x32xi32, #tpu.memory_space<vmem>> -> memref<1x32xi32, #tpu.memory_space<vmem>>
      %dma_start3A_600 = tpu.memref_squeeze %dma_start3A_599 : memref<1x32xi32, #tpu.memory_space<vmem>> -> memref<32xi32, #tpu.memory_space<vmem>>
      %dma_start3A_601 = arith.constant 0 : i32
      %dma_start3A_602 = tpu.memref_slice %arg5[%add3A_526, %dma_start3A_601] : memref<10016x32xi32, #tpu.memory_space<hbm>> -> memref<1x32xi32, #tpu.memory_space<hbm>>
      %dma_start3A_603 = tpu.memref_squeeze %dma_start3A_602 : memref<1x32xi32, #tpu.memory_space<hbm>> -> memref<32xi32, #tpu.memory_space<hbm>>
      tpu.enqueue_dma source(%dma_start3A_603 : memref<32xi32, #tpu.memory_space<hbm>>) target(%dma_start3A_600 : memref<32xi32, #tpu.memory_space<vmem>>) target_semaphore(%arg19 : memref<!tpu.dma_semaphore, #tpu.memory_space<semaphore_mem>>)
      %dma_start3A_604 = arith.constant 0 : i32
      %dma_start3A_605 = arith.constant 0 : i32
      %dma_start3A_606 = tpu.memref_slice %arg10[%dma_start3A_604, %dma_start3A_605] : memref<2x32xi32, #tpu.memory_space<vmem>> -> memref<1x32xi32, #tpu.memory_space<vmem>>
      %dma_start3A_607 = tpu.memref_squeeze %dma_start3A_606 : memref<1x32xi32, #tpu.memory_space<vmem>> -> memref<32xi32, #tpu.memory_space<vmem>>
      %dma_start3A_608 = arith.constant 0 : i32
      %dma_start3A_609 = tpu.memref_slice %arg6[%add3A_526, %dma_start3A_608] : memref<10016x32xi32, #tpu.memory_space<hbm>> -> memref<1x32xi32, #tpu.memory_space<hbm>>
      %dma_start3A_610 = tpu.memref_squeeze %dma_start3A_609 : memref<1x32xi32, #tpu.memory_space<hbm>> -> memref<32xi32, #tpu.memory_space<hbm>>
      %dma_start3A_611 = arith.constant 0 : i32
      %dma_start3A_612 = tpu.memref_slice %arg10[%dma_start3A_604, %dma_start3A_611] : memref<2x32xi32, #tpu.memory_space<vmem>> -> memref<1x32xi32, #tpu.memory_space<vmem>>
      %dma_start3A_613 = tpu.memref_squeeze %dma_start3A_612 : memref<1x32xi32, #tpu.memory_space<vmem>> -> memref<32xi32, #tpu.memory_space<vmem>>
      %dma_start3A_614 = arith.constant 0 : i32
      %dma_start3A_615 = tpu.memref_slice %arg6[%add3A_526, %dma_start3A_614] : memref<10016x32xi32, #tpu.memory_space<hbm>> -> memref<1x32xi32, #tpu.memory_space<hbm>>
      %dma_start3A_616 = tpu.memref_squeeze %dma_start3A_615 : memref<1x32xi32, #tpu.memory_space<hbm>> -> memref<32xi32, #tpu.memory_space<hbm>>
      tpu.enqueue_dma source(%dma_start3A_616 : memref<32xi32, #tpu.memory_space<hbm>>) target(%dma_start3A_613 : memref<32xi32, #tpu.memory_space<vmem>>) target_semaphore(%arg19 : memref<!tpu.dma_semaphore, #tpu.memory_space<semaphore_mem>>)
      %dma_wait3A_617 = arith.constant 1 : i32
      %dma_wait3A_618 = arith.constant 0 : i32
      %dma_wait3A_619 = tpu.memref_slice %arg9[%dma_wait3A_617, %dma_wait3A_618] : memref<2x32xi32, #tpu.memory_space<vmem>> -> memref<1x32xi32, #tpu.memory_space<vmem>>
      %dma_wait3A_620 = tpu.memref_squeeze %dma_wait3A_619 : memref<1x32xi32, #tpu.memory_space<vmem>> -> memref<32xi32, #tpu.memory_space<vmem>>
      %dma_wait3A_621 = arith.constant 0 : i32
      %dma_wait3A_622 = tpu.memref_slice %arg5[%add3A_519, %dma_wait3A_621] : memref<10016x32xi32, #tpu.memory_space<hbm>> -> memref<1x32xi32, #tpu.memory_space<hbm>>
      %dma_wait3A_623 = tpu.memref_squeeze %dma_wait3A_622 : memref<1x32xi32, #tpu.memory_space<hbm>> -> memref<32xi32, #tpu.memory_space<hbm>>
      %dma_wait3A_624 = arith.constant 0 : i32
      %dma_wait3A_625 = tpu.memref_slice %arg9[%dma_wait3A_617, %dma_wait3A_624] : memref<2x32xi32, #tpu.memory_space<vmem>> -> memref<1x32xi32, #tpu.memory_space<vmem>>
      %dma_wait3A_626 = tpu.memref_squeeze %dma_wait3A_625 : memref<1x32xi32, #tpu.memory_space<vmem>> -> memref<32xi32, #tpu.memory_space<vmem>>
      %dma_wait3A_627 = arith.constant 0 : i32
      %dma_wait3A_628 = tpu.memref_slice %arg5[%add3A_519, %dma_wait3A_627] : memref<10016x32xi32, #tpu.memory_space<hbm>> -> memref<1x32xi32, #tpu.memory_space<hbm>>
      %dma_wait3A_629 = tpu.memref_squeeze %dma_wait3A_628 : memref<1x32xi32, #tpu.memory_space<hbm>> -> memref<32xi32, #tpu.memory_space<hbm>>
      tpu.wait_dma2 semaphore(%arg20 : memref<!tpu.dma_semaphore, #tpu.memory_space<semaphore_mem>>) src(%dma_wait3A_629 : memref<32xi32, #tpu.memory_space<hbm>>) dst(%dma_wait3A_626 : memref<32xi32, #tpu.memory_space<vmem>>)
      %dma_wait3A_630 = arith.constant 1 : i32
      %dma_wait3A_631 = arith.constant 0 : i32
      %dma_wait3A_632 = tpu.memref_slice %arg10[%dma_wait3A_630, %dma_wait3A_631] : memref<2x32xi32, #tpu.memory_space<vmem>> -> memref<1x32xi32, #tpu.memory_space<vmem>>
      %dma_wait3A_633 = tpu.memref_squeeze %dma_wait3A_632 : memref<1x32xi32, #tpu.memory_space<vmem>> -> memref<32xi32, #tpu.memory_space<vmem>>
      %dma_wait3A_634 = arith.constant 0 : i32
      %dma_wait3A_635 = tpu.memref_slice %arg6[%add3A_519, %dma_wait3A_634] : memref<10016x32xi32, #tpu.memory_space<hbm>> -> memref<1x32xi32, #tpu.memory_space<hbm>>
      %dma_wait3A_636 = tpu.memref_squeeze %dma_wait3A_635 : memref<1x32xi32, #tpu.memory_space<hbm>> -> memref<32xi32, #tpu.memory_space<hbm>>
      %dma_wait3A_637 = arith.constant 0 : i32
      %dma_wait3A_638 = tpu.memref_slice %arg10[%dma_wait3A_630, %dma_wait3A_637] : memref<2x32xi32, #tpu.memory_space<vmem>> -> memref<1x32xi32, #tpu.memory_space<vmem>>
      %dma_wait3A_639 = tpu.memref_squeeze %dma_wait3A_638 : memref<1x32xi32, #tpu.memory_space<vmem>> -> memref<32xi32, #tpu.memory_space<vmem>>
      %dma_wait3A_640 = arith.constant 0 : i32
      %dma_wait3A_641 = tpu.memref_slice %arg6[%add3A_519, %dma_wait3A_640] : memref<10016x32xi32, #tpu.memory_space<hbm>> -> memref<1x32xi32, #tpu.memory_space<hbm>>
      %dma_wait3A_642 = tpu.memref_squeeze %dma_wait3A_641 : memref<1x32xi32, #tpu.memory_space<hbm>> -> memref<32xi32, #tpu.memory_space<hbm>>
      tpu.wait_dma2 semaphore(%arg20 : memref<!tpu.dma_semaphore, #tpu.memory_space<semaphore_mem>>) src(%dma_wait3A_642 : memref<32xi32, #tpu.memory_space<hbm>>) dst(%dma_wait3A_639 : memref<32xi32, #tpu.memory_space<vmem>>)
      %dma_start3A_643 = arith.constant 1 : i32
      %dma_start3A_644 = arith.constant 1 : i32
      %dma_start3A_645 = arith.constant 0 : i32
      %dma_start3A_646 = arith.constant 0 : i32
      %dma_start3A_647 = tpu.memref_slice %arg12[%dma_start3A_644, %dma_start3A_645, %dma_start3A_646] : memref<2x32x128xf32, #tpu.memory_space<vmem>> -> memref<1x32x128xf32, #tpu.memory_space<vmem>>
      %dma_start3A_648 = tpu.memref_squeeze %dma_start3A_647 : memref<1x32x128xf32, #tpu.memory_space<vmem>> -> memref<32x128xf32, #tpu.memory_space<vmem>>
      %dma_start3A_649 = arith.constant 0 : i32
      %dma_start3A_650 = tpu.memref_slice %arg9[%dma_start3A_643, %dma_start3A_649] : memref<2x32xi32, #tpu.memory_space<vmem>> -> memref<1x32xi32, #tpu.memory_space<vmem>>
      %dma_start3A_651 = tpu.memref_squeeze %dma_start3A_650 : memref<1x32xi32, #tpu.memory_space<vmem>> -> memref<32xi32, #tpu.memory_space<vmem>>
      %dma_start3A_652 = arith.constant 0 : i32
      %dma_start3A_653 = arith.constant 0 : i32
      %dma_start3A_654 = tpu.memref_slice %arg3[%dma_start3A_652, %dma_start3A_653] : memref<10008x128xf32, #tpu.memory_space<hbm>> -> memref<10008x128xf32, #tpu.memory_space<hbm>>
      tpu.enqueue_indirect_dma source(%dma_start3A_654 : memref<10008x128xf32, #tpu.memory_space<hbm>>) target(%dma_start3A_648 : memref<32x128xf32, #tpu.memory_space<vmem>>) offsets(%dma_start3A_651 : memref<32xi32, #tpu.memory_space<vmem>>) semaphore(%arg18 : memref<!tpu.dma_semaphore, #tpu.memory_space<semaphore_mem>>)
      %dma_start3A_655 = arith.constant 1 : i32
      %dma_start3A_656 = arith.constant 1 : i32
      %dma_start3A_657 = arith.constant 0 : i32
      %dma_start3A_658 = arith.constant 0 : i32
      %dma_start3A_659 = tpu.memref_slice %arg13[%dma_start3A_656, %dma_start3A_657, %dma_start3A_658] : memref<2x32x128xf32, #tpu.memory_space<vmem>> -> memref<1x32x128xf32, #tpu.memory_space<vmem>>
      %dma_start3A_660 = tpu.memref_squeeze %dma_start3A_659 : memref<1x32x128xf32, #tpu.memory_space<vmem>> -> memref<32x128xf32, #tpu.memory_space<vmem>>
      %dma_start3A_661 = arith.constant 0 : i32
      %dma_start3A_662 = tpu.memref_slice %arg10[%dma_start3A_655, %dma_start3A_661] : memref<2x32xi32, #tpu.memory_space<vmem>> -> memref<1x32xi32, #tpu.memory_space<vmem>>
      %dma_start3A_663 = tpu.memref_squeeze %dma_start3A_662 : memref<1x32xi32, #tpu.memory_space<vmem>> -> memref<32xi32, #tpu.memory_space<vmem>>
      %dma_start3A_664 = arith.constant 0 : i32
      %dma_start3A_665 = arith.constant 0 : i32
      %dma_start3A_666 = tpu.memref_slice %arg2[%dma_start3A_664, %dma_start3A_665] : memref<10008x128xf32, #tpu.memory_space<hbm>> -> memref<10008x128xf32, #tpu.memory_space<hbm>>
      tpu.enqueue_indirect_dma source(%dma_start3A_666 : memref<10008x128xf32, #tpu.memory_space<hbm>>) target(%dma_start3A_660 : memref<32x128xf32, #tpu.memory_space<vmem>>) offsets(%dma_start3A_663 : memref<32xi32, #tpu.memory_space<vmem>>) semaphore(%arg18 : memref<!tpu.dma_semaphore, #tpu.memory_space<semaphore_mem>>)
      %dma_start3A_667 = arith.constant 1 : i32
      %dma_start3A_668 = arith.constant 1 : i32
      %dma_start3A_669 = arith.constant 0 : i32
      %dma_start3A_670 = arith.constant 0 : i32
      %dma_start3A_671 = tpu.memref_slice %arg14[%dma_start3A_668, %dma_start3A_669, %dma_start3A_670] : memref<2x32x128xf32, #tpu.memory_space<vmem>> -> memref<1x32x128xf32, #tpu.memory_space<vmem>>
      %dma_start3A_672 = tpu.memref_squeeze %dma_start3A_671 : memref<1x32x128xf32, #tpu.memory_space<vmem>> -> memref<32x128xf32, #tpu.memory_space<vmem>>
      %dma_start3A_673 = arith.constant 0 : i32
      %dma_start3A_674 = tpu.memref_slice %arg9[%dma_start3A_667, %dma_start3A_673] : memref<2x32xi32, #tpu.memory_space<vmem>> -> memref<1x32xi32, #tpu.memory_space<vmem>>
      %dma_start3A_675 = tpu.memref_squeeze %dma_start3A_674 : memref<1x32xi32, #tpu.memory_space<vmem>> -> memref<32xi32, #tpu.memory_space<vmem>>
      %dma_start3A_676 = arith.constant 0 : i32
      %dma_start3A_677 = arith.constant 0 : i32
      %dma_start3A_678 = tpu.memref_slice %arg4[%dma_start3A_676, %dma_start3A_677] : memref<10008x128xf32, #tpu.memory_space<hbm>> -> memref<10008x128xf32, #tpu.memory_space<hbm>>
      tpu.enqueue_indirect_dma source(%dma_start3A_678 : memref<10008x128xf32, #tpu.memory_space<hbm>>) target(%dma_start3A_672 : memref<32x128xf32, #tpu.memory_space<vmem>>) offsets(%dma_start3A_675 : memref<32xi32, #tpu.memory_space<vmem>>) semaphore(%arg18 : memref<!tpu.dma_semaphore, #tpu.memory_space<semaphore_mem>>)
      %add3A_679 = arith.constant 0 : i32
      %add3A_680 = vector.broadcast %add3A_679 : i32 to vector<16xi32>
      %add3A_681 = arith.addi %add3A_680, %iota3A : vector<16xi32>
      %scan3A_682 = arith.constant 0 : i32
      %scan3A_683 = arith.constant 16 : i32
      %scan3A_684 = arith.addi %scan3A_682, %scan3A_683 : i32
      %scan3A_685 = arith.constant 1 : i32
      %scan3A_686:4 = scf.for %scan3A_1093 = %scan3A_682 to %scan3A_684 step %scan3A_685 iter_args(%scan3A_1094 = %broadcast_in_dim3A_3, %scan3A_1095 = %broadcast_in_dim3A_3, %scan3A_1096 = %broadcast_in_dim3A_3, %scan3A_1097 = %broadcast_in_dim3A_3) -> (vector<16xf32>, vector<16xf32>, vector<16xf32>, vector<16xf32>)  : i32 {
        %mul3A_1098 = arith.constant 2 : i32
        %mul3A_1099 = arith.muli %scan3A_1093, %mul3A_1098 : i32
        %add3A_1100 = arith.constant 0 : i32
        %add3A_1101 = arith.addi %mul3A_1099, %add3A_1100 : i32
        %add3A_1102 = vector.broadcast %add3A_1101 : i32 to vector<16xi32>
        %add3A_1103 = arith.addi %add3A_1102, %iota3A : vector<16xi32>
        %and3A = arith.constant 31 : i32
        %and3A_1104 = vector.broadcast %and3A : i32 to vector<16xi32>
        %and3A_1105 = arith.andi %add3A_1103, %and3A_1104 : vector<16xi32>
        %add3A_1106 = arith.addi %broadcast_in_dim3A_7, %and3A_1105 : vector<16xi32>
        %gather3A = tpu.vector_load_idx %arg12[%broadcast_in_dim3A_23, %add3A_681, %add3A_1106] : memref<2x32x128xf32, #tpu.memory_space<vmem>>[vector<16xi32>, vector<16xi32>, vector<16xi32>], vector<16xf32>,
        %gather3A_1107 = tpu.vector_load_idx %arg13[%broadcast_in_dim3A_23, %add3A_681, %add3A_1106] : memref<2x32x128xf32, #tpu.memory_space<vmem>>[vector<16xi32>, vector<16xi32>, vector<16xi32>], vector<16xf32>,
        %mul3A_1108 = arith.mulf %gather3A, %gather3A_1107 : vector<16xf32>
        %add3A_1109 = arith.addf %scan3A_1094, %mul3A_1108 : vector<16xf32>
        %add3A_1110 = arith.addi %broadcast_in_dim3A_9, %and3A_1105 : vector<16xi32>
        %gather3A_1111 = tpu.vector_load_idx %arg12[%broadcast_in_dim3A_23, %add3A_681, %add3A_1110] : memref<2x32x128xf32, #tpu.memory_space<vmem>>[vector<16xi32>, vector<16xi32>, vector<16xi32>], vector<16xf32>,
        %gather3A_1112 = tpu.vector_load_idx %arg13[%broadcast_in_dim3A_23, %add3A_681, %add3A_1110] : memref<2x32x128xf32, #tpu.memory_space<vmem>>[vector<16xi32>, vector<16xi32>, vector<16xi32>], vector<16xf32>,
        %mul3A_1113 = arith.mulf %gather3A_1111, %gather3A_1112 : vector<16xf32>
        %add3A_1114 = arith.addf %scan3A_1095, %mul3A_1113 : vector<16xf32>
        %add3A_1115 = arith.addi %broadcast_in_dim3A_11, %and3A_1105 : vector<16xi32>
        %gather3A_1116 = tpu.vector_load_idx %arg12[%broadcast_in_dim3A_23, %add3A_681, %add3A_1115] : memref<2x32x128xf32, #tpu.memory_space<vmem>>[vector<16xi32>, vector<16xi32>, vector<16xi32>], vector<16xf32>,
        %gather3A_1117 = tpu.vector_load_idx %arg13[%broadcast_in_dim3A_23, %add3A_681, %add3A_1115] : memref<2x32x128xf32, #tpu.memory_space<vmem>>[vector<16xi32>, vector<16xi32>, vector<16xi32>], vector<16xf32>,
        %mul3A_1118 = arith.mulf %gather3A_1116, %gather3A_1117 : vector<16xf32>
        %add3A_1119 = arith.addf %scan3A_1096, %mul3A_1118 : vector<16xf32>
        %add3A_1120 = arith.addi %broadcast_in_dim3A_13, %and3A_1105 : vector<16xi32>
        %gather3A_1121 = tpu.vector_load_idx %arg12[%broadcast_in_dim3A_23, %add3A_681, %add3A_1120] : memref<2x32x128xf32, #tpu.memory_space<vmem>>[vector<16xi32>, vector<16xi32>, vector<16xi32>], vector<16xf32>,
        %gather3A_1122 = tpu.vector_load_idx %arg13[%broadcast_in_dim3A_23, %add3A_681, %add3A_1120] : memref<2x32x128xf32, #tpu.memory_space<vmem>>[vector<16xi32>, vector<16xi32>, vector<16xi32>], vector<16xf32>,
        %mul3A_1123 = arith.mulf %gather3A_1121, %gather3A_1122 : vector<16xf32>
        %add3A_1124 = arith.addf %scan3A_1097, %mul3A_1123 : vector<16xf32>
        %mul3A_1125 = arith.constant 2 : i32
        %mul3A_1126 = arith.muli %scan3A_1093, %mul3A_1125 : i32
        %add3A_1127 = arith.constant 1 : i32
        %add3A_1128 = arith.addi %mul3A_1126, %add3A_1127 : i32
        %add3A_1129 = vector.broadcast %add3A_1128 : i32 to vector<16xi32>
        %add3A_1130 = arith.addi %add3A_1129, %iota3A : vector<16xi32>
        %and3A_1131 = arith.constant 31 : i32
        %and3A_1132 = vector.broadcast %and3A_1131 : i32 to vector<16xi32>
        %and3A_1133 = arith.andi %add3A_1130, %and3A_1132 : vector<16xi32>
        %add3A_1134 = arith.addi %broadcast_in_dim3A_7, %and3A_1133 : vector<16xi32>
        %gather3A_1135 = tpu.vector_load_idx %arg12[%broadcast_in_dim3A_23, %add3A_681, %add3A_1134] : memref<2x32x128xf32, #tpu.memory_space<vmem>>[vector<16xi32>, vector<16xi32>, vector<16xi32>], vector<16xf32>,
        %gather3A_1136 = tpu.vector_load_idx %arg13[%broadcast_in_dim3A_23, %add3A_681, %add3A_1134] : memref<2x32x128xf32, #tpu.memory_space<vmem>>[vector<16xi32>, vector<16xi32>, vector<16xi32>], vector<16xf32>,
        %mul3A_1137 = arith.mulf %gather3A_1135, %gather3A_1136 : vector<16xf32>
        %add3A_1138 = arith.addf %add3A_1109, %mul3A_1137 : vector<16xf32>
        %add3A_1139 = arith.addi %broadcast_in_dim3A_9, %and3A_1133 : vector<16xi32>
        %gather3A_1140 = tpu.vector_load_idx %arg12[%broadcast_in_dim3A_23, %add3A_681, %add3A_1139] : memref<2x32x128xf32, #tpu.memory_space<vmem>>[vector<16xi32>, vector<16xi32>, vector<16xi32>], vector<16xf32>,
        %gather3A_1141 = tpu.vector_load_idx %arg13[%broadcast_in_dim3A_23, %add3A_681, %add3A_1139] : memref<2x32x128xf32, #tpu.memory_space<vmem>>[vector<16xi32>, vector<16xi32>, vector<16xi32>], vector<16xf32>,
        %mul3A_1142 = arith.mulf %gather3A_1140, %gather3A_1141 : vector<16xf32>
        %add3A_1143 = arith.addf %add3A_1114, %mul3A_1142 : vector<16xf32>
        %add3A_1144 = arith.addi %broadcast_in_dim3A_11, %and3A_1133 : vector<16xi32>
        %gather3A_1145 = tpu.vector_load_idx %arg12[%broadcast_in_dim3A_23, %add3A_681, %add3A_1144] : memref<2x32x128xf32, #tpu.memory_space<vmem>>[vector<16xi32>, vector<16xi32>, vector<16xi32>], vector<16xf32>,
        %gather3A_1146 = tpu.vector_load_idx %arg13[%broadcast_in_dim3A_23, %add3A_681, %add3A_1144] : memref<2x32x128xf32, #tpu.memory_space<vmem>>[vector<16xi32>, vector<16xi32>, vector<16xi32>], vector<16xf32>,
        %mul3A_1147 = arith.mulf %gather3A_1145, %gather3A_1146 : vector<16xf32>
        %add3A_1148 = arith.addf %add3A_1119, %mul3A_1147 : vector<16xf32>
        %add3A_1149 = arith.addi %broadcast_in_dim3A_13, %and3A_1133 : vector<16xi32>
        %gather3A_1150 = tpu.vector_load_idx %arg12[%broadcast_in_dim3A_23, %add3A_681, %add3A_1149] : memref<2x32x128xf32, #tpu.memory_space<vmem>>[vector<16xi32>, vector<16xi32>, vector<16xi32>], vector<16xf32>,
        %gather3A_1151 = tpu.vector_load_idx %arg13[%broadcast_in_dim3A_23, %add3A_681, %add3A_1149] : memref<2x32x128xf32, #tpu.memory_space<vmem>>[vector<16xi32>, vector<16xi32>, vector<16xi32>], vector<16xf32>,
        %mul3A_1152 = arith.mulf %gather3A_1150, %gather3A_1151 : vector<16xf32>
        %add3A_1153 = arith.addf %add3A_1124, %mul3A_1152 : vector<16xf32>
        scf.yield %add3A_1138, %add3A_1143, %add3A_1148, %add3A_1153 : vector<16xf32>, vector<16xf32>, vector<16xf32>, vector<16xf32>
      }
      %scan3A_687 = arith.constant 16 : i32
      %mul3A_688 = arith.constant 0.0883883461 : f32
      %mul3A_689 = vector.broadcast %mul3A_688 : f32 to vector<16xf32>
      %mul3A_690 = arith.mulf %scan3A_686#0, %mul3A_689 : vector<16xf32>
      %max3A_691 = arith.constant -5.000000e+00 : f32
      %max3A_692 = vector.broadcast %max3A_691 : f32 to vector<16xf32>
      %max3A_693 = arith.maximumf %mul3A_690, %max3A_692 : vector<16xf32>
      %min3A_694 = arith.constant 5.000000e+00 : f32
      %min3A_695 = vector.broadcast %min3A_694 : f32 to vector<16xf32>
      %min3A_696 = arith.minimumf %max3A_693, %min3A_695 : vector<16xf32>
      %exp3A_697 = math.exp %min3A_696 : vector<16xf32>
      %mul3A_698 = arith.constant 0.0883883461 : f32
      %mul3A_699 = vector.broadcast %mul3A_698 : f32 to vector<16xf32>
      %mul3A_700 = arith.mulf %scan3A_686#1, %mul3A_699 : vector<16xf32>
      %max3A_701 = arith.constant -5.000000e+00 : f32
      %max3A_702 = vector.broadcast %max3A_701 : f32 to vector<16xf32>
      %max3A_703 = arith.maximumf %mul3A_700, %max3A_702 : vector<16xf32>
      %min3A_704 = arith.constant 5.000000e+00 : f32
      %min3A_705 = vector.broadcast %min3A_704 : f32 to vector<16xf32>
      %min3A_706 = arith.minimumf %max3A_703, %min3A_705 : vector<16xf32>
      %exp3A_707 = math.exp %min3A_706 : vector<16xf32>
      %mul3A_708 = arith.constant 0.0883883461 : f32
      %mul3A_709 = vector.broadcast %mul3A_708 : f32 to vector<16xf32>
      %mul3A_710 = arith.mulf %scan3A_686#2, %mul3A_709 : vector<16xf32>
      %max3A_711 = arith.constant -5.000000e+00 : f32
      %max3A_712 = vector.broadcast %max3A_711 : f32 to vector<16xf32>
      %max3A_713 = arith.maximumf %mul3A_710, %max3A_712 : vector<16xf32>
      %min3A_714 = arith.constant 5.000000e+00 : f32
      %min3A_715 = vector.broadcast %min3A_714 : f32 to vector<16xf32>
      %min3A_716 = arith.minimumf %max3A_713, %min3A_715 : vector<16xf32>
      %exp3A_717 = math.exp %min3A_716 : vector<16xf32>
      %mul3A_718 = arith.constant 0.0883883461 : f32
      %mul3A_719 = vector.broadcast %mul3A_718 : f32 to vector<16xf32>
      %mul3A_720 = arith.mulf %scan3A_686#3, %mul3A_719 : vector<16xf32>
      %max3A_721 = arith.constant -5.000000e+00 : f32
      %max3A_722 = vector.broadcast %max3A_721 : f32 to vector<16xf32>
      %max3A_723 = arith.maximumf %mul3A_720, %max3A_722 : vector<16xf32>
      %min3A_724 = arith.constant 5.000000e+00 : f32
      %min3A_725 = vector.broadcast %min3A_724 : f32 to vector<16xf32>
      %min3A_726 = arith.minimumf %max3A_723, %min3A_725 : vector<16xf32>
      %exp3A_727 = math.exp %min3A_726 : vector<16xf32>
      %scan3A_728 = arith.constant 0 : i32
      %scan3A_729 = arith.constant 0 : i32
      %scan3A_730 = arith.constant 16 : i32
      %scan3A_731 = arith.addi %scan3A_729, %scan3A_730 : i32
      %scan3A_732 = arith.constant 1 : i32
      scf.for %scan3A_1093 = %scan3A_729 to %scan3A_731 step %scan3A_732  : i32 {
        %mul3A_1094 = arith.constant 2 : i32
        %mul3A_1095 = arith.muli %scan3A_1093, %mul3A_1094 : i32
        %add3A_1096 = arith.constant 0 : i32
        %add3A_1097 = arith.addi %mul3A_1095, %add3A_1096 : i32
        %add3A_1098 = vector.broadcast %add3A_1097 : i32 to vector<16xi32>
        %add3A_1099 = arith.addi %add3A_1098, %iota3A : vector<16xi32>
        %and3A = arith.constant 31 : i32
        %and3A_1100 = vector.broadcast %and3A : i32 to vector<16xi32>
        %and3A_1101 = arith.andi %add3A_1099, %and3A_1100 : vector<16xi32>
        %add3A_1102 = arith.addi %broadcast_in_dim3A_7, %and3A_1101 : vector<16xi32>
        %gather3A = tpu.vector_load_idx %arg14[%broadcast_in_dim3A_23, %add3A_681, %add3A_1102] : memref<2x32x128xf32, #tpu.memory_space<vmem>>[vector<16xi32>, vector<16xi32>, vector<16xi32>], vector<16xf32>,
        %mul3A_1103 = arith.mulf %gather3A, %exp3A_697 : vector<16xf32>
        tpu.vector_store_idx %arg15[%broadcast_in_dim3A_23, %add3A_681, %add3A_1102], %mul3A_1103 : memref<2x32x144xf32, #tpu.memory_space<vmem>>[vector<16xi32>, vector<16xi32>, vector<16xi32>], vector<16xf32>,
        %add3A_1104 = arith.addi %broadcast_in_dim3A_9, %and3A_1101 : vector<16xi32>
        %gather3A_1105 = tpu.vector_load_idx %arg14[%broadcast_in_dim3A_23, %add3A_681, %add3A_1104] : memref<2x32x128xf32, #tpu.memory_space<vmem>>[vector<16xi32>, vector<16xi32>, vector<16xi32>], vector<16xf32>,
        %mul3A_1106 = arith.mulf %gather3A_1105, %exp3A_707 : vector<16xf32>
        tpu.vector_store_idx %arg15[%broadcast_in_dim3A_23, %add3A_681, %add3A_1104], %mul3A_1106 : memref<2x32x144xf32, #tpu.memory_space<vmem>>[vector<16xi32>, vector<16xi32>, vector<16xi32>], vector<16xf32>,
        %add3A_1107 = arith.addi %broadcast_in_dim3A_11, %and3A_1101 : vector<16xi32>
        %gather3A_1108 = tpu.vector_load_idx %arg14[%broadcast_in_dim3A_23, %add3A_681, %add3A_1107] : memref<2x32x128xf32, #tpu.memory_space<vmem>>[vector<16xi32>, vector<16xi32>, vector<16xi32>], vector<16xf32>,
        %mul3A_1109 = arith.mulf %gather3A_1108, %exp3A_717 : vector<16xf32>
        tpu.vector_store_idx %arg15[%broadcast_in_dim3A_23, %add3A_681, %add3A_1107], %mul3A_1109 : memref<2x32x144xf32, #tpu.memory_space<vmem>>[vector<16xi32>, vector<16xi32>, vector<16xi32>], vector<16xf32>,
        %add3A_1110 = arith.addi %broadcast_in_dim3A_13, %and3A_1101 : vector<16xi32>
        %gather3A_1111 = tpu.vector_load_idx %arg14[%broadcast_in_dim3A_23, %add3A_681, %add3A_1110] : memref<2x32x128xf32, #tpu.memory_space<vmem>>[vector<16xi32>, vector<16xi32>, vector<16xi32>], vector<16xf32>,
        %mul3A_1112 = arith.mulf %gather3A_1111, %exp3A_727 : vector<16xf32>
        tpu.vector_store_idx %arg15[%broadcast_in_dim3A_23, %add3A_681, %add3A_1110], %mul3A_1112 : memref<2x32x144xf32, #tpu.memory_space<vmem>>[vector<16xi32>, vector<16xi32>, vector<16xi32>], vector<16xf32>,
        %mul3A_1113 = arith.constant 2 : i32
        %mul3A_1114 = arith.muli %scan3A_1093, %mul3A_1113 : i32
        %add3A_1115 = arith.constant 1 : i32
        %add3A_1116 = arith.addi %mul3A_1114, %add3A_1115 : i32
        %add3A_1117 = vector.broadcast %add3A_1116 : i32 to vector<16xi32>
        %add3A_1118 = arith.addi %add3A_1117, %iota3A : vector<16xi32>
        %and3A_1119 = arith.constant 31 : i32
        %and3A_1120 = vector.broadcast %and3A_1119 : i32 to vector<16xi32>
        %and3A_1121 = arith.andi %add3A_1118, %and3A_1120 : vector<16xi32>
        %add3A_1122 = arith.addi %broadcast_in_dim3A_7, %and3A_1121 : vector<16xi32>
        %gather3A_1123 = tpu.vector_load_idx %arg14[%broadcast_in_dim3A_23, %add3A_681, %add3A_1122] : memref<2x32x128xf32, #tpu.memory_space<vmem>>[vector<16xi32>, vector<16xi32>, vector<16xi32>], vector<16xf32>,
        %mul3A_1124 = arith.mulf %gather3A_1123, %exp3A_697 : vector<16xf32>
        tpu.vector_store_idx %arg15[%broadcast_in_dim3A_23, %add3A_681, %add3A_1122], %mul3A_1124 : memref<2x32x144xf32, #tpu.memory_space<vmem>>[vector<16xi32>, vector<16xi32>, vector<16xi32>], vector<16xf32>,
        %add3A_1125 = arith.addi %broadcast_in_dim3A_9, %and3A_1121 : vector<16xi32>
        %gather3A_1126 = tpu.vector_load_idx %arg14[%broadcast_in_dim3A_23, %add3A_681, %add3A_1125] : memref<2x32x128xf32, #tpu.memory_space<vmem>>[vector<16xi32>, vector<16xi32>, vector<16xi32>], vector<16xf32>,
        %mul3A_1127 = arith.mulf %gather3A_1126, %exp3A_707 : vector<16xf32>
        tpu.vector_store_idx %arg15[%broadcast_in_dim3A_23, %add3A_681, %add3A_1125], %mul3A_1127 : memref<2x32x144xf32, #tpu.memory_space<vmem>>[vector<16xi32>, vector<16xi32>, vector<16xi32>], vector<16xf32>,
        %add3A_1128 = arith.addi %broadcast_in_dim3A_11, %and3A_1121 : vector<16xi32>
        %gather3A_1129 = tpu.vector_load_idx %arg14[%broadcast_in_dim3A_23, %add3A_681, %add3A_1128] : memref<2x32x128xf32, #tpu.memory_space<vmem>>[vector<16xi32>, vector<16xi32>, vector<16xi32>], vector<16xf32>,
        %mul3A_1130 = arith.mulf %gather3A_1129, %exp3A_717 : vector<16xf32>
        tpu.vector_store_idx %arg15[%broadcast_in_dim3A_23, %add3A_681, %add3A_1128], %mul3A_1130 : memref<2x32x144xf32, #tpu.memory_space<vmem>>[vector<16xi32>, vector<16xi32>, vector<16xi32>], vector<16xf32>,
        %add3A_1131 = arith.addi %broadcast_in_dim3A_13, %and3A_1121 : vector<16xi32>
        %gather3A_1132 = tpu.vector_load_idx %arg14[%broadcast_in_dim3A_23, %add3A_681, %add3A_1131] : memref<2x32x128xf32, #tpu.memory_space<vmem>>[vector<16xi32>, vector<16xi32>, vector<16xi32>], vector<16xf32>,
        %mul3A_1133 = arith.mulf %gather3A_1132, %exp3A_727 : vector<16xf32>
        tpu.vector_store_idx %arg15[%broadcast_in_dim3A_23, %add3A_681, %add3A_1131], %mul3A_1133 : memref<2x32x144xf32, #tpu.memory_space<vmem>>[vector<16xi32>, vector<16xi32>, vector<16xi32>], vector<16xf32>,
      }
      %scan3A_733 = arith.constant 16 : i32
      tpu.vector_store_idx %arg15[%broadcast_in_dim3A_23, %add3A_681, %broadcast_in_dim3A_15], %exp3A_697 : memref<2x32x144xf32, #tpu.memory_space<vmem>>[vector<16xi32>, vector<16xi32>, vector<16xi32>], vector<16xf32>,
      tpu.vector_store_idx %arg15[%broadcast_in_dim3A_23, %add3A_681, %broadcast_in_dim3A_17], %exp3A_707 : memref<2x32x144xf32, #tpu.memory_space<vmem>>[vector<16xi32>, vector<16xi32>, vector<16xi32>], vector<16xf32>,
      tpu.vector_store_idx %arg15[%broadcast_in_dim3A_23, %add3A_681, %broadcast_in_dim3A_19], %exp3A_717 : memref<2x32x144xf32, #tpu.memory_space<vmem>>[vector<16xi32>, vector<16xi32>, vector<16xi32>], vector<16xf32>,
      tpu.vector_store_idx %arg15[%broadcast_in_dim3A_23, %add3A_681, %broadcast_in_dim3A_21], %exp3A_727 : memref<2x32x144xf32, #tpu.memory_space<vmem>>[vector<16xi32>, vector<16xi32>, vector<16xi32>], vector<16xf32>,
      %add3A_734 = arith.constant 16 : i32
      %add3A_735 = vector.broadcast %add3A_734 : i32 to vector<16xi32>
      %add3A_736 = arith.addi %add3A_735, %iota3A : vector<16xi32>
      %scan3A_737 = arith.constant 0 : i32
      %scan3A_738 = arith.constant 16 : i32
      %scan3A_739 = arith.addi %scan3A_737, %scan3A_738 : i32
      %scan3A_740 = arith.constant 1 : i32
      %scan3A_741:4 = scf.for %scan3A_1093 = %scan3A_737 to %scan3A_739 step %scan3A_740 iter_args(%scan3A_1094 = %broadcast_in_dim3A_3, %scan3A_1095 = %broadcast_in_dim3A_3, %scan3A_1096 = %broadcast_in_dim3A_3, %scan3A_1097 = %broadcast_in_dim3A_3) -> (vector<16xf32>, vector<16xf32>, vector<16xf32>, vector<16xf32>)  : i32 {
        %mul3A_1098 = arith.constant 2 : i32
        %mul3A_1099 = arith.muli %scan3A_1093, %mul3A_1098 : i32
        %add3A_1100 = arith.constant 0 : i32
        %add3A_1101 = arith.addi %mul3A_1099, %add3A_1100 : i32
        %add3A_1102 = vector.broadcast %add3A_1101 : i32 to vector<16xi32>
        %add3A_1103 = arith.addi %add3A_1102, %iota3A : vector<16xi32>
        %and3A = arith.constant 31 : i32
        %and3A_1104 = vector.broadcast %and3A : i32 to vector<16xi32>
        %and3A_1105 = arith.andi %add3A_1103, %and3A_1104 : vector<16xi32>
        %add3A_1106 = arith.addi %broadcast_in_dim3A_7, %and3A_1105 : vector<16xi32>
        %gather3A = tpu.vector_load_idx %arg12[%broadcast_in_dim3A_23, %add3A_736, %add3A_1106] : memref<2x32x128xf32, #tpu.memory_space<vmem>>[vector<16xi32>, vector<16xi32>, vector<16xi32>], vector<16xf32>,
        %gather3A_1107 = tpu.vector_load_idx %arg13[%broadcast_in_dim3A_23, %add3A_736, %add3A_1106] : memref<2x32x128xf32, #tpu.memory_space<vmem>>[vector<16xi32>, vector<16xi32>, vector<16xi32>], vector<16xf32>,
        %mul3A_1108 = arith.mulf %gather3A, %gather3A_1107 : vector<16xf32>
        %add3A_1109 = arith.addf %scan3A_1094, %mul3A_1108 : vector<16xf32>
        %add3A_1110 = arith.addi %broadcast_in_dim3A_9, %and3A_1105 : vector<16xi32>
        %gather3A_1111 = tpu.vector_load_idx %arg12[%broadcast_in_dim3A_23, %add3A_736, %add3A_1110] : memref<2x32x128xf32, #tpu.memory_space<vmem>>[vector<16xi32>, vector<16xi32>, vector<16xi32>], vector<16xf32>,
        %gather3A_1112 = tpu.vector_load_idx %arg13[%broadcast_in_dim3A_23, %add3A_736, %add3A_1110] : memref<2x32x128xf32, #tpu.memory_space<vmem>>[vector<16xi32>, vector<16xi32>, vector<16xi32>], vector<16xf32>,
        %mul3A_1113 = arith.mulf %gather3A_1111, %gather3A_1112 : vector<16xf32>
        %add3A_1114 = arith.addf %scan3A_1095, %mul3A_1113 : vector<16xf32>
        %add3A_1115 = arith.addi %broadcast_in_dim3A_11, %and3A_1105 : vector<16xi32>
        %gather3A_1116 = tpu.vector_load_idx %arg12[%broadcast_in_dim3A_23, %add3A_736, %add3A_1115] : memref<2x32x128xf32, #tpu.memory_space<vmem>>[vector<16xi32>, vector<16xi32>, vector<16xi32>], vector<16xf32>,
        %gather3A_1117 = tpu.vector_load_idx %arg13[%broadcast_in_dim3A_23, %add3A_736, %add3A_1115] : memref<2x32x128xf32, #tpu.memory_space<vmem>>[vector<16xi32>, vector<16xi32>, vector<16xi32>], vector<16xf32>,
        %mul3A_1118 = arith.mulf %gather3A_1116, %gather3A_1117 : vector<16xf32>
        %add3A_1119 = arith.addf %scan3A_1096, %mul3A_1118 : vector<16xf32>
        %add3A_1120 = arith.addi %broadcast_in_dim3A_13, %and3A_1105 : vector<16xi32>
        %gather3A_1121 = tpu.vector_load_idx %arg12[%broadcast_in_dim3A_23, %add3A_736, %add3A_1120] : memref<2x32x128xf32, #tpu.memory_space<vmem>>[vector<16xi32>, vector<16xi32>, vector<16xi32>], vector<16xf32>,
        %gather3A_1122 = tpu.vector_load_idx %arg13[%broadcast_in_dim3A_23, %add3A_736, %add3A_1120] : memref<2x32x128xf32, #tpu.memory_space<vmem>>[vector<16xi32>, vector<16xi32>, vector<16xi32>], vector<16xf32>,
        %mul3A_1123 = arith.mulf %gather3A_1121, %gather3A_1122 : vector<16xf32>
        %add3A_1124 = arith.addf %scan3A_1097, %mul3A_1123 : vector<16xf32>
        %mul3A_1125 = arith.constant 2 : i32
        %mul3A_1126 = arith.muli %scan3A_1093, %mul3A_1125 : i32
        %add3A_1127 = arith.constant 1 : i32
        %add3A_1128 = arith.addi %mul3A_1126, %add3A_1127 : i32
        %add3A_1129 = vector.broadcast %add3A_1128 : i32 to vector<16xi32>
        %add3A_1130 = arith.addi %add3A_1129, %iota3A : vector<16xi32>
        %and3A_1131 = arith.constant 31 : i32
        %and3A_1132 = vector.broadcast %and3A_1131 : i32 to vector<16xi32>
        %and3A_1133 = arith.andi %add3A_1130, %and3A_1132 : vector<16xi32>
        %add3A_1134 = arith.addi %broadcast_in_dim3A_7, %and3A_1133 : vector<16xi32>
        %gather3A_1135 = tpu.vector_load_idx %arg12[%broadcast_in_dim3A_23, %add3A_736, %add3A_1134] : memref<2x32x128xf32, #tpu.memory_space<vmem>>[vector<16xi32>, vector<16xi32>, vector<16xi32>], vector<16xf32>,
        %gather3A_1136 = tpu.vector_load_idx %arg13[%broadcast_in_dim3A_23, %add3A_736, %add3A_1134] : memref<2x32x128xf32, #tpu.memory_space<vmem>>[vector<16xi32>, vector<16xi32>, vector<16xi32>], vector<16xf32>,
        %mul3A_1137 = arith.mulf %gather3A_1135, %gather3A_1136 : vector<16xf32>
        %add3A_1138 = arith.addf %add3A_1109, %mul3A_1137 : vector<16xf32>
        %add3A_1139 = arith.addi %broadcast_in_dim3A_9, %and3A_1133 : vector<16xi32>
        %gather3A_1140 = tpu.vector_load_idx %arg12[%broadcast_in_dim3A_23, %add3A_736, %add3A_1139] : memref<2x32x128xf32, #tpu.memory_space<vmem>>[vector<16xi32>, vector<16xi32>, vector<16xi32>], vector<16xf32>,
        %gather3A_1141 = tpu.vector_load_idx %arg13[%broadcast_in_dim3A_23, %add3A_736, %add3A_1139] : memref<2x32x128xf32, #tpu.memory_space<vmem>>[vector<16xi32>, vector<16xi32>, vector<16xi32>], vector<16xf32>,
        %mul3A_1142 = arith.mulf %gather3A_1140, %gather3A_1141 : vector<16xf32>
        %add3A_1143 = arith.addf %add3A_1114, %mul3A_1142 : vector<16xf32>
        %add3A_1144 = arith.addi %broadcast_in_dim3A_11, %and3A_1133 : vector<16xi32>
        %gather3A_1145 = tpu.vector_load_idx %arg12[%broadcast_in_dim3A_23, %add3A_736, %add3A_1144] : memref<2x32x128xf32, #tpu.memory_space<vmem>>[vector<16xi32>, vector<16xi32>, vector<16xi32>], vector<16xf32>,
        %gather3A_1146 = tpu.vector_load_idx %arg13[%broadcast_in_dim3A_23, %add3A_736, %add3A_1144] : memref<2x32x128xf32, #tpu.memory_space<vmem>>[vector<16xi32>, vector<16xi32>, vector<16xi32>], vector<16xf32>,
        %mul3A_1147 = arith.mulf %gather3A_1145, %gather3A_1146 : vector<16xf32>
        %add3A_1148 = arith.addf %add3A_1119, %mul3A_1147 : vector<16xf32>
        %add3A_1149 = arith.addi %broadcast_in_dim3A_13, %and3A_1133 : vector<16xi32>
        %gather3A_1150 = tpu.vector_load_idx %arg12[%broadcast_in_dim3A_23, %add3A_736, %add3A_1149] : memref<2x32x128xf32, #tpu.memory_space<vmem>>[vector<16xi32>, vector<16xi32>, vector<16xi32>], vector<16xf32>,
        %gather3A_1151 = tpu.vector_load_idx %arg13[%broadcast_in_dim3A_23, %add3A_736, %add3A_1149] : memref<2x32x128xf32, #tpu.memory_space<vmem>>[vector<16xi32>, vector<16xi32>, vector<16xi32>], vector<16xf32>,
        %mul3A_1152 = arith.mulf %gather3A_1150, %gather3A_1151 : vector<16xf32>
        %add3A_1153 = arith.addf %add3A_1124, %mul3A_1152 : vector<16xf32>
        scf.yield %add3A_1138, %add3A_1143, %add3A_1148, %add3A_1153 : vector<16xf32>, vector<16xf32>, vector<16xf32>, vector<16xf32>
      }
      %scan3A_742 = arith.constant 16 : i32
      %mul3A_743 = arith.constant 0.0883883461 : f32
      %mul3A_744 = vector.broadcast %mul3A_743 : f32 to vector<16xf32>
      %mul3A_745 = arith.mulf %scan3A_741#0, %mul3A_744 : vector<16xf32>
      %max3A_746 = arith.constant -5.000000e+00 : f32
      %max3A_747 = vector.broadcast %max3A_746 : f32 to vector<16xf32>
      %max3A_748 = arith.maximumf %mul3A_745, %max3A_747 : vector<16xf32>
      %min3A_749 = arith.constant 5.000000e+00 : f32
      %min3A_750 = vector.broadcast %min3A_749 : f32 to vector<16xf32>
      %min3A_751 = arith.minimumf %max3A_748, %min3A_750 : vector<16xf32>
      %exp3A_752 = math.exp %min3A_751 : vector<16xf32>
      %mul3A_753 = arith.constant 0.0883883461 : f32
      %mul3A_754 = vector.broadcast %mul3A_753 : f32 to vector<16xf32>
      %mul3A_755 = arith.mulf %scan3A_741#1, %mul3A_754 : vector<16xf32>
      %max3A_756 = arith.constant -5.000000e+00 : f32
      %max3A_757 = vector.broadcast %max3A_756 : f32 to vector<16xf32>
      %max3A_758 = arith.maximumf %mul3A_755, %max3A_757 : vector<16xf32>
      %min3A_759 = arith.constant 5.000000e+00 : f32
      %min3A_760 = vector.broadcast %min3A_759 : f32 to vector<16xf32>
      %min3A_761 = arith.minimumf %max3A_758, %min3A_760 : vector<16xf32>
      %exp3A_762 = math.exp %min3A_761 : vector<16xf32>
      %mul3A_763 = arith.constant 0.0883883461 : f32
      %mul3A_764 = vector.broadcast %mul3A_763 : f32 to vector<16xf32>
      %mul3A_765 = arith.mulf %scan3A_741#2, %mul3A_764 : vector<16xf32>
      %max3A_766 = arith.constant -5.000000e+00 : f32
      %max3A_767 = vector.broadcast %max3A_766 : f32 to vector<16xf32>
      %max3A_768 = arith.maximumf %mul3A_765, %max3A_767 : vector<16xf32>
      %min3A_769 = arith.constant 5.000000e+00 : f32
      %min3A_770 = vector.broadcast %min3A_769 : f32 to vector<16xf32>
      %min3A_771 = arith.minimumf %max3A_768, %min3A_770 : vector<16xf32>
      %exp3A_772 = math.exp %min3A_771 : vector<16xf32>
      %mul3A_773 = arith.constant 0.0883883461 : f32
      %mul3A_774 = vector.broadcast %mul3A_773 : f32 to vector<16xf32>
      %mul3A_775 = arith.mulf %scan3A_741#3, %mul3A_774 : vector<16xf32>
      %max3A_776 = arith.constant -5.000000e+00 : f32
      %max3A_777 = vector.broadcast %max3A_776 : f32 to vector<16xf32>
      %max3A_778 = arith.maximumf %mul3A_775, %max3A_777 : vector<16xf32>
      %min3A_779 = arith.constant 5.000000e+00 : f32
      %min3A_780 = vector.broadcast %min3A_779 : f32 to vector<16xf32>
      %min3A_781 = arith.minimumf %max3A_778, %min3A_780 : vector<16xf32>
      %exp3A_782 = math.exp %min3A_781 : vector<16xf32>
      %scan3A_783 = arith.constant 0 : i32
      %scan3A_784 = arith.constant 0 : i32
      %scan3A_785 = arith.constant 16 : i32
      %scan3A_786 = arith.addi %scan3A_784, %scan3A_785 : i32
      %scan3A_787 = arith.constant 1 : i32
      scf.for %scan3A_1093 = %scan3A_784 to %scan3A_786 step %scan3A_787  : i32 {
        %mul3A_1094 = arith.constant 2 : i32
        %mul3A_1095 = arith.muli %scan3A_1093, %mul3A_1094 : i32
        %add3A_1096 = arith.constant 0 : i32
        %add3A_1097 = arith.addi %mul3A_1095, %add3A_1096 : i32
        %add3A_1098 = vector.broadcast %add3A_1097 : i32 to vector<16xi32>
        %add3A_1099 = arith.addi %add3A_1098, %iota3A : vector<16xi32>
        %and3A = arith.constant 31 : i32
        %and3A_1100 = vector.broadcast %and3A : i32 to vector<16xi32>
        %and3A_1101 = arith.andi %add3A_1099, %and3A_1100 : vector<16xi32>
        %add3A_1102 = arith.addi %broadcast_in_dim3A_7, %and3A_1101 : vector<16xi32>
        %gather3A = tpu.vector_load_idx %arg14[%broadcast_in_dim3A_23, %add3A_736, %add3A_1102] : memref<2x32x128xf32, #tpu.memory_space<vmem>>[vector<16xi32>, vector<16xi32>, vector<16xi32>], vector<16xf32>,
        %mul3A_1103 = arith.mulf %gather3A, %exp3A_752 : vector<16xf32>
        tpu.vector_store_idx %arg15[%broadcast_in_dim3A_23, %add3A_736, %add3A_1102], %mul3A_1103 : memref<2x32x144xf32, #tpu.memory_space<vmem>>[vector<16xi32>, vector<16xi32>, vector<16xi32>], vector<16xf32>,
        %add3A_1104 = arith.addi %broadcast_in_dim3A_9, %and3A_1101 : vector<16xi32>
        %gather3A_1105 = tpu.vector_load_idx %arg14[%broadcast_in_dim3A_23, %add3A_736, %add3A_1104] : memref<2x32x128xf32, #tpu.memory_space<vmem>>[vector<16xi32>, vector<16xi32>, vector<16xi32>], vector<16xf32>,
        %mul3A_1106 = arith.mulf %gather3A_1105, %exp3A_762 : vector<16xf32>
        tpu.vector_store_idx %arg15[%broadcast_in_dim3A_23, %add3A_736, %add3A_1104], %mul3A_1106 : memref<2x32x144xf32, #tpu.memory_space<vmem>>[vector<16xi32>, vector<16xi32>, vector<16xi32>], vector<16xf32>,
        %add3A_1107 = arith.addi %broadcast_in_dim3A_11, %and3A_1101 : vector<16xi32>
        %gather3A_1108 = tpu.vector_load_idx %arg14[%broadcast_in_dim3A_23, %add3A_736, %add3A_1107] : memref<2x32x128xf32, #tpu.memory_space<vmem>>[vector<16xi32>, vector<16xi32>, vector<16xi32>], vector<16xf32>,
        %mul3A_1109 = arith.mulf %gather3A_1108, %exp3A_772 : vector<16xf32>
        tpu.vector_store_idx %arg15[%broadcast_in_dim3A_23, %add3A_736, %add3A_1107], %mul3A_1109 : memref<2x32x144xf32, #tpu.memory_space<vmem>>[vector<16xi32>, vector<16xi32>, vector<16xi32>], vector<16xf32>,
        %add3A_1110 = arith.addi %broadcast_in_dim3A_13, %and3A_1101 : vector<16xi32>
        %gather3A_1111 = tpu.vector_load_idx %arg14[%broadcast_in_dim3A_23, %add3A_736, %add3A_1110] : memref<2x32x128xf32, #tpu.memory_space<vmem>>[vector<16xi32>, vector<16xi32>, vector<16xi32>], vector<16xf32>,
        %mul3A_1112 = arith.mulf %gather3A_1111, %exp3A_782 : vector<16xf32>
        tpu.vector_store_idx %arg15[%broadcast_in_dim3A_23, %add3A_736, %add3A_1110], %mul3A_1112 : memref<2x32x144xf32, #tpu.memory_space<vmem>>[vector<16xi32>, vector<16xi32>, vector<16xi32>], vector<16xf32>,
        %mul3A_1113 = arith.constant 2 : i32
        %mul3A_1114 = arith.muli %scan3A_1093, %mul3A_1113 : i32
        %add3A_1115 = arith.constant 1 : i32
        %add3A_1116 = arith.addi %mul3A_1114, %add3A_1115 : i32
        %add3A_1117 = vector.broadcast %add3A_1116 : i32 to vector<16xi32>
        %add3A_1118 = arith.addi %add3A_1117, %iota3A : vector<16xi32>
        %and3A_1119 = arith.constant 31 : i32
        %and3A_1120 = vector.broadcast %and3A_1119 : i32 to vector<16xi32>
        %and3A_1121 = arith.andi %add3A_1118, %and3A_1120 : vector<16xi32>
        %add3A_1122 = arith.addi %broadcast_in_dim3A_7, %and3A_1121 : vector<16xi32>
        %gather3A_1123 = tpu.vector_load_idx %arg14[%broadcast_in_dim3A_23, %add3A_736, %add3A_1122] : memref<2x32x128xf32, #tpu.memory_space<vmem>>[vector<16xi32>, vector<16xi32>, vector<16xi32>], vector<16xf32>,
        %mul3A_1124 = arith.mulf %gather3A_1123, %exp3A_752 : vector<16xf32>
        tpu.vector_store_idx %arg15[%broadcast_in_dim3A_23, %add3A_736, %add3A_1122], %mul3A_1124 : memref<2x32x144xf32, #tpu.memory_space<vmem>>[vector<16xi32>, vector<16xi32>, vector<16xi32>], vector<16xf32>,
        %add3A_1125 = arith.addi %broadcast_in_dim3A_9, %and3A_1121 : vector<16xi32>
        %gather3A_1126 = tpu.vector_load_idx %arg14[%broadcast_in_dim3A_23, %add3A_736, %add3A_1125] : memref<2x32x128xf32, #tpu.memory_space<vmem>>[vector<16xi32>, vector<16xi32>, vector<16xi32>], vector<16xf32>,
        %mul3A_1127 = arith.mulf %gather3A_1126, %exp3A_762 : vector<16xf32>
        tpu.vector_store_idx %arg15[%broadcast_in_dim3A_23, %add3A_736, %add3A_1125], %mul3A_1127 : memref<2x32x144xf32, #tpu.memory_space<vmem>>[vector<16xi32>, vector<16xi32>, vector<16xi32>], vector<16xf32>,
        %add3A_1128 = arith.addi %broadcast_in_dim3A_11, %and3A_1121 : vector<16xi32>
        %gather3A_1129 = tpu.vector_load_idx %arg14[%broadcast_in_dim3A_23, %add3A_736, %add3A_1128] : memref<2x32x128xf32, #tpu.memory_space<vmem>>[vector<16xi32>, vector<16xi32>, vector<16xi32>], vector<16xf32>,
        %mul3A_1130 = arith.mulf %gather3A_1129, %exp3A_772 : vector<16xf32>
        tpu.vector_store_idx %arg15[%broadcast_in_dim3A_23, %add3A_736, %add3A_1128], %mul3A_1130 : memref<2x32x144xf32, #tpu.memory_space<vmem>>[vector<16xi32>, vector<16xi32>, vector<16xi32>], vector<16xf32>,
        %add3A_1131 = arith.addi %broadcast_in_dim3A_13, %and3A_1121 : vector<16xi32>
        %gather3A_1132 = tpu.vector_load_idx %arg14[%broadcast_in_dim3A_23, %add3A_736, %add3A_1131] : memref<2x32x128xf32, #tpu.memory_space<vmem>>[vector<16xi32>, vector<16xi32>, vector<16xi32>], vector<16xf32>,
        %mul3A_1133 = arith.mulf %gather3A_1132, %exp3A_782 : vector<16xf32>
        tpu.vector_store_idx %arg15[%broadcast_in_dim3A_23, %add3A_736, %add3A_1131], %mul3A_1133 : memref<2x32x144xf32, #tpu.memory_space<vmem>>[vector<16xi32>, vector<16xi32>, vector<16xi32>], vector<16xf32>,
      }
      %scan3A_788 = arith.constant 16 : i32
      tpu.vector_store_idx %arg15[%broadcast_in_dim3A_23, %add3A_736, %broadcast_in_dim3A_15], %exp3A_752 : memref<2x32x144xf32, #tpu.memory_space<vmem>>[vector<16xi32>, vector<16xi32>, vector<16xi32>], vector<16xf32>,
      tpu.vector_store_idx %arg15[%broadcast_in_dim3A_23, %add3A_736, %broadcast_in_dim3A_17], %exp3A_762 : memref<2x32x144xf32, #tpu.memory_space<vmem>>[vector<16xi32>, vector<16xi32>, vector<16xi32>], vector<16xf32>,
      tpu.vector_store_idx %arg15[%broadcast_in_dim3A_23, %add3A_736, %broadcast_in_dim3A_19], %exp3A_772 : memref<2x32x144xf32, #tpu.memory_space<vmem>>[vector<16xi32>, vector<16xi32>, vector<16xi32>], vector<16xf32>,
      tpu.vector_store_idx %arg15[%broadcast_in_dim3A_23, %add3A_736, %broadcast_in_dim3A_21], %exp3A_782 : memref<2x32x144xf32, #tpu.memory_space<vmem>>[vector<16xi32>, vector<16xi32>, vector<16xi32>], vector<16xf32>,
      %dma_start3A_789 = arith.constant 0 : i32
      %dma_start3A_790 = arith.constant 0 : i32
      %dma_start3A_791 = arith.constant 0 : i32
      %dma_start3A_792 = arith.constant 0 : i32
      %dma_start3A_793 = tpu.memref_slice %arg15[%dma_start3A_789, %dma_start3A_791, %dma_start3A_792] : memref<2x32x144xf32, #tpu.memory_space<vmem>> -> memref<1x32x144xf32, #tpu.memory_space<vmem>>
      %dma_start3A_794 = tpu.memref_squeeze %dma_start3A_793 : memref<1x32x144xf32, #tpu.memory_space<vmem>> -> memref<32x144xf32, #tpu.memory_space<vmem>>
      %dma_start3A_795 = arith.constant 0 : i32
      %dma_start3A_796 = tpu.memref_slice %arg11[%dma_start3A_790, %dma_start3A_795] : memref<2x32xi32, #tpu.memory_space<vmem>> -> memref<1x32xi32, #tpu.memory_space<vmem>>
      %dma_start3A_797 = tpu.memref_squeeze %dma_start3A_796 : memref<1x32xi32, #tpu.memory_space<vmem>> -> memref<32xi32, #tpu.memory_space<vmem>>
      %dma_start3A_798 = arith.constant 0 : i32
      %dma_start3A_799 = arith.constant 0 : i32
      %dma_start3A_800 = tpu.memref_slice %arg16[%dma_start3A_798, %dma_start3A_799] : memref<10008x144xf32, #tpu.memory_space<vmem_shared>> -> memref<10008x144xf32, #tpu.memory_space<vmem_shared>>
      tpu.enqueue_indirect_dma source(%dma_start3A_794 : memref<32x144xf32, #tpu.memory_space<vmem>>) target(%dma_start3A_800 : memref<10008x144xf32, #tpu.memory_space<vmem_shared>>) offsets(%dma_start3A_797 : memref<32xi32, #tpu.memory_space<vmem>>) semaphore(%arg21 : memref<!tpu.dma_semaphore, #tpu.memory_space<semaphore_mem>>) {add = true}
      %mul3A_801 = arith.constant 2 : i32
      %mul3A_802 = arith.muli %mul3A_801, %scan3A_510 : i32
      %add3A_803 = arith.constant 1 : i32
      %add3A_804 = arith.addi %mul3A_802, %add3A_803 : i32
      %add3A_805 = arith.constant 1 : i32
      %add3A_806 = arith.addi %add3A_804, %add3A_805 : i32
      %min3A_807 = arith.constant 312 : i32
      %min3A_808 = arith.minsi %add3A_806, %min3A_807 : i32
      %mul3A_809 = arith.constant 16 : i32
      %mul3A_810 = arith.muli %mul3A_809, %min3A_808 : i32
      %add3A_811 = arith.addi %add3A, %mul3A_810 : i32
      %add3A_812 = arith.constant 2 : i32
      %add3A_813 = arith.addi %add3A_804, %add3A_812 : i32
      %min3A_814 = arith.constant 312 : i32
      %min3A_815 = arith.minsi %add3A_813, %min3A_814 : i32
      %mul3A_816 = arith.constant 16 : i32
      %mul3A_817 = arith.muli %mul3A_816, %min3A_815 : i32
      %add3A_818 = arith.addi %add3A, %mul3A_817 : i32
      %dma_wait3A_819 = arith.constant 1 : i32
      %dma_wait3A_820 = arith.constant 1 : i32
      %dma_wait3A_821 = arith.constant 0 : i32
      %dma_wait3A_822 = arith.constant 0 : i32
      %dma_wait3A_823 = tpu.memref_slice %arg12[%dma_wait3A_820, %dma_wait3A_821, %dma_wait3A_822] : memref<2x32x128xf32, #tpu.memory_space<vmem>> -> memref<1x32x128xf32, #tpu.memory_space<vmem>>
      %dma_wait3A_824 = tpu.memref_squeeze %dma_wait3A_823 : memref<1x32x128xf32, #tpu.memory_space<vmem>> -> memref<32x128xf32, #tpu.memory_space<vmem>>
      %dma_wait3A_825 = arith.constant 0 : i32
      %dma_wait3A_826 = tpu.memref_slice %arg9[%dma_wait3A_819, %dma_wait3A_825] : memref<2x32xi32, #tpu.memory_space<vmem>> -> memref<1x32xi32, #tpu.memory_space<vmem>>
      %dma_wait3A_827 = tpu.memref_squeeze %dma_wait3A_826 : memref<1x32xi32, #tpu.memory_space<vmem>> -> memref<32xi32, #tpu.memory_space<vmem>>
      %dma_wait3A_828 = arith.constant 0 : i32
      %dma_wait3A_829 = arith.constant 0 : i32
      %dma_wait3A_830 = tpu.memref_slice %arg3[%dma_wait3A_828, %dma_wait3A_829] : memref<10008x128xf32, #tpu.memory_space<hbm>> -> memref<10008x128xf32, #tpu.memory_space<hbm>>
      tpu.wait_indirect_dma semaphore(%arg18 : memref<!tpu.dma_semaphore, #tpu.memory_space<semaphore_mem>>) src(%dma_wait3A_830 : memref<10008x128xf32, #tpu.memory_space<hbm>>) dst(%dma_wait3A_824 : memref<32x128xf32, #tpu.memory_space<vmem>>)
      %dma_wait3A_831 = arith.constant 1 : i32
      %dma_wait3A_832 = arith.constant 1 : i32
      %dma_wait3A_833 = arith.constant 0 : i32
      %dma_wait3A_834 = arith.constant 0 : i32
      %dma_wait3A_835 = tpu.memref_slice %arg13[%dma_wait3A_832, %dma_wait3A_833, %dma_wait3A_834] : memref<2x32x128xf32, #tpu.memory_space<vmem>> -> memref<1x32x128xf32, #tpu.memory_space<vmem>>
      %dma_wait3A_836 = tpu.memref_squeeze %dma_wait3A_835 : memref<1x32x128xf32, #tpu.memory_space<vmem>> -> memref<32x128xf32, #tpu.memory_space<vmem>>
      %dma_wait3A_837 = arith.constant 0 : i32
      %dma_wait3A_838 = tpu.memref_slice %arg9[%dma_wait3A_831, %dma_wait3A_837] : memref<2x32xi32, #tpu.memory_space<vmem>> -> memref<1x32xi32, #tpu.memory_space<vmem>>
      %dma_wait3A_839 = tpu.memref_squeeze %dma_wait3A_838 : memref<1x32xi32, #tpu.memory_space<vmem>> -> memref<32xi32, #tpu.memory_space<vmem>>
      %dma_wait3A_840 = arith.constant 0 : i32
      %dma_wait3A_841 = arith.constant 0 : i32
      %dma_wait3A_842 = tpu.memref_slice %arg2[%dma_wait3A_840, %dma_wait3A_841] : memref<10008x128xf32, #tpu.memory_space<hbm>> -> memref<10008x128xf32, #tpu.memory_space<hbm>>
      tpu.wait_indirect_dma semaphore(%arg18 : memref<!tpu.dma_semaphore, #tpu.memory_space<semaphore_mem>>) src(%dma_wait3A_842 : memref<10008x128xf32, #tpu.memory_space<hbm>>) dst(%dma_wait3A_836 : memref<32x128xf32, #tpu.memory_space<vmem>>)
      %dma_wait3A_843 = arith.constant 1 : i32
      %dma_wait3A_844 = arith.constant 1 : i32
      %dma_wait3A_845 = arith.constant 0 : i32
      %dma_wait3A_846 = arith.constant 0 : i32
      %dma_wait3A_847 = tpu.memref_slice %arg14[%dma_wait3A_844, %dma_wait3A_845, %dma_wait3A_846] : memref<2x32x128xf32, #tpu.memory_space<vmem>> -> memref<1x32x128xf32, #tpu.memory_space<vmem>>
      %dma_wait3A_848 = tpu.memref_squeeze %dma_wait3A_847 : memref<1x32x128xf32, #tpu.memory_space<vmem>> -> memref<32x128xf32, #tpu.memory_space<vmem>>
      %dma_wait3A_849 = arith.constant 0 : i32
      %dma_wait3A_850 = tpu.memref_slice %arg9[%dma_wait3A_843, %dma_wait3A_849] : memref<2x32xi32, #tpu.memory_space<vmem>> -> memref<1x32xi32, #tpu.memory_space<vmem>>
      %dma_wait3A_851 = tpu.memref_squeeze %dma_wait3A_850 : memref<1x32xi32, #tpu.memory_space<vmem>> -> memref<32xi32, #tpu.memory_space<vmem>>
      %dma_wait3A_852 = arith.constant 0 : i32
      %dma_wait3A_853 = arith.constant 0 : i32
      %dma_wait3A_854 = tpu.memref_slice %arg4[%dma_wait3A_852, %dma_wait3A_853] : memref<10008x128xf32, #tpu.memory_space<hbm>> -> memref<10008x128xf32, #tpu.memory_space<hbm>>
      tpu.wait_indirect_dma semaphore(%arg18 : memref<!tpu.dma_semaphore, #tpu.memory_space<semaphore_mem>>) src(%dma_wait3A_854 : memref<10008x128xf32, #tpu.memory_space<hbm>>) dst(%dma_wait3A_848 : memref<32x128xf32, #tpu.memory_space<vmem>>)
      %dma_wait3A_855 = arith.constant 1 : i32
      %dma_wait3A_856 = arith.constant 1 : i32
      %dma_wait3A_857 = arith.constant 0 : i32
      %dma_wait3A_858 = arith.constant 0 : i32
      %dma_wait3A_859 = tpu.memref_slice %arg15[%dma_wait3A_855, %dma_wait3A_857, %dma_wait3A_858] : memref<2x32x144xf32, #tpu.memory_space<vmem>> -> memref<1x32x144xf32, #tpu.memory_space<vmem>>
      %dma_wait3A_860 = tpu.memref_squeeze %dma_wait3A_859 : memref<1x32x144xf32, #tpu.memory_space<vmem>> -> memref<32x144xf32, #tpu.memory_space<vmem>>
      %dma_wait3A_861 = arith.constant 0 : i32
      %dma_wait3A_862 = tpu.memref_slice %arg11[%dma_wait3A_856, %dma_wait3A_861] : memref<2x32xi32, #tpu.memory_space<vmem>> -> memref<1x32xi32, #tpu.memory_space<vmem>>
      %dma_wait3A_863 = tpu.memref_squeeze %dma_wait3A_862 : memref<1x32xi32, #tpu.memory_space<vmem>> -> memref<32xi32, #tpu.memory_space<vmem>>
      %dma_wait3A_864 = arith.constant 0 : i32
      %dma_wait3A_865 = arith.constant 0 : i32
      %dma_wait3A_866 = tpu.memref_slice %arg16[%dma_wait3A_864, %dma_wait3A_865] : memref<10008x144xf32, #tpu.memory_space<vmem_shared>> -> memref<10008x144xf32, #tpu.memory_space<vmem_shared>>
      tpu.wait_indirect_dma semaphore(%arg22 : memref<!tpu.dma_semaphore, #tpu.memory_space<semaphore_mem>>) src(%dma_wait3A_860 : memref<32x144xf32, #tpu.memory_space<vmem>>) dst(%dma_wait3A_866 : memref<10008x144xf32, #tpu.memory_space<vmem_shared>>)
      %get3A_867 = arith.constant 1 : i32
      %get3A_868 = arith.index_cast %get3A_867 : i32 to index
      %get3A_869 = arith.constant 0 : index
      %get3A_870 = tpu.vector_load %arg10[%get3A_868, %get3A_869] {strides = array<i32>} : memref<2x32xi32, #tpu.memory_space<vmem>>, vector<16xi32>,
      %swap3A_871 = arith.constant 1 : i32
      %swap3A_872 = arith.index_cast %swap3A_871 : i32 to index
      %swap3A_873 = arith.constant 0 : index
      %swap3A_874 = tpu.vector_load %arg11[%swap3A_872, %swap3A_873] {strides = array<i32>} : memref<2x32xi32, #tpu.memory_space<vmem>>, vector<16xi32>,
      tpu.vector_store %arg11[%swap3A_872, %swap3A_873], %get3A_870 {strides = array<i32>} : memref<2x32xi32, #tpu.memory_space<vmem>>, vector<16xi32>,
      %get3A_875 = arith.constant 1 : i32
      %get3A_876 = arith.index_cast %get3A_875 : i32 to index
      %get3A_877 = arith.constant 16 : index
      %get3A_878 = tpu.vector_load %arg10[%get3A_876, %get3A_877] {strides = array<i32>} : memref<2x32xi32, #tpu.memory_space<vmem>>, vector<16xi32>,
      %swap3A_879 = arith.constant 1 : i32
      %swap3A_880 = arith.index_cast %swap3A_879 : i32 to index
      %swap3A_881 = arith.constant 16 : index
      %swap3A_882 = tpu.vector_load %arg11[%swap3A_880, %swap3A_881] {strides = array<i32>} : memref<2x32xi32, #tpu.memory_space<vmem>>, vector<16xi32>,
      tpu.vector_store %arg11[%swap3A_880, %swap3A_881], %get3A_878 {strides = array<i32>} : memref<2x32xi32, #tpu.memory_space<vmem>>, vector<16xi32>,
      %dma_start3A_883 = arith.constant 1 : i32
      %dma_start3A_884 = arith.constant 0 : i32
      %dma_start3A_885 = tpu.memref_slice %arg9[%dma_start3A_883, %dma_start3A_884] : memref<2x32xi32, #tpu.memory_space<vmem>> -> memref<1x32xi32, #tpu.memory_space<vmem>>
      %dma_start3A_886 = tpu.memref_squeeze %dma_start3A_885 : memref<1x32xi32, #tpu.memory_space<vmem>> -> memref<32xi32, #tpu.memory_space<vmem>>
      %dma_start3A_887 = arith.constant 0 : i32
      %dma_start3A_888 = tpu.memref_slice %arg5[%add3A_818, %dma_start3A_887] : memref<10016x32xi32, #tpu.memory_space<hbm>> -> memref<1x32xi32, #tpu.memory_space<hbm>>
      %dma_start3A_889 = tpu.memref_squeeze %dma_start3A_888 : memref<1x32xi32, #tpu.memory_space<hbm>> -> memref<32xi32, #tpu.memory_space<hbm>>
      %dma_start3A_890 = arith.constant 0 : i32
      %dma_start3A_891 = tpu.memref_slice %arg9[%dma_start3A_883, %dma_start3A_890] : memref<2x32xi32, #tpu.memory_space<vmem>> -> memref<1x32xi32, #tpu.memory_space<vmem>>
      %dma_start3A_892 = tpu.memref_squeeze %dma_start3A_891 : memref<1x32xi32, #tpu.memory_space<vmem>> -> memref<32xi32, #tpu.memory_space<vmem>>
      %dma_start3A_893 = arith.constant 0 : i32
      %dma_start3A_894 = tpu.memref_slice %arg5[%add3A_818, %dma_start3A_893] : memref<10016x32xi32, #tpu.memory_space<hbm>> -> memref<1x32xi32, #tpu.memory_space<hbm>>
      %dma_start3A_895 = tpu.memref_squeeze %dma_start3A_894 : memref<1x32xi32, #tpu.memory_space<hbm>> -> memref<32xi32, #tpu.memory_space<hbm>>
      tpu.enqueue_dma source(%dma_start3A_895 : memref<32xi32, #tpu.memory_space<hbm>>) target(%dma_start3A_892 : memref<32xi32, #tpu.memory_space<vmem>>) target_semaphore(%arg20 : memref<!tpu.dma_semaphore, #tpu.memory_space<semaphore_mem>>)
      %dma_start3A_896 = arith.constant 1 : i32
      %dma_start3A_897 = arith.constant 0 : i32
      %dma_start3A_898 = tpu.memref_slice %arg10[%dma_start3A_896, %dma_start3A_897] : memref<2x32xi32, #tpu.memory_space<vmem>> -> memref<1x32xi32, #tpu.memory_space<vmem>>
      %dma_start3A_899 = tpu.memref_squeeze %dma_start3A_898 : memref<1x32xi32, #tpu.memory_space<vmem>> -> memref<32xi32, #tpu.memory_space<vmem>>
      %dma_start3A_900 = arith.constant 0 : i32
      %dma_start3A_901 = tpu.memref_slice %arg6[%add3A_818, %dma_start3A_900] : memref<10016x32xi32, #tpu.memory_space<hbm>> -> memref<1x32xi32, #tpu.memory_space<hbm>>
      %dma_start3A_902 = tpu.memref_squeeze %dma_start3A_901 : memref<1x32xi32, #tpu.memory_space<hbm>> -> memref<32xi32, #tpu.memory_space<hbm>>
      %dma_start3A_903 = arith.constant 0 : i32
      %dma_start3A_904 = tpu.memref_slice %arg10[%dma_start3A_896, %dma_start3A_903] : memref<2x32xi32, #tpu.memory_space<vmem>> -> memref<1x32xi32, #tpu.memory_space<vmem>>
      %dma_start3A_905 = tpu.memref_squeeze %dma_start3A_904 : memref<1x32xi32, #tpu.memory_space<vmem>> -> memref<32xi32, #tpu.memory_space<vmem>>
      %dma_start3A_906 = arith.constant 0 : i32
      %dma_start3A_907 = tpu.memref_slice %arg6[%add3A_818, %dma_start3A_906] : memref<10016x32xi32, #tpu.memory_space<hbm>> -> memref<1x32xi32, #tpu.memory_space<hbm>>
      %dma_start3A_908 = tpu.memref_squeeze %dma_start3A_907 : memref<1x32xi32, #tpu.memory_space<hbm>> -> memref<32xi32, #tpu.memory_space<hbm>>
      tpu.enqueue_dma source(%dma_start3A_908 : memref<32xi32, #tpu.memory_space<hbm>>) target(%dma_start3A_905 : memref<32xi32, #tpu.memory_space<vmem>>) target_semaphore(%arg20 : memref<!tpu.dma_semaphore, #tpu.memory_space<semaphore_mem>>)
      %dma_wait3A_909 = arith.constant 0 : i32
      %dma_wait3A_910 = arith.constant 0 : i32
      %dma_wait3A_911 = tpu.memref_slice %arg9[%dma_wait3A_909, %dma_wait3A_910] : memref<2x32xi32, #tpu.memory_space<vmem>> -> memref<1x32xi32, #tpu.memory_space<vmem>>
      %dma_wait3A_912 = tpu.memref_squeeze %dma_wait3A_911 : memref<1x32xi32, #tpu.memory_space<vmem>> -> memref<32xi32, #tpu.memory_space<vmem>>
      %dma_wait3A_913 = arith.constant 0 : i32
      %dma_wait3A_914 = tpu.memref_slice %arg5[%add3A_811, %dma_wait3A_913] : memref<10016x32xi32, #tpu.memory_space<hbm>> -> memref<1x32xi32, #tpu.memory_space<hbm>>
      %dma_wait3A_915 = tpu.memref_squeeze %dma_wait3A_914 : memref<1x32xi32, #tpu.memory_space<hbm>> -> memref<32xi32, #tpu.memory_space<hbm>>
      %dma_wait3A_916 = arith.constant 0 : i32
      %dma_wait3A_917 = tpu.memref_slice %arg9[%dma_wait3A_909, %dma_wait3A_916] : memref<2x32xi32, #tpu.memory_space<vmem>> -> memref<1x32xi32, #tpu.memory_space<vmem>>
      %dma_wait3A_918 = tpu.memref_squeeze %dma_wait3A_917 : memref<1x32xi32, #tpu.memory_space<vmem>> -> memref<32xi32, #tpu.memory_space<vmem>>
      %dma_wait3A_919 = arith.constant 0 : i32
      %dma_wait3A_920 = tpu.memref_slice %arg5[%add3A_811, %dma_wait3A_919] : memref<10016x32xi32, #tpu.memory_space<hbm>> -> memref<1x32xi32, #tpu.memory_space<hbm>>
      %dma_wait3A_921 = tpu.memref_squeeze %dma_wait3A_920 : memref<1x32xi32, #tpu.memory_space<hbm>> -> memref<32xi32, #tpu.memory_space<hbm>>
      tpu.wait_dma2 semaphore(%arg19 : memref<!tpu.dma_semaphore, #tpu.memory_space<semaphore_mem>>) src(%dma_wait3A_921 : memref<32xi32, #tpu.memory_space<hbm>>) dst(%dma_wait3A_918 : memref<32xi32, #tpu.memory_space<vmem>>)
      %dma_wait3A_922 = arith.constant 0 : i32
      %dma_wait3A_923 = arith.constant 0 : i32
      %dma_wait3A_924 = tpu.memref_slice %arg10[%dma_wait3A_922, %dma_wait3A_923] : memref<2x32xi32, #tpu.memory_space<vmem>> -> memref<1x32xi32, #tpu.memory_space<vmem>>
      %dma_wait3A_925 = tpu.memref_squeeze %dma_wait3A_924 : memref<1x32xi32, #tpu.memory_space<vmem>> -> memref<32xi32, #tpu.memory_space<vmem>>
      %dma_wait3A_926 = arith.constant 0 : i32
      %dma_wait3A_927 = tpu.memref_slice %arg6[%add3A_811, %dma_wait3A_926] : memref<10016x32xi32, #tpu.memory_space<hbm>> -> memref<1x32xi32, #tpu.memory_space<hbm>>
      %dma_wait3A_928 = tpu.memref_squeeze %dma_wait3A_927 : memref<1x32xi32, #tpu.memory_space<hbm>> -> memref<32xi32, #tpu.memory_space<hbm>>
      %dma_wait3A_929 = arith.constant 0 : i32
      %dma_wait3A_930 = tpu.memref_slice %arg10[%dma_wait3A_922, %dma_wait3A_929] : memref<2x32xi32, #tpu.memory_space<vmem>> -> memref<1x32xi32, #tpu.memory_space<vmem>>
      %dma_wait3A_931 = tpu.memref_squeeze %dma_wait3A_930 : memref<1x32xi32, #tpu.memory_space<vmem>> -> memref<32xi32, #tpu.memory_space<vmem>>
      %dma_wait3A_932 = arith.constant 0 : i32
      %dma_wait3A_933 = tpu.memref_slice %arg6[%add3A_811, %dma_wait3A_932] : memref<10016x32xi32, #tpu.memory_space<hbm>> -> memref<1x32xi32, #tpu.memory_space<hbm>>
      %dma_wait3A_934 = tpu.memref_squeeze %dma_wait3A_933 : memref<1x32xi32, #tpu.memory_space<hbm>> -> memref<32xi32, #tpu.memory_space<hbm>>
      tpu.wait_dma2 semaphore(%arg19 : memref<!tpu.dma_semaphore, #tpu.memory_space<semaphore_mem>>) src(%dma_wait3A_934 : memref<32xi32, #tpu.memory_space<hbm>>) dst(%dma_wait3A_931 : memref<32xi32, #tpu.memory_space<vmem>>)
      %dma_start3A_935 = arith.constant 0 : i32
      %dma_start3A_936 = arith.constant 0 : i32
      %dma_start3A_937 = arith.constant 0 : i32
      %dma_start3A_938 = arith.constant 0 : i32
      %dma_start3A_939 = tpu.memref_slice %arg12[%dma_start3A_936, %dma_start3A_937, %dma_start3A_938] : memref<2x32x128xf32, #tpu.memory_space<vmem>> -> memref<1x32x128xf32, #tpu.memory_space<vmem>>
      %dma_start3A_940 = tpu.memref_squeeze %dma_start3A_939 : memref<1x32x128xf32, #tpu.memory_space<vmem>> -> memref<32x128xf32, #tpu.memory_space<vmem>>
      %dma_start3A_941 = arith.constant 0 : i32
      %dma_start3A_942 = tpu.memref_slice %arg9[%dma_start3A_935, %dma_start3A_941] : memref<2x32xi32, #tpu.memory_space<vmem>> -> memref<1x32xi32, #tpu.memory_space<vmem>>
      %dma_start3A_943 = tpu.memref_squeeze %dma_start3A_942 : memref<1x32xi32, #tpu.memory_space<vmem>> -> memref<32xi32, #tpu.memory_space<vmem>>
      %dma_start3A_944 = arith.constant 0 : i32
      %dma_start3A_945 = arith.constant 0 : i32
      %dma_start3A_946 = tpu.memref_slice %arg3[%dma_start3A_944, %dma_start3A_945] : memref<10008x128xf32, #tpu.memory_space<hbm>> -> memref<10008x128xf32, #tpu.memory_space<hbm>>
      tpu.enqueue_indirect_dma source(%dma_start3A_946 : memref<10008x128xf32, #tpu.memory_space<hbm>>) target(%dma_start3A_940 : memref<32x128xf32, #tpu.memory_space<vmem>>) offsets(%dma_start3A_943 : memref<32xi32, #tpu.memory_space<vmem>>) semaphore(%arg17 : memref<!tpu.dma_semaphore, #tpu.memory_space<semaphore_mem>>)
      %dma_start3A_947 = arith.constant 0 : i32
      %dma_start3A_948 = arith.constant 0 : i32
      %dma_start3A_949 = arith.constant 0 : i32
      %dma_start3A_950 = arith.constant 0 : i32
      %dma_start3A_951 = tpu.memref_slice %arg13[%dma_start3A_948, %dma_start3A_949, %dma_start3A_950] : memref<2x32x128xf32, #tpu.memory_space<vmem>> -> memref<1x32x128xf32, #tpu.memory_space<vmem>>
      %dma_start3A_952 = tpu.memref_squeeze %dma_start3A_951 : memref<1x32x128xf32, #tpu.memory_space<vmem>> -> memref<32x128xf32, #tpu.memory_space<vmem>>
      %dma_start3A_953 = arith.constant 0 : i32
      %dma_start3A_954 = tpu.memref_slice %arg10[%dma_start3A_947, %dma_start3A_953] : memref<2x32xi32, #tpu.memory_space<vmem>> -> memref<1x32xi32, #tpu.memory_space<vmem>>
      %dma_start3A_955 = tpu.memref_squeeze %dma_start3A_954 : memref<1x32xi32, #tpu.memory_space<vmem>> -> memref<32xi32, #tpu.memory_space<vmem>>
      %dma_start3A_956 = arith.constant 0 : i32
      %dma_start3A_957 = arith.constant 0 : i32
      %dma_start3A_958 = tpu.memref_slice %arg2[%dma_start3A_956, %dma_start3A_957] : memref<10008x128xf32, #tpu.memory_space<hbm>> -> memref<10008x128xf32, #tpu.memory_space<hbm>>
      tpu.enqueue_indirect_dma source(%dma_start3A_958 : memref<10008x128xf32, #tpu.memory_space<hbm>>) target(%dma_start3A_952 : memref<32x128xf32, #tpu.memory_space<vmem>>) offsets(%dma_start3A_955 : memref<32xi32, #tpu.memory_space<vmem>>) semaphore(%arg17 : memref<!tpu.dma_semaphore, #tpu.memory_space<semaphore_mem>>)
      %dma_start3A_959 = arith.constant 0 : i32
      %dma_start3A_960 = arith.constant 0 : i32
      %dma_start3A_961 = arith.constant 0 : i32
      %dma_start3A_962 = arith.constant 0 : i32
      %dma_start3A_963 = tpu.memref_slice %arg14[%dma_start3A_960, %dma_start3A_961, %dma_start3A_962] : memref<2x32x128xf32, #tpu.memory_space<vmem>> -> memref<1x32x128xf32, #tpu.memory_space<vmem>>
      %dma_start3A_964 = tpu.memref_squeeze %dma_start3A_963 : memref<1x32x128xf32, #tpu.memory_space<vmem>> -> memref<32x128xf32, #tpu.memory_space<vmem>>
      %dma_start3A_965 = arith.constant 0 : i32
      %dma_start3A_966 = tpu.memref_slice %arg9[%dma_start3A_959, %dma_start3A_965] : memref<2x32xi32, #tpu.memory_space<vmem>> -> memref<1x32xi32, #tpu.memory_space<vmem>>
      %dma_start3A_967 = tpu.memref_squeeze %dma_start3A_966 : memref<1x32xi32, #tpu.memory_space<vmem>> -> memref<32xi32, #tpu.memory_space<vmem>>
      %dma_start3A_968 = arith.constant 0 : i32
      %dma_start3A_969 = arith.constant 0 : i32
      %dma_start3A_970 = tpu.memref_slice %arg4[%dma_start3A_968, %dma_start3A_969] : memref<10008x128xf32, #tpu.memory_space<hbm>> -> memref<10008x128xf32, #tpu.memory_space<hbm>>
      tpu.enqueue_indirect_dma source(%dma_start3A_970 : memref<10008x128xf32, #tpu.memory_space<hbm>>) target(%dma_start3A_964 : memref<32x128xf32, #tpu.memory_space<vmem>>) offsets(%dma_start3A_967 : memref<32xi32, #tpu.memory_space<vmem>>) semaphore(%arg17 : memref<!tpu.dma_semaphore, #tpu.memory_space<semaphore_mem>>)
      %add3A_971 = arith.constant 0 : i32
      %add3A_972 = vector.broadcast %add3A_971 : i32 to vector<16xi32>
      %add3A_973 = arith.addi %add3A_972, %iota3A : vector<16xi32>
      %scan3A_974 = arith.constant 0 : i32
      %scan3A_975 = arith.constant 16 : i32
      %scan3A_976 = arith.addi %scan3A_974, %scan3A_975 : i32
      %scan3A_977 = arith.constant 1 : i32
      %scan3A_978:4 = scf.for %scan3A_1093 = %scan3A_974 to %scan3A_976 step %scan3A_977 iter_args(%scan3A_1094 = %broadcast_in_dim3A_3, %scan3A_1095 = %broadcast_in_dim3A_3, %scan3A_1096 = %broadcast_in_dim3A_3, %scan3A_1097 = %broadcast_in_dim3A_3) -> (vector<16xf32>, vector<16xf32>, vector<16xf32>, vector<16xf32>)  : i32 {
        %mul3A_1098 = arith.constant 2 : i32
        %mul3A_1099 = arith.muli %scan3A_1093, %mul3A_1098 : i32
        %add3A_1100 = arith.constant 0 : i32
        %add3A_1101 = arith.addi %mul3A_1099, %add3A_1100 : i32
        %add3A_1102 = vector.broadcast %add3A_1101 : i32 to vector<16xi32>
        %add3A_1103 = arith.addi %add3A_1102, %iota3A : vector<16xi32>
        %and3A = arith.constant 31 : i32
        %and3A_1104 = vector.broadcast %and3A : i32 to vector<16xi32>
        %and3A_1105 = arith.andi %add3A_1103, %and3A_1104 : vector<16xi32>
        %add3A_1106 = arith.addi %broadcast_in_dim3A_7, %and3A_1105 : vector<16xi32>
        %gather3A = tpu.vector_load_idx %arg12[%broadcast_in_dim3A_25, %add3A_973, %add3A_1106] : memref<2x32x128xf32, #tpu.memory_space<vmem>>[vector<16xi32>, vector<16xi32>, vector<16xi32>], vector<16xf32>,
        %gather3A_1107 = tpu.vector_load_idx %arg13[%broadcast_in_dim3A_25, %add3A_973, %add3A_1106] : memref<2x32x128xf32, #tpu.memory_space<vmem>>[vector<16xi32>, vector<16xi32>, vector<16xi32>], vector<16xf32>,
        %mul3A_1108 = arith.mulf %gather3A, %gather3A_1107 : vector<16xf32>
        %add3A_1109 = arith.addf %scan3A_1094, %mul3A_1108 : vector<16xf32>
        %add3A_1110 = arith.addi %broadcast_in_dim3A_9, %and3A_1105 : vector<16xi32>
        %gather3A_1111 = tpu.vector_load_idx %arg12[%broadcast_in_dim3A_25, %add3A_973, %add3A_1110] : memref<2x32x128xf32, #tpu.memory_space<vmem>>[vector<16xi32>, vector<16xi32>, vector<16xi32>], vector<16xf32>,
        %gather3A_1112 = tpu.vector_load_idx %arg13[%broadcast_in_dim3A_25, %add3A_973, %add3A_1110] : memref<2x32x128xf32, #tpu.memory_space<vmem>>[vector<16xi32>, vector<16xi32>, vector<16xi32>], vector<16xf32>,
        %mul3A_1113 = arith.mulf %gather3A_1111, %gather3A_1112 : vector<16xf32>
        %add3A_1114 = arith.addf %scan3A_1095, %mul3A_1113 : vector<16xf32>
        %add3A_1115 = arith.addi %broadcast_in_dim3A_11, %and3A_1105 : vector<16xi32>
        %gather3A_1116 = tpu.vector_load_idx %arg12[%broadcast_in_dim3A_25, %add3A_973, %add3A_1115] : memref<2x32x128xf32, #tpu.memory_space<vmem>>[vector<16xi32>, vector<16xi32>, vector<16xi32>], vector<16xf32>,
        %gather3A_1117 = tpu.vector_load_idx %arg13[%broadcast_in_dim3A_25, %add3A_973, %add3A_1115] : memref<2x32x128xf32, #tpu.memory_space<vmem>>[vector<16xi32>, vector<16xi32>, vector<16xi32>], vector<16xf32>,
        %mul3A_1118 = arith.mulf %gather3A_1116, %gather3A_1117 : vector<16xf32>
        %add3A_1119 = arith.addf %scan3A_1096, %mul3A_1118 : vector<16xf32>
        %add3A_1120 = arith.addi %broadcast_in_dim3A_13, %and3A_1105 : vector<16xi32>
        %gather3A_1121 = tpu.vector_load_idx %arg12[%broadcast_in_dim3A_25, %add3A_973, %add3A_1120] : memref<2x32x128xf32, #tpu.memory_space<vmem>>[vector<16xi32>, vector<16xi32>, vector<16xi32>], vector<16xf32>,
        %gather3A_1122 = tpu.vector_load_idx %arg13[%broadcast_in_dim3A_25, %add3A_973, %add3A_1120] : memref<2x32x128xf32, #tpu.memory_space<vmem>>[vector<16xi32>, vector<16xi32>, vector<16xi32>], vector<16xf32>,
        %mul3A_1123 = arith.mulf %gather3A_1121, %gather3A_1122 : vector<16xf32>
        %add3A_1124 = arith.addf %scan3A_1097, %mul3A_1123 : vector<16xf32>
        %mul3A_1125 = arith.constant 2 : i32
        %mul3A_1126 = arith.muli %scan3A_1093, %mul3A_1125 : i32
        %add3A_1127 = arith.constant 1 : i32
        %add3A_1128 = arith.addi %mul3A_1126, %add3A_1127 : i32
        %add3A_1129 = vector.broadcast %add3A_1128 : i32 to vector<16xi32>
        %add3A_1130 = arith.addi %add3A_1129, %iota3A : vector<16xi32>
        %and3A_1131 = arith.constant 31 : i32
        %and3A_1132 = vector.broadcast %and3A_1131 : i32 to vector<16xi32>
        %and3A_1133 = arith.andi %add3A_1130, %and3A_1132 : vector<16xi32>
        %add3A_1134 = arith.addi %broadcast_in_dim3A_7, %and3A_1133 : vector<16xi32>
        %gather3A_1135 = tpu.vector_load_idx %arg12[%broadcast_in_dim3A_25, %add3A_973, %add3A_1134] : memref<2x32x128xf32, #tpu.memory_space<vmem>>[vector<16xi32>, vector<16xi32>, vector<16xi32>], vector<16xf32>,
        %gather3A_1136 = tpu.vector_load_idx %arg13[%broadcast_in_dim3A_25, %add3A_973, %add3A_1134] : memref<2x32x128xf32, #tpu.memory_space<vmem>>[vector<16xi32>, vector<16xi32>, vector<16xi32>], vector<16xf32>,
        %mul3A_1137 = arith.mulf %gather3A_1135, %gather3A_1136 : vector<16xf32>
        %add3A_1138 = arith.addf %add3A_1109, %mul3A_1137 : vector<16xf32>
        %add3A_1139 = arith.addi %broadcast_in_dim3A_9, %and3A_1133 : vector<16xi32>
        %gather3A_1140 = tpu.vector_load_idx %arg12[%broadcast_in_dim3A_25, %add3A_973, %add3A_1139] : memref<2x32x128xf32, #tpu.memory_space<vmem>>[vector<16xi32>, vector<16xi32>, vector<16xi32>], vector<16xf32>,
        %gather3A_1141 = tpu.vector_load_idx %arg13[%broadcast_in_dim3A_25, %add3A_973, %add3A_1139] : memref<2x32x128xf32, #tpu.memory_space<vmem>>[vector<16xi32>, vector<16xi32>, vector<16xi32>], vector<16xf32>,
        %mul3A_1142 = arith.mulf %gather3A_1140, %gather3A_1141 : vector<16xf32>
        %add3A_1143 = arith.addf %add3A_1114, %mul3A_1142 : vector<16xf32>
        %add3A_1144 = arith.addi %broadcast_in_dim3A_11, %and3A_1133 : vector<16xi32>
        %gather3A_1145 = tpu.vector_load_idx %arg12[%broadcast_in_dim3A_25, %add3A_973, %add3A_1144] : memref<2x32x128xf32, #tpu.memory_space<vmem>>[vector<16xi32>, vector<16xi32>, vector<16xi32>], vector<16xf32>,
        %gather3A_1146 = tpu.vector_load_idx %arg13[%broadcast_in_dim3A_25, %add3A_973, %add3A_1144] : memref<2x32x128xf32, #tpu.memory_space<vmem>>[vector<16xi32>, vector<16xi32>, vector<16xi32>], vector<16xf32>,
        %mul3A_1147 = arith.mulf %gather3A_1145, %gather3A_1146 : vector<16xf32>
        %add3A_1148 = arith.addf %add3A_1119, %mul3A_1147 : vector<16xf32>
        %add3A_1149 = arith.addi %broadcast_in_dim3A_13, %and3A_1133 : vector<16xi32>
        %gather3A_1150 = tpu.vector_load_idx %arg12[%broadcast_in_dim3A_25, %add3A_973, %add3A_1149] : memref<2x32x128xf32, #tpu.memory_space<vmem>>[vector<16xi32>, vector<16xi32>, vector<16xi32>], vector<16xf32>,
        %gather3A_1151 = tpu.vector_load_idx %arg13[%broadcast_in_dim3A_25, %add3A_973, %add3A_1149] : memref<2x32x128xf32, #tpu.memory_space<vmem>>[vector<16xi32>, vector<16xi32>, vector<16xi32>], vector<16xf32>,
        %mul3A_1152 = arith.mulf %gather3A_1150, %gather3A_1151 : vector<16xf32>
        %add3A_1153 = arith.addf %add3A_1124, %mul3A_1152 : vector<16xf32>
        scf.yield %add3A_1138, %add3A_1143, %add3A_1148, %add3A_1153 : vector<16xf32>, vector<16xf32>, vector<16xf32>, vector<16xf32>
      }
      %scan3A_979 = arith.constant 16 : i32
      %mul3A_980 = arith.constant 0.0883883461 : f32
      %mul3A_981 = vector.broadcast %mul3A_980 : f32 to vector<16xf32>
      %mul3A_982 = arith.mulf %scan3A_978#0, %mul3A_981 : vector<16xf32>
      %max3A_983 = arith.constant -5.000000e+00 : f32
      %max3A_984 = vector.broadcast %max3A_983 : f32 to vector<16xf32>
      %max3A_985 = arith.maximumf %mul3A_982, %max3A_984 : vector<16xf32>
      %min3A_986 = arith.constant 5.000000e+00 : f32
      %min3A_987 = vector.broadcast %min3A_986 : f32 to vector<16xf32>
      %min3A_988 = arith.minimumf %max3A_985, %min3A_987 : vector<16xf32>
      %exp3A_989 = math.exp %min3A_988 : vector<16xf32>
      %mul3A_990 = arith.constant 0.0883883461 : f32
      %mul3A_991 = vector.broadcast %mul3A_990 : f32 to vector<16xf32>
      %mul3A_992 = arith.mulf %scan3A_978#1, %mul3A_991 : vector<16xf32>
      %max3A_993 = arith.constant -5.000000e+00 : f32
      %max3A_994 = vector.broadcast %max3A_993 : f32 to vector<16xf32>
      %max3A_995 = arith.maximumf %mul3A_992, %max3A_994 : vector<16xf32>
      %min3A_996 = arith.constant 5.000000e+00 : f32
      %min3A_997 = vector.broadcast %min3A_996 : f32 to vector<16xf32>
      %min3A_998 = arith.minimumf %max3A_995, %min3A_997 : vector<16xf32>
      %exp3A_999 = math.exp %min3A_998 : vector<16xf32>
      %mul3A_1000 = arith.constant 0.0883883461 : f32
      %mul3A_1001 = vector.broadcast %mul3A_1000 : f32 to vector<16xf32>
      %mul3A_1002 = arith.mulf %scan3A_978#2, %mul3A_1001 : vector<16xf32>
      %max3A_1003 = arith.constant -5.000000e+00 : f32
      %max3A_1004 = vector.broadcast %max3A_1003 : f32 to vector<16xf32>
      %max3A_1005 = arith.maximumf %mul3A_1002, %max3A_1004 : vector<16xf32>
      %min3A_1006 = arith.constant 5.000000e+00 : f32
      %min3A_1007 = vector.broadcast %min3A_1006 : f32 to vector<16xf32>
      %min3A_1008 = arith.minimumf %max3A_1005, %min3A_1007 : vector<16xf32>
      %exp3A_1009 = math.exp %min3A_1008 : vector<16xf32>
      %mul3A_1010 = arith.constant 0.0883883461 : f32
      %mul3A_1011 = vector.broadcast %mul3A_1010 : f32 to vector<16xf32>
      %mul3A_1012 = arith.mulf %scan3A_978#3, %mul3A_1011 : vector<16xf32>
      %max3A_1013 = arith.constant -5.000000e+00 : f32
      %max3A_1014 = vector.broadcast %max3A_1013 : f32 to vector<16xf32>
      %max3A_1015 = arith.maximumf %mul3A_1012, %max3A_1014 : vector<16xf32>
      %min3A_1016 = arith.constant 5.000000e+00 : f32
      %min3A_1017 = vector.broadcast %min3A_1016 : f32 to vector<16xf32>
      %min3A_1018 = arith.minimumf %max3A_1015, %min3A_1017 : vector<16xf32>
      %exp3A_1019 = math.exp %min3A_1018 : vector<16xf32>
      %scan3A_1020 = arith.constant 0 : i32
      %scan3A_1021 = arith.constant 0 : i32
      %scan3A_1022 = arith.constant 16 : i32
      %scan3A_1023 = arith.addi %scan3A_1021, %scan3A_1022 : i32
      %scan3A_1024 = arith.constant 1 : i32
      scf.for %scan3A_1093 = %scan3A_1021 to %scan3A_1023 step %scan3A_1024  : i32 {
        %mul3A_1094 = arith.constant 2 : i32
        %mul3A_1095 = arith.muli %scan3A_1093, %mul3A_1094 : i32
        %add3A_1096 = arith.constant 0 : i32
        %add3A_1097 = arith.addi %mul3A_1095, %add3A_1096 : i32
        %add3A_1098 = vector.broadcast %add3A_1097 : i32 to vector<16xi32>
        %add3A_1099 = arith.addi %add3A_1098, %iota3A : vector<16xi32>
        %and3A = arith.constant 31 : i32
        %and3A_1100 = vector.broadcast %and3A : i32 to vector<16xi32>
        %and3A_1101 = arith.andi %add3A_1099, %and3A_1100 : vector<16xi32>
        %add3A_1102 = arith.addi %broadcast_in_dim3A_7, %and3A_1101 : vector<16xi32>
        %gather3A = tpu.vector_load_idx %arg14[%broadcast_in_dim3A_25, %add3A_973, %add3A_1102] : memref<2x32x128xf32, #tpu.memory_space<vmem>>[vector<16xi32>, vector<16xi32>, vector<16xi32>], vector<16xf32>,
        %mul3A_1103 = arith.mulf %gather3A, %exp3A_989 : vector<16xf32>
        tpu.vector_store_idx %arg15[%broadcast_in_dim3A_25, %add3A_973, %add3A_1102], %mul3A_1103 : memref<2x32x144xf32, #tpu.memory_space<vmem>>[vector<16xi32>, vector<16xi32>, vector<16xi32>], vector<16xf32>,
        %add3A_1104 = arith.addi %broadcast_in_dim3A_9, %and3A_1101 : vector<16xi32>
        %gather3A_1105 = tpu.vector_load_idx %arg14[%broadcast_in_dim3A_25, %add3A_973, %add3A_1104] : memref<2x32x128xf32, #tpu.memory_space<vmem>>[vector<16xi32>, vector<16xi32>, vector<16xi32>], vector<16xf32>,
        %mul3A_1106 = arith.mulf %gather3A_1105, %exp3A_999 : vector<16xf32>
        tpu.vector_store_idx %arg15[%broadcast_in_dim3A_25, %add3A_973, %add3A_1104], %mul3A_1106 : memref<2x32x144xf32, #tpu.memory_space<vmem>>[vector<16xi32>, vector<16xi32>, vector<16xi32>], vector<16xf32>,
        %add3A_1107 = arith.addi %broadcast_in_dim3A_11, %and3A_1101 : vector<16xi32>
        %gather3A_1108 = tpu.vector_load_idx %arg14[%broadcast_in_dim3A_25, %add3A_973, %add3A_1107] : memref<2x32x128xf32, #tpu.memory_space<vmem>>[vector<16xi32>, vector<16xi32>, vector<16xi32>], vector<16xf32>,
        %mul3A_1109 = arith.mulf %gather3A_1108, %exp3A_1009 : vector<16xf32>
        tpu.vector_store_idx %arg15[%broadcast_in_dim3A_25, %add3A_973, %add3A_1107], %mul3A_1109 : memref<2x32x144xf32, #tpu.memory_space<vmem>>[vector<16xi32>, vector<16xi32>, vector<16xi32>], vector<16xf32>,
        %add3A_1110 = arith.addi %broadcast_in_dim3A_13, %and3A_1101 : vector<16xi32>
        %gather3A_1111 = tpu.vector_load_idx %arg14[%broadcast_in_dim3A_25, %add3A_973, %add3A_1110] : memref<2x32x128xf32, #tpu.memory_space<vmem>>[vector<16xi32>, vector<16xi32>, vector<16xi32>], vector<16xf32>,
        %mul3A_1112 = arith.mulf %gather3A_1111, %exp3A_1019 : vector<16xf32>
        tpu.vector_store_idx %arg15[%broadcast_in_dim3A_25, %add3A_973, %add3A_1110], %mul3A_1112 : memref<2x32x144xf32, #tpu.memory_space<vmem>>[vector<16xi32>, vector<16xi32>, vector<16xi32>], vector<16xf32>,
        %mul3A_1113 = arith.constant 2 : i32
        %mul3A_1114 = arith.muli %scan3A_1093, %mul3A_1113 : i32
        %add3A_1115 = arith.constant 1 : i32
        %add3A_1116 = arith.addi %mul3A_1114, %add3A_1115 : i32
        %add3A_1117 = vector.broadcast %add3A_1116 : i32 to vector<16xi32>
        %add3A_1118 = arith.addi %add3A_1117, %iota3A : vector<16xi32>
        %and3A_1119 = arith.constant 31 : i32
        %and3A_1120 = vector.broadcast %and3A_1119 : i32 to vector<16xi32>
        %and3A_1121 = arith.andi %add3A_1118, %and3A_1120 : vector<16xi32>
        %add3A_1122 = arith.addi %broadcast_in_dim3A_7, %and3A_1121 : vector<16xi32>
        %gather3A_1123 = tpu.vector_load_idx %arg14[%broadcast_in_dim3A_25, %add3A_973, %add3A_1122] : memref<2x32x128xf32, #tpu.memory_space<vmem>>[vector<16xi32>, vector<16xi32>, vector<16xi32>], vector<16xf32>,
        %mul3A_1124 = arith.mulf %gather3A_1123, %exp3A_989 : vector<16xf32>
        tpu.vector_store_idx %arg15[%broadcast_in_dim3A_25, %add3A_973, %add3A_1122], %mul3A_1124 : memref<2x32x144xf32, #tpu.memory_space<vmem>>[vector<16xi32>, vector<16xi32>, vector<16xi32>], vector<16xf32>,
        %add3A_1125 = arith.addi %broadcast_in_dim3A_9, %and3A_1121 : vector<16xi32>
        %gather3A_1126 = tpu.vector_load_idx %arg14[%broadcast_in_dim3A_25, %add3A_973, %add3A_1125] : memref<2x32x128xf32, #tpu.memory_space<vmem>>[vector<16xi32>, vector<16xi32>, vector<16xi32>], vector<16xf32>,
        %mul3A_1127 = arith.mulf %gather3A_1126, %exp3A_999 : vector<16xf32>
        tpu.vector_store_idx %arg15[%broadcast_in_dim3A_25, %add3A_973, %add3A_1125], %mul3A_1127 : memref<2x32x144xf32, #tpu.memory_space<vmem>>[vector<16xi32>, vector<16xi32>, vector<16xi32>], vector<16xf32>,
        %add3A_1128 = arith.addi %broadcast_in_dim3A_11, %and3A_1121 : vector<16xi32>
        %gather3A_1129 = tpu.vector_load_idx %arg14[%broadcast_in_dim3A_25, %add3A_973, %add3A_1128] : memref<2x32x128xf32, #tpu.memory_space<vmem>>[vector<16xi32>, vector<16xi32>, vector<16xi32>], vector<16xf32>,
        %mul3A_1130 = arith.mulf %gather3A_1129, %exp3A_1009 : vector<16xf32>
        tpu.vector_store_idx %arg15[%broadcast_in_dim3A_25, %add3A_973, %add3A_1128], %mul3A_1130 : memref<2x32x144xf32, #tpu.memory_space<vmem>>[vector<16xi32>, vector<16xi32>, vector<16xi32>], vector<16xf32>,
        %add3A_1131 = arith.addi %broadcast_in_dim3A_13, %and3A_1121 : vector<16xi32>
        %gather3A_1132 = tpu.vector_load_idx %arg14[%broadcast_in_dim3A_25, %add3A_973, %add3A_1131] : memref<2x32x128xf32, #tpu.memory_space<vmem>>[vector<16xi32>, vector<16xi32>, vector<16xi32>], vector<16xf32>,
        %mul3A_1133 = arith.mulf %gather3A_1132, %exp3A_1019 : vector<16xf32>
        tpu.vector_store_idx %arg15[%broadcast_in_dim3A_25, %add3A_973, %add3A_1131], %mul3A_1133 : memref<2x32x144xf32, #tpu.memory_space<vmem>>[vector<16xi32>, vector<16xi32>, vector<16xi32>], vector<16xf32>,
      }
      %scan3A_1025 = arith.constant 16 : i32
      tpu.vector_store_idx %arg15[%broadcast_in_dim3A_25, %add3A_973, %broadcast_in_dim3A_15], %exp3A_989 : memref<2x32x144xf32, #tpu.memory_space<vmem>>[vector<16xi32>, vector<16xi32>, vector<16xi32>], vector<16xf32>,
      tpu.vector_store_idx %arg15[%broadcast_in_dim3A_25, %add3A_973, %broadcast_in_dim3A_17], %exp3A_999 : memref<2x32x144xf32, #tpu.memory_space<vmem>>[vector<16xi32>, vector<16xi32>, vector<16xi32>], vector<16xf32>,
      tpu.vector_store_idx %arg15[%broadcast_in_dim3A_25, %add3A_973, %broadcast_in_dim3A_19], %exp3A_1009 : memref<2x32x144xf32, #tpu.memory_space<vmem>>[vector<16xi32>, vector<16xi32>, vector<16xi32>], vector<16xf32>,
      tpu.vector_store_idx %arg15[%broadcast_in_dim3A_25, %add3A_973, %broadcast_in_dim3A_21], %exp3A_1019 : memref<2x32x144xf32, #tpu.memory_space<vmem>>[vector<16xi32>, vector<16xi32>, vector<16xi32>], vector<16xf32>,
      %add3A_1026 = arith.constant 16 : i32
      %add3A_1027 = vector.broadcast %add3A_1026 : i32 to vector<16xi32>
      %add3A_1028 = arith.addi %add3A_1027, %iota3A : vector<16xi32>
      %scan3A_1029 = arith.constant 0 : i32
      %scan3A_1030 = arith.constant 16 : i32
      %scan3A_1031 = arith.addi %scan3A_1029, %scan3A_1030 : i32
      %scan3A_1032 = arith.constant 1 : i32
      %scan3A_1033:4 = scf.for %scan3A_1093 = %scan3A_1029 to %scan3A_1031 step %scan3A_1032 iter_args(%scan3A_1094 = %broadcast_in_dim3A_3, %scan3A_1095 = %broadcast_in_dim3A_3, %scan3A_1096 = %broadcast_in_dim3A_3, %scan3A_1097 = %broadcast_in_dim3A_3) -> (vector<16xf32>, vector<16xf32>, vector<16xf32>, vector<16xf32>)  : i32 {
        %mul3A_1098 = arith.constant 2 : i32
        %mul3A_1099 = arith.muli %scan3A_1093, %mul3A_1098 : i32
        %add3A_1100 = arith.constant 0 : i32
        %add3A_1101 = arith.addi %mul3A_1099, %add3A_1100 : i32
        %add3A_1102 = vector.broadcast %add3A_1101 : i32 to vector<16xi32>
        %add3A_1103 = arith.addi %add3A_1102, %iota3A : vector<16xi32>
        %and3A = arith.constant 31 : i32
        %and3A_1104 = vector.broadcast %and3A : i32 to vector<16xi32>
        %and3A_1105 = arith.andi %add3A_1103, %and3A_1104 : vector<16xi32>
        %add3A_1106 = arith.addi %broadcast_in_dim3A_7, %and3A_1105 : vector<16xi32>
        %gather3A = tpu.vector_load_idx %arg12[%broadcast_in_dim3A_25, %add3A_1028, %add3A_1106] : memref<2x32x128xf32, #tpu.memory_space<vmem>>[vector<16xi32>, vector<16xi32>, vector<16xi32>], vector<16xf32>,
        %gather3A_1107 = tpu.vector_load_idx %arg13[%broadcast_in_dim3A_25, %add3A_1028, %add3A_1106] : memref<2x32x128xf32, #tpu.memory_space<vmem>>[vector<16xi32>, vector<16xi32>, vector<16xi32>], vector<16xf32>,
        %mul3A_1108 = arith.mulf %gather3A, %gather3A_1107 : vector<16xf32>
        %add3A_1109 = arith.addf %scan3A_1094, %mul3A_1108 : vector<16xf32>
        %add3A_1110 = arith.addi %broadcast_in_dim3A_9, %and3A_1105 : vector<16xi32>
        %gather3A_1111 = tpu.vector_load_idx %arg12[%broadcast_in_dim3A_25, %add3A_1028, %add3A_1110] : memref<2x32x128xf32, #tpu.memory_space<vmem>>[vector<16xi32>, vector<16xi32>, vector<16xi32>], vector<16xf32>,
        %gather3A_1112 = tpu.vector_load_idx %arg13[%broadcast_in_dim3A_25, %add3A_1028, %add3A_1110] : memref<2x32x128xf32, #tpu.memory_space<vmem>>[vector<16xi32>, vector<16xi32>, vector<16xi32>], vector<16xf32>,
        %mul3A_1113 = arith.mulf %gather3A_1111, %gather3A_1112 : vector<16xf32>
        %add3A_1114 = arith.addf %scan3A_1095, %mul3A_1113 : vector<16xf32>
        %add3A_1115 = arith.addi %broadcast_in_dim3A_11, %and3A_1105 : vector<16xi32>
        %gather3A_1116 = tpu.vector_load_idx %arg12[%broadcast_in_dim3A_25, %add3A_1028, %add3A_1115] : memref<2x32x128xf32, #tpu.memory_space<vmem>>[vector<16xi32>, vector<16xi32>, vector<16xi32>], vector<16xf32>,
        %gather3A_1117 = tpu.vector_load_idx %arg13[%broadcast_in_dim3A_25, %add3A_1028, %add3A_1115] : memref<2x32x128xf32, #tpu.memory_space<vmem>>[vector<16xi32>, vector<16xi32>, vector<16xi32>], vector<16xf32>,
        %mul3A_1118 = arith.mulf %gather3A_1116, %gather3A_1117 : vector<16xf32>
        %add3A_1119 = arith.addf %scan3A_1096, %mul3A_1118 : vector<16xf32>
        %add3A_1120 = arith.addi %broadcast_in_dim3A_13, %and3A_1105 : vector<16xi32>
        %gather3A_1121 = tpu.vector_load_idx %arg12[%broadcast_in_dim3A_25, %add3A_1028, %add3A_1120] : memref<2x32x128xf32, #tpu.memory_space<vmem>>[vector<16xi32>, vector<16xi32>, vector<16xi32>], vector<16xf32>,
        %gather3A_1122 = tpu.vector_load_idx %arg13[%broadcast_in_dim3A_25, %add3A_1028, %add3A_1120] : memref<2x32x128xf32, #tpu.memory_space<vmem>>[vector<16xi32>, vector<16xi32>, vector<16xi32>], vector<16xf32>,
        %mul3A_1123 = arith.mulf %gather3A_1121, %gather3A_1122 : vector<16xf32>
        %add3A_1124 = arith.addf %scan3A_1097, %mul3A_1123 : vector<16xf32>
        %mul3A_1125 = arith.constant 2 : i32
        %mul3A_1126 = arith.muli %scan3A_1093, %mul3A_1125 : i32
        %add3A_1127 = arith.constant 1 : i32
        %add3A_1128 = arith.addi %mul3A_1126, %add3A_1127 : i32
        %add3A_1129 = vector.broadcast %add3A_1128 : i32 to vector<16xi32>
        %add3A_1130 = arith.addi %add3A_1129, %iota3A : vector<16xi32>
        %and3A_1131 = arith.constant 31 : i32
        %and3A_1132 = vector.broadcast %and3A_1131 : i32 to vector<16xi32>
        %and3A_1133 = arith.andi %add3A_1130, %and3A_1132 : vector<16xi32>
        %add3A_1134 = arith.addi %broadcast_in_dim3A_7, %and3A_1133 : vector<16xi32>
        %gather3A_1135 = tpu.vector_load_idx %arg12[%broadcast_in_dim3A_25, %add3A_1028, %add3A_1134] : memref<2x32x128xf32, #tpu.memory_space<vmem>>[vector<16xi32>, vector<16xi32>, vector<16xi32>], vector<16xf32>,
        %gather3A_1136 = tpu.vector_load_idx %arg13[%broadcast_in_dim3A_25, %add3A_1028, %add3A_1134] : memref<2x32x128xf32, #tpu.memory_space<vmem>>[vector<16xi32>, vector<16xi32>, vector<16xi32>], vector<16xf32>,
        %mul3A_1137 = arith.mulf %gather3A_1135, %gather3A_1136 : vector<16xf32>
        %add3A_1138 = arith.addf %add3A_1109, %mul3A_1137 : vector<16xf32>
        %add3A_1139 = arith.addi %broadcast_in_dim3A_9, %and3A_1133 : vector<16xi32>
        %gather3A_1140 = tpu.vector_load_idx %arg12[%broadcast_in_dim3A_25, %add3A_1028, %add3A_1139] : memref<2x32x128xf32, #tpu.memory_space<vmem>>[vector<16xi32>, vector<16xi32>, vector<16xi32>], vector<16xf32>,
        %gather3A_1141 = tpu.vector_load_idx %arg13[%broadcast_in_dim3A_25, %add3A_1028, %add3A_1139] : memref<2x32x128xf32, #tpu.memory_space<vmem>>[vector<16xi32>, vector<16xi32>, vector<16xi32>], vector<16xf32>,
        %mul3A_1142 = arith.mulf %gather3A_1140, %gather3A_1141 : vector<16xf32>
        %add3A_1143 = arith.addf %add3A_1114, %mul3A_1142 : vector<16xf32>
        %add3A_1144 = arith.addi %broadcast_in_dim3A_11, %and3A_1133 : vector<16xi32>
        %gather3A_1145 = tpu.vector_load_idx %arg12[%broadcast_in_dim3A_25, %add3A_1028, %add3A_1144] : memref<2x32x128xf32, #tpu.memory_space<vmem>>[vector<16xi32>, vector<16xi32>, vector<16xi32>], vector<16xf32>,
        %gather3A_1146 = tpu.vector_load_idx %arg13[%broadcast_in_dim3A_25, %add3A_1028, %add3A_1144] : memref<2x32x128xf32, #tpu.memory_space<vmem>>[vector<16xi32>, vector<16xi32>, vector<16xi32>], vector<16xf32>,
        %mul3A_1147 = arith.mulf %gather3A_1145, %gather3A_1146 : vector<16xf32>
        %add3A_1148 = arith.addf %add3A_1119, %mul3A_1147 : vector<16xf32>
        %add3A_1149 = arith.addi %broadcast_in_dim3A_13, %and3A_1133 : vector<16xi32>
        %gather3A_1150 = tpu.vector_load_idx %arg12[%broadcast_in_dim3A_25, %add3A_1028, %add3A_1149] : memref<2x32x128xf32, #tpu.memory_space<vmem>>[vector<16xi32>, vector<16xi32>, vector<16xi32>], vector<16xf32>,
        %gather3A_1151 = tpu.vector_load_idx %arg13[%broadcast_in_dim3A_25, %add3A_1028, %add3A_1149] : memref<2x32x128xf32, #tpu.memory_space<vmem>>[vector<16xi32>, vector<16xi32>, vector<16xi32>], vector<16xf32>,
        %mul3A_1152 = arith.mulf %gather3A_1150, %gather3A_1151 : vector<16xf32>
        %add3A_1153 = arith.addf %add3A_1124, %mul3A_1152 : vector<16xf32>
        scf.yield %add3A_1138, %add3A_1143, %add3A_1148, %add3A_1153 : vector<16xf32>, vector<16xf32>, vector<16xf32>, vector<16xf32>
      }
      %scan3A_1034 = arith.constant 16 : i32
      %mul3A_1035 = arith.constant 0.0883883461 : f32
      %mul3A_1036 = vector.broadcast %mul3A_1035 : f32 to vector<16xf32>
      %mul3A_1037 = arith.mulf %scan3A_1033#0, %mul3A_1036 : vector<16xf32>
      %max3A_1038 = arith.constant -5.000000e+00 : f32
      %max3A_1039 = vector.broadcast %max3A_1038 : f32 to vector<16xf32>
      %max3A_1040 = arith.maximumf %mul3A_1037, %max3A_1039 : vector<16xf32>
      %min3A_1041 = arith.constant 5.000000e+00 : f32
      %min3A_1042 = vector.broadcast %min3A_1041 : f32 to vector<16xf32>
      %min3A_1043 = arith.minimumf %max3A_1040, %min3A_1042 : vector<16xf32>
      %exp3A_1044 = math.exp %min3A_1043 : vector<16xf32>
      %mul3A_1045 = arith.constant 0.0883883461 : f32
      %mul3A_1046 = vector.broadcast %mul3A_1045 : f32 to vector<16xf32>
      %mul3A_1047 = arith.mulf %scan3A_1033#1, %mul3A_1046 : vector<16xf32>
      %max3A_1048 = arith.constant -5.000000e+00 : f32
      %max3A_1049 = vector.broadcast %max3A_1048 : f32 to vector<16xf32>
      %max3A_1050 = arith.maximumf %mul3A_1047, %max3A_1049 : vector<16xf32>
      %min3A_1051 = arith.constant 5.000000e+00 : f32
      %min3A_1052 = vector.broadcast %min3A_1051 : f32 to vector<16xf32>
      %min3A_1053 = arith.minimumf %max3A_1050, %min3A_1052 : vector<16xf32>
      %exp3A_1054 = math.exp %min3A_1053 : vector<16xf32>
      %mul3A_1055 = arith.constant 0.0883883461 : f32
      %mul3A_1056 = vector.broadcast %mul3A_1055 : f32 to vector<16xf32>
      %mul3A_1057 = arith.mulf %scan3A_1033#2, %mul3A_1056 : vector<16xf32>
      %max3A_1058 = arith.constant -5.000000e+00 : f32
      %max3A_1059 = vector.broadcast %max3A_1058 : f32 to vector<16xf32>
      %max3A_1060 = arith.maximumf %mul3A_1057, %max3A_1059 : vector<16xf32>
      %min3A_1061 = arith.constant 5.000000e+00 : f32
      %min3A_1062 = vector.broadcast %min3A_1061 : f32 to vector<16xf32>
      %min3A_1063 = arith.minimumf %max3A_1060, %min3A_1062 : vector<16xf32>
      %exp3A_1064 = math.exp %min3A_1063 : vector<16xf32>
      %mul3A_1065 = arith.constant 0.0883883461 : f32
      %mul3A_1066 = vector.broadcast %mul3A_1065 : f32 to vector<16xf32>
      %mul3A_1067 = arith.mulf %scan3A_1033#3, %mul3A_1066 : vector<16xf32>
      %max3A_1068 = arith.constant -5.000000e+00 : f32
      %max3A_1069 = vector.broadcast %max3A_1068 : f32 to vector<16xf32>
      %max3A_1070 = arith.maximumf %mul3A_1067, %max3A_1069 : vector<16xf32>
      %min3A_1071 = arith.constant 5.000000e+00 : f32
      %min3A_1072 = vector.broadcast %min3A_1071 : f32 to vector<16xf32>
      %min3A_1073 = arith.minimumf %max3A_1070, %min3A_1072 : vector<16xf32>
      %exp3A_1074 = math.exp %min3A_1073 : vector<16xf32>
      %scan3A_1075 = arith.constant 0 : i32
      %scan3A_1076 = arith.constant 0 : i32
      %scan3A_1077 = arith.constant 16 : i32
      %scan3A_1078 = arith.addi %scan3A_1076, %scan3A_1077 : i32
      %scan3A_1079 = arith.constant 1 : i32
      scf.for %scan3A_1093 = %scan3A_1076 to %scan3A_1078 step %scan3A_1079  : i32 {
        %mul3A_1094 = arith.constant 2 : i32
        %mul3A_1095 = arith.muli %scan3A_1093, %mul3A_1094 : i32
        %add3A_1096 = arith.constant 0 : i32
        %add3A_1097 = arith.addi %mul3A_1095, %add3A_1096 : i32
        %add3A_1098 = vector.broadcast %add3A_1097 : i32 to vector<16xi32>
        %add3A_1099 = arith.addi %add3A_1098, %iota3A : vector<16xi32>
        %and3A = arith.constant 31 : i32
        %and3A_1100 = vector.broadcast %and3A : i32 to vector<16xi32>
        %and3A_1101 = arith.andi %add3A_1099, %and3A_1100 : vector<16xi32>
        %add3A_1102 = arith.addi %broadcast_in_dim3A_7, %and3A_1101 : vector<16xi32>
        %gather3A = tpu.vector_load_idx %arg14[%broadcast_in_dim3A_25, %add3A_1028, %add3A_1102] : memref<2x32x128xf32, #tpu.memory_space<vmem>>[vector<16xi32>, vector<16xi32>, vector<16xi32>], vector<16xf32>,
        %mul3A_1103 = arith.mulf %gather3A, %exp3A_1044 : vector<16xf32>
        tpu.vector_store_idx %arg15[%broadcast_in_dim3A_25, %add3A_1028, %add3A_1102], %mul3A_1103 : memref<2x32x144xf32, #tpu.memory_space<vmem>>[vector<16xi32>, vector<16xi32>, vector<16xi32>], vector<16xf32>,
        %add3A_1104 = arith.addi %broadcast_in_dim3A_9, %and3A_1101 : vector<16xi32>
        %gather3A_1105 = tpu.vector_load_idx %arg14[%broadcast_in_dim3A_25, %add3A_1028, %add3A_1104] : memref<2x32x128xf32, #tpu.memory_space<vmem>>[vector<16xi32>, vector<16xi32>, vector<16xi32>], vector<16xf32>,
        %mul3A_1106 = arith.mulf %gather3A_1105, %exp3A_1054 : vector<16xf32>
        tpu.vector_store_idx %arg15[%broadcast_in_dim3A_25, %add3A_1028, %add3A_1104], %mul3A_1106 : memref<2x32x144xf32, #tpu.memory_space<vmem>>[vector<16xi32>, vector<16xi32>, vector<16xi32>], vector<16xf32>,
        %add3A_1107 = arith.addi %broadcast_in_dim3A_11, %and3A_1101 : vector<16xi32>
        %gather3A_1108 = tpu.vector_load_idx %arg14[%broadcast_in_dim3A_25, %add3A_1028, %add3A_1107] : memref<2x32x128xf32, #tpu.memory_space<vmem>>[vector<16xi32>, vector<16xi32>, vector<16xi32>], vector<16xf32>,
        %mul3A_1109 = arith.mulf %gather3A_1108, %exp3A_1064 : vector<16xf32>
        tpu.vector_store_idx %arg15[%broadcast_in_dim3A_25, %add3A_1028, %add3A_1107], %mul3A_1109 : memref<2x32x144xf32, #tpu.memory_space<vmem>>[vector<16xi32>, vector<16xi32>, vector<16xi32>], vector<16xf32>,
        %add3A_1110 = arith.addi %broadcast_in_dim3A_13, %and3A_1101 : vector<16xi32>
        %gather3A_1111 = tpu.vector_load_idx %arg14[%broadcast_in_dim3A_25, %add3A_1028, %add3A_1110] : memref<2x32x128xf32, #tpu.memory_space<vmem>>[vector<16xi32>, vector<16xi32>, vector<16xi32>], vector<16xf32>,
        %mul3A_1112 = arith.mulf %gather3A_1111, %exp3A_1074 : vector<16xf32>
        tpu.vector_store_idx %arg15[%broadcast_in_dim3A_25, %add3A_1028, %add3A_1110], %mul3A_1112 : memref<2x32x144xf32, #tpu.memory_space<vmem>>[vector<16xi32>, vector<16xi32>, vector<16xi32>], vector<16xf32>,
        %mul3A_1113 = arith.constant 2 : i32
        %mul3A_1114 = arith.muli %scan3A_1093, %mul3A_1113 : i32
        %add3A_1115 = arith.constant 1 : i32
        %add3A_1116 = arith.addi %mul3A_1114, %add3A_1115 : i32
        %add3A_1117 = vector.broadcast %add3A_1116 : i32 to vector<16xi32>
        %add3A_1118 = arith.addi %add3A_1117, %iota3A : vector<16xi32>
        %and3A_1119 = arith.constant 31 : i32
        %and3A_1120 = vector.broadcast %and3A_1119 : i32 to vector<16xi32>
        %and3A_1121 = arith.andi %add3A_1118, %and3A_1120 : vector<16xi32>
        %add3A_1122 = arith.addi %broadcast_in_dim3A_7, %and3A_1121 : vector<16xi32>
        %gather3A_1123 = tpu.vector_load_idx %arg14[%broadcast_in_dim3A_25, %add3A_1028, %add3A_1122] : memref<2x32x128xf32, #tpu.memory_space<vmem>>[vector<16xi32>, vector<16xi32>, vector<16xi32>], vector<16xf32>,
        %mul3A_1124 = arith.mulf %gather3A_1123, %exp3A_1044 : vector<16xf32>
        tpu.vector_store_idx %arg15[%broadcast_in_dim3A_25, %add3A_1028, %add3A_1122], %mul3A_1124 : memref<2x32x144xf32, #tpu.memory_space<vmem>>[vector<16xi32>, vector<16xi32>, vector<16xi32>], vector<16xf32>,
        %add3A_1125 = arith.addi %broadcast_in_dim3A_9, %and3A_1121 : vector<16xi32>
        %gather3A_1126 = tpu.vector_load_idx %arg14[%broadcast_in_dim3A_25, %add3A_1028, %add3A_1125] : memref<2x32x128xf32, #tpu.memory_space<vmem>>[vector<16xi32>, vector<16xi32>, vector<16xi32>], vector<16xf32>,
        %mul3A_1127 = arith.mulf %gather3A_1126, %exp3A_1054 : vector<16xf32>
        tpu.vector_store_idx %arg15[%broadcast_in_dim3A_25, %add3A_1028, %add3A_1125], %mul3A_1127 : memref<2x32x144xf32, #tpu.memory_space<vmem>>[vector<16xi32>, vector<16xi32>, vector<16xi32>], vector<16xf32>,
        %add3A_1128 = arith.addi %broadcast_in_dim3A_11, %and3A_1121 : vector<16xi32>
        %gather3A_1129 = tpu.vector_load_idx %arg14[%broadcast_in_dim3A_25, %add3A_1028, %add3A_1128] : memref<2x32x128xf32, #tpu.memory_space<vmem>>[vector<16xi32>, vector<16xi32>, vector<16xi32>], vector<16xf32>,
        %mul3A_1130 = arith.mulf %gather3A_1129, %exp3A_1064 : vector<16xf32>
        tpu.vector_store_idx %arg15[%broadcast_in_dim3A_25, %add3A_1028, %add3A_1128], %mul3A_1130 : memref<2x32x144xf32, #tpu.memory_space<vmem>>[vector<16xi32>, vector<16xi32>, vector<16xi32>], vector<16xf32>,
        %add3A_1131 = arith.addi %broadcast_in_dim3A_13, %and3A_1121 : vector<16xi32>
        %gather3A_1132 = tpu.vector_load_idx %arg14[%broadcast_in_dim3A_25, %add3A_1028, %add3A_1131] : memref<2x32x128xf32, #tpu.memory_space<vmem>>[vector<16xi32>, vector<16xi32>, vector<16xi32>], vector<16xf32>,
        %mul3A_1133 = arith.mulf %gather3A_1132, %exp3A_1074 : vector<16xf32>
        tpu.vector_store_idx %arg15[%broadcast_in_dim3A_25, %add3A_1028, %add3A_1131], %mul3A_1133 : memref<2x32x144xf32, #tpu.memory_space<vmem>>[vector<16xi32>, vector<16xi32>, vector<16xi32>], vector<16xf32>,
      }
      %scan3A_1080 = arith.constant 16 : i32
      tpu.vector_store_idx %arg15[%broadcast_in_dim3A_25, %add3A_1028, %broadcast_in_dim3A_15], %exp3A_1044 : memref<2x32x144xf32, #tpu.memory_space<vmem>>[vector<16xi32>, vector<16xi32>, vector<16xi32>], vector<16xf32>,
      tpu.vector_store_idx %arg15[%broadcast_in_dim3A_25, %add3A_1028, %broadcast_in_dim3A_17], %exp3A_1054 : memref<2x32x144xf32, #tpu.memory_space<vmem>>[vector<16xi32>, vector<16xi32>, vector<16xi32>], vector<16xf32>,
      tpu.vector_store_idx %arg15[%broadcast_in_dim3A_25, %add3A_1028, %broadcast_in_dim3A_19], %exp3A_1064 : memref<2x32x144xf32, #tpu.memory_space<vmem>>[vector<16xi32>, vector<16xi32>, vector<16xi32>], vector<16xf32>,
      tpu.vector_store_idx %arg15[%broadcast_in_dim3A_25, %add3A_1028, %broadcast_in_dim3A_21], %exp3A_1074 : memref<2x32x144xf32, #tpu.memory_space<vmem>>[vector<16xi32>, vector<16xi32>, vector<16xi32>], vector<16xf32>,
      %dma_start3A_1081 = arith.constant 1 : i32
      %dma_start3A_1082 = arith.constant 1 : i32
      %dma_start3A_1083 = arith.constant 0 : i32
      %dma_start3A_1084 = arith.constant 0 : i32
      %dma_start3A_1085 = tpu.memref_slice %arg15[%dma_start3A_1081, %dma_start3A_1083, %dma_start3A_1084] : memref<2x32x144xf32, #tpu.memory_space<vmem>> -> memref<1x32x144xf32, #tpu.memory_space<vmem>>
      %dma_start3A_1086 = tpu.memref_squeeze %dma_start3A_1085 : memref<1x32x144xf32, #tpu.memory_space<vmem>> -> memref<32x144xf32, #tpu.memory_space<vmem>>
      %dma_start3A_1087 = arith.constant 0 : i32
      %dma_start3A_1088 = tpu.memref_slice %arg11[%dma_start3A_1082, %dma_start3A_1087] : memref<2x32xi32, #tpu.memory_space<vmem>> -> memref<1x32xi32, #tpu.memory_space<vmem>>
      %dma_start3A_1089 = tpu.memref_squeeze %dma_start3A_1088 : memref<1x32xi32, #tpu.memory_space<vmem>> -> memref<32xi32, #tpu.memory_space<vmem>>
      %dma_start3A_1090 = arith.constant 0 : i32
      %dma_start3A_1091 = arith.constant 0 : i32
      %dma_start3A_1092 = tpu.memref_slice %arg16[%dma_start3A_1090, %dma_start3A_1091] : memref<10008x144xf32, #tpu.memory_space<vmem_shared>> -> memref<10008x144xf32, #tpu.memory_space<vmem_shared>>
      tpu.enqueue_indirect_dma source(%dma_start3A_1086 : memref<32x144xf32, #tpu.memory_space<vmem>>) target(%dma_start3A_1092 : memref<10008x144xf32, #tpu.memory_space<vmem_shared>>) offsets(%dma_start3A_1089 : memref<32xi32, #tpu.memory_space<vmem>>) semaphore(%arg22 : memref<!tpu.dma_semaphore, #tpu.memory_space<semaphore_mem>>) {add = true}
    }
    %scan3A_141 = arith.constant 156 : i32
    %min3A = arith.constant 313 : i32
    %min3A_142 = arith.constant 312 : i32
    %min3A_143 = arith.minsi %min3A, %min3A_142 : i32
    %mul3A_144 = arith.constant 16 : i32
    %mul3A_145 = arith.muli %mul3A_144, %min3A_143 : i32
    %add3A_146 = arith.addi %add3A, %mul3A_145 : i32
    %min3A_147 = arith.constant 314 : i32
    %min3A_148 = arith.constant 312 : i32
    %min3A_149 = arith.minsi %min3A_147, %min3A_148 : i32
    %mul3A_150 = arith.constant 16 : i32
    %mul3A_151 = arith.muli %mul3A_150, %min3A_149 : i32
    %add3A_152 = arith.addi %add3A, %mul3A_151 : i32
    %dma_wait3A = arith.constant 0 : i32
    %dma_wait3A_153 = arith.constant 0 : i32
    %dma_wait3A_154 = arith.constant 0 : i32
    %dma_wait3A_155 = arith.constant 0 : i32
    %dma_wait3A_156 = tpu.memref_slice %arg12[%dma_wait3A_153, %dma_wait3A_154, %dma_wait3A_155] : memref<2x32x128xf32, #tpu.memory_space<vmem>> -> memref<1x32x128xf32, #tpu.memory_space<vmem>>
    %dma_wait3A_157 = tpu.memref_squeeze %dma_wait3A_156 : memref<1x32x128xf32, #tpu.memory_space<vmem>> -> memref<32x128xf32, #tpu.memory_space<vmem>>
    %dma_wait3A_158 = arith.constant 0 : i32
    %dma_wait3A_159 = tpu.memref_slice %arg9[%dma_wait3A, %dma_wait3A_158] : memref<2x32xi32, #tpu.memory_space<vmem>> -> memref<1x32xi32, #tpu.memory_space<vmem>>
    %dma_wait3A_160 = tpu.memref_squeeze %dma_wait3A_159 : memref<1x32xi32, #tpu.memory_space<vmem>> -> memref<32xi32, #tpu.memory_space<vmem>>
    %dma_wait3A_161 = arith.constant 0 : i32
    %dma_wait3A_162 = arith.constant 0 : i32
    %dma_wait3A_163 = tpu.memref_slice %arg3[%dma_wait3A_161, %dma_wait3A_162] : memref<10008x128xf32, #tpu.memory_space<hbm>> -> memref<10008x128xf32, #tpu.memory_space<hbm>>
    tpu.wait_indirect_dma semaphore(%arg17 : memref<!tpu.dma_semaphore, #tpu.memory_space<semaphore_mem>>) src(%dma_wait3A_163 : memref<10008x128xf32, #tpu.memory_space<hbm>>) dst(%dma_wait3A_157 : memref<32x128xf32, #tpu.memory_space<vmem>>)
    %dma_wait3A_164 = arith.constant 0 : i32
    %dma_wait3A_165 = arith.constant 0 : i32
    %dma_wait3A_166 = arith.constant 0 : i32
    %dma_wait3A_167 = arith.constant 0 : i32
    %dma_wait3A_168 = tpu.memref_slice %arg13[%dma_wait3A_165, %dma_wait3A_166, %dma_wait3A_167] : memref<2x32x128xf32, #tpu.memory_space<vmem>> -> memref<1x32x128xf32, #tpu.memory_space<vmem>>
    %dma_wait3A_169 = tpu.memref_squeeze %dma_wait3A_168 : memref<1x32x128xf32, #tpu.memory_space<vmem>> -> memref<32x128xf32, #tpu.memory_space<vmem>>
    %dma_wait3A_170 = arith.constant 0 : i32
    %dma_wait3A_171 = tpu.memref_slice %arg9[%dma_wait3A_164, %dma_wait3A_170] : memref<2x32xi32, #tpu.memory_space<vmem>> -> memref<1x32xi32, #tpu.memory_space<vmem>>
    %dma_wait3A_172 = tpu.memref_squeeze %dma_wait3A_171 : memref<1x32xi32, #tpu.memory_space<vmem>> -> memref<32xi32, #tpu.memory_space<vmem>>
    %dma_wait3A_173 = arith.constant 0 : i32
    %dma_wait3A_174 = arith.constant 0 : i32
    %dma_wait3A_175 = tpu.memref_slice %arg2[%dma_wait3A_173, %dma_wait3A_174] : memref<10008x128xf32, #tpu.memory_space<hbm>> -> memref<10008x128xf32, #tpu.memory_space<hbm>>
    tpu.wait_indirect_dma semaphore(%arg17 : memref<!tpu.dma_semaphore, #tpu.memory_space<semaphore_mem>>) src(%dma_wait3A_175 : memref<10008x128xf32, #tpu.memory_space<hbm>>) dst(%dma_wait3A_169 : memref<32x128xf32, #tpu.memory_space<vmem>>)
    %dma_wait3A_176 = arith.constant 0 : i32
    %dma_wait3A_177 = arith.constant 0 : i32
    %dma_wait3A_178 = arith.constant 0 : i32
    %dma_wait3A_179 = arith.constant 0 : i32
    %dma_wait3A_180 = tpu.memref_slice %arg14[%dma_wait3A_177, %dma_wait3A_178, %dma_wait3A_179] : memref<2x32x128xf32, #tpu.memory_space<vmem>> -> memref<1x32x128xf32, #tpu.memory_space<vmem>>
    %dma_wait3A_181 = tpu.memref_squeeze %dma_wait3A_180 : memref<1x32x128xf32, #tpu.memory_space<vmem>> -> memref<32x128xf32, #tpu.memory_space<vmem>>
    %dma_wait3A_182 = arith.constant 0 : i32
    %dma_wait3A_183 = tpu.memref_slice %arg9[%dma_wait3A_176, %dma_wait3A_182] : memref<2x32xi32, #tpu.memory_space<vmem>> -> memref<1x32xi32, #tpu.memory_space<vmem>>
    %dma_wait3A_184 = tpu.memref_squeeze %dma_wait3A_183 : memref<1x32xi32, #tpu.memory_space<vmem>> -> memref<32xi32, #tpu.memory_space<vmem>>
    %dma_wait3A_185 = arith.constant 0 : i32
    %dma_wait3A_186 = arith.constant 0 : i32
    %dma_wait3A_187 = tpu.memref_slice %arg4[%dma_wait3A_185, %dma_wait3A_186] : memref<10008x128xf32, #tpu.memory_space<hbm>> -> memref<10008x128xf32, #tpu.memory_space<hbm>>
    tpu.wait_indirect_dma semaphore(%arg17 : memref<!tpu.dma_semaphore, #tpu.memory_space<semaphore_mem>>) src(%dma_wait3A_187 : memref<10008x128xf32, #tpu.memory_space<hbm>>) dst(%dma_wait3A_181 : memref<32x128xf32, #tpu.memory_space<vmem>>)
    %dma_wait3A_188 = arith.constant 0 : i32
    %dma_wait3A_189 = arith.constant 0 : i32
    %dma_wait3A_190 = arith.constant 0 : i32
    %dma_wait3A_191 = arith.constant 0 : i32
    %dma_wait3A_192 = tpu.memref_slice %arg15[%dma_wait3A_188, %dma_wait3A_190, %dma_wait3A_191] : memref<2x32x144xf32, #tpu.memory_space<vmem>> -> memref<1x32x144xf32, #tpu.memory_space<vmem>>
    %dma_wait3A_193 = tpu.memref_squeeze %dma_wait3A_192 : memref<1x32x144xf32, #tpu.memory_space<vmem>> -> memref<32x144xf32, #tpu.memory_space<vmem>>
    %dma_wait3A_194 = arith.constant 0 : i32
    %dma_wait3A_195 = tpu.memref_slice %arg11[%dma_wait3A_189, %dma_wait3A_194] : memref<2x32xi32, #tpu.memory_space<vmem>> -> memref<1x32xi32, #tpu.memory_space<vmem>>
    %dma_wait3A_196 = tpu.memref_squeeze %dma_wait3A_195 : memref<1x32xi32, #tpu.memory_space<vmem>> -> memref<32xi32, #tpu.memory_space<vmem>>
    %dma_wait3A_197 = arith.constant 0 : i32
    %dma_wait3A_198 = arith.constant 0 : i32
    %dma_wait3A_199 = tpu.memref_slice %arg16[%dma_wait3A_197, %dma_wait3A_198] : memref<10008x144xf32, #tpu.memory_space<vmem_shared>> -> memref<10008x144xf32, #tpu.memory_space<vmem_shared>>
    tpu.wait_indirect_dma semaphore(%arg21 : memref<!tpu.dma_semaphore, #tpu.memory_space<semaphore_mem>>) src(%dma_wait3A_193 : memref<32x144xf32, #tpu.memory_space<vmem>>) dst(%dma_wait3A_199 : memref<10008x144xf32, #tpu.memory_space<vmem_shared>>)
    %get3A = arith.constant 0 : i32
    %get3A_200 = arith.index_cast %get3A : i32 to index
    %get3A_201 = arith.constant 0 : index
    %get3A_202 = tpu.vector_load %arg10[%get3A_200, %get3A_201] {strides = array<i32>} : memref<2x32xi32, #tpu.memory_space<vmem>>, vector<16xi32>,
    %swap3A_203 = arith.constant 0 : i32
    %swap3A_204 = arith.index_cast %swap3A_203 : i32 to index
    %swap3A_205 = arith.constant 0 : index
    %swap3A_206 = tpu.vector_load %arg11[%swap3A_204, %swap3A_205] {strides = array<i32>} : memref<2x32xi32, #tpu.memory_space<vmem>>, vector<16xi32>,
    tpu.vector_store %arg11[%swap3A_204, %swap3A_205], %get3A_202 {strides = array<i32>} : memref<2x32xi32, #tpu.memory_space<vmem>>, vector<16xi32>,
    %get3A_207 = arith.constant 0 : i32
    %get3A_208 = arith.index_cast %get3A_207 : i32 to index
    %get3A_209 = arith.constant 16 : index
    %get3A_210 = tpu.vector_load %arg10[%get3A_208, %get3A_209] {strides = array<i32>} : memref<2x32xi32, #tpu.memory_space<vmem>>, vector<16xi32>,
    %swap3A_211 = arith.constant 0 : i32
    %swap3A_212 = arith.index_cast %swap3A_211 : i32 to index
    %swap3A_213 = arith.constant 16 : index
    %swap3A_214 = tpu.vector_load %arg11[%swap3A_212, %swap3A_213] {strides = array<i32>} : memref<2x32xi32, #tpu.memory_space<vmem>>, vector<16xi32>,
    tpu.vector_store %arg11[%swap3A_212, %swap3A_213], %get3A_210 {strides = array<i32>} : memref<2x32xi32, #tpu.memory_space<vmem>>, vector<16xi32>,
    %dma_start3A_215 = arith.constant 0 : i32
    %dma_start3A_216 = arith.constant 0 : i32
    %dma_start3A_217 = tpu.memref_slice %arg9[%dma_start3A_215, %dma_start3A_216] : memref<2x32xi32, #tpu.memory_space<vmem>> -> memref<1x32xi32, #tpu.memory_space<vmem>>
    %dma_start3A_218 = tpu.memref_squeeze %dma_start3A_217 : memref<1x32xi32, #tpu.memory_space<vmem>> -> memref<32xi32, #tpu.memory_space<vmem>>
    %dma_start3A_219 = arith.constant 0 : i32
    %dma_start3A_220 = tpu.memref_slice %arg5[%add3A_152, %dma_start3A_219] : memref<10016x32xi32, #tpu.memory_space<hbm>> -> memref<1x32xi32, #tpu.memory_space<hbm>>
    %dma_start3A_221 = tpu.memref_squeeze %dma_start3A_220 : memref<1x32xi32, #tpu.memory_space<hbm>> -> memref<32xi32, #tpu.memory_space<hbm>>
    %dma_start3A_222 = arith.constant 0 : i32
    %dma_start3A_223 = tpu.memref_slice %arg9[%dma_start3A_215, %dma_start3A_222] : memref<2x32xi32, #tpu.memory_space<vmem>> -> memref<1x32xi32, #tpu.memory_space<vmem>>
    %dma_start3A_224 = tpu.memref_squeeze %dma_start3A_223 : memref<1x32xi32, #tpu.memory_space<vmem>> -> memref<32xi32, #tpu.memory_space<vmem>>
    %dma_start3A_225 = arith.constant 0 : i32
    %dma_start3A_226 = tpu.memref_slice %arg5[%add3A_152, %dma_start3A_225] : memref<10016x32xi32, #tpu.memory_space<hbm>> -> memref<1x32xi32, #tpu.memory_space<hbm>>
    %dma_start3A_227 = tpu.memref_squeeze %dma_start3A_226 : memref<1x32xi32, #tpu.memory_space<hbm>> -> memref<32xi32, #tpu.memory_space<hbm>>
    tpu.enqueue_dma source(%dma_start3A_227 : memref<32xi32, #tpu.memory_space<hbm>>) target(%dma_start3A_224 : memref<32xi32, #tpu.memory_space<vmem>>) target_semaphore(%arg19 : memref<!tpu.dma_semaphore, #tpu.memory_space<semaphore_mem>>)
    %dma_start3A_228 = arith.constant 0 : i32
    %dma_start3A_229 = arith.constant 0 : i32
    %dma_start3A_230 = tpu.memref_slice %arg10[%dma_start3A_228, %dma_start3A_229] : memref<2x32xi32, #tpu.memory_space<vmem>> -> memref<1x32xi32, #tpu.memory_space<vmem>>
    %dma_start3A_231 = tpu.memref_squeeze %dma_start3A_230 : memref<1x32xi32, #tpu.memory_space<vmem>> -> memref<32xi32, #tpu.memory_space<vmem>>
    %dma_start3A_232 = arith.constant 0 : i32
    %dma_start3A_233 = tpu.memref_slice %arg6[%add3A_152, %dma_start3A_232] : memref<10016x32xi32, #tpu.memory_space<hbm>> -> memref<1x32xi32, #tpu.memory_space<hbm>>
    %dma_start3A_234 = tpu.memref_squeeze %dma_start3A_233 : memref<1x32xi32, #tpu.memory_space<hbm>> -> memref<32xi32, #tpu.memory_space<hbm>>
    %dma_start3A_235 = arith.constant 0 : i32
    %dma_start3A_236 = tpu.memref_slice %arg10[%dma_start3A_228, %dma_start3A_235] : memref<2x32xi32, #tpu.memory_space<vmem>> -> memref<1x32xi32, #tpu.memory_space<vmem>>
    %dma_start3A_237 = tpu.memref_squeeze %dma_start3A_236 : memref<1x32xi32, #tpu.memory_space<vmem>> -> memref<32xi32, #tpu.memory_space<vmem>>
    %dma_start3A_238 = arith.constant 0 : i32
    %dma_start3A_239 = tpu.memref_slice %arg6[%add3A_152, %dma_start3A_238] : memref<10016x32xi32, #tpu.memory_space<hbm>> -> memref<1x32xi32, #tpu.memory_space<hbm>>
    %dma_start3A_240 = tpu.memref_squeeze %dma_start3A_239 : memref<1x32xi32, #tpu.memory_space<hbm>> -> memref<32xi32, #tpu.memory_space<hbm>>
    tpu.enqueue_dma source(%dma_start3A_240 : memref<32xi32, #tpu.memory_space<hbm>>) target(%dma_start3A_237 : memref<32xi32, #tpu.memory_space<vmem>>) target_semaphore(%arg19 : memref<!tpu.dma_semaphore, #tpu.memory_space<semaphore_mem>>)
    %dma_wait3A_241 = arith.constant 1 : i32
    %dma_wait3A_242 = arith.constant 0 : i32
    %dma_wait3A_243 = tpu.memref_slice %arg9[%dma_wait3A_241, %dma_wait3A_242] : memref<2x32xi32, #tpu.memory_space<vmem>> -> memref<1x32xi32, #tpu.memory_space<vmem>>
    %dma_wait3A_244 = tpu.memref_squeeze %dma_wait3A_243 : memref<1x32xi32, #tpu.memory_space<vmem>> -> memref<32xi32, #tpu.memory_space<vmem>>
    %dma_wait3A_245 = arith.constant 0 : i32
    %dma_wait3A_246 = tpu.memref_slice %arg5[%add3A_146, %dma_wait3A_245] : memref<10016x32xi32, #tpu.memory_space<hbm>> -> memref<1x32xi32, #tpu.memory_space<hbm>>
    %dma_wait3A_247 = tpu.memref_squeeze %dma_wait3A_246 : memref<1x32xi32, #tpu.memory_space<hbm>> -> memref<32xi32, #tpu.memory_space<hbm>>
    %dma_wait3A_248 = arith.constant 0 : i32
    %dma_wait3A_249 = tpu.memref_slice %arg9[%dma_wait3A_241, %dma_wait3A_248] : memref<2x32xi32, #tpu.memory_space<vmem>> -> memref<1x32xi32, #tpu.memory_space<vmem>>
    %dma_wait3A_250 = tpu.memref_squeeze %dma_wait3A_249 : memref<1x32xi32, #tpu.memory_space<vmem>> -> memref<32xi32, #tpu.memory_space<vmem>>
    %dma_wait3A_251 = arith.constant 0 : i32
    %dma_wait3A_252 = tpu.memref_slice %arg5[%add3A_146, %dma_wait3A_251] : memref<10016x32xi32, #tpu.memory_space<hbm>> -> memref<1x32xi32, #tpu.memory_space<hbm>>
    %dma_wait3A_253 = tpu.memref_squeeze %dma_wait3A_252 : memref<1x32xi32, #tpu.memory_space<hbm>> -> memref<32xi32, #tpu.memory_space<hbm>>
    tpu.wait_dma2 semaphore(%arg20 : memref<!tpu.dma_semaphore, #tpu.memory_space<semaphore_mem>>) src(%dma_wait3A_253 : memref<32xi32, #tpu.memory_space<hbm>>) dst(%dma_wait3A_250 : memref<32xi32, #tpu.memory_space<vmem>>)
    %dma_wait3A_254 = arith.constant 1 : i32
    %dma_wait3A_255 = arith.constant 0 : i32
    %dma_wait3A_256 = tpu.memref_slice %arg10[%dma_wait3A_254, %dma_wait3A_255] : memref<2x32xi32, #tpu.memory_space<vmem>> -> memref<1x32xi32, #tpu.memory_space<vmem>>
    %dma_wait3A_257 = tpu.memref_squeeze %dma_wait3A_256 : memref<1x32xi32, #tpu.memory_space<vmem>> -> memref<32xi32, #tpu.memory_space<vmem>>
    %dma_wait3A_258 = arith.constant 0 : i32
    %dma_wait3A_259 = tpu.memref_slice %arg6[%add3A_146, %dma_wait3A_258] : memref<10016x32xi32, #tpu.memory_space<hbm>> -> memref<1x32xi32, #tpu.memory_space<hbm>>
    %dma_wait3A_260 = tpu.memref_squeeze %dma_wait3A_259 : memref<1x32xi32, #tpu.memory_space<hbm>> -> memref<32xi32, #tpu.memory_space<hbm>>
    %dma_wait3A_261 = arith.constant 0 : i32
    %dma_wait3A_262 = tpu.memref_slice %arg10[%dma_wait3A_254, %dma_wait3A_261] : memref<2x32xi32, #tpu.memory_space<vmem>> -> memref<1x32xi32, #tpu.memory_space<vmem>>
    %dma_wait3A_263 = tpu.memref_squeeze %dma_wait3A_262 : memref<1x32xi32, #tpu.memory_space<vmem>> -> memref<32xi32, #tpu.memory_space<vmem>>
    %dma_wait3A_264 = arith.constant 0 : i32
    %dma_wait3A_265 = tpu.memref_slice %arg6[%add3A_146, %dma_wait3A_264] : memref<10016x32xi32, #tpu.memory_space<hbm>> -> memref<1x32xi32, #tpu.memory_space<hbm>>
    %dma_wait3A_266 = tpu.memref_squeeze %dma_wait3A_265 : memref<1x32xi32, #tpu.memory_space<hbm>> -> memref<32xi32, #tpu.memory_space<hbm>>
    tpu.wait_dma2 semaphore(%arg20 : memref<!tpu.dma_semaphore, #tpu.memory_space<semaphore_mem>>) src(%dma_wait3A_266 : memref<32xi32, #tpu.memory_space<hbm>>) dst(%dma_wait3A_263 : memref<32xi32, #tpu.memory_space<vmem>>)
    %dma_start3A_267 = arith.constant 1 : i32
    %dma_start3A_268 = arith.constant 1 : i32
    %dma_start3A_269 = arith.constant 0 : i32
    %dma_start3A_270 = arith.constant 0 : i32
    %dma_start3A_271 = tpu.memref_slice %arg12[%dma_start3A_268, %dma_start3A_269, %dma_start3A_270] : memref<2x32x128xf32, #tpu.memory_space<vmem>> -> memref<1x32x128xf32, #tpu.memory_space<vmem>>
    %dma_start3A_272 = tpu.memref_squeeze %dma_start3A_271 : memref<1x32x128xf32, #tpu.memory_space<vmem>> -> memref<32x128xf32, #tpu.memory_space<vmem>>
    %dma_start3A_273 = arith.constant 0 : i32
    %dma_start3A_274 = tpu.memref_slice %arg9[%dma_start3A_267, %dma_start3A_273] : memref<2x32xi32, #tpu.memory_space<vmem>> -> memref<1x32xi32, #tpu.memory_space<vmem>>
    %dma_start3A_275 = tpu.memref_squeeze %dma_start3A_274 : memref<1x32xi32, #tpu.memory_space<vmem>> -> memref<32xi32, #tpu.memory_space<vmem>>
    %dma_start3A_276 = arith.constant 0 : i32
    %dma_start3A_277 = arith.constant 0 : i32
    %dma_start3A_278 = tpu.memref_slice %arg3[%dma_start3A_276, %dma_start3A_277] : memref<10008x128xf32, #tpu.memory_space<hbm>> -> memref<10008x128xf32, #tpu.memory_space<hbm>>
    tpu.enqueue_indirect_dma source(%dma_start3A_278 : memref<10008x128xf32, #tpu.memory_space<hbm>>) target(%dma_start3A_272 : memref<32x128xf32, #tpu.memory_space<vmem>>) offsets(%dma_start3A_275 : memref<32xi32, #tpu.memory_space<vmem>>) semaphore(%arg18 : memref<!tpu.dma_semaphore, #tpu.memory_space<semaphore_mem>>)
    %dma_start3A_279 = arith.constant 1 : i32
    %dma_start3A_280 = arith.constant 1 : i32
    %dma_start3A_281 = arith.constant 0 : i32
    %dma_start3A_282 = arith.constant 0 : i32
    %dma_start3A_283 = tpu.memref_slice %arg13[%dma_start3A_280, %dma_start3A_281, %dma_start3A_282] : memref<2x32x128xf32, #tpu.memory_space<vmem>> -> memref<1x32x128xf32, #tpu.memory_space<vmem>>
    %dma_start3A_284 = tpu.memref_squeeze %dma_start3A_283 : memref<1x32x128xf32, #tpu.memory_space<vmem>> -> memref<32x128xf32, #tpu.memory_space<vmem>>
    %dma_start3A_285 = arith.constant 0 : i32
    %dma_start3A_286 = tpu.memref_slice %arg10[%dma_start3A_279, %dma_start3A_285] : memref<2x32xi32, #tpu.memory_space<vmem>> -> memref<1x32xi32, #tpu.memory_space<vmem>>
    %dma_start3A_287 = tpu.memref_squeeze %dma_start3A_286 : memref<1x32xi32, #tpu.memory_space<vmem>> -> memref<32xi32, #tpu.memory_space<vmem>>
    %dma_start3A_288 = arith.constant 0 : i32
    %dma_start3A_289 = arith.constant 0 : i32
    %dma_start3A_290 = tpu.memref_slice %arg2[%dma_start3A_288, %dma_start3A_289] : memref<10008x128xf32, #tpu.memory_space<hbm>> -> memref<10008x128xf32, #tpu.memory_space<hbm>>
    tpu.enqueue_indirect_dma source(%dma_start3A_290 : memref<10008x128xf32, #tpu.memory_space<hbm>>) target(%dma_start3A_284 : memref<32x128xf32, #tpu.memory_space<vmem>>) offsets(%dma_start3A_287 : memref<32xi32, #tpu.memory_space<vmem>>) semaphore(%arg18 : memref<!tpu.dma_semaphore, #tpu.memory_space<semaphore_mem>>)
    %dma_start3A_291 = arith.constant 1 : i32
    %dma_start3A_292 = arith.constant 1 : i32
    %dma_start3A_293 = arith.constant 0 : i32
    %dma_start3A_294 = arith.constant 0 : i32
    %dma_start3A_295 = tpu.memref_slice %arg14[%dma_start3A_292, %dma_start3A_293, %dma_start3A_294] : memref<2x32x128xf32, #tpu.memory_space<vmem>> -> memref<1x32x128xf32, #tpu.memory_space<vmem>>
    %dma_start3A_296 = tpu.memref_squeeze %dma_start3A_295 : memref<1x32x128xf32, #tpu.memory_space<vmem>> -> memref<32x128xf32, #tpu.memory_space<vmem>>
    %dma_start3A_297 = arith.constant 0 : i32
    %dma_start3A_298 = tpu.memref_slice %arg9[%dma_start3A_291, %dma_start3A_297] : memref<2x32xi32, #tpu.memory_space<vmem>> -> memref<1x32xi32, #tpu.memory_space<vmem>>
    %dma_start3A_299 = tpu.memref_squeeze %dma_start3A_298 : memref<1x32xi32, #tpu.memory_space<vmem>> -> memref<32xi32, #tpu.memory_space<vmem>>
    %dma_start3A_300 = arith.constant 0 : i32
    %dma_start3A_301 = arith.constant 0 : i32
    %dma_start3A_302 = tpu.memref_slice %arg4[%dma_start3A_300, %dma_start3A_301] : memref<10008x128xf32, #tpu.memory_space<hbm>> -> memref<10008x128xf32, #tpu.memory_space<hbm>>
    tpu.enqueue_indirect_dma source(%dma_start3A_302 : memref<10008x128xf32, #tpu.memory_space<hbm>>) target(%dma_start3A_296 : memref<32x128xf32, #tpu.memory_space<vmem>>) offsets(%dma_start3A_299 : memref<32xi32, #tpu.memory_space<vmem>>) semaphore(%arg18 : memref<!tpu.dma_semaphore, #tpu.memory_space<semaphore_mem>>)
    %add3A_303 = arith.constant 0 : i32
    %add3A_304 = vector.broadcast %add3A_303 : i32 to vector<16xi32>
    %add3A_305 = arith.addi %add3A_304, %iota3A : vector<16xi32>
    %scan3A_306 = arith.constant 0 : i32
    %scan3A_307 = arith.constant 16 : i32
    %scan3A_308 = arith.addi %scan3A_306, %scan3A_307 : i32
    %scan3A_309 = arith.constant 1 : i32
    %scan3A_310:4 = scf.for %scan3A_510 = %scan3A_306 to %scan3A_308 step %scan3A_309 iter_args(%scan3A_511 = %broadcast_in_dim3A_3, %scan3A_512 = %broadcast_in_dim3A_3, %scan3A_513 = %broadcast_in_dim3A_3, %scan3A_514 = %broadcast_in_dim3A_3) -> (vector<16xf32>, vector<16xf32>, vector<16xf32>, vector<16xf32>)  : i32 {
      %mul3A_515 = arith.constant 2 : i32
      %mul3A_516 = arith.muli %scan3A_510, %mul3A_515 : i32
      %add3A_517 = arith.constant 0 : i32
      %add3A_518 = arith.addi %mul3A_516, %add3A_517 : i32
      %add3A_519 = vector.broadcast %add3A_518 : i32 to vector<16xi32>
      %add3A_520 = arith.addi %add3A_519, %iota3A : vector<16xi32>
      %and3A = arith.constant 31 : i32
      %and3A_521 = vector.broadcast %and3A : i32 to vector<16xi32>
      %and3A_522 = arith.andi %add3A_520, %and3A_521 : vector<16xi32>
      %add3A_523 = arith.addi %broadcast_in_dim3A_7, %and3A_522 : vector<16xi32>
      %gather3A = tpu.vector_load_idx %arg12[%broadcast_in_dim3A_23, %add3A_305, %add3A_523] : memref<2x32x128xf32, #tpu.memory_space<vmem>>[vector<16xi32>, vector<16xi32>, vector<16xi32>], vector<16xf32>,
      %gather3A_524 = tpu.vector_load_idx %arg13[%broadcast_in_dim3A_23, %add3A_305, %add3A_523] : memref<2x32x128xf32, #tpu.memory_space<vmem>>[vector<16xi32>, vector<16xi32>, vector<16xi32>], vector<16xf32>,
      %mul3A_525 = arith.mulf %gather3A, %gather3A_524 : vector<16xf32>
      %add3A_526 = arith.addf %scan3A_511, %mul3A_525 : vector<16xf32>
      %add3A_527 = arith.addi %broadcast_in_dim3A_9, %and3A_522 : vector<16xi32>
      %gather3A_528 = tpu.vector_load_idx %arg12[%broadcast_in_dim3A_23, %add3A_305, %add3A_527] : memref<2x32x128xf32, #tpu.memory_space<vmem>>[vector<16xi32>, vector<16xi32>, vector<16xi32>], vector<16xf32>,
      %gather3A_529 = tpu.vector_load_idx %arg13[%broadcast_in_dim3A_23, %add3A_305, %add3A_527] : memref<2x32x128xf32, #tpu.memory_space<vmem>>[vector<16xi32>, vector<16xi32>, vector<16xi32>], vector<16xf32>,
      %mul3A_530 = arith.mulf %gather3A_528, %gather3A_529 : vector<16xf32>
      %add3A_531 = arith.addf %scan3A_512, %mul3A_530 : vector<16xf32>
      %add3A_532 = arith.addi %broadcast_in_dim3A_11, %and3A_522 : vector<16xi32>
      %gather3A_533 = tpu.vector_load_idx %arg12[%broadcast_in_dim3A_23, %add3A_305, %add3A_532] : memref<2x32x128xf32, #tpu.memory_space<vmem>>[vector<16xi32>, vector<16xi32>, vector<16xi32>], vector<16xf32>,
      %gather3A_534 = tpu.vector_load_idx %arg13[%broadcast_in_dim3A_23, %add3A_305, %add3A_532] : memref<2x32x128xf32, #tpu.memory_space<vmem>>[vector<16xi32>, vector<16xi32>, vector<16xi32>], vector<16xf32>,
      %mul3A_535 = arith.mulf %gather3A_533, %gather3A_534 : vector<16xf32>
      %add3A_536 = arith.addf %scan3A_513, %mul3A_535 : vector<16xf32>
      %add3A_537 = arith.addi %broadcast_in_dim3A_13, %and3A_522 : vector<16xi32>
      %gather3A_538 = tpu.vector_load_idx %arg12[%broadcast_in_dim3A_23, %add3A_305, %add3A_537] : memref<2x32x128xf32, #tpu.memory_space<vmem>>[vector<16xi32>, vector<16xi32>, vector<16xi32>], vector<16xf32>,
      %gather3A_539 = tpu.vector_load_idx %arg13[%broadcast_in_dim3A_23, %add3A_305, %add3A_537] : memref<2x32x128xf32, #tpu.memory_space<vmem>>[vector<16xi32>, vector<16xi32>, vector<16xi32>], vector<16xf32>,
      %mul3A_540 = arith.mulf %gather3A_538, %gather3A_539 : vector<16xf32>
      %add3A_541 = arith.addf %scan3A_514, %mul3A_540 : vector<16xf32>
      %mul3A_542 = arith.constant 2 : i32
      %mul3A_543 = arith.muli %scan3A_510, %mul3A_542 : i32
      %add3A_544 = arith.constant 1 : i32
      %add3A_545 = arith.addi %mul3A_543, %add3A_544 : i32
      %add3A_546 = vector.broadcast %add3A_545 : i32 to vector<16xi32>
      %add3A_547 = arith.addi %add3A_546, %iota3A : vector<16xi32>
      %and3A_548 = arith.constant 31 : i32
      %and3A_549 = vector.broadcast %and3A_548 : i32 to vector<16xi32>
      %and3A_550 = arith.andi %add3A_547, %and3A_549 : vector<16xi32>
      %add3A_551 = arith.addi %broadcast_in_dim3A_7, %and3A_550 : vector<16xi32>
      %gather3A_552 = tpu.vector_load_idx %arg12[%broadcast_in_dim3A_23, %add3A_305, %add3A_551] : memref<2x32x128xf32, #tpu.memory_space<vmem>>[vector<16xi32>, vector<16xi32>, vector<16xi32>], vector<16xf32>,
      %gather3A_553 = tpu.vector_load_idx %arg13[%broadcast_in_dim3A_23, %add3A_305, %add3A_551] : memref<2x32x128xf32, #tpu.memory_space<vmem>>[vector<16xi32>, vector<16xi32>, vector<16xi32>], vector<16xf32>,
      %mul3A_554 = arith.mulf %gather3A_552, %gather3A_553 : vector<16xf32>
      %add3A_555 = arith.addf %add3A_526, %mul3A_554 : vector<16xf32>
      %add3A_556 = arith.addi %broadcast_in_dim3A_9, %and3A_550 : vector<16xi32>
      %gather3A_557 = tpu.vector_load_idx %arg12[%broadcast_in_dim3A_23, %add3A_305, %add3A_556] : memref<2x32x128xf32, #tpu.memory_space<vmem>>[vector<16xi32>, vector<16xi32>, vector<16xi32>], vector<16xf32>,
      %gather3A_558 = tpu.vector_load_idx %arg13[%broadcast_in_dim3A_23, %add3A_305, %add3A_556] : memref<2x32x128xf32, #tpu.memory_space<vmem>>[vector<16xi32>, vector<16xi32>, vector<16xi32>], vector<16xf32>,
      %mul3A_559 = arith.mulf %gather3A_557, %gather3A_558 : vector<16xf32>
      %add3A_560 = arith.addf %add3A_531, %mul3A_559 : vector<16xf32>
      %add3A_561 = arith.addi %broadcast_in_dim3A_11, %and3A_550 : vector<16xi32>
      %gather3A_562 = tpu.vector_load_idx %arg12[%broadcast_in_dim3A_23, %add3A_305, %add3A_561] : memref<2x32x128xf32, #tpu.memory_space<vmem>>[vector<16xi32>, vector<16xi32>, vector<16xi32>], vector<16xf32>,
      %gather3A_563 = tpu.vector_load_idx %arg13[%broadcast_in_dim3A_23, %add3A_305, %add3A_561] : memref<2x32x128xf32, #tpu.memory_space<vmem>>[vector<16xi32>, vector<16xi32>, vector<16xi32>], vector<16xf32>,
      %mul3A_564 = arith.mulf %gather3A_562, %gather3A_563 : vector<16xf32>
      %add3A_565 = arith.addf %add3A_536, %mul3A_564 : vector<16xf32>
      %add3A_566 = arith.addi %broadcast_in_dim3A_13, %and3A_550 : vector<16xi32>
      %gather3A_567 = tpu.vector_load_idx %arg12[%broadcast_in_dim3A_23, %add3A_305, %add3A_566] : memref<2x32x128xf32, #tpu.memory_space<vmem>>[vector<16xi32>, vector<16xi32>, vector<16xi32>], vector<16xf32>,
      %gather3A_568 = tpu.vector_load_idx %arg13[%broadcast_in_dim3A_23, %add3A_305, %add3A_566] : memref<2x32x128xf32, #tpu.memory_space<vmem>>[vector<16xi32>, vector<16xi32>, vector<16xi32>], vector<16xf32>,
      %mul3A_569 = arith.mulf %gather3A_567, %gather3A_568 : vector<16xf32>
      %add3A_570 = arith.addf %add3A_541, %mul3A_569 : vector<16xf32>
      scf.yield %add3A_555, %add3A_560, %add3A_565, %add3A_570 : vector<16xf32>, vector<16xf32>, vector<16xf32>, vector<16xf32>
    }
    %scan3A_311 = arith.constant 16 : i32
    %mul3A_312 = arith.constant 0.0883883461 : f32
    %mul3A_313 = vector.broadcast %mul3A_312 : f32 to vector<16xf32>
    %mul3A_314 = arith.mulf %scan3A_310#0, %mul3A_313 : vector<16xf32>
    %max3A = arith.constant -5.000000e+00 : f32
    %max3A_315 = vector.broadcast %max3A : f32 to vector<16xf32>
    %max3A_316 = arith.maximumf %mul3A_314, %max3A_315 : vector<16xf32>
    %min3A_317 = arith.constant 5.000000e+00 : f32
    %min3A_318 = vector.broadcast %min3A_317 : f32 to vector<16xf32>
    %min3A_319 = arith.minimumf %max3A_316, %min3A_318 : vector<16xf32>
    %exp3A = math.exp %min3A_319 : vector<16xf32>
    %mul3A_320 = arith.constant 0.0883883461 : f32
    %mul3A_321 = vector.broadcast %mul3A_320 : f32 to vector<16xf32>
    %mul3A_322 = arith.mulf %scan3A_310#1, %mul3A_321 : vector<16xf32>
    %max3A_323 = arith.constant -5.000000e+00 : f32
    %max3A_324 = vector.broadcast %max3A_323 : f32 to vector<16xf32>
    %max3A_325 = arith.maximumf %mul3A_322, %max3A_324 : vector<16xf32>
    %min3A_326 = arith.constant 5.000000e+00 : f32
    %min3A_327 = vector.broadcast %min3A_326 : f32 to vector<16xf32>
    %min3A_328 = arith.minimumf %max3A_325, %min3A_327 : vector<16xf32>
    %exp3A_329 = math.exp %min3A_328 : vector<16xf32>
    %mul3A_330 = arith.constant 0.0883883461 : f32
    %mul3A_331 = vector.broadcast %mul3A_330 : f32 to vector<16xf32>
    %mul3A_332 = arith.mulf %scan3A_310#2, %mul3A_331 : vector<16xf32>
    %max3A_333 = arith.constant -5.000000e+00 : f32
    %max3A_334 = vector.broadcast %max3A_333 : f32 to vector<16xf32>
    %max3A_335 = arith.maximumf %mul3A_332, %max3A_334 : vector<16xf32>
    %min3A_336 = arith.constant 5.000000e+00 : f32
    %min3A_337 = vector.broadcast %min3A_336 : f32 to vector<16xf32>
    %min3A_338 = arith.minimumf %max3A_335, %min3A_337 : vector<16xf32>
    %exp3A_339 = math.exp %min3A_338 : vector<16xf32>
    %mul3A_340 = arith.constant 0.0883883461 : f32
    %mul3A_341 = vector.broadcast %mul3A_340 : f32 to vector<16xf32>
    %mul3A_342 = arith.mulf %scan3A_310#3, %mul3A_341 : vector<16xf32>
    %max3A_343 = arith.constant -5.000000e+00 : f32
    %max3A_344 = vector.broadcast %max3A_343 : f32 to vector<16xf32>
    %max3A_345 = arith.maximumf %mul3A_342, %max3A_344 : vector<16xf32>
    %min3A_346 = arith.constant 5.000000e+00 : f32
    %min3A_347 = vector.broadcast %min3A_346 : f32 to vector<16xf32>
    %min3A_348 = arith.minimumf %max3A_345, %min3A_347 : vector<16xf32>
    %exp3A_349 = math.exp %min3A_348 : vector<16xf32>
    %scan3A_350 = arith.constant 0 : i32
    %scan3A_351 = arith.constant 0 : i32
    %scan3A_352 = arith.constant 16 : i32
    %scan3A_353 = arith.addi %scan3A_351, %scan3A_352 : i32
    %scan3A_354 = arith.constant 1 : i32
    scf.for %scan3A_510 = %scan3A_351 to %scan3A_353 step %scan3A_354  : i32 {
      %mul3A_511 = arith.constant 2 : i32
      %mul3A_512 = arith.muli %scan3A_510, %mul3A_511 : i32
      %add3A_513 = arith.constant 0 : i32
      %add3A_514 = arith.addi %mul3A_512, %add3A_513 : i32
      %add3A_515 = vector.broadcast %add3A_514 : i32 to vector<16xi32>
      %add3A_516 = arith.addi %add3A_515, %iota3A : vector<16xi32>
      %and3A = arith.constant 31 : i32
      %and3A_517 = vector.broadcast %and3A : i32 to vector<16xi32>
      %and3A_518 = arith.andi %add3A_516, %and3A_517 : vector<16xi32>
      %add3A_519 = arith.addi %broadcast_in_dim3A_7, %and3A_518 : vector<16xi32>
      %gather3A = tpu.vector_load_idx %arg14[%broadcast_in_dim3A_23, %add3A_305, %add3A_519] : memref<2x32x128xf32, #tpu.memory_space<vmem>>[vector<16xi32>, vector<16xi32>, vector<16xi32>], vector<16xf32>,
      %mul3A_520 = arith.mulf %gather3A, %exp3A : vector<16xf32>
      tpu.vector_store_idx %arg15[%broadcast_in_dim3A_23, %add3A_305, %add3A_519], %mul3A_520 : memref<2x32x144xf32, #tpu.memory_space<vmem>>[vector<16xi32>, vector<16xi32>, vector<16xi32>], vector<16xf32>,
      %add3A_521 = arith.addi %broadcast_in_dim3A_9, %and3A_518 : vector<16xi32>
      %gather3A_522 = tpu.vector_load_idx %arg14[%broadcast_in_dim3A_23, %add3A_305, %add3A_521] : memref<2x32x128xf32, #tpu.memory_space<vmem>>[vector<16xi32>, vector<16xi32>, vector<16xi32>], vector<16xf32>,
      %mul3A_523 = arith.mulf %gather3A_522, %exp3A_329 : vector<16xf32>
      tpu.vector_store_idx %arg15[%broadcast_in_dim3A_23, %add3A_305, %add3A_521], %mul3A_523 : memref<2x32x144xf32, #tpu.memory_space<vmem>>[vector<16xi32>, vector<16xi32>, vector<16xi32>], vector<16xf32>,
      %add3A_524 = arith.addi %broadcast_in_dim3A_11, %and3A_518 : vector<16xi32>
      %gather3A_525 = tpu.vector_load_idx %arg14[%broadcast_in_dim3A_23, %add3A_305, %add3A_524] : memref<2x32x128xf32, #tpu.memory_space<vmem>>[vector<16xi32>, vector<16xi32>, vector<16xi32>], vector<16xf32>,
      %mul3A_526 = arith.mulf %gather3A_525, %exp3A_339 : vector<16xf32>
      tpu.vector_store_idx %arg15[%broadcast_in_dim3A_23, %add3A_305, %add3A_524], %mul3A_526 : memref<2x32x144xf32, #tpu.memory_space<vmem>>[vector<16xi32>, vector<16xi32>, vector<16xi32>], vector<16xf32>,
      %add3A_527 = arith.addi %broadcast_in_dim3A_13, %and3A_518 : vector<16xi32>
      %gather3A_528 = tpu.vector_load_idx %arg14[%broadcast_in_dim3A_23, %add3A_305, %add3A_527] : memref<2x32x128xf32, #tpu.memory_space<vmem>>[vector<16xi32>, vector<16xi32>, vector<16xi32>], vector<16xf32>,
      %mul3A_529 = arith.mulf %gather3A_528, %exp3A_349 : vector<16xf32>
      tpu.vector_store_idx %arg15[%broadcast_in_dim3A_23, %add3A_305, %add3A_527], %mul3A_529 : memref<2x32x144xf32, #tpu.memory_space<vmem>>[vector<16xi32>, vector<16xi32>, vector<16xi32>], vector<16xf32>,
      %mul3A_530 = arith.constant 2 : i32
      %mul3A_531 = arith.muli %scan3A_510, %mul3A_530 : i32
      %add3A_532 = arith.constant 1 : i32
      %add3A_533 = arith.addi %mul3A_531, %add3A_532 : i32
      %add3A_534 = vector.broadcast %add3A_533 : i32 to vector<16xi32>
      %add3A_535 = arith.addi %add3A_534, %iota3A : vector<16xi32>
      %and3A_536 = arith.constant 31 : i32
      %and3A_537 = vector.broadcast %and3A_536 : i32 to vector<16xi32>
      %and3A_538 = arith.andi %add3A_535, %and3A_537 : vector<16xi32>
      %add3A_539 = arith.addi %broadcast_in_dim3A_7, %and3A_538 : vector<16xi32>
      %gather3A_540 = tpu.vector_load_idx %arg14[%broadcast_in_dim3A_23, %add3A_305, %add3A_539] : memref<2x32x128xf32, #tpu.memory_space<vmem>>[vector<16xi32>, vector<16xi32>, vector<16xi32>], vector<16xf32>,
      %mul3A_541 = arith.mulf %gather3A_540, %exp3A : vector<16xf32>
      tpu.vector_store_idx %arg15[%broadcast_in_dim3A_23, %add3A_305, %add3A_539], %mul3A_541 : memref<2x32x144xf32, #tpu.memory_space<vmem>>[vector<16xi32>, vector<16xi32>, vector<16xi32>], vector<16xf32>,
      %add3A_542 = arith.addi %broadcast_in_dim3A_9, %and3A_538 : vector<16xi32>
      %gather3A_543 = tpu.vector_load_idx %arg14[%broadcast_in_dim3A_23, %add3A_305, %add3A_542] : memref<2x32x128xf32, #tpu.memory_space<vmem>>[vector<16xi32>, vector<16xi32>, vector<16xi32>], vector<16xf32>,
      %mul3A_544 = arith.mulf %gather3A_543, %exp3A_329 : vector<16xf32>
      tpu.vector_store_idx %arg15[%broadcast_in_dim3A_23, %add3A_305, %add3A_542], %mul3A_544 : memref<2x32x144xf32, #tpu.memory_space<vmem>>[vector<16xi32>, vector<16xi32>, vector<16xi32>], vector<16xf32>,
      %add3A_545 = arith.addi %broadcast_in_dim3A_11, %and3A_538 : vector<16xi32>
      %gather3A_546 = tpu.vector_load_idx %arg14[%broadcast_in_dim3A_23, %add3A_305, %add3A_545] : memref<2x32x128xf32, #tpu.memory_space<vmem>>[vector<16xi32>, vector<16xi32>, vector<16xi32>], vector<16xf32>,
      %mul3A_547 = arith.mulf %gather3A_546, %exp3A_339 : vector<16xf32>
      tpu.vector_store_idx %arg15[%broadcast_in_dim3A_23, %add3A_305, %add3A_545], %mul3A_547 : memref<2x32x144xf32, #tpu.memory_space<vmem>>[vector<16xi32>, vector<16xi32>, vector<16xi32>], vector<16xf32>,
      %add3A_548 = arith.addi %broadcast_in_dim3A_13, %and3A_538 : vector<16xi32>
      %gather3A_549 = tpu.vector_load_idx %arg14[%broadcast_in_dim3A_23, %add3A_305, %add3A_548] : memref<2x32x128xf32, #tpu.memory_space<vmem>>[vector<16xi32>, vector<16xi32>, vector<16xi32>], vector<16xf32>,
      %mul3A_550 = arith.mulf %gather3A_549, %exp3A_349 : vector<16xf32>
      tpu.vector_store_idx %arg15[%broadcast_in_dim3A_23, %add3A_305, %add3A_548], %mul3A_550 : memref<2x32x144xf32, #tpu.memory_space<vmem>>[vector<16xi32>, vector<16xi32>, vector<16xi32>], vector<16xf32>,
    }
    %scan3A_355 = arith.constant 16 : i32
    tpu.vector_store_idx %arg15[%broadcast_in_dim3A_23, %add3A_305, %broadcast_in_dim3A_15], %exp3A : memref<2x32x144xf32, #tpu.memory_space<vmem>>[vector<16xi32>, vector<16xi32>, vector<16xi32>], vector<16xf32>,
    tpu.vector_store_idx %arg15[%broadcast_in_dim3A_23, %add3A_305, %broadcast_in_dim3A_17], %exp3A_329 : memref<2x32x144xf32, #tpu.memory_space<vmem>>[vector<16xi32>, vector<16xi32>, vector<16xi32>], vector<16xf32>,
    tpu.vector_store_idx %arg15[%broadcast_in_dim3A_23, %add3A_305, %broadcast_in_dim3A_19], %exp3A_339 : memref<2x32x144xf32, #tpu.memory_space<vmem>>[vector<16xi32>, vector<16xi32>, vector<16xi32>], vector<16xf32>,
    tpu.vector_store_idx %arg15[%broadcast_in_dim3A_23, %add3A_305, %broadcast_in_dim3A_21], %exp3A_349 : memref<2x32x144xf32, #tpu.memory_space<vmem>>[vector<16xi32>, vector<16xi32>, vector<16xi32>], vector<16xf32>,
    %add3A_356 = arith.constant 16 : i32
    %add3A_357 = vector.broadcast %add3A_356 : i32 to vector<16xi32>
    %add3A_358 = arith.addi %add3A_357, %iota3A : vector<16xi32>
    %scan3A_359 = arith.constant 0 : i32
    %scan3A_360 = arith.constant 16 : i32
    %scan3A_361 = arith.addi %scan3A_359, %scan3A_360 : i32
    %scan3A_362 = arith.constant 1 : i32
    %scan3A_363:4 = scf.for %scan3A_510 = %scan3A_359 to %scan3A_361 step %scan3A_362 iter_args(%scan3A_511 = %broadcast_in_dim3A_3, %scan3A_512 = %broadcast_in_dim3A_3, %scan3A_513 = %broadcast_in_dim3A_3, %scan3A_514 = %broadcast_in_dim3A_3) -> (vector<16xf32>, vector<16xf32>, vector<16xf32>, vector<16xf32>)  : i32 {
      %mul3A_515 = arith.constant 2 : i32
      %mul3A_516 = arith.muli %scan3A_510, %mul3A_515 : i32
      %add3A_517 = arith.constant 0 : i32
      %add3A_518 = arith.addi %mul3A_516, %add3A_517 : i32
      %add3A_519 = vector.broadcast %add3A_518 : i32 to vector<16xi32>
      %add3A_520 = arith.addi %add3A_519, %iota3A : vector<16xi32>
      %and3A = arith.constant 31 : i32
      %and3A_521 = vector.broadcast %and3A : i32 to vector<16xi32>
      %and3A_522 = arith.andi %add3A_520, %and3A_521 : vector<16xi32>
      %add3A_523 = arith.addi %broadcast_in_dim3A_7, %and3A_522 : vector<16xi32>
      %gather3A = tpu.vector_load_idx %arg12[%broadcast_in_dim3A_23, %add3A_358, %add3A_523] : memref<2x32x128xf32, #tpu.memory_space<vmem>>[vector<16xi32>, vector<16xi32>, vector<16xi32>], vector<16xf32>,
      %gather3A_524 = tpu.vector_load_idx %arg13[%broadcast_in_dim3A_23, %add3A_358, %add3A_523] : memref<2x32x128xf32, #tpu.memory_space<vmem>>[vector<16xi32>, vector<16xi32>, vector<16xi32>], vector<16xf32>,
      %mul3A_525 = arith.mulf %gather3A, %gather3A_524 : vector<16xf32>
      %add3A_526 = arith.addf %scan3A_511, %mul3A_525 : vector<16xf32>
      %add3A_527 = arith.addi %broadcast_in_dim3A_9, %and3A_522 : vector<16xi32>
      %gather3A_528 = tpu.vector_load_idx %arg12[%broadcast_in_dim3A_23, %add3A_358, %add3A_527] : memref<2x32x128xf32, #tpu.memory_space<vmem>>[vector<16xi32>, vector<16xi32>, vector<16xi32>], vector<16xf32>,
      %gather3A_529 = tpu.vector_load_idx %arg13[%broadcast_in_dim3A_23, %add3A_358, %add3A_527] : memref<2x32x128xf32, #tpu.memory_space<vmem>>[vector<16xi32>, vector<16xi32>, vector<16xi32>], vector<16xf32>,
      %mul3A_530 = arith.mulf %gather3A_528, %gather3A_529 : vector<16xf32>
      %add3A_531 = arith.addf %scan3A_512, %mul3A_530 : vector<16xf32>
      %add3A_532 = arith.addi %broadcast_in_dim3A_11, %and3A_522 : vector<16xi32>
      %gather3A_533 = tpu.vector_load_idx %arg12[%broadcast_in_dim3A_23, %add3A_358, %add3A_532] : memref<2x32x128xf32, #tpu.memory_space<vmem>>[vector<16xi32>, vector<16xi32>, vector<16xi32>], vector<16xf32>,
      %gather3A_534 = tpu.vector_load_idx %arg13[%broadcast_in_dim3A_23, %add3A_358, %add3A_532] : memref<2x32x128xf32, #tpu.memory_space<vmem>>[vector<16xi32>, vector<16xi32>, vector<16xi32>], vector<16xf32>,
      %mul3A_535 = arith.mulf %gather3A_533, %gather3A_534 : vector<16xf32>
      %add3A_536 = arith.addf %scan3A_513, %mul3A_535 : vector<16xf32>
      %add3A_537 = arith.addi %broadcast_in_dim3A_13, %and3A_522 : vector<16xi32>
      %gather3A_538 = tpu.vector_load_idx %arg12[%broadcast_in_dim3A_23, %add3A_358, %add3A_537] : memref<2x32x128xf32, #tpu.memory_space<vmem>>[vector<16xi32>, vector<16xi32>, vector<16xi32>], vector<16xf32>,
      %gather3A_539 = tpu.vector_load_idx %arg13[%broadcast_in_dim3A_23, %add3A_358, %add3A_537] : memref<2x32x128xf32, #tpu.memory_space<vmem>>[vector<16xi32>, vector<16xi32>, vector<16xi32>], vector<16xf32>,
      %mul3A_540 = arith.mulf %gather3A_538, %gather3A_539 : vector<16xf32>
      %add3A_541 = arith.addf %scan3A_514, %mul3A_540 : vector<16xf32>
      %mul3A_542 = arith.constant 2 : i32
      %mul3A_543 = arith.muli %scan3A_510, %mul3A_542 : i32
      %add3A_544 = arith.constant 1 : i32
      %add3A_545 = arith.addi %mul3A_543, %add3A_544 : i32
      %add3A_546 = vector.broadcast %add3A_545 : i32 to vector<16xi32>
      %add3A_547 = arith.addi %add3A_546, %iota3A : vector<16xi32>
      %and3A_548 = arith.constant 31 : i32
      %and3A_549 = vector.broadcast %and3A_548 : i32 to vector<16xi32>
      %and3A_550 = arith.andi %add3A_547, %and3A_549 : vector<16xi32>
      %add3A_551 = arith.addi %broadcast_in_dim3A_7, %and3A_550 : vector<16xi32>
      %gather3A_552 = tpu.vector_load_idx %arg12[%broadcast_in_dim3A_23, %add3A_358, %add3A_551] : memref<2x32x128xf32, #tpu.memory_space<vmem>>[vector<16xi32>, vector<16xi32>, vector<16xi32>], vector<16xf32>,
      %gather3A_553 = tpu.vector_load_idx %arg13[%broadcast_in_dim3A_23, %add3A_358, %add3A_551] : memref<2x32x128xf32, #tpu.memory_space<vmem>>[vector<16xi32>, vector<16xi32>, vector<16xi32>], vector<16xf32>,
      %mul3A_554 = arith.mulf %gather3A_552, %gather3A_553 : vector<16xf32>
      %add3A_555 = arith.addf %add3A_526, %mul3A_554 : vector<16xf32>
      %add3A_556 = arith.addi %broadcast_in_dim3A_9, %and3A_550 : vector<16xi32>
      %gather3A_557 = tpu.vector_load_idx %arg12[%broadcast_in_dim3A_23, %add3A_358, %add3A_556] : memref<2x32x128xf32, #tpu.memory_space<vmem>>[vector<16xi32>, vector<16xi32>, vector<16xi32>], vector<16xf32>,
      %gather3A_558 = tpu.vector_load_idx %arg13[%broadcast_in_dim3A_23, %add3A_358, %add3A_556] : memref<2x32x128xf32, #tpu.memory_space<vmem>>[vector<16xi32>, vector<16xi32>, vector<16xi32>], vector<16xf32>,
      %mul3A_559 = arith.mulf %gather3A_557, %gather3A_558 : vector<16xf32>
      %add3A_560 = arith.addf %add3A_531, %mul3A_559 : vector<16xf32>
      %add3A_561 = arith.addi %broadcast_in_dim3A_11, %and3A_550 : vector<16xi32>
      %gather3A_562 = tpu.vector_load_idx %arg12[%broadcast_in_dim3A_23, %add3A_358, %add3A_561] : memref<2x32x128xf32, #tpu.memory_space<vmem>>[vector<16xi32>, vector<16xi32>, vector<16xi32>], vector<16xf32>,
      %gather3A_563 = tpu.vector_load_idx %arg13[%broadcast_in_dim3A_23, %add3A_358, %add3A_561] : memref<2x32x128xf32, #tpu.memory_space<vmem>>[vector<16xi32>, vector<16xi32>, vector<16xi32>], vector<16xf32>,
      %mul3A_564 = arith.mulf %gather3A_562, %gather3A_563 : vector<16xf32>
      %add3A_565 = arith.addf %add3A_536, %mul3A_564 : vector<16xf32>
      %add3A_566 = arith.addi %broadcast_in_dim3A_13, %and3A_550 : vector<16xi32>
      %gather3A_567 = tpu.vector_load_idx %arg12[%broadcast_in_dim3A_23, %add3A_358, %add3A_566] : memref<2x32x128xf32, #tpu.memory_space<vmem>>[vector<16xi32>, vector<16xi32>, vector<16xi32>], vector<16xf32>,
      %gather3A_568 = tpu.vector_load_idx %arg13[%broadcast_in_dim3A_23, %add3A_358, %add3A_566] : memref<2x32x128xf32, #tpu.memory_space<vmem>>[vector<16xi32>, vector<16xi32>, vector<16xi32>], vector<16xf32>,
      %mul3A_569 = arith.mulf %gather3A_567, %gather3A_568 : vector<16xf32>
      %add3A_570 = arith.addf %add3A_541, %mul3A_569 : vector<16xf32>
      scf.yield %add3A_555, %add3A_560, %add3A_565, %add3A_570 : vector<16xf32>, vector<16xf32>, vector<16xf32>, vector<16xf32>
    }
    %scan3A_364 = arith.constant 16 : i32
    %mul3A_365 = arith.constant 0.0883883461 : f32
    %mul3A_366 = vector.broadcast %mul3A_365 : f32 to vector<16xf32>
    %mul3A_367 = arith.mulf %scan3A_363#0, %mul3A_366 : vector<16xf32>
    %max3A_368 = arith.constant -5.000000e+00 : f32
    %max3A_369 = vector.broadcast %max3A_368 : f32 to vector<16xf32>
    %max3A_370 = arith.maximumf %mul3A_367, %max3A_369 : vector<16xf32>
    %min3A_371 = arith.constant 5.000000e+00 : f32
    %min3A_372 = vector.broadcast %min3A_371 : f32 to vector<16xf32>
    %min3A_373 = arith.minimumf %max3A_370, %min3A_372 : vector<16xf32>
    %exp3A_374 = math.exp %min3A_373 : vector<16xf32>
    %mul3A_375 = arith.constant 0.0883883461 : f32
    %mul3A_376 = vector.broadcast %mul3A_375 : f32 to vector<16xf32>
    %mul3A_377 = arith.mulf %scan3A_363#1, %mul3A_376 : vector<16xf32>
    %max3A_378 = arith.constant -5.000000e+00 : f32
    %max3A_379 = vector.broadcast %max3A_378 : f32 to vector<16xf32>
    %max3A_380 = arith.maximumf %mul3A_377, %max3A_379 : vector<16xf32>
    %min3A_381 = arith.constant 5.000000e+00 : f32
    %min3A_382 = vector.broadcast %min3A_381 : f32 to vector<16xf32>
    %min3A_383 = arith.minimumf %max3A_380, %min3A_382 : vector<16xf32>
    %exp3A_384 = math.exp %min3A_383 : vector<16xf32>
    %mul3A_385 = arith.constant 0.0883883461 : f32
    %mul3A_386 = vector.broadcast %mul3A_385 : f32 to vector<16xf32>
    %mul3A_387 = arith.mulf %scan3A_363#2, %mul3A_386 : vector<16xf32>
    %max3A_388 = arith.constant -5.000000e+00 : f32
    %max3A_389 = vector.broadcast %max3A_388 : f32 to vector<16xf32>
    %max3A_390 = arith.maximumf %mul3A_387, %max3A_389 : vector<16xf32>
    %min3A_391 = arith.constant 5.000000e+00 : f32
    %min3A_392 = vector.broadcast %min3A_391 : f32 to vector<16xf32>
    %min3A_393 = arith.minimumf %max3A_390, %min3A_392 : vector<16xf32>
    %exp3A_394 = math.exp %min3A_393 : vector<16xf32>
    %mul3A_395 = arith.constant 0.0883883461 : f32
    %mul3A_396 = vector.broadcast %mul3A_395 : f32 to vector<16xf32>
    %mul3A_397 = arith.mulf %scan3A_363#3, %mul3A_396 : vector<16xf32>
    %max3A_398 = arith.constant -5.000000e+00 : f32
    %max3A_399 = vector.broadcast %max3A_398 : f32 to vector<16xf32>
    %max3A_400 = arith.maximumf %mul3A_397, %max3A_399 : vector<16xf32>
    %min3A_401 = arith.constant 5.000000e+00 : f32
    %min3A_402 = vector.broadcast %min3A_401 : f32 to vector<16xf32>
    %min3A_403 = arith.minimumf %max3A_400, %min3A_402 : vector<16xf32>
    %exp3A_404 = math.exp %min3A_403 : vector<16xf32>
    %scan3A_405 = arith.constant 0 : i32
    %scan3A_406 = arith.constant 0 : i32
    %scan3A_407 = arith.constant 16 : i32
    %scan3A_408 = arith.addi %scan3A_406, %scan3A_407 : i32
    %scan3A_409 = arith.constant 1 : i32
    scf.for %scan3A_510 = %scan3A_406 to %scan3A_408 step %scan3A_409  : i32 {
      %mul3A_511 = arith.constant 2 : i32
      %mul3A_512 = arith.muli %scan3A_510, %mul3A_511 : i32
      %add3A_513 = arith.constant 0 : i32
      %add3A_514 = arith.addi %mul3A_512, %add3A_513 : i32
      %add3A_515 = vector.broadcast %add3A_514 : i32 to vector<16xi32>
      %add3A_516 = arith.addi %add3A_515, %iota3A : vector<16xi32>
      %and3A = arith.constant 31 : i32
      %and3A_517 = vector.broadcast %and3A : i32 to vector<16xi32>
      %and3A_518 = arith.andi %add3A_516, %and3A_517 : vector<16xi32>
      %add3A_519 = arith.addi %broadcast_in_dim3A_7, %and3A_518 : vector<16xi32>
      %gather3A = tpu.vector_load_idx %arg14[%broadcast_in_dim3A_23, %add3A_358, %add3A_519] : memref<2x32x128xf32, #tpu.memory_space<vmem>>[vector<16xi32>, vector<16xi32>, vector<16xi32>], vector<16xf32>,
      %mul3A_520 = arith.mulf %gather3A, %exp3A_374 : vector<16xf32>
      tpu.vector_store_idx %arg15[%broadcast_in_dim3A_23, %add3A_358, %add3A_519], %mul3A_520 : memref<2x32x144xf32, #tpu.memory_space<vmem>>[vector<16xi32>, vector<16xi32>, vector<16xi32>], vector<16xf32>,
      %add3A_521 = arith.addi %broadcast_in_dim3A_9, %and3A_518 : vector<16xi32>
      %gather3A_522 = tpu.vector_load_idx %arg14[%broadcast_in_dim3A_23, %add3A_358, %add3A_521] : memref<2x32x128xf32, #tpu.memory_space<vmem>>[vector<16xi32>, vector<16xi32>, vector<16xi32>], vector<16xf32>,
      %mul3A_523 = arith.mulf %gather3A_522, %exp3A_384 : vector<16xf32>
      tpu.vector_store_idx %arg15[%broadcast_in_dim3A_23, %add3A_358, %add3A_521], %mul3A_523 : memref<2x32x144xf32, #tpu.memory_space<vmem>>[vector<16xi32>, vector<16xi32>, vector<16xi32>], vector<16xf32>,
      %add3A_524 = arith.addi %broadcast_in_dim3A_11, %and3A_518 : vector<16xi32>
      %gather3A_525 = tpu.vector_load_idx %arg14[%broadcast_in_dim3A_23, %add3A_358, %add3A_524] : memref<2x32x128xf32, #tpu.memory_space<vmem>>[vector<16xi32>, vector<16xi32>, vector<16xi32>], vector<16xf32>,
      %mul3A_526 = arith.mulf %gather3A_525, %exp3A_394 : vector<16xf32>
      tpu.vector_store_idx %arg15[%broadcast_in_dim3A_23, %add3A_358, %add3A_524], %mul3A_526 : memref<2x32x144xf32, #tpu.memory_space<vmem>>[vector<16xi32>, vector<16xi32>, vector<16xi32>], vector<16xf32>,
      %add3A_527 = arith.addi %broadcast_in_dim3A_13, %and3A_518 : vector<16xi32>
      %gather3A_528 = tpu.vector_load_idx %arg14[%broadcast_in_dim3A_23, %add3A_358, %add3A_527] : memref<2x32x128xf32, #tpu.memory_space<vmem>>[vector<16xi32>, vector<16xi32>, vector<16xi32>], vector<16xf32>,
      %mul3A_529 = arith.mulf %gather3A_528, %exp3A_404 : vector<16xf32>
      tpu.vector_store_idx %arg15[%broadcast_in_dim3A_23, %add3A_358, %add3A_527], %mul3A_529 : memref<2x32x144xf32, #tpu.memory_space<vmem>>[vector<16xi32>, vector<16xi32>, vector<16xi32>], vector<16xf32>,
      %mul3A_530 = arith.constant 2 : i32
      %mul3A_531 = arith.muli %scan3A_510, %mul3A_530 : i32
      %add3A_532 = arith.constant 1 : i32
      %add3A_533 = arith.addi %mul3A_531, %add3A_532 : i32
      %add3A_534 = vector.broadcast %add3A_533 : i32 to vector<16xi32>
      %add3A_535 = arith.addi %add3A_534, %iota3A : vector<16xi32>
      %and3A_536 = arith.constant 31 : i32
      %and3A_537 = vector.broadcast %and3A_536 : i32 to vector<16xi32>
      %and3A_538 = arith.andi %add3A_535, %and3A_537 : vector<16xi32>
      %add3A_539 = arith.addi %broadcast_in_dim3A_7, %and3A_538 : vector<16xi32>
      %gather3A_540 = tpu.vector_load_idx %arg14[%broadcast_in_dim3A_23, %add3A_358, %add3A_539] : memref<2x32x128xf32, #tpu.memory_space<vmem>>[vector<16xi32>, vector<16xi32>, vector<16xi32>], vector<16xf32>,
      %mul3A_541 = arith.mulf %gather3A_540, %exp3A_374 : vector<16xf32>
      tpu.vector_store_idx %arg15[%broadcast_in_dim3A_23, %add3A_358, %add3A_539], %mul3A_541 : memref<2x32x144xf32, #tpu.memory_space<vmem>>[vector<16xi32>, vector<16xi32>, vector<16xi32>], vector<16xf32>,
      %add3A_542 = arith.addi %broadcast_in_dim3A_9, %and3A_538 : vector<16xi32>
      %gather3A_543 = tpu.vector_load_idx %arg14[%broadcast_in_dim3A_23, %add3A_358, %add3A_542] : memref<2x32x128xf32, #tpu.memory_space<vmem>>[vector<16xi32>, vector<16xi32>, vector<16xi32>], vector<16xf32>,
      %mul3A_544 = arith.mulf %gather3A_543, %exp3A_384 : vector<16xf32>
      tpu.vector_store_idx %arg15[%broadcast_in_dim3A_23, %add3A_358, %add3A_542], %mul3A_544 : memref<2x32x144xf32, #tpu.memory_space<vmem>>[vector<16xi32>, vector<16xi32>, vector<16xi32>], vector<16xf32>,
      %add3A_545 = arith.addi %broadcast_in_dim3A_11, %and3A_538 : vector<16xi32>
      %gather3A_546 = tpu.vector_load_idx %arg14[%broadcast_in_dim3A_23, %add3A_358, %add3A_545] : memref<2x32x128xf32, #tpu.memory_space<vmem>>[vector<16xi32>, vector<16xi32>, vector<16xi32>], vector<16xf32>,
      %mul3A_547 = arith.mulf %gather3A_546, %exp3A_394 : vector<16xf32>
      tpu.vector_store_idx %arg15[%broadcast_in_dim3A_23, %add3A_358, %add3A_545], %mul3A_547 : memref<2x32x144xf32, #tpu.memory_space<vmem>>[vector<16xi32>, vector<16xi32>, vector<16xi32>], vector<16xf32>,
      %add3A_548 = arith.addi %broadcast_in_dim3A_13, %and3A_538 : vector<16xi32>
      %gather3A_549 = tpu.vector_load_idx %arg14[%broadcast_in_dim3A_23, %add3A_358, %add3A_548] : memref<2x32x128xf32, #tpu.memory_space<vmem>>[vector<16xi32>, vector<16xi32>, vector<16xi32>], vector<16xf32>,
      %mul3A_550 = arith.mulf %gather3A_549, %exp3A_404 : vector<16xf32>
      tpu.vector_store_idx %arg15[%broadcast_in_dim3A_23, %add3A_358, %add3A_548], %mul3A_550 : memref<2x32x144xf32, #tpu.memory_space<vmem>>[vector<16xi32>, vector<16xi32>, vector<16xi32>], vector<16xf32>,
    }
    %scan3A_410 = arith.constant 16 : i32
    tpu.vector_store_idx %arg15[%broadcast_in_dim3A_23, %add3A_358, %broadcast_in_dim3A_15], %exp3A_374 : memref<2x32x144xf32, #tpu.memory_space<vmem>>[vector<16xi32>, vector<16xi32>, vector<16xi32>], vector<16xf32>,
    tpu.vector_store_idx %arg15[%broadcast_in_dim3A_23, %add3A_358, %broadcast_in_dim3A_17], %exp3A_384 : memref<2x32x144xf32, #tpu.memory_space<vmem>>[vector<16xi32>, vector<16xi32>, vector<16xi32>], vector<16xf32>,
    tpu.vector_store_idx %arg15[%broadcast_in_dim3A_23, %add3A_358, %broadcast_in_dim3A_19], %exp3A_394 : memref<2x32x144xf32, #tpu.memory_space<vmem>>[vector<16xi32>, vector<16xi32>, vector<16xi32>], vector<16xf32>,
    tpu.vector_store_idx %arg15[%broadcast_in_dim3A_23, %add3A_358, %broadcast_in_dim3A_21], %exp3A_404 : memref<2x32x144xf32, #tpu.memory_space<vmem>>[vector<16xi32>, vector<16xi32>, vector<16xi32>], vector<16xf32>,
    %dma_start3A_411 = arith.constant 0 : i32
    %dma_start3A_412 = arith.constant 0 : i32
    %dma_start3A_413 = arith.constant 0 : i32
    %dma_start3A_414 = arith.constant 0 : i32
    %dma_start3A_415 = tpu.memref_slice %arg15[%dma_start3A_411, %dma_start3A_413, %dma_start3A_414] : memref<2x32x144xf32, #tpu.memory_space<vmem>> -> memref<1x32x144xf32, #tpu.memory_space<vmem>>
    %dma_start3A_416 = tpu.memref_squeeze %dma_start3A_415 : memref<1x32x144xf32, #tpu.memory_space<vmem>> -> memref<32x144xf32, #tpu.memory_space<vmem>>
    %dma_start3A_417 = arith.constant 0 : i32
    %dma_start3A_418 = tpu.memref_slice %arg11[%dma_start3A_412, %dma_start3A_417] : memref<2x32xi32, #tpu.memory_space<vmem>> -> memref<1x32xi32, #tpu.memory_space<vmem>>
    %dma_start3A_419 = tpu.memref_squeeze %dma_start3A_418 : memref<1x32xi32, #tpu.memory_space<vmem>> -> memref<32xi32, #tpu.memory_space<vmem>>
    %dma_start3A_420 = arith.constant 0 : i32
    %dma_start3A_421 = arith.constant 0 : i32
    %dma_start3A_422 = tpu.memref_slice %arg16[%dma_start3A_420, %dma_start3A_421] : memref<10008x144xf32, #tpu.memory_space<vmem_shared>> -> memref<10008x144xf32, #tpu.memory_space<vmem_shared>>
    tpu.enqueue_indirect_dma source(%dma_start3A_416 : memref<32x144xf32, #tpu.memory_space<vmem>>) target(%dma_start3A_422 : memref<10008x144xf32, #tpu.memory_space<vmem_shared>>) offsets(%dma_start3A_419 : memref<32xi32, #tpu.memory_space<vmem>>) semaphore(%arg21 : memref<!tpu.dma_semaphore, #tpu.memory_space<semaphore_mem>>) {add = true}
    %dma_wait3A_423 = arith.constant 0 : i32
    %dma_wait3A_424 = arith.constant 0 : i32
    %dma_wait3A_425 = arith.constant 0 : i32
    %dma_wait3A_426 = arith.constant 0 : i32
    %dma_wait3A_427 = tpu.memref_slice %arg15[%dma_wait3A_423, %dma_wait3A_425, %dma_wait3A_426] : memref<2x32x144xf32, #tpu.memory_space<vmem>> -> memref<1x32x144xf32, #tpu.memory_space<vmem>>
    %dma_wait3A_428 = tpu.memref_squeeze %dma_wait3A_427 : memref<1x32x144xf32, #tpu.memory_space<vmem>> -> memref<32x144xf32, #tpu.memory_space<vmem>>
    %dma_wait3A_429 = arith.constant 0 : i32
    %dma_wait3A_430 = tpu.memref_slice %arg11[%dma_wait3A_424, %dma_wait3A_429] : memref<2x32xi32, #tpu.memory_space<vmem>> -> memref<1x32xi32, #tpu.memory_space<vmem>>
    %dma_wait3A_431 = tpu.memref_squeeze %dma_wait3A_430 : memref<1x32xi32, #tpu.memory_space<vmem>> -> memref<32xi32, #tpu.memory_space<vmem>>
    %dma_wait3A_432 = arith.constant 0 : i32
    %dma_wait3A_433 = arith.constant 0 : i32
    %dma_wait3A_434 = tpu.memref_slice %arg16[%dma_wait3A_432, %dma_wait3A_433] : memref<10008x144xf32, #tpu.memory_space<vmem_shared>> -> memref<10008x144xf32, #tpu.memory_space<vmem_shared>>
    tpu.wait_indirect_dma semaphore(%arg21 : memref<!tpu.dma_semaphore, #tpu.memory_space<semaphore_mem>>) src(%dma_wait3A_428 : memref<32x144xf32, #tpu.memory_space<vmem>>) dst(%dma_wait3A_434 : memref<10008x144xf32, #tpu.memory_space<vmem_shared>>)
    %dma_wait3A_435 = arith.constant 1 : i32
    %dma_wait3A_436 = arith.constant 1 : i32
    %dma_wait3A_437 = arith.constant 0 : i32
    %dma_wait3A_438 = arith.constant 0 : i32
    %dma_wait3A_439 = tpu.memref_slice %arg15[%dma_wait3A_435, %dma_wait3A_437, %dma_wait3A_438] : memref<2x32x144xf32, #tpu.memory_space<vmem>> -> memref<1x32x144xf32, #tpu.memory_space<vmem>>
    %dma_wait3A_440 = tpu.memref_squeeze %dma_wait3A_439 : memref<1x32x144xf32, #tpu.memory_space<vmem>> -> memref<32x144xf32, #tpu.memory_space<vmem>>
    %dma_wait3A_441 = arith.constant 0 : i32
    %dma_wait3A_442 = tpu.memref_slice %arg11[%dma_wait3A_436, %dma_wait3A_441] : memref<2x32xi32, #tpu.memory_space<vmem>> -> memref<1x32xi32, #tpu.memory_space<vmem>>
    %dma_wait3A_443 = tpu.memref_squeeze %dma_wait3A_442 : memref<1x32xi32, #tpu.memory_space<vmem>> -> memref<32xi32, #tpu.memory_space<vmem>>
    %dma_wait3A_444 = arith.constant 0 : i32
    %dma_wait3A_445 = arith.constant 0 : i32
    %dma_wait3A_446 = tpu.memref_slice %arg16[%dma_wait3A_444, %dma_wait3A_445] : memref<10008x144xf32, #tpu.memory_space<vmem_shared>> -> memref<10008x144xf32, #tpu.memory_space<vmem_shared>>
    tpu.wait_indirect_dma semaphore(%arg22 : memref<!tpu.dma_semaphore, #tpu.memory_space<semaphore_mem>>) src(%dma_wait3A_440 : memref<32x144xf32, #tpu.memory_space<vmem>>) dst(%dma_wait3A_446 : memref<10008x144xf32, #tpu.memory_space<vmem_shared>>)
    %dma_wait3A_447 = arith.constant 1 : i32
    %dma_wait3A_448 = arith.constant 1 : i32
    %dma_wait3A_449 = arith.constant 0 : i32
    %dma_wait3A_450 = arith.constant 0 : i32
    %dma_wait3A_451 = tpu.memref_slice %arg12[%dma_wait3A_448, %dma_wait3A_449, %dma_wait3A_450] : memref<2x32x128xf32, #tpu.memory_space<vmem>> -> memref<1x32x128xf32, #tpu.memory_space<vmem>>
    %dma_wait3A_452 = tpu.memref_squeeze %dma_wait3A_451 : memref<1x32x128xf32, #tpu.memory_space<vmem>> -> memref<32x128xf32, #tpu.memory_space<vmem>>
    %dma_wait3A_453 = arith.constant 0 : i32
    %dma_wait3A_454 = tpu.memref_slice %arg9[%dma_wait3A_447, %dma_wait3A_453] : memref<2x32xi32, #tpu.memory_space<vmem>> -> memref<1x32xi32, #tpu.memory_space<vmem>>
    %dma_wait3A_455 = tpu.memref_squeeze %dma_wait3A_454 : memref<1x32xi32, #tpu.memory_space<vmem>> -> memref<32xi32, #tpu.memory_space<vmem>>
    %dma_wait3A_456 = arith.constant 0 : i32
    %dma_wait3A_457 = arith.constant 0 : i32
    %dma_wait3A_458 = tpu.memref_slice %arg3[%dma_wait3A_456, %dma_wait3A_457] : memref<10008x128xf32, #tpu.memory_space<hbm>> -> memref<10008x128xf32, #tpu.memory_space<hbm>>
    tpu.wait_indirect_dma semaphore(%arg18 : memref<!tpu.dma_semaphore, #tpu.memory_space<semaphore_mem>>) src(%dma_wait3A_458 : memref<10008x128xf32, #tpu.memory_space<hbm>>) dst(%dma_wait3A_452 : memref<32x128xf32, #tpu.memory_space<vmem>>)
    %dma_wait3A_459 = arith.constant 1 : i32
    %dma_wait3A_460 = arith.constant 1 : i32
    %dma_wait3A_461 = arith.constant 0 : i32
    %dma_wait3A_462 = arith.constant 0 : i32
    %dma_wait3A_463 = tpu.memref_slice %arg13[%dma_wait3A_460, %dma_wait3A_461, %dma_wait3A_462] : memref<2x32x128xf32, #tpu.memory_space<vmem>> -> memref<1x32x128xf32, #tpu.memory_space<vmem>>
    %dma_wait3A_464 = tpu.memref_squeeze %dma_wait3A_463 : memref<1x32x128xf32, #tpu.memory_space<vmem>> -> memref<32x128xf32, #tpu.memory_space<vmem>>
    %dma_wait3A_465 = arith.constant 0 : i32
    %dma_wait3A_466 = tpu.memref_slice %arg9[%dma_wait3A_459, %dma_wait3A_465] : memref<2x32xi32, #tpu.memory_space<vmem>> -> memref<1x32xi32, #tpu.memory_space<vmem>>
    %dma_wait3A_467 = tpu.memref_squeeze %dma_wait3A_466 : memref<1x32xi32, #tpu.memory_space<vmem>> -> memref<32xi32, #tpu.memory_space<vmem>>
    %dma_wait3A_468 = arith.constant 0 : i32
    %dma_wait3A_469 = arith.constant 0 : i32
    %dma_wait3A_470 = tpu.memref_slice %arg2[%dma_wait3A_468, %dma_wait3A_469] : memref<10008x128xf32, #tpu.memory_space<hbm>> -> memref<10008x128xf32, #tpu.memory_space<hbm>>
    tpu.wait_indirect_dma semaphore(%arg18 : memref<!tpu.dma_semaphore, #tpu.memory_space<semaphore_mem>>) src(%dma_wait3A_470 : memref<10008x128xf32, #tpu.memory_space<hbm>>) dst(%dma_wait3A_464 : memref<32x128xf32, #tpu.memory_space<vmem>>)
    %dma_wait3A_471 = arith.constant 1 : i32
    %dma_wait3A_472 = arith.constant 1 : i32
    %dma_wait3A_473 = arith.constant 0 : i32
    %dma_wait3A_474 = arith.constant 0 : i32
    %dma_wait3A_475 = tpu.memref_slice %arg14[%dma_wait3A_472, %dma_wait3A_473, %dma_wait3A_474] : memref<2x32x128xf32, #tpu.memory_space<vmem>> -> memref<1x32x128xf32, #tpu.memory_space<vmem>>
    %dma_wait3A_476 = tpu.memref_squeeze %dma_wait3A_475 : memref<1x32x128xf32, #tpu.memory_space<vmem>> -> memref<32x128xf32, #tpu.memory_space<vmem>>
    %dma_wait3A_477 = arith.constant 0 : i32
    %dma_wait3A_478 = tpu.memref_slice %arg9[%dma_wait3A_471, %dma_wait3A_477] : memref<2x32xi32, #tpu.memory_space<vmem>> -> memref<1x32xi32, #tpu.memory_space<vmem>>
    %dma_wait3A_479 = tpu.memref_squeeze %dma_wait3A_478 : memref<1x32xi32, #tpu.memory_space<vmem>> -> memref<32xi32, #tpu.memory_space<vmem>>
    %dma_wait3A_480 = arith.constant 0 : i32
    %dma_wait3A_481 = arith.constant 0 : i32
    %dma_wait3A_482 = tpu.memref_slice %arg4[%dma_wait3A_480, %dma_wait3A_481] : memref<10008x128xf32, #tpu.memory_space<hbm>> -> memref<10008x128xf32, #tpu.memory_space<hbm>>
    tpu.wait_indirect_dma semaphore(%arg18 : memref<!tpu.dma_semaphore, #tpu.memory_space<semaphore_mem>>) src(%dma_wait3A_482 : memref<10008x128xf32, #tpu.memory_space<hbm>>) dst(%dma_wait3A_476 : memref<32x128xf32, #tpu.memory_space<vmem>>)
    %dma_wait3A_483 = arith.constant 0 : i32
    %dma_wait3A_484 = arith.constant 0 : i32
    %dma_wait3A_485 = tpu.memref_slice %arg9[%dma_wait3A_483, %dma_wait3A_484] : memref<2x32xi32, #tpu.memory_space<vmem>> -> memref<1x32xi32, #tpu.memory_space<vmem>>
    %dma_wait3A_486 = tpu.memref_squeeze %dma_wait3A_485 : memref<1x32xi32, #tpu.memory_space<vmem>> -> memref<32xi32, #tpu.memory_space<vmem>>
    %dma_wait3A_487 = arith.constant 0 : i32
    %dma_wait3A_488 = tpu.memref_slice %arg5[%add3A, %dma_wait3A_487] : memref<10016x32xi32, #tpu.memory_space<hbm>> -> memref<1x32xi32, #tpu.memory_space<hbm>>
    %dma_wait3A_489 = tpu.memref_squeeze %dma_wait3A_488 : memref<1x32xi32, #tpu.memory_space<hbm>> -> memref<32xi32, #tpu.memory_space<hbm>>
    %dma_wait3A_490 = arith.constant 0 : i32
    %dma_wait3A_491 = tpu.memref_slice %arg9[%dma_wait3A_483, %dma_wait3A_490] : memref<2x32xi32, #tpu.memory_space<vmem>> -> memref<1x32xi32, #tpu.memory_space<vmem>>
    %dma_wait3A_492 = tpu.memref_squeeze %dma_wait3A_491 : memref<1x32xi32, #tpu.memory_space<vmem>> -> memref<32xi32, #tpu.memory_space<vmem>>
    %dma_wait3A_493 = arith.constant 0 : i32
    %dma_wait3A_494 = tpu.memref_slice %arg5[%add3A, %dma_wait3A_493] : memref<10016x32xi32, #tpu.memory_space<hbm>> -> memref<1x32xi32, #tpu.memory_space<hbm>>
    %dma_wait3A_495 = tpu.memref_squeeze %dma_wait3A_494 : memref<1x32xi32, #tpu.memory_space<hbm>> -> memref<32xi32, #tpu.memory_space<hbm>>
    tpu.wait_dma2 semaphore(%arg19 : memref<!tpu.dma_semaphore, #tpu.memory_space<semaphore_mem>>) src(%dma_wait3A_495 : memref<32xi32, #tpu.memory_space<hbm>>) dst(%dma_wait3A_492 : memref<32xi32, #tpu.memory_space<vmem>>)
    %dma_wait3A_496 = arith.constant 0 : i32
    %dma_wait3A_497 = arith.constant 0 : i32
    %dma_wait3A_498 = tpu.memref_slice %arg10[%dma_wait3A_496, %dma_wait3A_497] : memref<2x32xi32, #tpu.memory_space<vmem>> -> memref<1x32xi32, #tpu.memory_space<vmem>>
    %dma_wait3A_499 = tpu.memref_squeeze %dma_wait3A_498 : memref<1x32xi32, #tpu.memory_space<vmem>> -> memref<32xi32, #tpu.memory_space<vmem>>
    %dma_wait3A_500 = arith.constant 0 : i32
    %dma_wait3A_501 = tpu.memref_slice %arg6[%add3A, %dma_wait3A_500] : memref<10016x32xi32, #tpu.memory_space<hbm>> -> memref<1x32xi32, #tpu.memory_space<hbm>>
    %dma_wait3A_502 = tpu.memref_squeeze %dma_wait3A_501 : memref<1x32xi32, #tpu.memory_space<hbm>> -> memref<32xi32, #tpu.memory_space<hbm>>
    %dma_wait3A_503 = arith.constant 0 : i32
    %dma_wait3A_504 = tpu.memref_slice %arg10[%dma_wait3A_496, %dma_wait3A_503] : memref<2x32xi32, #tpu.memory_space<vmem>> -> memref<1x32xi32, #tpu.memory_space<vmem>>
    %dma_wait3A_505 = tpu.memref_squeeze %dma_wait3A_504 : memref<1x32xi32, #tpu.memory_space<vmem>> -> memref<32xi32, #tpu.memory_space<vmem>>
    %dma_wait3A_506 = arith.constant 0 : i32
    %dma_wait3A_507 = tpu.memref_slice %arg6[%add3A, %dma_wait3A_506] : memref<10016x32xi32, #tpu.memory_space<hbm>> -> memref<1x32xi32, #tpu.memory_space<hbm>>
    %dma_wait3A_508 = tpu.memref_squeeze %dma_wait3A_507 : memref<1x32xi32, #tpu.memory_space<hbm>> -> memref<32xi32, #tpu.memory_space<hbm>>
    tpu.wait_dma2 semaphore(%arg19 : memref<!tpu.dma_semaphore, #tpu.memory_space<semaphore_mem>>) src(%dma_wait3A_508 : memref<32xi32, #tpu.memory_space<hbm>>) dst(%dma_wait3A_505 : memref<32xi32, #tpu.memory_space<vmem>>)
    %barrier3A_509 = arith.constant 0 : index
    tpu.barrier barrier_id(%barrier3A_509)
    "tpu.region"() ({
      %run_scoped3A_510 = tpu.sem_alloc : memref<!tpu.dma_semaphore, #tpu.memory_space<semaphore_mem>>
      %dma_start3A_511 = arith.constant 0 : i32
      %dma_start3A_512 = tpu.memref_slice %arg8[%arg0, %mul3A_0, %dma_start3A_511] : memref<2x10000x144xf32, #tpu.memory_space<hbm>> -> memref<1x625x144xf32, #tpu.memory_space<hbm>>
      %dma_start3A_513 = tpu.memref_squeeze %dma_start3A_512 : memref<1x625x144xf32, #tpu.memory_space<hbm>> -> memref<625x144xf32, #tpu.memory_space<hbm>>
      %dma_start3A_514 = arith.constant 0 : i32
      %dma_start3A_515 = tpu.memref_slice %arg16[%mul3A_0, %dma_start3A_514] : memref<10008x144xf32, #tpu.memory_space<vmem_shared>> -> memref<625x144xf32, #tpu.memory_space<vmem_shared>>
      tpu.enqueue_dma source(%dma_start3A_515 : memref<625x144xf32, #tpu.memory_space<vmem_shared>>) target(%dma_start3A_513 : memref<625x144xf32, #tpu.memory_space<hbm>>) target_semaphore(%run_scoped3A_510 : memref<!tpu.dma_semaphore, #tpu.memory_space<semaphore_mem>>)
      %dma_wait3A_516 = arith.constant 0 : i32
      %dma_wait3A_517 = tpu.memref_slice %arg8[%arg0, %mul3A_0, %dma_wait3A_516] : memref<2x10000x144xf32, #tpu.memory_space<hbm>> -> memref<1x625x144xf32, #tpu.memory_space<hbm>>
      %dma_wait3A_518 = tpu.memref_squeeze %dma_wait3A_517 : memref<1x625x144xf32, #tpu.memory_space<hbm>> -> memref<625x144xf32, #tpu.memory_space<hbm>>
      %dma_wait3A_519 = arith.constant 0 : i32
      %dma_wait3A_520 = tpu.memref_slice %arg16[%mul3A_0, %dma_wait3A_519] : memref<10008x144xf32, #tpu.memory_space<vmem_shared>> -> memref<625x144xf32, #tpu.memory_space<vmem_shared>>
      tpu.wait_dma2 semaphore(%run_scoped3A_510 : memref<!tpu.dma_semaphore, #tpu.memory_space<semaphore_mem>>) src(%dma_wait3A_520 : memref<625x144xf32, #tpu.memory_space<vmem_shared>>) dst(%dma_wait3A_518 : memref<625x144xf32, #tpu.memory_space<hbm>>)
      tpu.yield
    }) : () -> ()
    return
  }
}

module attributes {stable_mosaic.version = 14 : i64} {
  func.func @_proj_body(%arg0: i32, %arg1: memref<1000x256xf32, #tpu.memory_space<vmem>>, %arg2: memref<256x512xf32, #tpu.memory_space<vmem>>, %arg3: memref<1x512xf32, #tpu.memory_space<vmem>>, %arg4: memref<1000x128xf32, #tpu.memory_space<vmem>>, %arg5: memref<1000x128xf32, #tpu.memory_space<vmem>>, %arg6: memref<1000x128xf32, #tpu.memory_space<vmem>>, %arg7: memref<1000x128xf32, #tpu.memory_space<vmem>>) attributes {dimension_semantics = [#tpu.dimension_semantics<arbitrary>], iteration_bounds = array<i64: 10>, scalar_prefetch = 0 : i64, scratch_operands = 0 : i64, tpu.core_type = #tpu.core_type<tc>, window_params = [{transform_indices = @transform_0, window_bounds = array<i64: 1000, 256>}, {pipeline_mode = #tpu.pipeline_mode<synchronous>, transform_indices = @transform_1, window_bounds = array<i64: 256, 512>}, {pipeline_mode = #tpu.pipeline_mode<synchronous>, transform_indices = @transform_2, window_bounds = array<i64: 1, 512>}, {transform_indices = @transform_3, window_bounds = array<i64: 1000, 128>}, {transform_indices = @transform_4, window_bounds = array<i64: 1000, 128>}, {transform_indices = @transform_5, window_bounds = array<i64: 1000, 128>}, {transform_indices = @transform_6, window_bounds = array<i64: 1000, 128>}]} {
    %get3A = arith.constant 0 : index
    %get3A_0 = arith.constant 0 : index
    %get3A_1 = vector.load %arg1[%get3A, %get3A_0] : memref<1000x256xf32, #tpu.memory_space<vmem>>, vector<1000x256xf32>
    %get3A_2 = arith.constant 0 : index
    %get3A_3 = arith.constant 0 : index
    %get3A_4 = vector.load %arg2[%get3A_2, %get3A_3] : memref<256x512xf32, #tpu.memory_space<vmem>>, vector<256x512xf32>
    %dot_general3A = arith.constant dense<0.000000e+00> : vector<1000x512xf32>
    %dot_general3A_5 = tpu.matmul %get3A_1, %get3A_4, %dot_general3A {dimension_numbers = #tpu.dot_dimension_numbers<[1], [0], [0], [1], [0, 0, 1, 1], [], []>, transpose_lhs_hint = false} : vector<1000x256xf32>, vector<256x512xf32>, vector<1000x512xf32> -> vector<1000x512xf32>
    %get3A_6 = arith.constant 0 : index
    %get3A_7 = arith.constant 0 : index
    %get3A_8 = vector.load %arg3[%get3A_6, %get3A_7] : memref<1x512xf32, #tpu.memory_space<vmem>>, vector<1x512xf32>
    %add3A = vector.broadcast %get3A_8 : vector<1x512xf32> to vector<1000x512xf32>
    %add3A_9 = arith.addf %dot_general3A_5, %add3A : vector<1000x512xf32>
    %slice3A = vector.extract_strided_slice %add3A_9 {offsets = [0, 0], sizes = [1000, 128], strides = [1, 1]} : vector<1000x512xf32> to vector<1000x128xf32>
    %swap3A = arith.constant 0 : index
    %swap3A_10 = arith.constant 0 : index
    %swap3A_11 = vector.load %arg4[%swap3A, %swap3A_10] : memref<1000x128xf32, #tpu.memory_space<vmem>>, vector<1000x128xf32>
    tpu.vector_store %arg4[%swap3A, %swap3A_10], %slice3A {strides = array<i32>} : memref<1000x128xf32, #tpu.memory_space<vmem>>, vector<1000x128xf32>,
    %slice3A_12 = vector.extract_strided_slice %add3A_9 {offsets = [0, 128], sizes = [1000, 128], strides = [1, 1]} : vector<1000x512xf32> to vector<1000x128xf32>
    %swap3A_13 = arith.constant 0 : index
    %swap3A_14 = arith.constant 0 : index
    %swap3A_15 = vector.load %arg5[%swap3A_13, %swap3A_14] : memref<1000x128xf32, #tpu.memory_space<vmem>>, vector<1000x128xf32>
    tpu.vector_store %arg5[%swap3A_13, %swap3A_14], %slice3A_12 {strides = array<i32>} : memref<1000x128xf32, #tpu.memory_space<vmem>>, vector<1000x128xf32>,
    %slice3A_16 = vector.extract_strided_slice %add3A_9 {offsets = [0, 256], sizes = [1000, 128], strides = [1, 1]} : vector<1000x512xf32> to vector<1000x128xf32>
    %swap3A_17 = arith.constant 0 : index
    %swap3A_18 = arith.constant 0 : index
    %swap3A_19 = vector.load %arg6[%swap3A_17, %swap3A_18] : memref<1000x128xf32, #tpu.memory_space<vmem>>, vector<1000x128xf32>
    tpu.vector_store %arg6[%swap3A_17, %swap3A_18], %slice3A_16 {strides = array<i32>} : memref<1000x128xf32, #tpu.memory_space<vmem>>, vector<1000x128xf32>,
    %slice3A_20 = vector.extract_strided_slice %add3A_9 {offsets = [0, 384], sizes = [1000, 128], strides = [1, 1]} : vector<1000x512xf32> to vector<1000x128xf32>
    %swap3A_21 = arith.constant 0 : index
    %swap3A_22 = arith.constant 0 : index
    %swap3A_23 = vector.load %arg7[%swap3A_21, %swap3A_22] : memref<1000x128xf32, #tpu.memory_space<vmem>>, vector<1000x128xf32>
    tpu.vector_store %arg7[%swap3A_21, %swap3A_22], %slice3A_20 {strides = array<i32>} : memref<1000x128xf32, #tpu.memory_space<vmem>>, vector<1000x128xf32>,
    return
  }
  func.func @transform_0(%arg0: i32) -> (i32, i32) {
    %c0_i32 = arith.constant 0 : i32
    %c0_i32_0 = arith.constant 0 : i32
    return %arg0, %c0_i32 : i32, i32
  }
  func.func @transform_1(%arg0: i32) -> (i32, i32) {
    %c0_i32 = arith.constant 0 : i32
    %c0_i32_0 = arith.constant 0 : i32
    %c0_i32_1 = arith.constant 0 : i32
    return %c0_i32, %c0_i32_0 : i32, i32
  }
  func.func @transform_2(%arg0: i32) -> (i32, i32) {
    %c0_i32 = arith.constant 0 : i32
    %c0_i32_0 = arith.constant 0 : i32
    %c0_i32_1 = arith.constant 0 : i32
    return %c0_i32, %c0_i32_0 : i32, i32
  }
  func.func @transform_3(%arg0: i32) -> (i32, i32) {
    %c0_i32 = arith.constant 0 : i32
    %c0_i32_0 = arith.constant 0 : i32
    return %arg0, %c0_i32 : i32, i32
  }
  func.func @transform_4(%arg0: i32) -> (i32, i32) {
    %c0_i32 = arith.constant 0 : i32
    %c0_i32_0 = arith.constant 0 : i32
    return %arg0, %c0_i32 : i32, i32
  }
  func.func @transform_5(%arg0: i32) -> (i32, i32) {
    %c0_i32 = arith.constant 0 : i32
    %c0_i32_0 = arith.constant 0 : i32
    return %arg0, %c0_i32 : i32, i32
  }
  func.func @transform_6(%arg0: i32) -> (i32, i32) {
    %c0_i32 = arith.constant 0 : i32
    %c0_i32_0 = arith.constant 0 : i32
    return %arg0, %c0_i32 : i32, i32
  }
}

module attributes {stable_mosaic.version = 14 : i64} {
  func.func @_epi_body(%arg0: i32, %arg1: i32, %arg2: memref<1x1000x144xf32, #tpu.memory_space<vmem>>, %arg3: memref<1000x128xf32, #tpu.memory_space<vmem>>, %arg4: memref<128x128xf32, #tpu.memory_space<vmem>>, %arg5: memref<1x128xf32, #tpu.memory_space<vmem>>, %arg6: memref<1x128xf32, #tpu.memory_space<vmem>>, %arg7: memref<1x128xf32, #tpu.memory_space<vmem>>, %arg8: memref<1x1000x128xf32, #tpu.memory_space<vmem>>) attributes {dimension_semantics = [#tpu.dimension_semantics<arbitrary>, #tpu.dimension_semantics<arbitrary>], iteration_bounds = array<i64: 2, 10>, scalar_prefetch = 0 : i64, scratch_operands = 0 : i64, tpu.core_type = #tpu.core_type<tc>, window_params = [{transform_indices = @transform_0, window_bounds = array<i64: 1, 1000, 144>}, {transform_indices = @transform_1, window_bounds = array<i64: 1000, 128>}, {pipeline_mode = #tpu.pipeline_mode<synchronous>, transform_indices = @transform_2, window_bounds = array<i64: 128, 128>}, {pipeline_mode = #tpu.pipeline_mode<synchronous>, transform_indices = @transform_3, window_bounds = array<i64: 1, 128>}, {pipeline_mode = #tpu.pipeline_mode<synchronous>, transform_indices = @transform_4, window_bounds = array<i64: 1, 128>}, {pipeline_mode = #tpu.pipeline_mode<synchronous>, transform_indices = @transform_5, window_bounds = array<i64: 1, 128>}, {transform_indices = @transform_6, window_bounds = array<i64: 1, 1000, 128>}]} {
    %get3A = arith.constant 0 : index
    %get3A_0 = arith.constant 0 : index
    %get3A_1 = arith.constant 0 : index
    %get3A_2 = vector.load %arg2[%get3A, %get3A_0, %get3A_1] : memref<1x1000x144xf32, #tpu.memory_space<vmem>>, vector<1x1000x144xf32>
    %get3A_3 = vector.shape_cast %get3A_2 : vector<1x1000x144xf32> to vector<1000x144xf32>
    %slice3A = vector.extract_strided_slice %get3A_3 {offsets = [0, 0], sizes = [1000, 128], strides = [1, 1]} : vector<1000x144xf32> to vector<1000x128xf32>
    %slice3A_4 = vector.extract_strided_slice %get3A_3 {offsets = [0, 128], sizes = [1000, 1], strides = [1, 1]} : vector<1000x144xf32> to vector<1000x1xf32>
    %slice3A_5 = vector.extract_strided_slice %slice3A {offsets = [0, 0], sizes = [1000, 32], strides = [1, 1]} : vector<1000x128xf32> to vector<1000x32xf32>
    %add3A = arith.constant 1.000000e+00 : f32
    %add3A_6 = vector.broadcast %add3A : f32 to vector<1000x1xf32>
    %add3A_7 = arith.addf %slice3A_4, %add3A_6 : vector<1000x1xf32>
    %div3A = vector.broadcast %add3A_7 : vector<1000x1xf32> to vector<1000x32xf32>
    %div3A_8 = arith.divf %slice3A_5, %div3A : vector<1000x32xf32>
    %slice3A_9 = vector.extract_strided_slice %get3A_3 {offsets = [0, 129], sizes = [1000, 1], strides = [1, 1]} : vector<1000x144xf32> to vector<1000x1xf32>
    %slice3A_10 = vector.extract_strided_slice %slice3A {offsets = [0, 32], sizes = [1000, 32], strides = [1, 1]} : vector<1000x128xf32> to vector<1000x32xf32>
    %add3A_11 = arith.constant 1.000000e+00 : f32
    %add3A_12 = vector.broadcast %add3A_11 : f32 to vector<1000x1xf32>
    %add3A_13 = arith.addf %slice3A_9, %add3A_12 : vector<1000x1xf32>
    %div3A_14 = vector.broadcast %add3A_13 : vector<1000x1xf32> to vector<1000x32xf32>
    %div3A_15 = arith.divf %slice3A_10, %div3A_14 : vector<1000x32xf32>
    %slice3A_16 = vector.extract_strided_slice %get3A_3 {offsets = [0, 130], sizes = [1000, 1], strides = [1, 1]} : vector<1000x144xf32> to vector<1000x1xf32>
    %slice3A_17 = vector.extract_strided_slice %slice3A {offsets = [0, 64], sizes = [1000, 32], strides = [1, 1]} : vector<1000x128xf32> to vector<1000x32xf32>
    %add3A_18 = arith.constant 1.000000e+00 : f32
    %add3A_19 = vector.broadcast %add3A_18 : f32 to vector<1000x1xf32>
    %add3A_20 = arith.addf %slice3A_16, %add3A_19 : vector<1000x1xf32>
    %div3A_21 = vector.broadcast %add3A_20 : vector<1000x1xf32> to vector<1000x32xf32>
    %div3A_22 = arith.divf %slice3A_17, %div3A_21 : vector<1000x32xf32>
    %slice3A_23 = vector.extract_strided_slice %get3A_3 {offsets = [0, 131], sizes = [1000, 1], strides = [1, 1]} : vector<1000x144xf32> to vector<1000x1xf32>
    %slice3A_24 = vector.extract_strided_slice %slice3A {offsets = [0, 96], sizes = [1000, 32], strides = [1, 1]} : vector<1000x128xf32> to vector<1000x32xf32>
    %add3A_25 = arith.constant 1.000000e+00 : f32
    %add3A_26 = vector.broadcast %add3A_25 : f32 to vector<1000x1xf32>
    %add3A_27 = arith.addf %slice3A_23, %add3A_26 : vector<1000x1xf32>
    %div3A_28 = vector.broadcast %add3A_27 : vector<1000x1xf32> to vector<1000x32xf32>
    %div3A_29 = arith.divf %slice3A_24, %div3A_28 : vector<1000x32xf32>
    %concatenate3A = tpu.concatenate %div3A_8, %div3A_15, %div3A_22, %div3A_29 in 1 : vector<1000x32xf32>, vector<1000x32xf32>, vector<1000x32xf32>, vector<1000x32xf32> -> vector<1000x128xf32>
    %get3A_30 = arith.constant 0 : index
    %get3A_31 = arith.constant 0 : index
    %get3A_32 = vector.load %arg4[%get3A_30, %get3A_31] : memref<128x128xf32, #tpu.memory_space<vmem>>, vector<128x128xf32>
    %dot_general3A = arith.constant dense<0.000000e+00> : vector<1000x128xf32>
    %dot_general3A_33 = tpu.matmul %concatenate3A, %get3A_32, %dot_general3A {dimension_numbers = #tpu.dot_dimension_numbers<[1], [0], [0], [1], [0, 0, 1, 1], [], []>, transpose_lhs_hint = false} : vector<1000x128xf32>, vector<128x128xf32>, vector<1000x128xf32> -> vector<1000x128xf32>
    %get3A_34 = arith.constant 0 : index
    %get3A_35 = arith.constant 0 : index
    %get3A_36 = vector.load %arg5[%get3A_34, %get3A_35] : memref<1x128xf32, #tpu.memory_space<vmem>>, vector<1x128xf32>
    %add3A_37 = vector.broadcast %get3A_36 : vector<1x128xf32> to vector<1000x128xf32>
    %add3A_38 = arith.addf %dot_general3A_33, %add3A_37 : vector<1000x128xf32>
    %get3A_39 = arith.constant 0 : index
    %get3A_40 = arith.constant 0 : index
    %get3A_41 = vector.load %arg3[%get3A_39, %get3A_40] : memref<1000x128xf32, #tpu.memory_space<vmem>>, vector<1000x128xf32>
    %add3A_42 = arith.addf %get3A_41, %add3A_38 : vector<1000x128xf32>
    %reduce_sum3A = arith.constant dense<0.000000e+00> : vector<1000xf32>
    %reduce_sum3A_43 = vector.multi_reduction <add>, %add3A_42, %reduce_sum3A [1] : vector<1000x128xf32> to vector<1000xf32>
    %broadcast_in_dim3A = vector.shape_cast %reduce_sum3A_43 : vector<1000xf32> to vector<1000x1xf32>
    %div3A_44 = arith.constant 1.280000e+02 : f32
    %div3A_45 = vector.broadcast %div3A_44 : f32 to vector<1000x1xf32>
    %div3A_46 = arith.divf %broadcast_in_dim3A, %div3A_45 : vector<1000x1xf32>
    %sub3A = vector.broadcast %div3A_46 : vector<1000x1xf32> to vector<1000x128xf32>
    %sub3A_47 = arith.subf %add3A_42, %sub3A : vector<1000x128xf32>
    %integer_pow3A = arith.mulf %sub3A_47, %sub3A_47 : vector<1000x128xf32>
    %reduce_sum3A_48 = arith.constant dense<0.000000e+00> : vector<1000xf32>
    %reduce_sum3A_49 = vector.multi_reduction <add>, %integer_pow3A, %reduce_sum3A_48 [1] : vector<1000x128xf32> to vector<1000xf32>
    %broadcast_in_dim3A_50 = vector.shape_cast %reduce_sum3A_49 : vector<1000xf32> to vector<1000x1xf32>
    %div3A_51 = arith.constant 1.280000e+02 : f32
    %div3A_52 = vector.broadcast %div3A_51 : f32 to vector<1000x1xf32>
    %div3A_53 = arith.divf %broadcast_in_dim3A_50, %div3A_52 : vector<1000x1xf32>
    %sub3A_54 = vector.broadcast %div3A_46 : vector<1000x1xf32> to vector<1000x128xf32>
    %sub3A_55 = arith.subf %add3A_42, %sub3A_54 : vector<1000x128xf32>
    %add3A_56 = arith.constant 9.99999974E-6 : f32
    %add3A_57 = vector.broadcast %add3A_56 : f32 to vector<1000x1xf32>
    %add3A_58 = arith.addf %div3A_53, %add3A_57 : vector<1000x1xf32>
    %sqrt3A = math.sqrt %add3A_58 : vector<1000x1xf32>
    %div3A_59 = vector.broadcast %sqrt3A : vector<1000x1xf32> to vector<1000x128xf32>
    %div3A_60 = arith.divf %sub3A_55, %div3A_59 : vector<1000x128xf32>
    %get3A_61 = arith.constant 0 : index
    %get3A_62 = arith.constant 0 : index
    %get3A_63 = vector.load %arg6[%get3A_61, %get3A_62] : memref<1x128xf32, #tpu.memory_space<vmem>>, vector<1x128xf32>
    %mul3A = vector.broadcast %get3A_63 : vector<1x128xf32> to vector<1000x128xf32>
    %mul3A_64 = arith.mulf %div3A_60, %mul3A : vector<1000x128xf32>
    %get3A_65 = arith.constant 0 : index
    %get3A_66 = arith.constant 0 : index
    %get3A_67 = vector.load %arg7[%get3A_65, %get3A_66] : memref<1x128xf32, #tpu.memory_space<vmem>>, vector<1x128xf32>
    %add3A_68 = vector.broadcast %get3A_67 : vector<1x128xf32> to vector<1000x128xf32>
    %add3A_69 = arith.addf %mul3A_64, %add3A_68 : vector<1000x128xf32>
    %add3A_70 = arith.addf %add3A_42, %add3A_69 : vector<1000x128xf32>
    %swap3A = arith.constant 0 : index
    %swap3A_71 = arith.constant 0 : index
    %swap3A_72 = arith.constant 0 : index
    %swap3A_73 = vector.load %arg8[%swap3A, %swap3A_71, %swap3A_72] : memref<1x1000x128xf32, #tpu.memory_space<vmem>>, vector<1x1000x128xf32>
    %swap3A_74 = vector.shape_cast %swap3A_73 : vector<1x1000x128xf32> to vector<1000x128xf32>
    %swap3A_75 = vector.shape_cast %add3A_70 : vector<1000x128xf32> to vector<1x1000x128xf32>
    tpu.vector_store %arg8[%swap3A, %swap3A_71, %swap3A_72], %swap3A_75 {strides = array<i32>} : memref<1x1000x128xf32, #tpu.memory_space<vmem>>, vector<1x1000x128xf32>,
    return
  }
  func.func @transform_0(%arg0: i32, %arg1: i32) -> (i32, i32, i32) {
    %c0_i32 = arith.constant 0 : i32
    %c0_i32_0 = arith.constant 0 : i32
    return %arg0, %arg1, %c0_i32 : i32, i32, i32
  }
  func.func @transform_1(%arg0: i32, %arg1: i32) -> (i32, i32) {
    %c0_i32 = arith.constant 0 : i32
    %c0_i32_0 = arith.constant 0 : i32
    return %arg1, %c0_i32 : i32, i32
  }
  func.func @transform_2(%arg0: i32, %arg1: i32) -> (i32, i32) {
    %c0_i32 = arith.constant 0 : i32
    %c0_i32_0 = arith.constant 0 : i32
    %c0_i32_1 = arith.constant 0 : i32
    return %c0_i32, %c0_i32_0 : i32, i32
  }
  func.func @transform_3(%arg0: i32, %arg1: i32) -> (i32, i32) {
    %c0_i32 = arith.constant 0 : i32
    %c0_i32_0 = arith.constant 0 : i32
    %c0_i32_1 = arith.constant 0 : i32
    return %c0_i32, %c0_i32_0 : i32, i32
  }
  func.func @transform_4(%arg0: i32, %arg1: i32) -> (i32, i32) {
    %c0_i32 = arith.constant 0 : i32
    %c0_i32_0 = arith.constant 0 : i32
    %c0_i32_1 = arith.constant 0 : i32
    return %c0_i32, %c0_i32_0 : i32, i32
  }
  func.func @transform_5(%arg0: i32, %arg1: i32) -> (i32, i32) {
    %c0_i32 = arith.constant 0 : i32
    %c0_i32_0 = arith.constant 0 : i32
    %c0_i32_1 = arith.constant 0 : i32
    return %c0_i32, %c0_i32_0 : i32, i32
  }
  func.func @transform_6(%arg0: i32, %arg1: i32) -> (i32, i32, i32) {
    %c0_i32 = arith.constant 0 : i32
    %c0_i32_0 = arith.constant 0 : i32
    return %arg0, %arg1, %c0_i32 : i32, i32, i32
  }
}

</mosaic_0001>

<sc_bundles>
// kernel: kernel.5.cloned.1.call-start
scs
__scs_entry_jumppad:
0x0: {  	(pc) =	sbr.rel $0x88, $3  }
0x1: {  	(tag) =	ssettag $0x0;
	lr =	simm.s32 $0x1  }
0x2: {  	[smem:$0x3F92] =	sst lr;
	_ =	strace $0xD0000000  }
0x3: {  	_ = 	snop  }
0x4: {  	_ = 	snop  }
0x5: {  	_ = 	snop  }
0x6: {  	_ = 	snop  }
0x7: {  	_ = 	snop  }
__scs_overlays_trampoline_lowered:
0x8: {  	[smem:$0x3FA1] =	sst s0  }
0x9: {  	[smem:$0x3FA2] =	sst s1  }
0xa: {  	[smem:$0x3FA3] =	sst s2  }
0xb: {  	[smem:$0x3FA4] =	sst s3  }
0xc: {  	[smem:$0x3FA5] =	sst s4  }
0xd: {  	[smem:$0x3FA6] =	sst s5  }
0xe: {  	[smem:$0x3FA7] =	sst s6  }
0xf: {  	[smem:$0x3FA8] =	sst s7  }
0x10: {  	[smem:$0x3FA9] =	sst s8  }
0x11: {  	[smem:$0x3FAA] =	sst s9;
	s0 =	simm.s32 @!p0 $0x0  }
0x12: {  	s1 =	sld [smem:$0x3F90];
	s0 =	simm.s32 @p0 $0x1  }
0x13: {  	[smem:$0x3FAB] =	sst s0;
	s0 =	simm.s32 @!p1 $0x0  }
0x14: {  	s2 =	sld [smem:$0x3F8F];
	s0 =	simm.s32 @p1 $0x1  }
0x15: {  	[smem:$0x3FAC] =	sst s0;
	s0 =	simm.s32 @!p2 $0x0  }
0x16: {  	s3 =	sld [smem:$0x3FDB];
	s0 =	simm.s32 @p2 $0x1  }
0x17: {  	s4 =	simm.s32 $0x1BF5;
	[smem:$0x3FAE] =	sst s0  }
0x18: {  	s0 =	sld [smem:$0x3F91];
	_ =	swait.ge [sflag:s4], $0x0  }
0x19: {  	s7 =	sld [smem:$0x3F92]  }
0x1a: {  	s8 =	sadd.s32 $0xFFFFE003, lr  }
0x1b: {  	s9 =	sadd.s32 $0xFFFFFEF7, lr;
	s5 =	simm.s32 $0xFFFFFFFF;
	p2 =	slt.u32 s8, $0xFFFFF086  }
0x1c: {  	p1 =	slt.u32 s9, $0xF7A;
	s5 =	simm.s32 @!p2 $0x0  }
0x1d: {  	s5 =	simm.s32 @p1 $0x1;
	p0 =	seq.s32 s7, s2  }
0x1e: {  	s7 =	smul.u32 @!p0 $0xF7A, s2;
	p2 =	seq.s32 @!p0 s5, $0x0  }
0x1f: {  	s9 =	smul.u32 $0xF7A, s1;
	s8 =	simm.s32 @!p0 $0x1BF5;
	p2 =	por !p2, p0  }
0x20: {  	[sflag:s8] =	ssyncset.s32 @!p0 $0xFFFFF086;
	s6 =	sadd.s32 @!p0 s3, s7;
	s7 =	simm.s32 @!p0 $0x108  }
0x21: {  	s3 =	sadd.s32 s3, s9;
	s6 =	sadd.s32 @!p0 $0x88, s6;
	s7 =	simm.s32 @p2 $0x1082  }
0x22: {  	[simem:s7], [sflag:s8] =	dma.local @!p0 [hbm:s6], $0xF7A  }
0x23: {  	s9 =	sor.u32 $0xD0000000, s2;
	s6 =	simm.s32 $0x108;
	_ =	swait.ge @!p0 [sflag:s8], $0x0  }
0x24: {  	s3 =	sadd.s32 $0x88, s3;
	s6 =	simm.s32 @!p1 $0x1082;
	[sflag:s4] =	ssyncset.s32 $0xFFFFF086  }
0x25: {  	[simem:s6], [sflag:s4] =	dma.local [hbm:s3], $0xF7A  }
0x26: {  	[smem:$0x3F92] =	sst s1;
	(tag) =	ssettag s2;
	_ =	strace s9  }
0x27: {  	s1 =	sld [smem:$0x3FA2]  }
0x28: {  	s2 =	sld [smem:$0x3FA3]  }
0x29: {  	s4 =	sld [smem:$0x3FA5]  }
0x2a: {  	p0 =	seq.s32 s5, $0x0;
	s5 =	sld [smem:$0x3FA6]  }
0x2b: {  	s6 =	sld [smem:$0x3FA7]  }
0x2c: {  	s7 =	sld [smem:$0x3FA8]  }
0x2d: {  	s3 =	simm.s32 $0x108;
	s8 =	sld [smem:$0x3FA9]  }
0x2e: {  	s3 =	simm.s32 @!p0 $0x1082;
	s9 =	sld [smem:$0x3FAA]  }
0x2f: {  	lr =	sadd.s32 s0, s3;
	s0 =	sld [smem:$0x3FA1]  }
0x30: {  	s3 =	sld [smem:$0x3FA4]  }
0x31: {  	[smem:$0x3FAD] =	sst s10  }
0x32: {  	s10 =	sld [smem:$0x3FAB];
	_ =	sdelay $0x3  }
0x33: {  	p0 =	seq.s32 s10, $0x1;
	s10 =	sld [smem:$0x3FAD];
	_ =	sdelay $0x3  }
0x34: {  	[smem:$0x3FAD] =	sst s10  }
0x35: {  	s10 =	sld [smem:$0x3FAC];
	_ =	sdelay $0x3  }
0x36: {  	p1 =	seq.s32 s10, $0x1;
	s10 =	sld [smem:$0x3FAD];
	_ =	sdelay $0x3  }
0x37: {  	[smem:$0x3FAD] =	sst s10  }
0x38: {  	s10 =	sld [smem:$0x3FAE]  }
0x39: {  	_ = 	snop;
	(pc) =	sbr.ind lr, $3  }
0x3a: {  	_ = 	snop  }
0x3b: {  	_ = 	snop  }
0x3c: {  	p2 =	seq.s32 s10, $0x1;
	s10 =	sld [smem:$0x3FAD]  }
0x3d: {  	_ =	shalt  }
0x3e: {  	_ =	shalt  }
0x3f: {  	_ =	shalt  }
0x40: {  	_ =	shalt  }
0x41: {  	_ =	shalt  }
0x42: {  	_ =	shalt  }
0x43: {  	_ =	shalt  }
0x44: {  	_ =	shalt  }
0x45: {  	_ =	shalt  }
0x46: {  	_ =	shalt  }
0x47: {  	_ =	shalt  }
0x48: {  	_ =	shalt  }
0x49: {  	_ =	shalt  }
0x4a: {  	_ =	shalt  }
0x4b: {  	_ =	shalt  }
0x4c: {  	_ =	shalt  }
0x4d: {  	_ =	shalt  }
0x4e: {  	_ =	shalt  }
0x4f: {  	_ =	shalt  }
0x50: {  	_ =	shalt  }
0x51: {  	_ =	shalt  }
0x52: {  	_ =	shalt  }
0x53: {  	_ =	shalt  }
0x54: {  	_ =	shalt  }
0x55: {  	_ =	shalt  }
0x56: {  	_ =	shalt  }
0x57: {  	_ =	shalt  }
0x58: {  	_ =	shalt  }
0x59: {  	_ =	shalt  }
0x5a: {  	_ =	shalt  }
0x5b: {  	_ =	shalt  }
0x5c: {  	_ =	shalt  }
0x5d: {  	_ =	shalt  }
0x5e: {  	_ =	shalt  }
0x5f: {  	_ =	shalt  }
0x60: {  	_ =	shalt  }
0x61: {  	_ =	shalt  }
0x62: {  	_ =	shalt  }
0x63: {  	_ =	shalt  }
0x64: {  	_ =	shalt  }
0x65: {  	_ =	shalt  }
0x66: {  	_ =	shalt  }
0x67: {  	_ =	shalt  }
0x68: {  	_ =	shalt  }
0x69: {  	_ =	shalt  }
0x6a: {  	_ =	shalt  }
0x6b: {  	_ =	shalt  }
0x6c: {  	_ =	shalt  }
0x6d: {  	_ =	shalt  }
0x6e: {  	_ =	shalt  }
0x6f: {  	_ =	shalt  }
0x70: {  	_ =	shalt  }
0x71: {  	_ =	shalt  }
0x72: {  	_ =	shalt  }
0x73: {  	_ =	shalt  }
0x74: {  	_ =	shalt  }
0x75: {  	_ =	shalt  }
0x76: {  	_ =	shalt  }
0x77: {  	_ =	shalt  }
0x78: {  	_ =	shalt  }
0x79: {  	_ =	shalt  }
0x7a: {  	_ =	shalt  }
0x7b: {  	_ =	shalt  }
0x7c: {  	_ =	shalt  }
0x7d: {  	_ =	shalt  }
0x7e: {  	_ =	shalt  }
0x7f: {  	_ =	shalt  }
0x80: {  	_ =	shalt  }
0x81: {  	_ =	shalt  }
0x82: {  	_ =	shalt  }
0x83: {  	_ =	shalt  }
0x84: {  	_ =	shalt  }
0x85: {  	_ =	shalt  }
0x86: {  	_ =	shalt  }
0x87: {  	_ =	shalt  }
.Lfunc_end0:
.L_simem_size_0:
called_computation_lowered:
.L_overlay_start_0:
0x88: {  	s2 =	sld [smem:$0x3FD9]  }
0x89: {  	s3 =	sld [smem:$0x3FFE];
	_ =	sdelay $0x1  }
0x8a: {  	s1 =	srdreg.scid  }
0x8b: {  	s0 =	sand.u32 $0x1, s1  }
0x8c: {  	s14 =	sshll.u32 s0, $0xA;
	s2 =	sadd.s32 s3, s2  }
0x8d: {  	s2 =	sadd.s32 s2, s14  }
0x8e: {  	[smem:$0x3FB9] =	sst s2  }
0x8f: {  	_ = 	snop  }
0x90: {  	s2 =	sld [smem:$0x3FD0];
	_ =	sdelay $0x2  }
0x91: {  	s15 =	simm.s32 $0xA;
	s4 =	simm.s32 $0x10  }
0x92: {  	[smem:s4], [sflag:s15] =	dma.local [hbm:s2], $0x1  }
0x93: {  	_ =	swait.eq [sflag:s15], $0x1  }
0x94: {  	[sflag:s15] =	ssyncset.done $0x0  }
0x95: {  	s16 =	sld [smem:$0x10];
	[sflag:s15] =	ssyncadd.s32 $0xFFFFFFFF  }
0x96: {  	s17 =	sld [smem:$0x11];
	(tm) =	ssettm $0x1  }
0x97: {  	s18 =	sld [smem:$0x3FFB];
	_ =	sdelay $0x3  }
0x98: {  	_ =	strace s18  }
0x99: {  	s4 =	sld [smem:$0x3FFC];
	_ =	sdelay $0x3  }
0x9a: {  	_ =	strace s4  }
0x9b: {  	s4 =	sld [smem:$0x3FFD];
	_ =	sdelay $0x3  }
0x9c: {  	_ =	strace s4  }
0x9d: {  	_ =	strace $0x8FFFFFFF  }
0x9e: {  	s19 =	sld [smem:$0x3FDB];
	_ =	sdelay $0x1  }
0x9f: {  	s5 =	simm.s32 $_scs_section_size  }
0xa0: {  	s6 =	simm.s32 $_size__tile_overlayer_lowered;
	s7 =	simm.s32 $_tile_overlayer_lowered  }
0xa1: {  	s22 =	simm.s32 $0x1BFF;
	s21 =	sshll.u32 s7, $0x1;
	s4 =	sadd.s32 s5, s19  }
0xa2: {  	s8 =	simm.s32 $0x0;
	s20 =	sshll.u32 s6, $0x1;
	s6 =	sadd.s32 s21, s4  }
0xa3: {  	[timem:s8], [sflag:s22] =	dma.local [hbm:s6], s20  }
0xa4: {  	_ =	swait.ge [sflag:s22], s20  }
0xa5: {  	s5 =	ssub.s32 $0x0, s20;
	[sflag:s22] =	ssyncset.done $0x0  }
0xa6: {  	[sflag:s22] =	ssyncadd.s32 s5;
	_ =	sdelay $0x1  }
0xa7: {  	s23 =	simm.s32 $0x1B8B  }
0xa8: {  	_ =	swait.ge [sflag:s23], $0x1  }
0xa9: {  	[sflag:s23] =	ssyncset.done $0x0  }
0xaa: {  	s25 =	simm.s32 $0x1B8E;
	s24 =	sld [smem:$0x3FFE];
	[sflag:s23] =	ssyncadd.s32 $0xFFFFFFFF  }
0xab: {  	s26 =	simm.s32 $execute0_lowered;
	[smem:$0x3FD2] =	sst s25  }
0xac: {  	s6 =	sshll.u32 s26, $0x1;
	_ =	strace $0x80000046;
	[dreg:$0x1] =	wrdreg $0xFFFFFFFF  }
0xad: {  	s28 =	simm.s32 $_size_execute0_lowered;
	s4 =	sadd.s32 s4, s6;
	[dreg:$0x0] =	wrdreg $0x0  }
0xae: {  	s6 =	sshll.u32 s28, $0x1;
	[dreg:$0x2] =	wrdreg s4  }
0xaf: {  	[dreg:$0x3] =	wrdreg s6  }
0xb0: {  	[dreg:$0x4] =	wrdreg $0xC0  }
0xb1: {  	_ =	task [dreg:s8], $0x5FFFF  }
0xb2: {  	[dreg:$0x1] =	wrdreg $0xFFFFFFFF  }
0xb3: {  	[dreg:$0x0] =	wrdreg $0x60  }
0xb4: {  	[dreg:$0x2] =	wrdreg s24  }
0xb5: {  	[dreg:$0x3] =	wrdreg s16  }
0xb6: {  	[dreg:$0x4] =	wrdreg s17  }
0xb7: {  	[dreg:$0x5] =	wrdreg $0x84C00  }
0xb8: {  	[dreg:$0x6] =	wrdreg $0x9  }
0xb9: {  	_ =	task.clear_ibuf [dreg:s8], $0x7FFFF;
	_ =	strace $0x90000046  }
0xba: {  	s29 =	simm.s32 $0x9;
	_ =	strace $0x80000048  }
0xbb: {  	_ =	swait.ge [sflag:s29], $0x1  }
0xbc: {  	[sflag:s29] =	ssyncadd.s32 $0xFFFFFFFF  }
0xbd: {  	_ =	strace $0x90000048  }
0xbe: {  	_ =	sfence  }
0xbf: {  	s30 =	sld [smem:$0x0];
	_ =	sdelay $0x2  }
0xc0: {  	s31 =	sshll.u32 s1, $0xD;
	s1 =	sshrl.u32 s1, $0x2  }
0xc1: {  	s3 =	sand.u32 $0x4000, s31;
	s1 =	sadd.s32 s1, s30  }
0xc2: {  	s0 =	sor.u32 s3, s0;
	s1 =	sshll.u32 s1, $0x11  }
0xc3: {  	s0 =	sor.u32 s1, s0  }
0xc4: {  	s0 =	sadd.s32 $0x8F2B, s0  }
0xc5: {  	[sflag:s0] =	ssyncadd.remote.s32 $0x1  }
0xc6: {  	_ =	sfence.sel $0xFFFF  }
0xc7: {  	[dreg:$0x0] =	wrdreg $0xFFFFFFFF;
	(pc) =	sbr.abs _section_cstart, $3  }
0xc8: {  	[dreg:$0x1] =	wrdreg $0xFFFFFFFF  }
0xc9: {  	_ =	task.clear_ibuf [dreg:s8], $0x2FFFF;
	_ =	strace $0x9FFFFFFF  }
0xca: {  	(tm) =	ssettm $0x7FFFFFFF  }
0xcb: {  	_ =	shalt  }
tec
execute0_lowered:
.L_overlay_start_1:
0x0: {  	(tag) =	ssettag $0x1  }
0x1: {  	s0 =	rddreg [dreg:$0x0]  }
0x2: {  	s1 =	rddreg [dreg:$0x1]  }
0x3: {  	s3 =	rddreg [dreg:$0x2]  }
0x4: {  	s4 =	rddreg [dreg:$0x3];
	s21 =	simm.s32 $0x0;
	s13 =	stileid.u32  }
0x5: {  	s2 =	srdreg.scid;
	s28 =	simm.s32 $0x20C0;
	s29 =	simm.s32 $0x40C0  }
0x6: {  	s30 =	simm.s32 $0x80;
	s31 =	simm.s32 $0x60C0;
	[smem:$0x7FF] =	sst s21  }
0x7: {  	s5 =	smul.u32 $0x15F90, s13;
	s2 =	sand.u32 $0x1, s2;
	s6 =	sadd.s32 $0x4FC00, s0  }
0x8: {  	s7 =	sadd.s32 $0x1800, s0;
	s8 =	sadd.s32 $0x28A00, s0;
	s16 =	sshll.u32 s13, $0x6  }
0x9: {  	_ =	strace $0x80000047;
	s9 =	smul.u32 $0x15F900, s2;
	s11 =	ssub.s32 $0x2, s2  }
0xa: {  	s2 =	smul.u32 $0x1390, s2;
	s22 =	sor.u32 $0x1C07, s16;
	s10 =	sshrl.u32 s5, $0x3  }
0xb: {  	s12 =	sshrl.u32 s11, $0x1;
	[dreg:$0x7] =	wrdreg s22;
	s9 =	sadd.s32 s5, s9  }
0xc: {  	s10 =	sadd.s32 s10, s0;
	s14 =	ssub.s32 s11, s12;
	s2 =	sor.u32 s13, s2  }
0xd: {  	s5 =	sadd.s32 s5, s4;
	s11 =	simm.s32 $0x5;
	s12 =	simm.s32 $0x4  }
0xe: {  	s13 =	simm.s32 $0x10C0;
	s9 =	sshrl.u32 s9, $0x3;
	s10 =	sadd.s32 $0x76E00, s10  }
0xf: {  	s2 =	sshll.u32 s2, $0x2;
	s26 =	smax.u32 s14, $0x1;
	s14 =	simm.s32 $0x30C0  }
0x10: {  	s0 =	sadd.s32 s9, s0;
	[dreg:$0x6] =	wrdreg s10;
	s17 =	sadd.s32 s1, s2  }
0x11: {  	v0 =	vlaneseq.u32;
	s18 =	sadd.s32 s3, s2;
	s19 =	sadd.s32 $0x40, s2;
	[dreg:$0xf] =	wrdreg s26  }
0x12: {  	v1 =	vmul.u32 $0x80, v0;
	s23 =	sadd.s32 $0x4E00, s2;
	s15 =	sadd.s32 $0x80, s2;
	[dreg:$0x8] =	wrdreg s17  }
0x13: {  	v2 =	vmul.u32 $0x90, v0;
	s16 =	sadd.s32 $0xC0, s2;
	s2 =	sshrl.u32 s5, $0x3;
	[dreg:$0x9] =	wrdreg s18  }
0x14: {  	v3 =	vimm.f32 $0.0e+00;
	v4 =	vimm.s32 $0x0;
	v5 =	vor.u32 $0x20, v1;
	s5 =	simm.s32 $0x7;
	s20 =	sadd.s32 s1, s19;
	[dreg:$0x10] =	wrdreg s2  }
0x15: {  	v6 =	vor.u32 $0x40, v1;
	v7 =	vor.u32 $0x60, v1;
	v8 =	vadd.s32 $0x20, v2;
	s26 =	simm.s32 $0xC0;
	s10 =	sadd.s32 s3, s19;
	[dreg:$0xa] =	wrdreg s20  }
0x16: {  	v9 =	vadd.s32 $0x40, v2;
	v10 =	vadd.s32 $0x60, v2;
	v11 =	vadd.s32 $0x80, v2;
	s9 =	simm.s32 $0x1;
	s24 =	sadd.s32 s1, s23;
	[dreg:$0xb] =	wrdreg s10  }
0x17: {  	v12 =	vadd.s32 $0x81, v2;
	v13 =	vadd.s32 $0x82, v2;
	v14 =	vadd.s32 $0x83, v2;
	s25 =	sadd.s32 s3, s23;
	s0 =	sadd.s32 $0xA2E00, s0;
	[dreg:$0xc] =	wrdreg s24  }
0x18: {  	v15 =	vor.u32 $0x800, v1;
	v16 =	vor.u32 $0x820, v1;
	v17 =	vor.u32 $0x840, v1;
	s23 =	simm.s32 $0x40;
	s17 =	simm.s32 $0x50C0;
	[dreg:$0xd] =	wrdreg s25  }
0x19: {  	v18 =	vor.u32 $0x860, v1;
	v19 =	vadd.s32 $0x900, v2;
	v20 =	vadd.s32 $0x920, v2;
	s18 =	simm.s32 $0x2;
	s19 =	simm.s32 $0x6;
	[dreg:$0xe] =	wrdreg s0  }
0x1a: {  	v21 =	vadd.s32 $0x940, v2;
	v22 =	vadd.s32 $0x960, v2;
	v23 =	vadd.s32 $0x980, v2;
	s24 =	simm.s32 $0x20;
	s25 =	simm.s32 $0x60;
	s20 =	simm.s32 $0x3  }
.LBB2_1:
0x1b: {  	[dreg:$0x5] =	wrdreg s21  }
0x1c: {  	s0 =	rddreg [dreg:$0x6]  }
0x1d: {  	[spmem:s2], [sflag:s22] =	dma.local [hbm:s0], $0x2BF2  }
0x1e: {  	_ =	swait.ge [sflag:s5], $0x2BF2  }
0x1f: {  	[sflag:s5] =	ssyncset.done $0x0  }
0x20: {  	[sflag:s5] =	ssyncadd.s32 $0xFFFFD40E  }
0x21: {  	s10 =	simm.s32 $0x340;
	s5 =	simm.s32 $0x40;
	[bflag:$0x0] =	sbarrier.arrive $0xFFFF  }
.LBB2_2:
0x22: {  	p0 =	sne.s32 s10, $0x46C0;
	[tilespmem:s5+$0x7300] =	vst v3  }
0x23: {  	[tilespmem:s5+$0x6080] =	vst v3  }
0x24: {  	[tilespmem:s5+$0x6090] =	vst v3  }
0x25: {  	[tilespmem:s5+$0x60A0] =	vst v3  }
0x26: {  	[tilespmem:s5+$0x60B0] =	vst v3  }
0x27: {  	[tilespmem:s5+$0x60C0] =	vst v3  }
0x28: {  	[tilespmem:s5+$0x60D0] =	vst v3  }
0x29: {  	[tilespmem:s5+$0x60E0] =	vst v3  }
0x2a: {  	[tilespmem:s5+$0x60F0] =	vst v3  }
0x2b: {  	[tilespmem:s5+$0x6100] =	vst v3  }
0x2c: {  	[tilespmem:s5+$0x7280] =	vst v3  }
0x2d: {  	[tilespmem:s5+$0x7290] =	vst v3  }
0x2e: {  	[tilespmem:s5+$0x72A0] =	vst v3  }
.Ltmp0:
0x2f: {  	[tilespmem:s5+$0x72B0] =	vst v3;
	(pc) =	sbr.rel @p0 .LBB2_2-.Ltmp0, $4  }
0x30: {  	[tilespmem:s5+$0x72C0] =	vst v3  }
0x31: {  	[tilespmem:s5+$0x72D0] =	vst v3  }
0x32: {  	[tilespmem:s5+$0x72E0] =	vst v3  }
0x33: {  	[tilespmem:s5+$0x72F0] =	vst v3;
	s5 =	sshra.s32 s10, $0x2;
	s10 =	sadd.s32 $0x240, s10  }
0x34: {  	[tilespmem:s5+$0x7300] =	vst v3  }
0x35: {  	[tilespmem:s5+$0x6080] =	vst v3  }
0x36: {  	[tilespmem:s5+$0x6090] =	vst v3  }
0x37: {  	[tilespmem:s5+$0x60A0] =	vst v3  }
0x38: {  	[tilespmem:s5+$0x60B0] =	vst v3  }
0x39: {  	[tilespmem:s5+$0x60C0] =	vst v3  }
0x3a: {  	[tilespmem:s5+$0x60D0] =	vst v3  }
0x3b: {  	[tilespmem:s5+$0x60E0] =	vst v3  }
0x3c: {  	[tilespmem:s5+$0x60F0] =	vst v3  }
0x3d: {  	[tilespmem:s5+$0x6100] =	vst v3  }
0x3e: {  	[tilespmem:s5+$0x7280] =	vst v3  }
0x3f: {  	[tilespmem:s5+$0x7290] =	vst v3  }
0x40: {  	[tilespmem:s5+$0x72A0] =	vst v3  }
0x41: {  	[tilespmem:s5+$0x72B0] =	vst v3  }
0x42: {  	[tilespmem:s5+$0x72C0] =	vst v3  }
0x43: {  	[tilespmem:s5+$0x72D0] =	vst v3  }
0x44: {  	[tilespmem:s5+$0x72E0] =	vst v3  }
0x45: {  	[tilespmem:s5+$0x72F0] =	vst v3  }
0x46: {  	[tilespmem:$0x80] =	vst v4  }
0x47: {  	[tilespmem:$0x90] =	vst v4  }
0x48: {  	[tilespmem:$0xA0] =	vst v4  }
0x49: {  	s10 =	simm.s32 $0x0;
	s0 =	rddreg [dreg:$0x8];
	s2 =	simm.s32 $0x7;
	[tilespmem:$0xB0] =	vst v4  }
0x4a: {  	[tilespmem:s10], [sflag:$0x7] =	stream.linear.gather [hbm4b:s0+s10], $0x20, $0x38;
	[tilespmem:$0x1E498] =	vst v63  }
0x4b: {  	_ =	swait.ge [sflag:s2], $0x20  }
0x4c: {  	[sflag:s2] =	ssyncset.done $0x0  }
0x4d: {  	s22 =	rddreg [dreg:$0x9];
	[sflag:s2] =	ssyncadd.s32 $0xFFFFFFE0  }
0x4e: {  	[tilespmem:s23], [sflag:$0x7] =	stream.linear.gather [hbm4b:s22+s10], $0x20, $0x38;
	[tilespmem:$0x1E498] =	vst v63  }
0x4f: {  	_ =	swait.ge [sflag:s2], $0x20  }
0x50: {  	[sflag:s2] =	ssyncset.done $0x0  }
0x51: {  	[sflag:s2] =	ssyncadd.s32 $0xFFFFFFE0;
	s2 =	rddreg [dreg:$0xa]  }
0x52: {  	[tilespmem:s24], [sflag:$0x4] =	stream.linear.gather [hbm4b:s2+s10], $0x20, $0x38;
	[tilespmem:$0x1E498] =	vst v63  }
0x53: {  	s5 =	rddreg [dreg:$0xb]  }
0x54: {  	[tilespmem:s25], [sflag:$0x4] =	stream.linear.gather [hbm4b:s5+s10], $0x20, $0x38;
	[tilespmem:$0x1E498] =	vst v63  }
0x55: {  	_ = 	snop  }
0x56: {  	[tilespmem:s26], [sflag:$0x1] =	stream.indirect.gather [hbm4b:s7+s24], $0x80, s10, s24, $0xb8;
	[tilespmem:$0x1E498] =	vst v63  }
0x57: {  	_ = 	snop  }
0x58: {  	[tilespmem:s28], [sflag:$0x1] =	stream.indirect.gather [hbm4b:s6+s24], $0x80, s23, s24, $0xb8;
	[tilespmem:$0x1E498] =	vst v63  }
0x59: {  	_ = 	snop  }
0x5a: {  	[tilespmem:s29], [sflag:$0x1] =	stream.indirect.gather [hbm4b:s8+s24], $0x80, s10, s24, $0xb8;
	[tilespmem:$0x1E498] =	vst v63  }
0x5b: {  	_ = 	snop  }
0x5c: {  	[spmem:s4] =	stream.indirect.scatter.add.f32 [tilespmem:s31], [sflag:$0x5], $0x90, s30, s24, $0xb8;
	[tilespmem:$0x1E498] =	vst v63  }
0x5d: {  	s21 =	simm.s32 $0xA0;
	s22 =	simm.s32 $0x72C0  }
0x5e: {  	[spmem:s4] =	stream.indirect.scatter.add.f32 [tilespmem:s22], [sflag:$0x6], $0x90, s21, s24, $0xb8;
	[tilespmem:$0x1E498] =	vst v63  }
0x5f: {  	s21 =	simm.s32 $0x0  }
.LBB2_4:
0x60: {  	_ =	swait.ge [sflag:s9], $0x1000  }
0x61: {  	[sflag:s9] =	ssyncset.done $0x0  }
0x62: {  	[sflag:s9] =	ssyncadd.s32 $0xFFFFF000  }
0x63: {  	_ =	swait.ge [sflag:s9], $0x1000  }
0x64: {  	[sflag:s9] =	ssyncset.done $0x0  }
0x65: {  	[sflag:s9] =	ssyncadd.s32 $0xFFFFF000  }
0x66: {  	_ =	swait.ge [sflag:s9], $0x1000  }
0x67: {  	[sflag:s9] =	ssyncset.done $0x0  }
0x68: {  	[sflag:s9] =	ssyncadd.s32 $0xFFFFF000  }
0x69: {  	_ =	swait.ge [sflag:s11], $0x1200  }
0x6a: {  	[sflag:s11] =	ssyncset.done $0x0  }
0x6b: {  	[sflag:s11] =	ssyncadd.s32 $0xFFFFEE00  }
0x6c: {  	v24 =	vld [tilespmem:$0x40]  }
0x6d: {  	v25 =	vld [tilespmem:$0x50];
	_ =	sdelay $0x2  }
0x6e: {  	s5 =	sshll.u32 s21, $0x7  }
0x6f: {  	s5 =	sadd.s32 s5, s15;
	[tilespmem:$0x80] =	vst v24  }
0x70: {  	s22 =	sadd.s32 s1, s5;
	[tilespmem:$0x90] =	vst v25  }
0x71: {  	[tilespmem:s10], [sflag:$0x3] =	stream.linear.gather [hbm4b:s22+s10], $0x20, $0x38;
	[tilespmem:$0x1E498] =	vst v63  }
0x72: {  	s5 =	sadd.s32 s3, s5  }
0x73: {  	[tilespmem:s23], [sflag:$0x3] =	stream.linear.gather [hbm4b:s5+s10], $0x20, $0x38;
	[tilespmem:$0x1E498] =	vst v63  }
0x74: {  	_ =	swait.ge [sflag:s12], $0x20  }
0x75: {  	[sflag:s12] =	ssyncset.done $0x0  }
0x76: {  	[sflag:s12] =	ssyncadd.s32 $0xFFFFFFE0  }
0x77: {  	_ =	swait.ge [sflag:s12], $0x20  }
0x78: {  	[sflag:s12] =	ssyncset.done $0x0  }
0x79: {  	v24 =	vadd.s32 s10, v0;
	[sflag:s12] =	ssyncadd.s32 $0xFFFFFFE0  }
0x7a: {  	v25 =	vor.u32 v5, v24;
	[tilespmem:s13], [sflag:$0x2] =	stream.indirect.gather [hbm4b:s7+s24], $0x80, s24, s24, $0xb8;
	[tilespmem:$0x1E498] =	vst v63  }
0x7b: {  	_ = 	snop  }
0x7c: {  	v26 =	vor.u32 v7, v24;
	[tilespmem:s14], [sflag:$0x2] =	stream.indirect.gather [hbm4b:s6+s24], $0x80, s25, s24, $0xb8;
	[tilespmem:$0x1E498] =	vst v63  }
0x7d: {  	v24 =	vand.u32 $0x1F, v24  }
0x7e: {  	v27 =	vor.u32 v1, v24;
	[tilespmem:s17], [sflag:$0x2] =	stream.indirect.gather [hbm4b:s8+s24], $0x80, s24, s24, $0xb8;
	[tilespmem:$0x1E498] =	vst v63  }
0x7f: {  	s0 =	simm.s32 $0x1;
	v28 =	vld.idx.msk [tilespmem:v25+s26+$0x0], $0xffff  }
0x80: {  	v29 =	vadd.s32 s0, v0;
	v24 =	vor.u32 v6, v24;
	v25 =	vld.idx.msk [tilespmem:v25+s28+$0x0], $0xffff  }
0x81: {  	v29 =	vand.u32 $0x1F, v29;
	v31 =	vld.idx.msk [tilespmem:v26+s26+$0x0], $0xffff  }
0x82: {  	v30 =	vor.u32 v1, v29;
	v26 =	vld.idx.msk [tilespmem:v26+s28+$0x0], $0xffff  }
0x83: {  	v32 =	vld.idx.msk [tilespmem:v27+s26+$0x0], $0xffff  }
0x84: {  	v33 =	vor.u32 v5, v29;
	v34 =	vld.idx.msk [tilespmem:v27+s28+$0x0], $0xffff  }
0x85: {  	v35 =	vld.idx.msk [tilespmem:v24+s26+$0x0], $0xffff  }
0x86: {  	v36 =	vld.idx.msk [tilespmem:v24+s28+$0x0], $0xffff;
	v24 =	vor.u32 v6, v29  }
0x87: {  	v39 =	vld.idx.msk [tilespmem:v30+s26+$0x0], $0xffff  }
0x88: {  	s2 =	simm.s32 $0x2;
	v40 =	vld.idx.msk [tilespmem:v30+s28+$0x0], $0xffff;
	v27 =	vor.u32 v7, v29  }
0x89: {  	v29 =	vadd.s32 s2, v0;
	v41 =	vld.idx.msk [tilespmem:v33+s26+$0x0], $0xffff  }
0x8a: {  	v33 =	vld.idx.msk [tilespmem:v33+s28+$0x0], $0xffff;
	v37 =	vor.u32 v5, v29  }
0x8b: {  	v42 =	vld.idx.msk [tilespmem:v24+s26+$0x0], $0xffff  }
0x8c: {  	v43 =	vor.u32 v7, v29;
	v44 =	vld.idx.msk [tilespmem:v24+s28+$0x0], $0xffff  }
0x8d: {  	v29 =	vand.u32 $0x1F, v29;
	v45 =	vld.idx.msk [tilespmem:v27+s26+$0x0], $0xffff  }
0x8e: {  	s22 =	simm.s32 $0x3;
	v46 =	vor.u32 v1, v29;
	v47 =	vld.idx.msk [tilespmem:v27+s28+$0x0], $0xffff  }
0x8f: {  	v29 =	vor.u32 v6, v29;
	v24 =	vadd.s32 s22, v0;
	v28 =	vmul.f32 v25, v28;
	v30 =	vld.idx.msk [tilespmem:v37+s26+$0x0], $0xffff  }
0x90: {  	v49 =	vmul.f32 v26, v31;
	v32 =	vmul.f32 v34, v32;
	v27 =	vand.u32 $0x1F, v24;
	v24 =	vld.idx.msk [tilespmem:v37+s28+$0x0], $0xffff  }
0x91: {  	v48 =	vimm.f32 $0.0e+00;
	v61 =	vmul.f32 v36, v35;
	v62 =	vmul.f32 v40, v39;
	v25 =	vld.idx.msk [tilespmem:v43+s26+$0x0], $0xffff  }
0x92: {  	v41 =	vmul.f32 v33, v41;
	v26 =	vld.idx.msk [tilespmem:v43+s28+$0x0], $0xffff;
	v38 =	vor.u32 v1, v27;
	v32 =	vadd.f32 v32, v48  }
0x93: {  	v37 =	vor.u32 v5, v27;
	v31 =	vld.idx.msk [tilespmem:v46+s26+$0x0], $0xffff;
	v63 =	vadd.f32 v28, v48;
	v40 =	vadd.f32 v61, v48  }
0x94: {  	v35 =	vld.idx.msk [tilespmem:v46+s28+$0x0], $0xffff;
	v33 =	vadd.f32 v49, v48;
	v39 =	vmul.f32 v44, v42;
	v34 =	vmul.f32 v47, v45  }
0x95: {  	s5 =	simm.s32 $0x4;
	v28 =	vld.idx.msk [tilespmem:v29+s26+$0x0], $0xffff;
	v36 =	vadd.f32 v62, v32;
	v32 =	vadd.f32 v41, v63  }
.LBB2_5:
0x96: {  	p0 =	sne.s32 s5, $0x1E;
	v41 =	vld.idx.msk [tilespmem:v29+s28+$0x0], $0xffff;
	v29 =	vor.u32 v6, v27;
	v40 =	vadd.f32 v39, v40;
	v33 =	vadd.f32 v34, v33  }
0x97: {  	v34 =	vld.idx.msk [tilespmem:v38+s26+$0x0], $0xffff  }
0x98: {  	v27 =	vor.u32 v7, v27;
	v39 =	vld.idx.msk [tilespmem:v38+s28+$0x0], $0xffff  }
0x99: {  	v38 =	vadd.s32 s5, v0;
	v42 =	vld.idx.msk [tilespmem:v37+s26+$0x0], $0xffff  }
0x9a: {  	v43 =	vor.u32 v5, v38;
	v44 =	vld.idx.msk [tilespmem:v37+s28+$0x0], $0xffff  }
0x9b: {  	v45 =	vld.idx.msk [tilespmem:v29+s26+$0x0], $0xffff  }
0x9c: {  	v37 =	vor.u32 v7, v38;
	v46 =	vld.idx.msk [tilespmem:v29+s28+$0x0], $0xffff  }
0x9d: {  	s22 =	sadd.s32 $0x1, s5;
	v29 =	vand.u32 $0x1F, v38;
	v47 =	vld.idx.msk [tilespmem:v27+s26+$0x0], $0xffff  }
0x9e: {  	v38 =	vadd.s32 s22, v0;
	v48 =	vor.u32 v1, v29;
	v49 =	vld.idx.msk [tilespmem:v27+s28+$0x0], $0xffff  }
0x9f: {  	v27 =	vand.u32 $0x1F, v38;
	v50 =	vld.idx.msk [tilespmem:v43+s26+$0x0], $0xffff  }
0xa0: {  	v30 =	vmul.f32 v24, v30;
	v29 =	vor.u32 v6, v29;
	v24 =	vld.idx.msk [tilespmem:v43+s28+$0x0], $0xffff;
	v43 =	vmul.f32 v26, v25  }
.Ltmp1:
0xa1: {  	v35 =	vmul.f32 v35, v31;
	v28 =	vmul.f32 v41, v28;
	v38 =	vor.u32 v1, v27;
	v25 =	vld.idx.msk [tilespmem:v37+s26+$0x0], $0xffff;
	(pc) =	sbr.rel @p0 .LBB2_5-.Ltmp1, $4  }
0xa2: {  	v41 =	vmul.f32 v39, v34;
	v42 =	vmul.f32 v44, v42;
	v26 =	vld.idx.msk [tilespmem:v37+s28+$0x0], $0xffff;
	v37 =	vor.u32 v5, v27  }
0xa3: {  	v36 =	vadd.f32 v35, v36;
	v44 =	vadd.f32 v30, v32;
	v39 =	vmul.f32 v46, v45;
	v31 =	vld.idx.msk [tilespmem:v48+s26+$0x0], $0xffff  }
0xa4: {  	v40 =	vadd.f32 v28, v40;
	v33 =	vadd.f32 v43, v33;
	v34 =	vmul.f32 v49, v47;
	v35 =	vld.idx.msk [tilespmem:v48+s28+$0x0], $0xffff  }
0xa5: {  	s5 =	sadd.s32 $0x2, s5;
	v36 =	vadd.f32 v41, v36;
	v32 =	vadd.f32 v42, v44;
	v30 =	vmov v50;
	v28 =	vld.idx.msk [tilespmem:v29+s26+$0x0], $0xffff  }
0xa6: {  	_ =	sdelay $0x3  }
0xa7: {  	v41 =	vld.idx.msk [tilespmem:v38+s26+$0x0], $0xffff  }
0xa8: {  	v55 =	vld.idx.msk [tilespmem:v38+s28+$0x0], $0xffff;
	_ =	sdelay $0x2  }
0xa9: {  	v31 =	vmul.f32 v35, v31;
	_ =	sdelay $0x1  }
0xaa: {  	v56 =	vmul.f32 v55, v41;
	v31 =	vadd.f32 v31, v36  }
0xab: {  	v57 =	vld.idx.msk [tilespmem:v37+s26+$0x0], $0xffff  }
0xac: {  	v58 =	vld.idx.msk [tilespmem:v37+s28+$0x0], $0xffff;
	v31 =	vadd.f32 v56, v31;
	_ =	sdelay $0x1  }
0xad: {  	v31 =	vmul.f32 $8.838834610e-02, v31  }
0xae: {  	v59 =	vor.u32 v6, v27;
	v24 =	vmul.f32 v24, v30  }
0xaf: {  	v30 =	vmax.f32 v31, $-5.000000000e+00  }
0xb0: {  	s5 =	simm.s32 $0x0;
	v24 =	vadd.f32 v24, v32;
	v31 =	vmul.f32 v58, v57;
	v30 =	vmin.f32 v30, $5.000000000e+00  }
0xb1: {  	v60 =	vadd.s32 s5, v0;
	v30 =	vmul.f32 $1.442695020e+00, v30  }
0xb2: {  	v29 =	vld.idx.msk [tilespmem:v29+s28+$0x0], $0xffff;
	v32 =	vand.u32 $0x1F, v60;
	v24 =	vadd.f32 v31, v24  }
0xb3: {  	v61 =	vld.idx.msk [tilespmem:v59+s26+$0x0], $0xffff;
	(erf) = vpow2.f32 v30;
	v30 =	vor.u32 v1, v32  }
0xb4: {  	v31 =	vld.idx.msk [tilespmem:v59+s28+$0x0], $0xffff;
	v24 =	vmul.f32 $8.838834610e-02, v24  }
0xb5: {  	v27 =	vor.u32 v7, v27  }
0xb6: {  	v24 =	vmax.f32 v24, $-5.000000000e+00  }
0xb7: {  	v62 =	vadd.f32 v39, v40;
	v28 =	vmul.f32 v29, v28;
	v24 =	vmin.f32 v24, $5.000000000e+00  }
0xb8: {  	v24 =	vmul.f32 $1.442695020e+00, v24;
	v29 =	vld.idx.msk [tilespmem:v30+s29+$0x0], $0xffff  }
0xb9: {  	v28 =	vadd.f32 v28, v62;
	v30 =	vmul.f32 v31, v61  }
0xba: {  	v63 =	vld.idx.msk [tilespmem:v27+s26+$0x0], $0xffff;
	v31 =	vadd.s32 v2, v32  }
0xbb: {  	v27 =	vld.idx.msk [tilespmem:v27+s28+$0x0], $0xffff;
	(erf) = vpow2.f32 v24;
	v28 =	vadd.f32 v30, v28;
	v30 =	vor.u32 v5, v32  }
0xbc: {  	v24 =	vpop (erf)  }
0xbd: {  	v28 =	vmul.f32 $8.838834610e-02, v28;
	v29 =	vmul.f32 v29, v24  }
0xbe: {  	v33 =	vadd.f32 v34, v33;
	v25 =	vmul.f32 v26, v25  }
0xbf: {  	v26 =	vmax.f32 v28, $-5.000000000e+00;
	[tilespmem:v31+s31+$0x0] =	vst.idx.msk $0xffff, v29  }
0xc0: {  	v25 =	vadd.f32 v25, v33;
	v27 =	vmul.f32 v27, v63;
	v26 =	vmin.f32 v26, $5.000000000e+00;
	v28 =	vld.idx.msk [tilespmem:v30+s29+$0x0], $0xffff  }
0xc1: {  	v26 =	vmul.f32 $1.442695020e+00, v26  }
0xc2: {  	v27 =	vadd.f32 v27, v25;
	v29 =	vadd.s32 v8, v32  }
0xc3: {  	(erf) = vpow2.f32 v26;
	v26 =	vor.u32 v6, v32  }
0xc4: {  	v27 =	vmul.f32 $8.838834610e-02, v27;
	v25 =	vpop (erf)  }
0xc5: {  	v28 =	vmul.f32 v28, v25  }
0xc6: {  	v27 =	vmax.f32 v27, $-5.000000000e+00  }
0xc7: {  	v27 =	vmin.f32 v27, $5.000000000e+00;
	[tilespmem:v29+s31+$0x0] =	vst.idx.msk $0xffff, v28  }
0xc8: {  	v28 =	vld.idx.msk [tilespmem:v26+s29+$0x0], $0xffff;
	v26 =	vmul.f32 $1.442695020e+00, v27;
	_ =	sdelay $0x1  }
0xc9: {  	v27 =	vadd.s32 v9, v32  }
0xca: {  	v29 =	vor.u32 v7, v32;
	(erf) = vpow2.f32 v26  }
0xcb: {  	v26 =	vpop (erf)  }
0xcc: {  	v28 =	vmul.f32 v28, v26;
	_ =	sdelay $0x1  }
0xcd: {  	[tilespmem:v27+s31+$0x0] =	vst.idx.msk $0xffff, v28  }
0xce: {  	s22 =	simm.s32 $0x1;
	v28 =	vld.idx.msk [tilespmem:v29+s29+$0x0], $0xffff  }
0xcf: {  	v27 =	vadd.s32 s22, v0  }
0xd0: {  	v29 =	vadd.s32 v10, v32;
	v30 =	vand.u32 $0x1F, v27  }
0xd1: {  	v31 =	vor.u32 v1, v30  }
0xd2: {  	v27 =	vpop (erf)  }
0xd3: {  	v28 =	vmul.f32 v28, v27;
	_ =	sdelay $0x1  }
0xd4: {  	[tilespmem:v29+s31+$0x0] =	vst.idx.msk $0xffff, v28  }
0xd5: {  	v28 =	vld.idx.msk [tilespmem:v31+s29+$0x0], $0xffff;
	_ =	sdelay $0x1  }
0xd6: {  	v29 =	vadd.s32 v2, v30  }
0xd7: {  	v31 =	vor.u32 v5, v30;
	_ =	sdelay $0x1  }
0xd8: {  	v28 =	vmul.f32 v28, v24;
	_ =	sdelay $0x1  }
0xd9: {  	[tilespmem:v29+s31+$0x0] =	vst.idx.msk $0xffff, v28  }
0xda: {  	v28 =	vld.idx.msk [tilespmem:v31+s29+$0x0], $0xffff;
	_ =	sdelay $0x1  }
0xdb: {  	v29 =	vadd.s32 v8, v30  }
0xdc: {  	v31 =	vor.u32 v6, v30;
	_ =	sdelay $0x1  }
0xdd: {  	v28 =	vmul.f32 v28, v25;
	_ =	sdelay $0x1  }
0xde: {  	[tilespmem:v29+s31+$0x0] =	vst.idx.msk $0xffff, v28  }
0xdf: {  	v28 =	vld.idx.msk [tilespmem:v31+s29+$0x0], $0xffff;
	_ =	sdelay $0x1  }
0xe0: {  	v29 =	vadd.s32 v9, v30  }
0xe1: {  	v31 =	vor.u32 v7, v30;
	_ =	sdelay $0x1  }
0xe2: {  	v28 =	vmul.f32 v28, v26;
	_ =	sdelay $0x1  }
0xe3: {  	[tilespmem:v29+s31+$0x0] =	vst.idx.msk $0xffff, v28  }
0xe4: {  	s22 =	simm.s32 $0x2;
	v31 =	vld.idx.msk [tilespmem:v31+s29+$0x0], $0xffff  }
0xe5: {  	v28 =	vadd.s32 s22, v0  }
0xe6: {  	v30 =	vadd.s32 v10, v30;
	v28 =	vand.u32 $0x1F, v28  }
0xe7: {  	v29 =	vor.u32 v1, v28;
	_ =	sdelay $0x1  }
0xe8: {  	s5 =	simm.s32 $0x4;
	v31 =	vmul.f32 v31, v27  }
.LBB2_7:
0xe9: {  	_ = 	snop  }
0xea: {  	p0 =	sne.s32 s5, $0x1E;
	s0 =	smov.u32 s5;
	s5 =	sadd.s32 $0x2, s5;
	[tilespmem:v30+s31+$0x0] =	vst.idx.msk $0xffff, v31  }
0xeb: {  	v29 =	vld.idx.msk [tilespmem:v29+s29+$0x0], $0xffff;
	_ =	sdelay $0x2  }
0xec: {  	v30 =	vadd.s32 v2, v28  }
0xed: {  	v31 =	vor.u32 v5, v28;
	_ =	sdelay $0x1  }
0xee: {  	v29 =	vmul.f32 v29, v24;
	_ =	sdelay $0x1  }
0xef: {  	[tilespmem:v30+s31+$0x0] =	vst.idx.msk $0xffff, v29  }
0xf0: {  	v29 =	vld.idx.msk [tilespmem:v31+s29+$0x0], $0xffff;
	_ =	sdelay $0x2  }
0xf1: {  	v30 =	vadd.s32 v8, v28  }
0xf2: {  	v31 =	vor.u32 v6, v28;
	_ =	sdelay $0x1  }
0xf3: {  	v29 =	vmul.f32 v29, v25;
	_ =	sdelay $0x1  }
0xf4: {  	[tilespmem:v30+s31+$0x0] =	vst.idx.msk $0xffff, v29  }
0xf5: {  	v29 =	vld.idx.msk [tilespmem:v31+s29+$0x0], $0xffff;
	_ =	sdelay $0x2  }
0xf6: {  	v30 =	vadd.s32 v9, v28  }
0xf7: {  	v31 =	vor.u32 v7, v28;
	_ =	sdelay $0x1  }
0xf8: {  	v29 =	vmul.f32 v29, v26;
	_ =	sdelay $0x1  }
0xf9: {  	[tilespmem:v30+s31+$0x0] =	vst.idx.msk $0xffff, v29  }
0xfa: {  	v29 =	vld.idx.msk [tilespmem:v31+s29+$0x0], $0xffff  }
0xfb: {  	s2 =	sadd.s32 $0x1, s22;
	s22 =	smov.u32 s0  }
0xfc: {  	v30 =	vadd.s32 s2, v0  }
0xfd: {  	v28 =	vadd.s32 v10, v28;
	v30 =	vand.u32 $0x1F, v30  }
0xfe: {  	v31 =	vor.u32 v1, v30;
	_ =	sdelay $0x1  }
0xff: {  	v29 =	vmul.f32 v29, v27;
	_ =	sdelay $0x1  }
0x100: {  	[tilespmem:v28+s31+$0x0] =	vst.idx.msk $0xffff, v29  }
0x101: {  	v28 =	vld.idx.msk [tilespmem:v31+s29+$0x0], $0xffff;
	_ =	sdelay $0x2  }
0x102: {  	v29 =	vadd.s32 v2, v30  }
0x103: {  	v31 =	vor.u32 v5, v30;
	_ =	sdelay $0x1  }
0x104: {  	v28 =	vmul.f32 v28, v24;
	_ =	sdelay $0x1  }
0x105: {  	[tilespmem:v29+s31+$0x0] =	vst.idx.msk $0xffff, v28  }
0x106: {  	v28 =	vld.idx.msk [tilespmem:v31+s29+$0x0], $0xffff;
	_ =	sdelay $0x2  }
0x107: {  	v29 =	vadd.s32 v8, v30  }
0x108: {  	v31 =	vor.u32 v6, v30;
	_ =	sdelay $0x1  }
0x109: {  	v28 =	vmul.f32 v28, v25;
	_ =	sdelay $0x1  }
0x10a: {  	[tilespmem:v29+s31+$0x0] =	vst.idx.msk $0xffff, v28  }
0x10b: {  	v28 =	vld.idx.msk [tilespmem:v31+s29+$0x0], $0xffff;
	_ =	sdelay $0x2  }
0x10c: {  	v29 =	vadd.s32 v9, v30  }
0x10d: {  	v31 =	vor.u32 v7, v30;
	_ =	sdelay $0x1  }
0x10e: {  	v28 =	vmul.f32 v28, v26;
	_ =	sdelay $0x1  }
0x10f: {  	[tilespmem:v29+s31+$0x0] =	vst.idx.msk $0xffff, v28  }
0x110: {  	v31 =	vld.idx.msk [tilespmem:v31+s29+$0x0], $0xffff;
	_ =	sdelay $0x1  }
.Ltmp2:
0x111: {  	v28 =	vadd.s32 s22, v0;
	(pc) =	sbr.rel @p0 .LBB2_7-.Ltmp2, $3  }
0x112: {  	v30 =	vadd.s32 v10, v30;
	v28 =	vand.u32 $0x1F, v28  }
0x113: {  	v29 =	vor.u32 v1, v28;
	_ =	sdelay $0x1  }
0x114: {  	v31 =	vmul.f32 v31, v27  }
0x115: {  	_ =	sdelay $0x3  }
0x116: {  	[tilespmem:v30+s31+$0x0] =	vst.idx.msk $0xffff, v31  }
0x117: {  	v29 =	vld.idx.msk [tilespmem:v29+s29+$0x0], $0xffff;
	_ =	sdelay $0x1  }
0x118: {  	v30 =	vadd.s32 v2, v28  }
0x119: {  	v31 =	vor.u32 v5, v28;
	_ =	sdelay $0x1  }
0x11a: {  	v29 =	vmul.f32 v29, v24;
	_ =	sdelay $0x1  }
0x11b: {  	[tilespmem:v30+s31+$0x0] =	vst.idx.msk $0xffff, v29  }
0x11c: {  	v29 =	vld.idx.msk [tilespmem:v31+s29+$0x0], $0xffff;
	_ =	sdelay $0x1  }
0x11d: {  	v30 =	vadd.s32 v8, v28  }
0x11e: {  	v31 =	vor.u32 v6, v28;
	_ =	sdelay $0x1  }
0x11f: {  	v29 =	vmul.f32 v29, v25;
	_ =	sdelay $0x1  }
0x120: {  	[tilespmem:v30+s31+$0x0] =	vst.idx.msk $0xffff, v29  }
0x121: {  	v29 =	vld.idx.msk [tilespmem:v31+s29+$0x0], $0xffff;
	_ =	sdelay $0x1  }
0x122: {  	v30 =	vadd.s32 v9, v28  }
0x123: {  	v31 =	vor.u32 v7, v28;
	_ =	sdelay $0x1  }
0x124: {  	v29 =	vmul.f32 v29, v26;
	_ =	sdelay $0x1  }
0x125: {  	[tilespmem:v30+s31+$0x0] =	vst.idx.msk $0xffff, v29  }
0x126: {  	s0 =	sadd.s32 $0x1, s22;
	v29 =	vld.idx.msk [tilespmem:v31+s29+$0x0], $0xffff  }
0x127: {  	v30 =	vadd.s32 s0, v0  }
0x128: {  	v28 =	vadd.s32 v10, v28;
	v30 =	vand.u32 $0x1F, v30  }
0x129: {  	v31 =	vor.u32 v1, v30;
	_ =	sdelay $0x1  }
0x12a: {  	v29 =	vmul.f32 v29, v27;
	_ =	sdelay $0x1  }
0x12b: {  	[tilespmem:v28+s31+$0x0] =	vst.idx.msk $0xffff, v29  }
0x12c: {  	v28 =	vld.idx.msk [tilespmem:v31+s29+$0x0], $0xffff;
	_ =	sdelay $0x1  }
0x12d: {  	v29 =	vadd.s32 v2, v30  }
0x12e: {  	v31 =	vor.u32 v5, v30;
	_ =	sdelay $0x1  }
0x12f: {  	v28 =	vmul.f32 v28, v24;
	_ =	sdelay $0x1  }
0x130: {  	[tilespmem:v29+s31+$0x0] =	vst.idx.msk $0xffff, v28  }
0x131: {  	v28 =	vld.idx.msk [tilespmem:v31+s29+$0x0], $0xffff;
	_ =	sdelay $0x1  }
0x132: {  	v29 =	vadd.s32 v8, v30  }
0x133: {  	v31 =	vor.u32 v6, v30;
	_ =	sdelay $0x1  }
0x134: {  	v28 =	vmul.f32 v28, v25;
	_ =	sdelay $0x1  }
0x135: {  	[tilespmem:v29+s31+$0x0] =	vst.idx.msk $0xffff, v28  }
0x136: {  	v28 =	vld.idx.msk [tilespmem:v31+s29+$0x0], $0xffff;
	_ =	sdelay $0x1  }
0x137: {  	v29 =	vadd.s32 v9, v30  }
0x138: {  	v31 =	vor.u32 v7, v30;
	_ =	sdelay $0x1  }
0x139: {  	v28 =	vmul.f32 v28, v26;
	_ =	sdelay $0x1  }
0x13a: {  	[tilespmem:v29+s31+$0x0] =	vst.idx.msk $0xffff, v28  }
0x13b: {  	v28 =	vld.idx.msk [tilespmem:v31+s29+$0x0], $0xffff;
	_ =	sdelay $0x1  }
0x13c: {  	v29 =	vadd.s32 v10, v30;
	_ =	sdelay $0x2  }
0x13d: {  	s22 =	simm.s32 $0x0;
	v28 =	vmul.f32 v28, v27  }
0x13e: {  	v30 =	vadd.s32 s22, v0  }
0x13f: {  	[tilespmem:v29+s31+$0x0] =	vst.idx.msk $0xffff, v28;
	v28 =	vor.u32 v16, v30  }
0x140: {  	[tilespmem:v11+s31+$0x0] =	vst.idx.msk $0xffff, v24  }
0x141: {  	v24 =	vor.u32 v18, v30;
	[tilespmem:v12+s31+$0x0] =	vst.idx.msk $0xffff, v25  }
0x142: {  	v25 =	vand.u32 $0x1F, v30;
	[tilespmem:v13+s31+$0x0] =	vst.idx.msk $0xffff, v26  }
0x143: {  	v26 =	vor.u32 v15, v25;
	[tilespmem:v14+s31+$0x0] =	vst.idx.msk $0xffff, v27  }
0x144: {  	s2 =	simm.s32 $0x1;
	v31 =	vld.idx.msk [tilespmem:v28+s26+$0x0], $0xffff  }
0x145: {  	v25 =	vor.u32 v17, v25;
	v27 =	vadd.s32 s2, v0;
	v28 =	vld.idx.msk [tilespmem:v28+s28+$0x0], $0xffff  }
0x146: {  	v27 =	vand.u32 $0x1F, v27;
	v32 =	vld.idx.msk [tilespmem:v24+s26+$0x0], $0xffff  }
0x147: {  	v29 =	vor.u32 v15, v27;
	v24 =	vld.idx.msk [tilespmem:v24+s28+$0x0], $0xffff  }
0x148: {  	v33 =	vld.idx.msk [tilespmem:v26+s26+$0x0], $0xffff  }
0x149: {  	v30 =	vor.u32 v16, v27;
	v34 =	vld.idx.msk [tilespmem:v26+s28+$0x0], $0xffff  }
0x14a: {  	v35 =	vld.idx.msk [tilespmem:v25+s26+$0x0], $0xffff  }
0x14b: {  	v25 =	vld.idx.msk [tilespmem:v25+s28+$0x0], $0xffff;
	v26 =	vor.u32 v17, v27  }
0x14c: {  	v36 =	vld.idx.msk [tilespmem:v29+s26+$0x0], $0xffff  }
0x14d: {  	s5 =	simm.s32 $0x2;
	v27 =	vor.u32 v18, v27;
	v39 =	vld.idx.msk [tilespmem:v29+s28+$0x0], $0xffff  }
0x14e: {  	v29 =	vadd.s32 s5, v0;
	v40 =	vld.idx.msk [tilespmem:v30+s26+$0x0], $0xffff  }
0x14f: {  	v41 =	vld.idx.msk [tilespmem:v30+s28+$0x0], $0xffff;
	v37 =	vor.u32 v16, v29  }
0x150: {  	v42 =	vld.idx.msk [tilespmem:v26+s26+$0x0], $0xffff  }
0x151: {  	v43 =	vor.u32 v18, v29;
	v44 =	vld.idx.msk [tilespmem:v26+s28+$0x0], $0xffff  }
0x152: {  	v29 =	vand.u32 $0x1F, v29;
	v45 =	vld.idx.msk [tilespmem:v27+s26+$0x0], $0xffff  }
0x153: {  	v48 =	vimm.f32 $0.0e+00;
	s22 =	simm.s32 $0x3;
	v46 =	vor.u32 v15, v29;
	v47 =	vld.idx.msk [tilespmem:v27+s28+$0x0], $0xffff  }
0x154: {  	v28 =	vmul.f32 v28, v31;
	v32 =	vmul.f32 v24, v32;
	v26 =	vadd.s32 s22, v0;
	v30 =	vld.idx.msk [tilespmem:v37+s26+$0x0], $0xffff  }
0x155: {  	v29 =	vor.u32 v17, v29;
	v33 =	vmul.f32 v34, v33;
	v27 =	vand.u32 $0x1F, v26;
	v26 =	vld.idx.msk [tilespmem:v37+s28+$0x0], $0xffff  }
0x156: {  	v49 =	vadd.f32 v28, v48;
	v62 =	vmul.f32 v25, v35;
	v24 =	vld.idx.msk [tilespmem:v43+s26+$0x0], $0xffff  }
0x157: {  	v38 =	vor.u32 v15, v27;
	v63 =	vadd.f32 v33, v48;
	v33 =	vadd.f32 v32, v48;
	v25 =	vld.idx.msk [tilespmem:v43+s28+$0x0], $0xffff  }
0x158: {  	v36 =	vmul.f32 v39, v36;
	v41 =	vmul.f32 v41, v40;
	v40 =	vadd.f32 v62, v48;
	v31 =	vld.idx.msk [tilespmem:v46+s26+$0x0], $0xffff  }
0x159: {  	v37 =	vor.u32 v16, v27;
	v39 =	vmul.f32 v44, v42;
	v35 =	vld.idx.msk [tilespmem:v46+s28+$0x0], $0xffff;
	v34 =	vmul.f32 v47, v45  }
0x15a: {  	s5 =	simm.s32 $0x4;
	v28 =	vld.idx.msk [tilespmem:v29+s26+$0x0], $0xffff;
	v36 =	vadd.f32 v36, v63;
	v32 =	vadd.f32 v41, v49  }
.LBB2_9:
0x15b: {  	p0 =	sne.s32 s5, $0x1E;
	v41 =	vld.idx.msk [tilespmem:v29+s28+$0x0], $0xffff;
	v29 =	vor.u32 v17, v27;
	v40 =	vadd.f32 v39, v40;
	v33 =	vadd.f32 v34, v33  }
0x15c: {  	v34 =	vld.idx.msk [tilespmem:v38+s26+$0x0], $0xffff  }
0x15d: {  	v27 =	vor.u32 v18, v27;
	v39 =	vld.idx.msk [tilespmem:v38+s28+$0x0], $0xffff  }
0x15e: {  	v38 =	vadd.s32 s5, v0;
	v42 =	vld.idx.msk [tilespmem:v37+s26+$0x0], $0xffff  }
0x15f: {  	v43 =	vor.u32 v16, v38;
	v44 =	vld.idx.msk [tilespmem:v37+s28+$0x0], $0xffff  }
0x160: {  	v45 =	vld.idx.msk [tilespmem:v29+s26+$0x0], $0xffff  }
0x161: {  	v37 =	vor.u32 v18, v38;
	v46 =	vld.idx.msk [tilespmem:v29+s28+$0x0], $0xffff  }
0x162: {  	s0 =	sadd.s32 $0x1, s5;
	v29 =	vand.u32 $0x1F, v38;
	v47 =	vld.idx.msk [tilespmem:v27+s26+$0x0], $0xffff  }
0x163: {  	v38 =	vadd.s32 s0, v0;
	v48 =	vor.u32 v15, v29;
	v49 =	vld.idx.msk [tilespmem:v27+s28+$0x0], $0xffff  }
0x164: {  	v27 =	vand.u32 $0x1F, v38;
	v50 =	vld.idx.msk [tilespmem:v43+s26+$0x0], $0xffff  }
0x165: {  	v30 =	vmul.f32 v26, v30;
	v29 =	vor.u32 v17, v29;
	v26 =	vld.idx.msk [tilespmem:v43+s28+$0x0], $0xffff;
	v43 =	vmul.f32 v25, v24  }
.Ltmp3:
0x166: {  	v35 =	vmul.f32 v35, v31;
	v28 =	vmul.f32 v41, v28;
	v38 =	vor.u32 v15, v27;
	v24 =	vld.idx.msk [tilespmem:v37+s26+$0x0], $0xffff;
	(pc) =	sbr.rel @p0 .LBB2_9-.Ltmp3, $4  }
0x167: {  	v41 =	vmul.f32 v39, v34;
	v42 =	vmul.f32 v44, v42;
	v25 =	vld.idx.msk [tilespmem:v37+s28+$0x0], $0xffff;
	v37 =	vor.u32 v16, v27  }
0x168: {  	v36 =	vadd.f32 v35, v36;
	v44 =	vadd.f32 v30, v32;
	v39 =	vmul.f32 v46, v45;
	v31 =	vld.idx.msk [tilespmem:v48+s26+$0x0], $0xffff  }
0x169: {  	v40 =	vadd.f32 v28, v40;
	v33 =	vadd.f32 v43, v33;
	v34 =	vmul.f32 v49, v47;
	v35 =	vld.idx.msk [tilespmem:v48+s28+$0x0], $0xffff  }
0x16a: {  	s5 =	sadd.s32 $0x2, s5;
	v36 =	vadd.f32 v41, v36;
	v32 =	vadd.f32 v42, v44;
	v30 =	vmov v50;
	v28 =	vld.idx.msk [tilespmem:v29+s26+$0x0], $0xffff  }
0x16b: {  	_ =	sdelay $0x3  }
0x16c: {  	v41 =	vld.idx.msk [tilespmem:v38+s26+$0x0], $0xffff  }
0x16d: {  	v55 =	vld.idx.msk [tilespmem:v38+s28+$0x0], $0xffff;
	_ =	sdelay $0x2  }
0x16e: {  	v31 =	vmul.f32 v35, v31;
	_ =	sdelay $0x1  }
0x16f: {  	v56 =	vmul.f32 v55, v41;
	v31 =	vadd.f32 v31, v36;
	_ =	sdelay $0x1  }
0x170: {  	v57 =	vld.idx.msk [tilespmem:v37+s26+$0x0], $0xffff;
	v31 =	vadd.f32 v56, v31  }
0x171: {  	v58 =	vld.idx.msk [tilespmem:v37+s28+$0x0], $0xffff  }
0x172: {  	v31 =	vmul.f32 $8.838834610e-02, v31  }
0x173: {  	v59 =	vor.u32 v17, v27  }
0x174: {  	v26 =	vmul.f32 v26, v30;
	s0 =	simm.s32 $0x0;
	v30 =	vmax.f32 v31, $-5.000000000e+00  }
0x175: {  	v60 =	vadd.s32 s0, v0;
	v30 =	vmin.f32 v30, $5.000000000e+00  }
0x176: {  	v26 =	vadd.f32 v26, v32;
	v31 =	vmul.f32 v58, v57;
	v30 =	vmul.f32 $1.442695020e+00, v30  }
0x177: {  	v29 =	vld.idx.msk [tilespmem:v29+s28+$0x0], $0xffff;
	v32 =	vand.u32 $0x1F, v60  }
0x178: {  	v61 =	vld.idx.msk [tilespmem:v59+s26+$0x0], $0xffff;
	v26 =	vadd.f32 v31, v26;
	(erf) = vpow2.f32 v30;
	v30 =	vor.u32 v15, v32  }
0x179: {  	v31 =	vld.idx.msk [tilespmem:v59+s28+$0x0], $0xffff  }
0x17a: {  	v27 =	vor.u32 v18, v27;
	v26 =	vmul.f32 $8.838834610e-02, v26;
	_ =	sdelay $0x1  }
0x17b: {  	v62 =	vadd.f32 v39, v40;
	v28 =	vmul.f32 v29, v28;
	v26 =	vmax.f32 v26, $-5.000000000e+00  }
0x17c: {  	v26 =	vmin.f32 v26, $5.000000000e+00;
	v29 =	vld.idx.msk [tilespmem:v30+s29+$0x0], $0xffff  }
0x17d: {  	v28 =	vadd.f32 v28, v62;
	v26 =	vmul.f32 $1.442695020e+00, v26;
	v30 =	vmul.f32 v31, v61  }
0x17e: {  	v63 =	vld.idx.msk [tilespmem:v27+s26+$0x0], $0xffff;
	v31 =	vadd.s32 v19, v32  }
0x17f: {  	(erf) = vpow2.f32 v26;
	v26 =	vor.u32 v16, v32;
	v28 =	vadd.f32 v30, v28;
	v30 =	vld.idx.msk [tilespmem:v27+s28+$0x0], $0xffff  }
0x180: {  	v27 =	vpop (erf)  }
0x181: {  	v28 =	vmul.f32 $8.838834610e-02, v28;
	v29 =	vmul.f32 v29, v27;
	_ =	sdelay $0x1  }
0x182: {  	v33 =	vadd.f32 v34, v33;
	v24 =	vmul.f32 v25, v24;
	v25 =	vmax.f32 v28, $-5.000000000e+00;
	[tilespmem:v31+s31+$0x0] =	vst.idx.msk $0xffff, v29  }
0x183: {  	v25 =	vmin.f32 v25, $5.000000000e+00;
	v28 =	vmul.f32 v30, v63;
	v26 =	vld.idx.msk [tilespmem:v26+s29+$0x0], $0xffff  }
0x184: {  	v24 =	vadd.f32 v24, v33;
	v25 =	vmul.f32 $1.442695020e+00, v25  }
0x185: {  	v29 =	vadd.s32 v20, v32  }
0x186: {  	v24 =	vadd.f32 v28, v24;
	(erf) = vpow2.f32 v25;
	v25 =	vor.u32 v17, v32  }
0x187: {  	v28 =	vpop (erf)  }
0x188: {  	v24 =	vmul.f32 $8.838834610e-02, v24;
	v26 =	vmul.f32 v26, v28;
	_ =	sdelay $0x1  }
0x189: {  	v24 =	vmax.f32 v24, $-5.000000000e+00;
	[tilespmem:v29+s31+$0x0] =	vst.idx.msk $0xffff, v26  }
0x18a: {  	v24 =	vmin.f32 v24, $5.000000000e+00;
	v25 =	vld.idx.msk [tilespmem:v25+s29+$0x0], $0xffff  }
0x18b: {  	v24 =	vmul.f32 $1.442695020e+00, v24  }
0x18c: {  	v26 =	vadd.s32 v21, v32  }
0x18d: {  	(erf) = vpow2.f32 v24;
	v24 =	vor.u32 v18, v32  }
0x18e: {  	v29 =	vpop (erf)  }
0x18f: {  	v25 =	vmul.f32 v25, v29;
	_ =	sdelay $0x1  }
0x190: {  	[tilespmem:v26+s31+$0x0] =	vst.idx.msk $0xffff, v25  }
0x191: {  	s22 =	simm.s32 $0x1;
	v24 =	vld.idx.msk [tilespmem:v24+s29+$0x0], $0xffff  }
0x192: {  	v25 =	vadd.s32 s22, v0  }
0x193: {  	v26 =	vadd.s32 v22, v32;
	v25 =	vand.u32 $0x1F, v25  }
0x194: {  	v31 =	vor.u32 v15, v25  }
0x195: {  	v30 =	vpop (erf)  }
0x196: {  	v24 =	vmul.f32 v24, v30;
	_ =	sdelay $0x1  }
0x197: {  	[tilespmem:v26+s31+$0x0] =	vst.idx.msk $0xffff, v24  }
0x198: {  	v24 =	vld.idx.msk [tilespmem:v31+s29+$0x0], $0xffff;
	_ =	sdelay $0x1  }
0x199: {  	v26 =	vadd.s32 v19, v25  }
0x19a: {  	v31 =	vor.u32 v16, v25;
	_ =	sdelay $0x1  }
0x19b: {  	v24 =	vmul.f32 v24, v27;
	_ =	sdelay $0x1  }
0x19c: {  	[tilespmem:v26+s31+$0x0] =	vst.idx.msk $0xffff, v24  }
0x19d: {  	v24 =	vld.idx.msk [tilespmem:v31+s29+$0x0], $0xffff;
	_ =	sdelay $0x1  }
0x19e: {  	v26 =	vadd.s32 v20, v25  }
0x19f: {  	v31 =	vor.u32 v17, v25;
	_ =	sdelay $0x1  }
0x1a0: {  	v24 =	vmul.f32 v24, v28;
	_ =	sdelay $0x1  }
0x1a1: {  	[tilespmem:v26+s31+$0x0] =	vst.idx.msk $0xffff, v24  }
0x1a2: {  	v24 =	vld.idx.msk [tilespmem:v31+s29+$0x0], $0xffff;
	_ =	sdelay $0x1  }
0x1a3: {  	v26 =	vadd.s32 v21, v25  }
0x1a4: {  	v31 =	vor.u32 v18, v25;
	_ =	sdelay $0x1  }
0x1a5: {  	v24 =	vmul.f32 v24, v29;
	_ =	sdelay $0x1  }
0x1a6: {  	[tilespmem:v26+s31+$0x0] =	vst.idx.msk $0xffff, v24  }
0x1a7: {  	s22 =	simm.s32 $0x2;
	v31 =	vld.idx.msk [tilespmem:v31+s29+$0x0], $0xffff  }
0x1a8: {  	v24 =	vadd.s32 s22, v0  }
0x1a9: {  	v26 =	vadd.s32 v22, v25;
	v24 =	vand.u32 $0x1F, v24  }
0x1aa: {  	v25 =	vor.u32 v15, v24;
	_ =	sdelay $0x1  }
0x1ab: {  	s5 =	simm.s32 $0x4;
	v31 =	vmul.f32 v31, v30  }
.LBB2_11:
0x1ac: {  	_ = 	snop  }
0x1ad: {  	p0 =	sne.s32 s5, $0x1E;
	s0 =	smov.u32 s5;
	s5 =	sadd.s32 $0x2, s5;
	[tilespmem:v26+s31+$0x0] =	vst.idx.msk $0xffff, v31  }
0x1ae: {  	v25 =	vld.idx.msk [tilespmem:v25+s29+$0x0], $0xffff;
	_ =	sdelay $0x2  }
0x1af: {  	v26 =	vadd.s32 v19, v24  }
0x1b0: {  	v31 =	vor.u32 v16, v24;
	_ =	sdelay $0x1  }
0x1b1: {  	v25 =	vmul.f32 v25, v27;
	_ =	sdelay $0x1  }
0x1b2: {  	[tilespmem:v26+s31+$0x0] =	vst.idx.msk $0xffff, v25  }
0x1b3: {  	v25 =	vld.idx.msk [tilespmem:v31+s29+$0x0], $0xffff;
	_ =	sdelay $0x2  }
0x1b4: {  	v26 =	vadd.s32 v20, v24  }
0x1b5: {  	v31 =	vor.u32 v17, v24;
	_ =	sdelay $0x1  }
0x1b6: {  	v25 =	vmul.f32 v25, v28;
	_ =	sdelay $0x1  }
0x1b7: {  	[tilespmem:v26+s31+$0x0] =	vst.idx.msk $0xffff, v25  }
0x1b8: {  	v25 =	vld.idx.msk [tilespmem:v31+s29+$0x0], $0xffff;
	_ =	sdelay $0x2  }
0x1b9: {  	v26 =	vadd.s32 v21, v24  }
0x1ba: {  	v31 =	vor.u32 v18, v24;
	_ =	sdelay $0x1  }
0x1bb: {  	v25 =	vmul.f32 v25, v29;
	_ =	sdelay $0x1  }
0x1bc: {  	[tilespmem:v26+s31+$0x0] =	vst.idx.msk $0xffff, v25  }
0x1bd: {  	v25 =	vld.idx.msk [tilespmem:v31+s29+$0x0], $0xffff  }
0x1be: {  	s2 =	sadd.s32 $0x1, s22;
	s22 =	smov.u32 s0  }
0x1bf: {  	v26 =	vadd.s32 s2, v0  }
0x1c0: {  	v24 =	vadd.s32 v22, v24;
	v26 =	vand.u32 $0x1F, v26  }
0x1c1: {  	v31 =	vor.u32 v15, v26;
	_ =	sdelay $0x1  }
0x1c2: {  	v25 =	vmul.f32 v25, v30;
	_ =	sdelay $0x1  }
0x1c3: {  	[tilespmem:v24+s31+$0x0] =	vst.idx.msk $0xffff, v25  }
0x1c4: {  	v24 =	vld.idx.msk [tilespmem:v31+s29+$0x0], $0xffff;
	_ =	sdelay $0x2  }
0x1c5: {  	v25 =	vadd.s32 v19, v26  }
0x1c6: {  	v31 =	vor.u32 v16, v26;
	_ =	sdelay $0x1  }
0x1c7: {  	v24 =	vmul.f32 v24, v27;
	_ =	sdelay $0x1  }
0x1c8: {  	[tilespmem:v25+s31+$0x0] =	vst.idx.msk $0xffff, v24  }
0x1c9: {  	v24 =	vld.idx.msk [tilespmem:v31+s29+$0x0], $0xffff;
	_ =	sdelay $0x2  }
0x1ca: {  	v25 =	vadd.s32 v20, v26  }
0x1cb: {  	v31 =	vor.u32 v17, v26;
	_ =	sdelay $0x1  }
0x1cc: {  	v24 =	vmul.f32 v24, v28;
	_ =	sdelay $0x1  }
0x1cd: {  	[tilespmem:v25+s31+$0x0] =	vst.idx.msk $0xffff, v24  }
0x1ce: {  	v24 =	vld.idx.msk [tilespmem:v31+s29+$0x0], $0xffff;
	_ =	sdelay $0x2  }
0x1cf: {  	v25 =	vadd.s32 v21, v26  }
0x1d0: {  	v31 =	vor.u32 v18, v26;
	_ =	sdelay $0x1  }
0x1d1: {  	v24 =	vmul.f32 v24, v29;
	_ =	sdelay $0x1  }
0x1d2: {  	[tilespmem:v25+s31+$0x0] =	vst.idx.msk $0xffff, v24  }
0x1d3: {  	v31 =	vld.idx.msk [tilespmem:v31+s29+$0x0], $0xffff;
	_ =	sdelay $0x1  }
.Ltmp4:
0x1d4: {  	v24 =	vadd.s32 s22, v0;
	(pc) =	sbr.rel @p0 .LBB2_11-.Ltmp4, $3  }
0x1d5: {  	v26 =	vadd.s32 v22, v26;
	v24 =	vand.u32 $0x1F, v24  }
0x1d6: {  	v25 =	vor.u32 v15, v24;
	_ =	sdelay $0x1  }
0x1d7: {  	v31 =	vmul.f32 v31, v30  }
0x1d8: {  	_ =	sdelay $0x3  }
0x1d9: {  	[tilespmem:v26+s31+$0x0] =	vst.idx.msk $0xffff, v31  }
0x1da: {  	v25 =	vld.idx.msk [tilespmem:v25+s29+$0x0], $0xffff;
	_ =	sdelay $0x1  }
0x1db: {  	v26 =	vadd.s32 v19, v24  }
0x1dc: {  	v31 =	vor.u32 v16, v24;
	_ =	sdelay $0x1  }
0x1dd: {  	v25 =	vmul.f32 v25, v27;
	_ =	sdelay $0x1  }
0x1de: {  	[tilespmem:v26+s31+$0x0] =	vst.idx.msk $0xffff, v25  }
0x1df: {  	v25 =	vld.idx.msk [tilespmem:v31+s29+$0x0], $0xffff;
	_ =	sdelay $0x1  }
0x1e0: {  	v26 =	vadd.s32 v20, v24  }
0x1e1: {  	v31 =	vor.u32 v17, v24;
	_ =	sdelay $0x1  }
0x1e2: {  	v25 =	vmul.f32 v25, v28;
	_ =	sdelay $0x1  }
0x1e3: {  	[tilespmem:v26+s31+$0x0] =	vst.idx.msk $0xffff, v25  }
0x1e4: {  	v25 =	vld.idx.msk [tilespmem:v31+s29+$0x0], $0xffff;
	_ =	sdelay $0x1  }
0x1e5: {  	v26 =	vadd.s32 v21, v24  }
0x1e6: {  	v31 =	vor.u32 v18, v24;
	_ =	sdelay $0x1  }
0x1e7: {  	v25 =	vmul.f32 v25, v29;
	_ =	sdelay $0x1  }
0x1e8: {  	[tilespmem:v26+s31+$0x0] =	vst.idx.msk $0xffff, v25  }
0x1e9: {  	s0 =	sadd.s32 $0x1, s22;
	v25 =	vld.idx.msk [tilespmem:v31+s29+$0x0], $0xffff  }
0x1ea: {  	v26 =	vadd.s32 s0, v0  }
0x1eb: {  	v24 =	vadd.s32 v22, v24;
	v26 =	vand.u32 $0x1F, v26  }
0x1ec: {  	v31 =	vor.u32 v15, v26;
	_ =	sdelay $0x1  }
0x1ed: {  	v25 =	vmul.f32 v25, v30;
	_ =	sdelay $0x1  }
0x1ee: {  	[tilespmem:v24+s31+$0x0] =	vst.idx.msk $0xffff, v25  }
0x1ef: {  	v24 =	vld.idx.msk [tilespmem:v31+s29+$0x0], $0xffff;
	_ =	sdelay $0x1  }
0x1f0: {  	v25 =	vadd.s32 v19, v26  }
0x1f1: {  	v31 =	vor.u32 v16, v26;
	_ =	sdelay $0x1  }
0x1f2: {  	v24 =	vmul.f32 v24, v27;
	_ =	sdelay $0x1  }
0x1f3: {  	[tilespmem:v25+s31+$0x0] =	vst.idx.msk $0xffff, v24  }
0x1f4: {  	v24 =	vld.idx.msk [tilespmem:v31+s29+$0x0], $0xffff;
	_ =	sdelay $0x1  }
0x1f5: {  	v25 =	vadd.s32 v20, v26  }
0x1f6: {  	v31 =	vor.u32 v17, v26;
	_ =	sdelay $0x1  }
0x1f7: {  	v24 =	vmul.f32 v24, v28;
	_ =	sdelay $0x1  }
0x1f8: {  	[tilespmem:v25+s31+$0x0] =	vst.idx.msk $0xffff, v24  }
0x1f9: {  	v24 =	vld.idx.msk [tilespmem:v31+s29+$0x0], $0xffff;
	_ =	sdelay $0x1  }
0x1fa: {  	v25 =	vadd.s32 v21, v26  }
0x1fb: {  	v31 =	vor.u32 v18, v26;
	_ =	sdelay $0x1  }
0x1fc: {  	v24 =	vmul.f32 v24, v29;
	_ =	sdelay $0x1  }
0x1fd: {  	[tilespmem:v25+s31+$0x0] =	vst.idx.msk $0xffff, v24  }
0x1fe: {  	v25 =	vld.idx.msk [tilespmem:v31+s29+$0x0], $0xffff;
	_ =	sdelay $0x1  }
0x1ff: {  	v31 =	vadd.s32 v22, v26;
	_ =	sdelay $0x1  }
0x200: {  	v24 =	vadd.s32 $0x981, v2  }
0x201: {  	v32 =	vmul.f32 v25, v30;
	v25 =	vadd.s32 $0x982, v2  }
0x202: {  	v26 =	vadd.s32 $0x983, v2  }
0x203: {  	[tilespmem:v31+s31+$0x0] =	vst.idx.msk $0xffff, v32  }
0x204: {  	[tilespmem:v23+s31+$0x0] =	vst.idx.msk $0xffff, v27  }
0x205: {  	[tilespmem:v24+s31+$0x0] =	vst.idx.msk $0xffff, v28  }
0x206: {  	[tilespmem:v25+s31+$0x0] =	vst.idx.msk $0xffff, v29  }
0x207: {  	[tilespmem:v26+s31+$0x0] =	vst.idx.msk $0xffff, v30  }
0x208: {  	[spmem:s4] =	stream.indirect.scatter.add.f32 [tilespmem:s31], [sflag:$0x5], $0x90, s30, s24, $0xb8;
	[tilespmem:$0x1E498] =	vst v63  }
0x209: {  	_ =	swait.ge [sflag:s18], $0x1000  }
0x20a: {  	[sflag:s18] =	ssyncset.done $0x0  }
0x20b: {  	[sflag:s18] =	ssyncadd.s32 $0xFFFFF000  }
0x20c: {  	_ =	swait.ge [sflag:s18], $0x1000  }
0x20d: {  	[sflag:s18] =	ssyncset.done $0x0  }
0x20e: {  	[sflag:s18] =	ssyncadd.s32 $0xFFFFF000  }
0x20f: {  	_ =	swait.ge [sflag:s18], $0x1000  }
0x210: {  	[sflag:s18] =	ssyncset.done $0x0  }
0x211: {  	[sflag:s18] =	ssyncadd.s32 $0xFFFFF000  }
0x212: {  	_ =	swait.ge [sflag:s19], $0x1200  }
0x213: {  	[sflag:s19] =	ssyncset.done $0x0  }
0x214: {  	[sflag:s19] =	ssyncadd.s32 $0xFFFFEE00  }
0x215: {  	v27 =	vld [tilespmem:$0x60]  }
0x216: {  	v28 =	vld [tilespmem:$0x70]  }
0x217: {  	s22 =	sshll.u32 s21, $0x1  }
0x218: {  	s0 =	smin.u32 s22, $0x135  }
0x219: {  	s0 =	sshll.u32 s0, $0x6  }
0x21a: {  	s0 =	sadd.s32 s0, s16;
	[tilespmem:$0xA0] =	vst v27  }
0x21b: {  	s5 =	simm.s32 $0x0;
	s2 =	sadd.s32 s1, s0;
	[tilespmem:$0xB0] =	vst v28  }
0x21c: {  	[tilespmem:s24], [sflag:$0x4] =	stream.linear.gather [hbm4b:s2+s5], $0x20, $0x38;
	[tilespmem:$0x1E498] =	vst v63  }
0x21d: {  	s0 =	sadd.s32 s3, s0  }
0x21e: {  	[tilespmem:s25], [sflag:$0x4] =	stream.linear.gather [hbm4b:s0+s5], $0x20, $0x38;
	[tilespmem:$0x1E498] =	vst v63  }
0x21f: {  	_ =	swait.ge [sflag:s20], $0x20  }
0x220: {  	[sflag:s20] =	ssyncset.done $0x0  }
0x221: {  	[sflag:s20] =	ssyncadd.s32 $0xFFFFFFE0  }
0x222: {  	_ =	swait.ge [sflag:s20], $0x20  }
0x223: {  	[sflag:s20] =	ssyncset.done $0x0  }
0x224: {  	v29 =	vadd.s32 s5, v0;
	v28 =	vor.u32 $0x1020, v1;
	[sflag:s20] =	ssyncadd.s32 $0xFFFFFFE0  }
0x225: {  	v31 =	vor.u32 v28, v29;
	[tilespmem:s26], [sflag:$0x1] =	stream.indirect.gather [hbm4b:s7+s24], $0x80, s5, s24, $0xb8;
	[tilespmem:$0x1E498] =	vst v63  }
0x226: {  	v27 =	vor.u32 $0x1060, v1  }
0x227: {  	v59 =	vor.u32 v27, v29;
	[tilespmem:s28], [sflag:$0x1] =	stream.indirect.gather [hbm4b:s6+s24], $0x80, s23, s24, $0xb8;
	[tilespmem:$0x1E498] =	vst v63  }
0x228: {  	v33 =	vand.u32 $0x1F, v29;
	v30 =	vor.u32 $0x1000, v1;
	s2 =	simm.s32 $0x1  }
0x229: {  	v34 =	vor.u32 v30, v33;
	v36 =	vadd.s32 s2, v0;
	[tilespmem:s29], [sflag:$0x1] =	stream.indirect.gather [hbm4b:s8+s24], $0x80, s5, s24, $0xb8;
	[tilespmem:$0x1E498] =	vst v63  }
0x22a: {  	v60 =	vand.u32 $0x1F, v36;
	v35 =	vld.idx.msk [tilespmem:v31+s26+$0x0], $0xffff  }
0x22b: {  	v36 =	vor.u32 v30, v60;
	v38 =	vld.idx.msk [tilespmem:v31+s28+$0x0], $0xffff  }
0x22c: {  	v39 =	vld.idx.msk [tilespmem:v59+s26+$0x0], $0xffff  }
0x22d: {  	v29 =	vor.u32 $0x1040, v1;
	v37 =	vor.u32 v28, v60;
	v32 =	vld.idx.msk [tilespmem:v59+s28+$0x0], $0xffff  }
0x22e: {  	v31 =	vor.u32 v29, v33;
	v40 =	vld.idx.msk [tilespmem:v34+s26+$0x0], $0xffff  }
0x22f: {  	v34 =	vld.idx.msk [tilespmem:v34+s28+$0x0], $0xffff  }
0x230: {  	v43 =	vld.idx.msk [tilespmem:v36+s26+$0x0], $0xffff  }
0x231: {  	s5 =	simm.s32 $0x2;
	v46 =	vld.idx.msk [tilespmem:v36+s28+$0x0], $0xffff;
	v33 =	vor.u32 v27, v60  }
0x232: {  	v61 =	vadd.s32 s5, v0;
	v47 =	vld.idx.msk [tilespmem:v37+s26+$0x0], $0xffff  }
0x233: {  	v44 =	vor.u32 v28, v61;
	v41 =	vld.idx.msk [tilespmem:v31+s26+$0x0], $0xffff  }
0x234: {  	v42 =	vld.idx.msk [tilespmem:v31+s28+$0x0], $0xffff;
	v31 =	vor.u32 v29, v60  }
0x235: {  	v48 =	vld.idx.msk [tilespmem:v37+s28+$0x0], $0xffff  }
0x236: {  	v50 =	vor.u32 v27, v61;
	v52 =	vld.idx.msk [tilespmem:v33+s26+$0x0], $0xffff  }
0x237: {  	v62 =	vand.u32 $0x1F, v61;
	v54 =	vld.idx.msk [tilespmem:v33+s28+$0x0], $0xffff  }
0x238: {  	v53 =	vor.u32 v30, v62;
	v36 =	vld.idx.msk [tilespmem:v44+s26+$0x0], $0xffff  }
0x239: {  	v49 =	vld.idx.msk [tilespmem:v31+s26+$0x0], $0xffff  }
0x23a: {  	v55 =	vimm.f32 $0.0e+00;
	s22 =	simm.s32 $0x3;
	v37 =	vor.u32 v29, v62;
	v35 =	vmul.f32 v38, v35;
	v51 =	vld.idx.msk [tilespmem:v31+s28+$0x0], $0xffff  }
0x23b: {  	v39 =	vmul.f32 v32, v39;
	v40 =	vmul.f32 v34, v40;
	v32 =	vld.idx.msk [tilespmem:v50+s26+$0x0], $0xffff;
	v31 =	vadd.s32 s22, v0  }
0x23c: {  	v43 =	vmul.f32 v46, v43;
	v48 =	vmul.f32 v48, v47;
	v34 =	vld.idx.msk [tilespmem:v50+s28+$0x0], $0xffff;
	v33 =	vand.u32 $0x1F, v31  }
0x23d: {  	v38 =	vld.idx.msk [tilespmem:v53+s26+$0x0], $0xffff;
	v63 =	vadd.f32 v40, v55;
	v41 =	vmul.f32 v42, v41;
	v45 =	vor.u32 v30, v33  }
0x23e: {  	v56 =	vadd.f32 v35, v55;
	v40 =	vadd.f32 v39, v55;
	v31 =	vld.idx.msk [tilespmem:v44+s28+$0x0], $0xffff;
	v44 =	vor.u32 v28, v33  }
0x23f: {  	v35 =	vld.idx.msk [tilespmem:v37+s26+$0x0], $0xffff;
	v47 =	vadd.f32 v41, v55;
	v41 =	vmul.f32 v54, v52;
	v46 =	vmul.f32 v51, v49  }
0x240: {  	s5 =	simm.s32 $0x4;
	v43 =	vadd.f32 v43, v63;
	v39 =	vadd.f32 v48, v56;
	v42 =	vld.idx.msk [tilespmem:v53+s28+$0x0], $0xffff  }
.LBB2_13:
0x241: {  	p0 =	sne.s32 s5, $0x1E;
	v48 =	vld.idx.msk [tilespmem:v37+s28+$0x0], $0xffff;
	v37 =	vor.u32 v29, v33;
	v47 =	vadd.f32 v46, v47;
	v40 =	vadd.f32 v41, v40  }
0x242: {  	v41 =	vld.idx.msk [tilespmem:v45+s26+$0x0], $0xffff  }
0x243: {  	v33 =	vor.u32 v27, v33;
	v46 =	vld.idx.msk [tilespmem:v45+s28+$0x0], $0xffff  }
0x244: {  	v45 =	vadd.s32 s5, v0;
	v49 =	vld.idx.msk [tilespmem:v44+s26+$0x0], $0xffff  }
0x245: {  	v50 =	vor.u32 v28, v45;
	v51 =	vld.idx.msk [tilespmem:v44+s28+$0x0], $0xffff  }
0x246: {  	v52 =	vld.idx.msk [tilespmem:v37+s26+$0x0], $0xffff  }
0x247: {  	v44 =	vor.u32 v27, v45;
	v53 =	vld.idx.msk [tilespmem:v37+s28+$0x0], $0xffff  }
0x248: {  	s0 =	sadd.s32 $0x1, s5;
	v37 =	vand.u32 $0x1F, v45;
	v54 =	vld.idx.msk [tilespmem:v33+s26+$0x0], $0xffff  }
0x249: {  	v45 =	vadd.s32 s0, v0;
	v55 =	vor.u32 v30, v37;
	v56 =	vld.idx.msk [tilespmem:v33+s28+$0x0], $0xffff  }
0x24a: {  	v33 =	vand.u32 $0x1F, v45;
	v57 =	vld.idx.msk [tilespmem:v50+s26+$0x0], $0xffff  }
0x24b: {  	v36 =	vmul.f32 v31, v36;
	v37 =	vor.u32 v29, v37;
	v31 =	vld.idx.msk [tilespmem:v50+s28+$0x0], $0xffff;
	v50 =	vmul.f32 v34, v32  }
.Ltmp5:
0x24c: {  	v42 =	vmul.f32 v42, v38;
	v35 =	vmul.f32 v48, v35;
	v45 =	vor.u32 v30, v33;
	v32 =	vld.idx.msk [tilespmem:v44+s26+$0x0], $0xffff;
	(pc) =	sbr.rel @p0 .LBB2_13-.Ltmp5, $4  }
0x24d: {  	v48 =	vmul.f32 v46, v41;
	v49 =	vmul.f32 v51, v49;
	v34 =	vld.idx.msk [tilespmem:v44+s28+$0x0], $0xffff;
	v44 =	vor.u32 v28, v33  }
0x24e: {  	v43 =	vadd.f32 v42, v43;
	v51 =	vadd.f32 v36, v39;
	v46 =	vmul.f32 v53, v52;
	v38 =	vld.idx.msk [tilespmem:v55+s26+$0x0], $0xffff  }
0x24f: {  	v47 =	vadd.f32 v35, v47;
	v40 =	vadd.f32 v50, v40;
	v41 =	vmul.f32 v56, v54;
	v42 =	vld.idx.msk [tilespmem:v55+s28+$0x0], $0xffff  }
0x250: {  	s5 =	sadd.s32 $0x2, s5;
	v43 =	vadd.f32 v48, v43;
	v39 =	vadd.f32 v49, v51;
	v36 =	vmov v57;
	v35 =	vld.idx.msk [tilespmem:v37+s26+$0x0], $0xffff  }
0x251: {  	_ =	sdelay $0x3  }
0x252: {  	v48 =	vld.idx.msk [tilespmem:v45+s26+$0x0], $0xffff  }
0x253: {  	v49 =	vld.idx.msk [tilespmem:v45+s28+$0x0], $0xffff;
	_ =	sdelay $0x2  }
0x254: {  	v38 =	vmul.f32 v42, v38;
	_ =	sdelay $0x1  }
0x255: {  	v50 =	vmul.f32 v49, v48;
	v38 =	vadd.f32 v38, v43  }
0x256: {  	v51 =	vld.idx.msk [tilespmem:v44+s26+$0x0], $0xffff  }
0x257: {  	v52 =	vld.idx.msk [tilespmem:v44+s28+$0x0], $0xffff;
	v38 =	vadd.f32 v50, v38;
	_ =	sdelay $0x1  }
0x258: {  	v38 =	vmul.f32 $8.838834610e-02, v38  }
0x259: {  	v53 =	vor.u32 v29, v33;
	v31 =	vmul.f32 v31, v36  }
0x25a: {  	v54 =	vmax.f32 v38, $-5.000000000e+00  }
0x25b: {  	s0 =	simm.s32 $0x0;
	v31 =	vadd.f32 v31, v39;
	v55 =	vmul.f32 v52, v51;
	v36 =	vmin.f32 v54, $5.000000000e+00  }
0x25c: {  	v56 =	vadd.s32 s0, v0;
	v36 =	vmul.f32 $1.442695020e+00, v36  }
0x25d: {  	v37 =	vld.idx.msk [tilespmem:v37+s28+$0x0], $0xffff;
	v39 =	vand.u32 $0x1F, v56;
	v31 =	vadd.f32 v55, v31  }
0x25e: {  	v58 =	vor.u32 v30, v39;
	v57 =	vld.idx.msk [tilespmem:v53+s26+$0x0], $0xffff;
	(erf) = vpow2.f32 v36  }
0x25f: {  	v42 =	vld.idx.msk [tilespmem:v53+s28+$0x0], $0xffff;
	v31 =	vmul.f32 $8.838834610e-02, v31;
	_ =	sdelay $0x1  }
0x260: {  	v59 =	vor.u32 v27, v33;
	v31 =	vmax.f32 v31, $-5.000000000e+00  }
0x261: {  	v60 =	vadd.f32 v46, v47;
	v35 =	vmul.f32 v37, v35;
	v31 =	vmin.f32 v31, $5.000000000e+00  }
0x262: {  	v31 =	vmul.f32 $1.442695020e+00, v31;
	v36 =	vld.idx.msk [tilespmem:v58+s29+$0x0], $0xffff  }
0x263: {  	v33 =	vadd.s32 $0x1200, v2;
	v35 =	vadd.f32 v35, v60;
	v61 =	vmul.f32 v42, v57  }
0x264: {  	v62 =	vadd.s32 v33, v39  }
0x265: {  	v44 =	vor.u32 v28, v39;
	v63 =	vld.idx.msk [tilespmem:v59+s26+$0x0], $0xffff;
	v35 =	vadd.f32 v61, v35;
	(erf) = vpow2.f32 v31  }
0x266: {  	v38 =	vld.idx.msk [tilespmem:v59+s28+$0x0], $0xffff;
	v31 =	vpop (erf)  }
0x267: {  	v35 =	vmul.f32 $8.838834610e-02, v35;
	v36 =	vmul.f32 v36, v31  }
0x268: {  	v40 =	vadd.f32 v41, v40;
	v32 =	vmul.f32 v34, v32  }
0x269: {  	v45 =	vmax.f32 v35, $-5.000000000e+00;
	[tilespmem:v62+s31+$0x0] =	vst.idx.msk $0xffff, v36  }
0x26a: {  	v32 =	vadd.f32 v32, v40;
	v34 =	vmin.f32 v45, $5.000000000e+00;
	v46 =	vld.idx.msk [tilespmem:v44+s29+$0x0], $0xffff  }
0x26b: {  	v47 =	vmul.f32 v38, v63;
	v34 =	vmul.f32 $1.442695020e+00, v34;
	v36 =	vadd.s32 $0x1220, v2  }
0x26c: {  	v48 =	vadd.s32 v36, v39  }
0x26d: {  	v49 =	vor.u32 v29, v39;
	v37 =	vadd.f32 v47, v32;
	(erf) = vpow2.f32 v34  }
0x26e: {  	v32 =	vpop (erf)  }
0x26f: {  	v37 =	vmul.f32 $8.838834610e-02, v37;
	v35 =	vmul.f32 v46, v32;
	_ =	sdelay $0x1  }
0x270: {  	v37 =	vmax.f32 v37, $-5.000000000e+00;
	[tilespmem:v48+s31+$0x0] =	vst.idx.msk $0xffff, v35  }
0x271: {  	v50 =	vmin.f32 v37, $5.000000000e+00;
	v38 =	vld.idx.msk [tilespmem:v49+s29+$0x0], $0xffff  }
0x272: {  	v37 =	vadd.s32 $0x1240, v2;
	v51 =	vmul.f32 $1.442695020e+00, v50  }
0x273: {  	v52 =	vadd.s32 v37, v39  }
0x274: {  	v53 =	vor.u32 v27, v39;
	(erf) = vpow2.f32 v51  }
0x275: {  	v34 =	vpop (erf)  }
0x276: {  	v38 =	vmul.f32 v38, v34;
	_ =	sdelay $0x1  }
0x277: {  	[tilespmem:v52+s31+$0x0] =	vst.idx.msk $0xffff, v38  }
0x278: {  	s22 =	simm.s32 $0x1;
	v40 =	vld.idx.msk [tilespmem:v53+s29+$0x0], $0xffff  }
0x279: {  	v54 =	vadd.s32 s22, v0;
	v38 =	vadd.s32 $0x1260, v2  }
0x27a: {  	v55 =	vand.u32 $0x1F, v54;
	v39 =	vadd.s32 v38, v39  }
0x27b: {  	v56 =	vor.u32 v30, v55  }
0x27c: {  	v35 =	vpop (erf)  }
0x27d: {  	v40 =	vmul.f32 v40, v35;
	_ =	sdelay $0x1  }
0x27e: {  	[tilespmem:v39+s31+$0x0] =	vst.idx.msk $0xffff, v40  }
0x27f: {  	v39 =	vld.idx.msk [tilespmem:v56+s29+$0x0], $0xffff;
	_ =	sdelay $0x1  }
0x280: {  	v57 =	vadd.s32 v33, v55  }
0x281: {  	v58 =	vor.u32 v28, v55;
	_ =	sdelay $0x1  }
0x282: {  	v39 =	vmul.f32 v39, v31;
	_ =	sdelay $0x1  }
0x283: {  	[tilespmem:v57+s31+$0x0] =	vst.idx.msk $0xffff, v39  }
0x284: {  	v39 =	vld.idx.msk [tilespmem:v58+s29+$0x0], $0xffff;
	_ =	sdelay $0x1  }
0x285: {  	v59 =	vadd.s32 v36, v55  }
0x286: {  	v60 =	vor.u32 v29, v55;
	_ =	sdelay $0x1  }
0x287: {  	v39 =	vmul.f32 v39, v32;
	_ =	sdelay $0x1  }
0x288: {  	[tilespmem:v59+s31+$0x0] =	vst.idx.msk $0xffff, v39  }
0x289: {  	v39 =	vld.idx.msk [tilespmem:v60+s29+$0x0], $0xffff;
	_ =	sdelay $0x1  }
0x28a: {  	v61 =	vadd.s32 v37, v55  }
0x28b: {  	v62 =	vor.u32 v27, v55;
	_ =	sdelay $0x1  }
0x28c: {  	v39 =	vmul.f32 v39, v34;
	_ =	sdelay $0x1  }
0x28d: {  	[tilespmem:v61+s31+$0x0] =	vst.idx.msk $0xffff, v39  }
0x28e: {  	s22 =	simm.s32 $0x2;
	v42 =	vld.idx.msk [tilespmem:v62+s29+$0x0], $0xffff  }
0x28f: {  	v63 =	vadd.s32 s22, v0  }
0x290: {  	v41 =	vadd.s32 v38, v55;
	v39 =	vand.u32 $0x1F, v63  }
0x291: {  	v40 =	vor.u32 v30, v39;
	_ =	sdelay $0x1  }
0x292: {  	s5 =	simm.s32 $0x4;
	v42 =	vmul.f32 v42, v35  }
.LBB2_15:
0x293: {  	_ = 	snop  }
0x294: {  	p0 =	sne.s32 s5, $0x1E;
	s0 =	smov.u32 s5;
	s5 =	sadd.s32 $0x2, s5;
	[tilespmem:v41+s31+$0x0] =	vst.idx.msk $0xffff, v42  }
0x295: {  	v40 =	vld.idx.msk [tilespmem:v40+s29+$0x0], $0xffff;
	_ =	sdelay $0x2  }
0x296: {  	v41 =	vadd.s32 v33, v39  }
0x297: {  	v42 =	vor.u32 v28, v39;
	_ =	sdelay $0x1  }
0x298: {  	v40 =	vmul.f32 v40, v31;
	_ =	sdelay $0x1  }
0x299: {  	[tilespmem:v41+s31+$0x0] =	vst.idx.msk $0xffff, v40  }
0x29a: {  	v40 =	vld.idx.msk [tilespmem:v42+s29+$0x0], $0xffff;
	_ =	sdelay $0x2  }
0x29b: {  	v41 =	vadd.s32 v36, v39  }
0x29c: {  	v42 =	vor.u32 v29, v39;
	_ =	sdelay $0x1  }
0x29d: {  	v40 =	vmul.f32 v40, v32;
	_ =	sdelay $0x1  }
0x29e: {  	[tilespmem:v41+s31+$0x0] =	vst.idx.msk $0xffff, v40  }
0x29f: {  	v40 =	vld.idx.msk [tilespmem:v42+s29+$0x0], $0xffff;
	_ =	sdelay $0x2  }
0x2a0: {  	v41 =	vadd.s32 v37, v39  }
0x2a1: {  	v42 =	vor.u32 v27, v39;
	_ =	sdelay $0x1  }
0x2a2: {  	v40 =	vmul.f32 v40, v34;
	_ =	sdelay $0x1  }
0x2a3: {  	[tilespmem:v41+s31+$0x0] =	vst.idx.msk $0xffff, v40  }
0x2a4: {  	v40 =	vld.idx.msk [tilespmem:v42+s29+$0x0], $0xffff  }
0x2a5: {  	s2 =	sadd.s32 $0x1, s22;
	s22 =	smov.u32 s0  }
0x2a6: {  	v41 =	vadd.s32 s2, v0  }
0x2a7: {  	v39 =	vadd.s32 v38, v39;
	v41 =	vand.u32 $0x1F, v41  }
0x2a8: {  	v42 =	vor.u32 v30, v41;
	v43 =	vadd.s32 v37, v41;
	_ =	sdelay $0x1  }
0x2a9: {  	v40 =	vmul.f32 v40, v35;
	_ =	sdelay $0x1  }
0x2aa: {  	[tilespmem:v39+s31+$0x0] =	vst.idx.msk $0xffff, v40  }
0x2ab: {  	v39 =	vld.idx.msk [tilespmem:v42+s29+$0x0], $0xffff;
	_ =	sdelay $0x2  }
0x2ac: {  	v40 =	vadd.s32 v33, v41  }
0x2ad: {  	v42 =	vor.u32 v28, v41;
	_ =	sdelay $0x1  }
0x2ae: {  	v39 =	vmul.f32 v39, v31;
	_ =	sdelay $0x1  }
0x2af: {  	[tilespmem:v40+s31+$0x0] =	vst.idx.msk $0xffff, v39  }
0x2b0: {  	v39 =	vld.idx.msk [tilespmem:v42+s29+$0x0], $0xffff;
	_ =	sdelay $0x2  }
0x2b1: {  	v40 =	vadd.s32 v36, v41  }
0x2b2: {  	v42 =	vor.u32 v29, v41;
	_ =	sdelay $0x1  }
0x2b3: {  	v39 =	vmul.f32 v39, v32;
	_ =	sdelay $0x1  }
0x2b4: {  	[tilespmem:v40+s31+$0x0] =	vst.idx.msk $0xffff, v39  }
0x2b5: {  	v39 =	vld.idx.msk [tilespmem:v42+s29+$0x0], $0xffff;
	_ =	sdelay $0x3  }
0x2b6: {  	v40 =	vor.u32 v27, v41;
	_ =	sdelay $0x1  }
0x2b7: {  	v39 =	vmul.f32 v39, v34;
	_ =	sdelay $0x1  }
0x2b8: {  	[tilespmem:v43+s31+$0x0] =	vst.idx.msk $0xffff, v39  }
0x2b9: {  	v42 =	vld.idx.msk [tilespmem:v40+s29+$0x0], $0xffff;
	_ =	sdelay $0x1  }
.Ltmp6:
0x2ba: {  	v39 =	vadd.s32 s22, v0;
	(pc) =	sbr.rel @p0 .LBB2_15-.Ltmp6, $3  }
0x2bb: {  	v41 =	vadd.s32 v38, v41;
	v39 =	vand.u32 $0x1F, v39  }
0x2bc: {  	v40 =	vor.u32 v30, v39;
	_ =	sdelay $0x1  }
0x2bd: {  	v42 =	vmul.f32 v42, v35  }
0x2be: {  	_ =	sdelay $0x3  }
0x2bf: {  	[tilespmem:v41+s31+$0x0] =	vst.idx.msk $0xffff, v42  }
0x2c0: {  	v40 =	vld.idx.msk [tilespmem:v40+s29+$0x0], $0xffff;
	_ =	sdelay $0x1  }
0x2c1: {  	v61 =	vadd.s32 v33, v39  }
0x2c2: {  	v62 =	vor.u32 v28, v39;
	_ =	sdelay $0x1  }
0x2c3: {  	v40 =	vmul.f32 v40, v31;
	_ =	sdelay $0x1  }
0x2c4: {  	[tilespmem:v61+s31+$0x0] =	vst.idx.msk $0xffff, v40  }
0x2c5: {  	v40 =	vld.idx.msk [tilespmem:v62+s29+$0x0], $0xffff;
	_ =	sdelay $0x1  }
0x2c6: {  	v63 =	vadd.s32 v36, v39  }
0x2c7: {  	v45 =	vor.u32 v29, v39;
	_ =	sdelay $0x1  }
0x2c8: {  	v40 =	vmul.f32 v40, v32;
	_ =	sdelay $0x1  }
0x2c9: {  	[tilespmem:v63+s31+$0x0] =	vst.idx.msk $0xffff, v40  }
0x2ca: {  	v40 =	vld.idx.msk [tilespmem:v45+s29+$0x0], $0xffff;
	_ =	sdelay $0x1  }
0x2cb: {  	v46 =	vadd.s32 v37, v39  }
0x2cc: {  	v47 =	vor.u32 v27, v39;
	_ =	sdelay $0x1  }
0x2cd: {  	v40 =	vmul.f32 v40, v34;
	_ =	sdelay $0x1  }
0x2ce: {  	[tilespmem:v46+s31+$0x0] =	vst.idx.msk $0xffff, v40  }
0x2cf: {  	s0 =	sadd.s32 $0x1, s22;
	v40 =	vld.idx.msk [tilespmem:v47+s29+$0x0], $0xffff  }
0x2d0: {  	v48 =	vadd.s32 s0, v0  }
0x2d1: {  	v49 =	vadd.s32 v38, v39;
	v41 =	vand.u32 $0x1F, v48  }
0x2d2: {  	v30 =	vor.u32 v30, v41;
	_ =	sdelay $0x1  }
0x2d3: {  	v40 =	vmul.f32 v40, v35;
	_ =	sdelay $0x1  }
0x2d4: {  	[tilespmem:v49+s31+$0x0] =	vst.idx.msk $0xffff, v40  }
0x2d5: {  	v30 =	vld.idx.msk [tilespmem:v30+s29+$0x0], $0xffff;
	_ =	sdelay $0x1  }
0x2d6: {  	v50 =	vadd.s32 v33, v41  }
0x2d7: {  	v28 =	vor.u32 v28, v41;
	_ =	sdelay $0x1  }
0x2d8: {  	v30 =	vmul.f32 v30, v31;
	_ =	sdelay $0x1  }
0x2d9: {  	[tilespmem:v50+s31+$0x0] =	vst.idx.msk $0xffff, v30  }
0x2da: {  	v28 =	vld.idx.msk [tilespmem:v28+s29+$0x0], $0xffff;
	_ =	sdelay $0x1  }
0x2db: {  	v30 =	vadd.s32 v36, v41  }
0x2dc: {  	v29 =	vor.u32 v29, v41;
	_ =	sdelay $0x1  }
0x2dd: {  	v28 =	vmul.f32 v28, v32;
	_ =	sdelay $0x1  }
0x2de: {  	[tilespmem:v30+s31+$0x0] =	vst.idx.msk $0xffff, v28  }
0x2df: {  	v28 =	vld.idx.msk [tilespmem:v29+s29+$0x0], $0xffff;
	_ =	sdelay $0x1  }
0x2e0: {  	v29 =	vadd.s32 v37, v41  }
0x2e1: {  	v27 =	vor.u32 v27, v41;
	_ =	sdelay $0x1  }
0x2e2: {  	v28 =	vmul.f32 v28, v34;
	_ =	sdelay $0x1  }
0x2e3: {  	[tilespmem:v29+s31+$0x0] =	vst.idx.msk $0xffff, v28  }
0x2e4: {  	v27 =	vld.idx.msk [tilespmem:v27+s29+$0x0], $0xffff;
	_ =	sdelay $0x1  }
0x2e5: {  	v29 =	vadd.s32 v38, v41  }
0x2e6: {  	v30 =	vadd.s32 $0x1280, v2  }
0x2e7: {  	v51 =	vadd.s32 $0x1281, v2  }
0x2e8: {  	v52 =	vadd.s32 $0x1282, v2;
	s22 =	simm.s32 $0x0;
	v27 =	vmul.f32 v27, v35  }
0x2e9: {  	v53 =	vadd.s32 $0x1283, v2;
	v54 =	vadd.s32 s22, v0;
	v28 =	vor.u32 $0x1820, v1  }
0x2ea: {  	s5 =	simm.s32 $0x2;
	v55 =	vor.u32 v28, v54;
	[tilespmem:v29+s31+$0x0] =	vst.idx.msk $0xffff, v27  }
0x2eb: {  	v63 =	vadd.s32 s5, v0;
	[tilespmem:v30+s31+$0x0] =	vst.idx.msk $0xffff, v31  }
0x2ec: {  	v45 =	vor.u32 v28, v63;
	v27 =	vor.u32 $0x1860, v1;
	[tilespmem:v51+s31+$0x0] =	vst.idx.msk $0xffff, v32  }
0x2ed: {  	v31 =	vor.u32 v27, v54;
	[tilespmem:v52+s31+$0x0] =	vst.idx.msk $0xffff, v34  }
0x2ee: {  	v56 =	vand.u32 $0x1F, v54;
	v30 =	vor.u32 $0x1800, v1;
	[tilespmem:v53+s31+$0x0] =	vst.idx.msk $0xffff, v35  }
0x2ef: {  	v57 =	vor.u32 v30, v56;
	v34 =	vld.idx.msk [tilespmem:v55+s26+$0x0], $0xffff  }
0x2f0: {  	s2 =	simm.s32 $0x1;
	v29 =	vor.u32 $0x1840, v1;
	v38 =	vld.idx.msk [tilespmem:v55+s28+$0x0], $0xffff  }
0x2f1: {  	v58 =	vadd.s32 s2, v0;
	v32 =	vor.u32 v29, v56;
	v36 =	vld.idx.msk [tilespmem:v45+s26+$0x0], $0xffff  }
0x2f2: {  	v35 =	vand.u32 $0x1F, v58;
	v39 =	vld.idx.msk [tilespmem:v31+s26+$0x0], $0xffff  }
0x2f3: {  	v59 =	vor.u32 v30, v35;
	v40 =	vld.idx.msk [tilespmem:v31+s28+$0x0], $0xffff  }
0x2f4: {  	v41 =	vld.idx.msk [tilespmem:v57+s26+$0x0], $0xffff  }
0x2f5: {  	v61 =	vor.u32 v29, v35;
	v60 =	vld.idx.msk [tilespmem:v57+s28+$0x0], $0xffff  }
0x2f6: {  	v43 =	vld.idx.msk [tilespmem:v32+s26+$0x0], $0xffff  }
0x2f7: {  	v62 =	vor.u32 v27, v35;
	v44 =	vld.idx.msk [tilespmem:v32+s28+$0x0], $0xffff  }
0x2f8: {  	v31 =	vor.u32 v28, v35;
	v46 =	vld.idx.msk [tilespmem:v59+s26+$0x0], $0xffff  }
0x2f9: {  	v47 =	vld.idx.msk [tilespmem:v59+s28+$0x0], $0xffff  }
0x2fa: {  	v50 =	vld.idx.msk [tilespmem:v61+s26+$0x0], $0xffff  }
0x2fb: {  	v51 =	vor.u32 v27, v63;
	v52 =	vld.idx.msk [tilespmem:v61+s28+$0x0], $0xffff  }
0x2fc: {  	v53 =	vld.idx.msk [tilespmem:v62+s26+$0x0], $0xffff  }
0x2fd: {  	v35 =	vand.u32 $0x1F, v63;
	v48 =	vld.idx.msk [tilespmem:v31+s26+$0x0], $0xffff  }
0x2fe: {  	s22 =	simm.s32 $0x3;
	v54 =	vor.u32 v30, v35;
	v49 =	vld.idx.msk [tilespmem:v31+s28+$0x0], $0xffff  }
0x2ff: {  	v56 =	vimm.f32 $0.0e+00;
	v55 =	vld.idx.msk [tilespmem:v62+s28+$0x0], $0xffff;
	v58 =	vmul.f32 v38, v34;
	v31 =	vadd.s32 s22, v0  }
0x300: {  	v37 =	vor.u32 v29, v35;
	v33 =	vld.idx.msk [tilespmem:v51+s26+$0x0], $0xffff;
	v39 =	vmul.f32 v40, v39;
	v32 =	vand.u32 $0x1F, v31  }
0x301: {  	v34 =	vld.idx.msk [tilespmem:v51+s28+$0x0], $0xffff;
	v59 =	vmul.f32 v60, v41;
	v60 =	vmul.f32 v44, v43;
	v63 =	vadd.f32 v58, v56  }
0x302: {  	v31 =	vld.idx.msk [tilespmem:v45+s28+$0x0], $0xffff;
	v45 =	vor.u32 v30, v32;
	v44 =	vor.u32 v28, v32;
	v40 =	vadd.f32 v39, v56  }
0x303: {  	v38 =	vld.idx.msk [tilespmem:v54+s26+$0x0], $0xffff;
	v62 =	vadd.f32 v59, v56;
	v61 =	vmul.f32 v47, v46;
	v48 =	vmul.f32 v49, v48  }
0x304: {  	v42 =	vld.idx.msk [tilespmem:v54+s28+$0x0], $0xffff;
	v46 =	vmul.f32 v52, v50;
	v47 =	vadd.f32 v60, v56;
	v41 =	vmul.f32 v55, v53  }
0x305: {  	s5 =	simm.s32 $0x4;
	v35 =	vld.idx.msk [tilespmem:v37+s26+$0x0], $0xffff;
	v43 =	vadd.f32 v61, v62;
	v39 =	vadd.f32 v48, v63  }
.LBB2_17:
0x306: {  	p0 =	sne.s32 s5, $0x1E;
	v48 =	vld.idx.msk [tilespmem:v37+s28+$0x0], $0xffff;
	v37 =	vor.u32 v29, v32;
	v47 =	vadd.f32 v46, v47;
	v40 =	vadd.f32 v41, v40  }
0x307: {  	v41 =	vld.idx.msk [tilespmem:v45+s26+$0x0], $0xffff  }
0x308: {  	v32 =	vor.u32 v27, v32;
	v46 =	vld.idx.msk [tilespmem:v45+s28+$0x0], $0xffff  }
0x309: {  	v45 =	vadd.s32 s5, v0;
	v49 =	vld.idx.msk [tilespmem:v44+s26+$0x0], $0xffff  }
0x30a: {  	v50 =	vor.u32 v28, v45;
	v51 =	vld.idx.msk [tilespmem:v44+s28+$0x0], $0xffff  }
0x30b: {  	v52 =	vld.idx.msk [tilespmem:v37+s26+$0x0], $0xffff  }
0x30c: {  	v44 =	vor.u32 v27, v45;
	v53 =	vld.idx.msk [tilespmem:v37+s28+$0x0], $0xffff  }
0x30d: {  	s0 =	sadd.s32 $0x1, s5;
	v37 =	vand.u32 $0x1F, v45;
	v54 =	vld.idx.msk [tilespmem:v32+s26+$0x0], $0xffff  }
0x30e: {  	v45 =	vadd.s32 s0, v0;
	v55 =	vor.u32 v30, v37;
	v56 =	vld.idx.msk [tilespmem:v32+s28+$0x0], $0xffff  }
0x30f: {  	v32 =	vand.u32 $0x1F, v45;
	v57 =	vld.idx.msk [tilespmem:v50+s26+$0x0], $0xffff  }
0x310: {  	v36 =	vmul.f32 v31, v36;
	v37 =	vor.u32 v29, v37;
	v31 =	vld.idx.msk [tilespmem:v50+s28+$0x0], $0xffff;
	v50 =	vmul.f32 v34, v33  }
.Ltmp7:
0x311: {  	v42 =	vmul.f32 v42, v38;
	v35 =	vmul.f32 v48, v35;
	v45 =	vor.u32 v30, v32;
	v33 =	vld.idx.msk [tilespmem:v44+s26+$0x0], $0xffff;
	(pc) =	sbr.rel @p0 .LBB2_17-.Ltmp7, $4  }
0x312: {  	v48 =	vmul.f32 v46, v41;
	v49 =	vmul.f32 v51, v49;
	v34 =	vld.idx.msk [tilespmem:v44+s28+$0x0], $0xffff;
	v44 =	vor.u32 v28, v32  }
0x313: {  	v43 =	vadd.f32 v42, v43;
	v51 =	vadd.f32 v36, v39;
	v46 =	vmul.f32 v53, v52;
	v38 =	vld.idx.msk [tilespmem:v55+s26+$0x0], $0xffff  }
0x314: {  	v47 =	vadd.f32 v35, v47;
	v40 =	vadd.f32 v50, v40;
	v41 =	vmul.f32 v56, v54;
	v42 =	vld.idx.msk [tilespmem:v55+s28+$0x0], $0xffff  }
0x315: {  	s5 =	sadd.s32 $0x2, s5;
	v43 =	vadd.f32 v48, v43;
	v39 =	vadd.f32 v49, v51;
	v36 =	vmov v57;
	v35 =	vld.idx.msk [tilespmem:v37+s26+$0x0], $0xffff  }
0x316: {  	_ =	sdelay $0x3  }
0x317: {  	v48 =	vld.idx.msk [tilespmem:v45+s26+$0x0], $0xffff  }
0x318: {  	v49 =	vld.idx.msk [tilespmem:v45+s28+$0x0], $0xffff;
	_ =	sdelay $0x2  }
0x319: {  	v38 =	vmul.f32 v42, v38;
	_ =	sdelay $0x1  }
0x31a: {  	v50 =	vmul.f32 v49, v48;
	v38 =	vadd.f32 v38, v43  }
0x31b: {  	v51 =	vld.idx.msk [tilespmem:v44+s26+$0x0], $0xffff  }
0x31c: {  	v52 =	vld.idx.msk [tilespmem:v44+s28+$0x0], $0xffff;
	v38 =	vadd.f32 v50, v38;
	_ =	sdelay $0x1  }
0x31d: {  	v38 =	vmul.f32 $8.838834610e-02, v38  }
0x31e: {  	v53 =	vor.u32 v29, v32;
	v31 =	vmul.f32 v31, v36  }
0x31f: {  	v54 =	vmax.f32 v38, $-5.000000000e+00  }
0x320: {  	s0 =	simm.s32 $0x0;
	v31 =	vadd.f32 v31, v39;
	v55 =	vmul.f32 v52, v51;
	v36 =	vmin.f32 v54, $5.000000000e+00  }
0x321: {  	v56 =	vadd.s32 s0, v0;
	v36 =	vmul.f32 $1.442695020e+00, v36  }
0x322: {  	v37 =	vld.idx.msk [tilespmem:v37+s28+$0x0], $0xffff;
	v39 =	vand.u32 $0x1F, v56;
	v31 =	vadd.f32 v55, v31  }
0x323: {  	v58 =	vor.u32 v30, v39;
	v57 =	vld.idx.msk [tilespmem:v53+s26+$0x0], $0xffff;
	(erf) = vpow2.f32 v36  }
0x324: {  	v42 =	vld.idx.msk [tilespmem:v53+s28+$0x0], $0xffff;
	v31 =	vmul.f32 $8.838834610e-02, v31;
	_ =	sdelay $0x1  }
0x325: {  	v59 =	vor.u32 v27, v32;
	v31 =	vmax.f32 v31, $-5.000000000e+00  }
0x326: {  	v60 =	vadd.f32 v46, v47;
	v35 =	vmul.f32 v37, v35;
	v31 =	vmin.f32 v31, $5.000000000e+00  }
0x327: {  	v31 =	vmul.f32 $1.442695020e+00, v31;
	v36 =	vld.idx.msk [tilespmem:v58+s29+$0x0], $0xffff  }
0x328: {  	v32 =	vadd.s32 $0x1B00, v2;
	v35 =	vadd.f32 v35, v60;
	v61 =	vmul.f32 v42, v57  }
0x329: {  	v62 =	vadd.s32 v32, v39  }
0x32a: {  	v45 =	vor.u32 v28, v39;
	v63 =	vld.idx.msk [tilespmem:v59+s26+$0x0], $0xffff;
	v35 =	vadd.f32 v61, v35;
	(erf) = vpow2.f32 v31  }
0x32b: {  	v38 =	vld.idx.msk [tilespmem:v59+s28+$0x0], $0xffff;
	v31 =	vpop (erf)  }
0x32c: {  	v35 =	vmul.f32 $8.838834610e-02, v35;
	v36 =	vmul.f32 v36, v31  }
0x32d: {  	v40 =	vadd.f32 v41, v40;
	v33 =	vmul.f32 v34, v33  }
0x32e: {  	v46 =	vmax.f32 v35, $-5.000000000e+00;
	[tilespmem:v62+s31+$0x0] =	vst.idx.msk $0xffff, v36  }
0x32f: {  	v33 =	vadd.f32 v33, v40;
	v34 =	vmin.f32 v46, $5.000000000e+00;
	v36 =	vld.idx.msk [tilespmem:v45+s29+$0x0], $0xffff  }
0x330: {  	v47 =	vmul.f32 v38, v63;
	v35 =	vadd.s32 $0x1B20, v2;
	v34 =	vmul.f32 $1.442695020e+00, v34  }
0x331: {  	v48 =	vadd.s32 v35, v39  }
0x332: {  	v49 =	vor.u32 v29, v39;
	v37 =	vadd.f32 v47, v33;
	(erf) = vpow2.f32 v34  }
0x333: {  	v33 =	vpop (erf)  }
0x334: {  	v37 =	vmul.f32 $8.838834610e-02, v37;
	v36 =	vmul.f32 v36, v33;
	_ =	sdelay $0x1  }
0x335: {  	v37 =	vmax.f32 v37, $-5.000000000e+00;
	[tilespmem:v48+s31+$0x0] =	vst.idx.msk $0xffff, v36  }
0x336: {  	v50 =	vmin.f32 v37, $5.000000000e+00;
	v38 =	vld.idx.msk [tilespmem:v49+s29+$0x0], $0xffff  }
0x337: {  	v37 =	vadd.s32 $0x1B40, v2;
	v51 =	vmul.f32 $1.442695020e+00, v50  }
0x338: {  	v52 =	vadd.s32 v37, v39  }
0x339: {  	v53 =	vor.u32 v27, v39;
	(erf) = vpow2.f32 v51  }
0x33a: {  	v34 =	vpop (erf)  }
0x33b: {  	v38 =	vmul.f32 v38, v34;
	_ =	sdelay $0x1  }
0x33c: {  	[tilespmem:v52+s31+$0x0] =	vst.idx.msk $0xffff, v38  }
0x33d: {  	s22 =	simm.s32 $0x1;
	v40 =	vld.idx.msk [tilespmem:v53+s29+$0x0], $0xffff  }
0x33e: {  	v54 =	vadd.s32 s22, v0;
	v38 =	vadd.s32 $0x1B60, v2  }
0x33f: {  	v55 =	vand.u32 $0x1F, v54;
	v39 =	vadd.s32 v38, v39  }
0x340: {  	v56 =	vor.u32 v30, v55  }
0x341: {  	v36 =	vpop (erf)  }
0x342: {  	v40 =	vmul.f32 v40, v36;
	_ =	sdelay $0x1  }
0x343: {  	[tilespmem:v39+s31+$0x0] =	vst.idx.msk $0xffff, v40  }
0x344: {  	v39 =	vld.idx.msk [tilespmem:v56+s29+$0x0], $0xffff;
	_ =	sdelay $0x1  }
0x345: {  	v57 =	vadd.s32 v32, v55  }
0x346: {  	v58 =	vor.u32 v28, v55;
	_ =	sdelay $0x1  }
0x347: {  	v39 =	vmul.f32 v39, v31;
	_ =	sdelay $0x1  }
0x348: {  	[tilespmem:v57+s31+$0x0] =	vst.idx.msk $0xffff, v39  }
0x349: {  	v39 =	vld.idx.msk [tilespmem:v58+s29+$0x0], $0xffff;
	_ =	sdelay $0x1  }
0x34a: {  	v59 =	vadd.s32 v35, v55  }
0x34b: {  	v60 =	vor.u32 v29, v55;
	_ =	sdelay $0x1  }
0x34c: {  	v39 =	vmul.f32 v39, v33;
	_ =	sdelay $0x1  }
0x34d: {  	[tilespmem:v59+s31+$0x0] =	vst.idx.msk $0xffff, v39  }
0x34e: {  	v39 =	vld.idx.msk [tilespmem:v60+s29+$0x0], $0xffff;
	_ =	sdelay $0x1  }
0x34f: {  	v61 =	vadd.s32 v37, v55  }
0x350: {  	v62 =	vor.u32 v27, v55;
	_ =	sdelay $0x1  }
0x351: {  	v39 =	vmul.f32 v39, v34;
	_ =	sdelay $0x1  }
0x352: {  	[tilespmem:v61+s31+$0x0] =	vst.idx.msk $0xffff, v39  }
0x353: {  	s22 =	simm.s32 $0x2;
	v42 =	vld.idx.msk [tilespmem:v62+s29+$0x0], $0xffff  }
0x354: {  	v63 =	vadd.s32 s22, v0  }
0x355: {  	v41 =	vadd.s32 v38, v55;
	v39 =	vand.u32 $0x1F, v63  }
0x356: {  	v40 =	vor.u32 v30, v39;
	_ =	sdelay $0x1  }
0x357: {  	s5 =	simm.s32 $0x4;
	v42 =	vmul.f32 v42, v36  }
.LBB2_19:
0x358: {  	_ = 	snop  }
0x359: {  	p0 =	sne.s32 s5, $0x1E;
	s0 =	smov.u32 s5;
	s5 =	sadd.s32 $0x2, s5;
	[tilespmem:v41+s31+$0x0] =	vst.idx.msk $0xffff, v42  }
0x35a: {  	v40 =	vld.idx.msk [tilespmem:v40+s29+$0x0], $0xffff;
	_ =	sdelay $0x2  }
0x35b: {  	v41 =	vadd.s32 v32, v39  }
0x35c: {  	v42 =	vor.u32 v28, v39;
	_ =	sdelay $0x1  }
0x35d: {  	v40 =	vmul.f32 v40, v31;
	_ =	sdelay $0x1  }
0x35e: {  	[tilespmem:v41+s31+$0x0] =	vst.idx.msk $0xffff, v40  }
0x35f: {  	v40 =	vld.idx.msk [tilespmem:v42+s29+$0x0], $0xffff;
	_ =	sdelay $0x2  }
0x360: {  	v41 =	vadd.s32 v35, v39  }
0x361: {  	v42 =	vor.u32 v29, v39;
	_ =	sdelay $0x1  }
0x362: {  	v40 =	vmul.f32 v40, v33;
	_ =	sdelay $0x1  }
0x363: {  	[tilespmem:v41+s31+$0x0] =	vst.idx.msk $0xffff, v40  }
0x364: {  	v40 =	vld.idx.msk [tilespmem:v42+s29+$0x0], $0xffff;
	_ =	sdelay $0x2  }
0x365: {  	v41 =	vadd.s32 v37, v39  }
0x366: {  	v42 =	vor.u32 v27, v39;
	_ =	sdelay $0x1  }
0x367: {  	v40 =	vmul.f32 v40, v34;
	_ =	sdelay $0x1  }
0x368: {  	[tilespmem:v41+s31+$0x0] =	vst.idx.msk $0xffff, v40  }
0x369: {  	v40 =	vld.idx.msk [tilespmem:v42+s29+$0x0], $0xffff  }
0x36a: {  	s2 =	sadd.s32 $0x1, s22;
	s22 =	smov.u32 s0  }
0x36b: {  	v41 =	vadd.s32 s2, v0  }
0x36c: {  	v39 =	vadd.s32 v38, v39;
	v41 =	vand.u32 $0x1F, v41  }
0x36d: {  	v42 =	vor.u32 v30, v41;
	v43 =	vadd.s32 v37, v41;
	_ =	sdelay $0x1  }
0x36e: {  	v40 =	vmul.f32 v40, v36;
	_ =	sdelay $0x1  }
0x36f: {  	[tilespmem:v39+s31+$0x0] =	vst.idx.msk $0xffff, v40  }
0x370: {  	v39 =	vld.idx.msk [tilespmem:v42+s29+$0x0], $0xffff;
	_ =	sdelay $0x2  }
0x371: {  	v40 =	vadd.s32 v32, v41  }
0x372: {  	v42 =	vor.u32 v28, v41;
	_ =	sdelay $0x1  }
0x373: {  	v39 =	vmul.f32 v39, v31;
	_ =	sdelay $0x1  }
0x374: {  	[tilespmem:v40+s31+$0x0] =	vst.idx.msk $0xffff, v39  }
0x375: {  	v39 =	vld.idx.msk [tilespmem:v42+s29+$0x0], $0xffff;
	_ =	sdelay $0x2  }
0x376: {  	v40 =	vadd.s32 v35, v41  }
0x377: {  	v42 =	vor.u32 v29, v41;
	_ =	sdelay $0x1  }
0x378: {  	v39 =	vmul.f32 v39, v33;
	_ =	sdelay $0x1  }
0x379: {  	[tilespmem:v40+s31+$0x0] =	vst.idx.msk $0xffff, v39  }
0x37a: {  	v39 =	vld.idx.msk [tilespmem:v42+s29+$0x0], $0xffff;
	_ =	sdelay $0x3  }
0x37b: {  	v40 =	vor.u32 v27, v41;
	_ =	sdelay $0x1  }
0x37c: {  	v39 =	vmul.f32 v39, v34;
	_ =	sdelay $0x1  }
0x37d: {  	[tilespmem:v43+s31+$0x0] =	vst.idx.msk $0xffff, v39  }
0x37e: {  	v42 =	vld.idx.msk [tilespmem:v40+s29+$0x0], $0xffff;
	_ =	sdelay $0x1  }
.Ltmp8:
0x37f: {  	v39 =	vadd.s32 s22, v0;
	(pc) =	sbr.rel @p0 .LBB2_19-.Ltmp8, $3  }
0x380: {  	v41 =	vadd.s32 v38, v41;
	v39 =	vand.u32 $0x1F, v39  }
0x381: {  	v40 =	vor.u32 v30, v39;
	_ =	sdelay $0x1  }
0x382: {  	v42 =	vmul.f32 v42, v36  }
0x383: {  	_ =	sdelay $0x3  }
0x384: {  	[tilespmem:v41+s31+$0x0] =	vst.idx.msk $0xffff, v42  }
0x385: {  	v40 =	vld.idx.msk [tilespmem:v40+s29+$0x0], $0xffff;
	_ =	sdelay $0x1  }
0x386: {  	v46 =	vadd.s32 v32, v39  }
0x387: {  	v47 =	vor.u32 v28, v39;
	_ =	sdelay $0x1  }
0x388: {  	v40 =	vmul.f32 v40, v31;
	_ =	sdelay $0x1  }
0x389: {  	[tilespmem:v46+s31+$0x0] =	vst.idx.msk $0xffff, v40  }
0x38a: {  	v40 =	vld.idx.msk [tilespmem:v47+s29+$0x0], $0xffff;
	_ =	sdelay $0x1  }
0x38b: {  	v48 =	vadd.s32 v35, v39  }
0x38c: {  	v49 =	vor.u32 v29, v39;
	_ =	sdelay $0x1  }
0x38d: {  	v40 =	vmul.f32 v40, v33;
	_ =	sdelay $0x1  }
0x38e: {  	[tilespmem:v48+s31+$0x0] =	vst.idx.msk $0xffff, v40  }
0x38f: {  	v40 =	vld.idx.msk [tilespmem:v49+s29+$0x0], $0xffff;
	_ =	sdelay $0x1  }
0x390: {  	v50 =	vadd.s32 v37, v39  }
0x391: {  	v51 =	vor.u32 v27, v39;
	_ =	sdelay $0x1  }
0x392: {  	v40 =	vmul.f32 v40, v34;
	_ =	sdelay $0x1  }
0x393: {  	[tilespmem:v50+s31+$0x0] =	vst.idx.msk $0xffff, v40  }
0x394: {  	s0 =	sadd.s32 $0x1, s22;
	v40 =	vld.idx.msk [tilespmem:v51+s29+$0x0], $0xffff  }
0x395: {  	v52 =	vadd.s32 s0, v0  }
0x396: {  	v53 =	vadd.s32 v38, v39;
	v41 =	vand.u32 $0x1F, v52  }
0x397: {  	v30 =	vor.u32 v30, v41;
	_ =	sdelay $0x1  }
0x398: {  	v40 =	vmul.f32 v40, v36;
	_ =	sdelay $0x1  }
0x399: {  	[tilespmem:v53+s31+$0x0] =	vst.idx.msk $0xffff, v40  }
0x39a: {  	v30 =	vld.idx.msk [tilespmem:v30+s29+$0x0], $0xffff;
	_ =	sdelay $0x1  }
0x39b: {  	v54 =	vadd.s32 v32, v41  }
0x39c: {  	v55 =	vor.u32 v28, v41;
	_ =	sdelay $0x1  }
0x39d: {  	v30 =	vmul.f32 v30, v31;
	_ =	sdelay $0x1  }
0x39e: {  	[tilespmem:v54+s31+$0x0] =	vst.idx.msk $0xffff, v30  }
0x39f: {  	v28 =	vld.idx.msk [tilespmem:v55+s29+$0x0], $0xffff;
	_ =	sdelay $0x1  }
0x3a0: {  	v56 =	vadd.s32 v35, v41  }
0x3a1: {  	v57 =	vor.u32 v29, v41;
	_ =	sdelay $0x1  }
0x3a2: {  	v28 =	vmul.f32 v28, v33;
	_ =	sdelay $0x1  }
0x3a3: {  	[tilespmem:v56+s31+$0x0] =	vst.idx.msk $0xffff, v28  }
0x3a4: {  	v28 =	vld.idx.msk [tilespmem:v57+s29+$0x0], $0xffff;
	_ =	sdelay $0x1  }
0x3a5: {  	v58 =	vadd.s32 v37, v41  }
0x3a6: {  	v27 =	vor.u32 v27, v41;
	_ =	sdelay $0x1  }
0x3a7: {  	v28 =	vmul.f32 v28, v34;
	_ =	sdelay $0x1  }
0x3a8: {  	[tilespmem:v58+s31+$0x0] =	vst.idx.msk $0xffff, v28  }
0x3a9: {  	v27 =	vld.idx.msk [tilespmem:v27+s29+$0x0], $0xffff;
	_ =	sdelay $0x1  }
0x3aa: {  	v59 =	vadd.s32 v38, v41  }
0x3ab: {  	v60 =	vadd.s32 $0x1B80, v2  }
0x3ac: {  	v61 =	vadd.s32 $0x1B81, v2  }
0x3ad: {  	v62 =	vadd.s32 $0x1B82, v2;
	v27 =	vmul.f32 v27, v36  }
0x3ae: {  	v63 =	vadd.s32 $0x1B83, v2;
	s21 =	sadd.s32 $0x1, s21  }
0x3af: {  	p0 =	sne.s32 s21, $0x9C;
	[tilespmem:v59+s31+$0x0] =	vst.idx.msk $0xffff, v27  }
.Ltmp9:
0x3b0: {  	[tilespmem:v60+s31+$0x0] =	vst.idx.msk $0xffff, v31;
	(pc) =	sbr.rel @p0 .LBB2_4-.Ltmp9, $4  }
0x3b1: {  	[tilespmem:v61+s31+$0x0] =	vst.idx.msk $0xffff, v33  }
0x3b2: {  	[tilespmem:v62+s31+$0x0] =	vst.idx.msk $0xffff, v34  }
0x3b3: {  	s22 =	simm.s32 $0xA0;
	s2 =	simm.s32 $0x72C0;
	[tilespmem:v63+s31+$0x0] =	vst.idx.msk $0xffff, v36  }
0x3b4: {  	[spmem:s4] =	stream.indirect.scatter.add.f32 [tilespmem:s2], [sflag:$0x6], $0x90, s22, s24, $0xb8;
	[tilespmem:$0x1E498] =	vst v63  }
0x3b5: {  	_ =	swait.ge [sflag:s9], $0x1000  }
0x3b6: {  	[sflag:s9] =	ssyncset.done $0x0  }
0x3b7: {  	[sflag:s9] =	ssyncadd.s32 $0xFFFFF000  }
0x3b8: {  	_ =	swait.ge [sflag:s9], $0x1000  }
0x3b9: {  	[sflag:s9] =	ssyncset.done $0x0  }
0x3ba: {  	[sflag:s9] =	ssyncadd.s32 $0xFFFFF000  }
0x3bb: {  	_ =	swait.ge [sflag:s9], $0x1000  }
0x3bc: {  	[sflag:s9] =	ssyncset.done $0x0  }
0x3bd: {  	[sflag:s9] =	ssyncadd.s32 $0xFFFFF000  }
0x3be: {  	_ =	swait.ge [sflag:s11], $0x1200  }
0x3bf: {  	[sflag:s11] =	ssyncset.done $0x0  }
0x3c0: {  	[sflag:s11] =	ssyncadd.s32 $0xFFFFEE00  }
0x3c1: {  	v27 =	vld [tilespmem:$0x40]  }
0x3c2: {  	v28 =	vld [tilespmem:$0x50];
	_ =	sdelay $0x3  }
0x3c3: {  	[tilespmem:$0x80] =	vst v27  }
0x3c4: {  	s0 =	simm.s32 $0x0;
	s2 =	rddreg [dreg:$0xc];
	[tilespmem:$0x90] =	vst v28  }
0x3c5: {  	[tilespmem:s0], [sflag:$0x3] =	stream.linear.gather [hbm4b:s2+s0], $0x20, $0x38;
	[tilespmem:$0x1E498] =	vst v63  }
0x3c6: {  	s5 =	rddreg [dreg:$0xd]  }
0x3c7: {  	[tilespmem:s23], [sflag:$0x3] =	stream.linear.gather [hbm4b:s5+s0], $0x20, $0x38;
	[tilespmem:$0x1E498] =	vst v63  }
0x3c8: {  	_ =	swait.ge [sflag:s12], $0x20  }
0x3c9: {  	[sflag:s12] =	ssyncset.done $0x0  }
0x3ca: {  	[sflag:s12] =	ssyncadd.s32 $0xFFFFFFE0  }
0x3cb: {  	_ =	swait.ge [sflag:s12], $0x20  }
0x3cc: {  	[sflag:s12] =	ssyncset.done $0x0  }
0x3cd: {  	v27 =	vadd.s32 s0, v0;
	[sflag:s12] =	ssyncadd.s32 $0xFFFFFFE0  }
0x3ce: {  	v28 =	vor.u32 v5, v27;
	[tilespmem:s13], [sflag:$0x2] =	stream.indirect.gather [hbm4b:s7+s24], $0x80, s24, s24, $0xb8;
	[tilespmem:$0x1E498] =	vst v63  }
0x3cf: {  	_ = 	snop  }
0x3d0: {  	v29 =	vor.u32 v7, v27;
	[tilespmem:s14], [sflag:$0x2] =	stream.indirect.gather [hbm4b:s6+s24], $0x80, s25, s24, $0xb8;
	[tilespmem:$0x1E498] =	vst v63  }
0x3d1: {  	v27 =	vand.u32 $0x1F, v27  }
0x3d2: {  	v30 =	vor.u32 v1, v27;
	[tilespmem:s17], [sflag:$0x2] =	stream.indirect.gather [hbm4b:s8+s24], $0x80, s24, s24, $0xb8;
	[tilespmem:$0x1E498] =	vst v63  }
0x3d3: {  	s10 =	simm.s32 $0x1;
	v31 =	vld.idx.msk [tilespmem:v28+s26+$0x0], $0xffff  }
0x3d4: {  	v32 =	vadd.s32 s10, v0;
	v27 =	vor.u32 v6, v27;
	v28 =	vld.idx.msk [tilespmem:v28+s28+$0x0], $0xffff  }
0x3d5: {  	v32 =	vand.u32 $0x1F, v32;
	v34 =	vld.idx.msk [tilespmem:v29+s26+$0x0], $0xffff  }
0x3d6: {  	v33 =	vor.u32 v1, v32;
	v29 =	vld.idx.msk [tilespmem:v29+s28+$0x0], $0xffff  }
0x3d7: {  	v35 =	vld.idx.msk [tilespmem:v30+s26+$0x0], $0xffff  }
0x3d8: {  	s21 =	simm.s32 $0x2;
	v36 =	vor.u32 v5, v32;
	v37 =	vld.idx.msk [tilespmem:v30+s28+$0x0], $0xffff  }
0x3d9: {  	v60 =	vadd.s32 s21, v0;
	v38 =	vld.idx.msk [tilespmem:v27+s26+$0x0], $0xffff  }
0x3da: {  	v40 =	vor.u32 v5, v60;
	v39 =	vld.idx.msk [tilespmem:v27+s28+$0x0], $0xffff  }
0x3db: {  	v27 =	vor.u32 v6, v32;
	v42 =	vld.idx.msk [tilespmem:v33+s26+$0x0], $0xffff  }
0x3dc: {  	v43 =	vld.idx.msk [tilespmem:v33+s28+$0x0], $0xffff  }
0x3dd: {  	v30 =	vor.u32 v7, v32;
	v44 =	vld.idx.msk [tilespmem:v36+s26+$0x0], $0xffff  }
0x3de: {  	v36 =	vld.idx.msk [tilespmem:v36+s28+$0x0], $0xffff  }
0x3df: {  	v46 =	vor.u32 v7, v60;
	v33 =	vld.idx.msk [tilespmem:v40+s26+$0x0], $0xffff  }
0x3e0: {  	v45 =	vld.idx.msk [tilespmem:v27+s26+$0x0], $0xffff  }
0x3e1: {  	v32 =	vand.u32 $0x1F, v60;
	v47 =	vld.idx.msk [tilespmem:v27+s28+$0x0], $0xffff  }
0x3e2: {  	v49 =	vor.u32 v1, v32;
	v48 =	vld.idx.msk [tilespmem:v30+s26+$0x0], $0xffff  }
0x3e3: {  	s22 =	simm.s32 $0x3;
	v51 =	vimm.f32 $0.0e+00;
	v32 =	vor.u32 v6, v32;
	v50 =	vld.idx.msk [tilespmem:v30+s28+$0x0], $0xffff;
	v31 =	vmul.f32 v28, v31  }
0x3e4: {  	v27 =	vadd.s32 s22, v0;
	v52 =	vmul.f32 v29, v34;
	v28 =	vld.idx.msk [tilespmem:v46+s26+$0x0], $0xffff;
	v35 =	vmul.f32 v37, v35  }
0x3e5: {  	v61 =	vmul.f32 v39, v38;
	v29 =	vld.idx.msk [tilespmem:v46+s28+$0x0], $0xffff;
	v62 =	vmul.f32 v43, v42;
	v30 =	vand.u32 $0x1F, v27  }
0x3e6: {  	v44 =	vmul.f32 v36, v44;
	v27 =	vld.idx.msk [tilespmem:v40+s28+$0x0], $0xffff;
	v41 =	vor.u32 v1, v30;
	v35 =	vadd.f32 v35, v51  }
0x3e7: {  	v34 =	vld.idx.msk [tilespmem:v49+s26+$0x0], $0xffff;
	v40 =	vor.u32 v5, v30;
	v63 =	vadd.f32 v31, v51;
	v43 =	vadd.f32 v61, v51  }
0x3e8: {  	v38 =	vld.idx.msk [tilespmem:v49+s28+$0x0], $0xffff;
	v36 =	vadd.f32 v52, v51;
	v42 =	vmul.f32 v47, v45;
	v37 =	vmul.f32 v50, v48  }
0x3e9: {  	s5 =	simm.s32 $0x4;
	v31 =	vld.idx.msk [tilespmem:v32+s26+$0x0], $0xffff;
	v39 =	vadd.f32 v62, v35;
	v35 =	vadd.f32 v44, v63  }
.LBB2_22:
0x3ea: {  	p0 =	sne.s32 s5, $0x1E;
	v44 =	vld.idx.msk [tilespmem:v32+s28+$0x0], $0xffff;
	v32 =	vor.u32 v6, v30;
	v43 =	vadd.f32 v42, v43;
	v36 =	vadd.f32 v37, v36  }
0x3eb: {  	v37 =	vld.idx.msk [tilespmem:v41+s26+$0x0], $0xffff  }
0x3ec: {  	v30 =	vor.u32 v7, v30;
	v42 =	vld.idx.msk [tilespmem:v41+s28+$0x0], $0xffff  }
0x3ed: {  	v41 =	vadd.s32 s5, v0;
	v45 =	vld.idx.msk [tilespmem:v40+s26+$0x0], $0xffff  }
0x3ee: {  	v46 =	vor.u32 v5, v41;
	v47 =	vld.idx.msk [tilespmem:v40+s28+$0x0], $0xffff  }
0x3ef: {  	v48 =	vld.idx.msk [tilespmem:v32+s26+$0x0], $0xffff  }
0x3f0: {  	v40 =	vor.u32 v7, v41;
	v49 =	vld.idx.msk [tilespmem:v32+s28+$0x0], $0xffff  }
0x3f1: {  	s0 =	sadd.s32 $0x1, s5;
	v32 =	vand.u32 $0x1F, v41;
	v50 =	vld.idx.msk [tilespmem:v30+s26+$0x0], $0xffff  }
0x3f2: {  	v41 =	vadd.s32 s0, v0;
	v51 =	vor.u32 v1, v32;
	v52 =	vld.idx.msk [tilespmem:v30+s28+$0x0], $0xffff  }
0x3f3: {  	v30 =	vand.u32 $0x1F, v41;
	v53 =	vld.idx.msk [tilespmem:v46+s26+$0x0], $0xffff  }
0x3f4: {  	v33 =	vmul.f32 v27, v33;
	v32 =	vor.u32 v6, v32;
	v27 =	vld.idx.msk [tilespmem:v46+s28+$0x0], $0xffff;
	v46 =	vmul.f32 v29, v28  }
.Ltmp10:
0x3f5: {  	v38 =	vmul.f32 v38, v34;
	v31 =	vmul.f32 v44, v31;
	v41 =	vor.u32 v1, v30;
	v28 =	vld.idx.msk [tilespmem:v40+s26+$0x0], $0xffff;
	(pc) =	sbr.rel @p0 .LBB2_22-.Ltmp10, $4  }
0x3f6: {  	v44 =	vmul.f32 v42, v37;
	v45 =	vmul.f32 v47, v45;
	v29 =	vld.idx.msk [tilespmem:v40+s28+$0x0], $0xffff;
	v40 =	vor.u32 v5, v30  }
0x3f7: {  	v39 =	vadd.f32 v38, v39;
	v47 =	vadd.f32 v33, v35;
	v42 =	vmul.f32 v49, v48;
	v34 =	vld.idx.msk [tilespmem:v51+s26+$0x0], $0xffff  }
0x3f8: {  	v43 =	vadd.f32 v31, v43;
	v36 =	vadd.f32 v46, v36;
	v37 =	vmul.f32 v52, v50;
	v38 =	vld.idx.msk [tilespmem:v51+s28+$0x0], $0xffff  }
0x3f9: {  	s5 =	sadd.s32 $0x2, s5;
	v39 =	vadd.f32 v44, v39;
	v35 =	vadd.f32 v45, v47;
	v33 =	vmov v53;
	v31 =	vld.idx.msk [tilespmem:v32+s26+$0x0], $0xffff  }
0x3fa: {  	_ =	sdelay $0x3  }
0x3fb: {  	v44 =	vld.idx.msk [tilespmem:v41+s26+$0x0], $0xffff  }
0x3fc: {  	v57 =	vld.idx.msk [tilespmem:v41+s28+$0x0], $0xffff;
	_ =	sdelay $0x2  }
0x3fd: {  	v34 =	vmul.f32 v38, v34;
	_ =	sdelay $0x1  }
0x3fe: {  	v58 =	vmul.f32 v57, v44;
	v34 =	vadd.f32 v34, v39  }
0x3ff: {  	v59 =	vld.idx.msk [tilespmem:v40+s26+$0x0], $0xffff  }
0x400: {  	v60 =	vld.idx.msk [tilespmem:v40+s28+$0x0], $0xffff;
	v34 =	vadd.f32 v58, v34;
	_ =	sdelay $0x1  }
0x401: {  	v34 =	vmul.f32 $8.838834610e-02, v34  }
0x402: {  	v61 =	vor.u32 v6, v30;
	v27 =	vmul.f32 v27, v33  }
0x403: {  	v62 =	vmax.f32 v34, $-5.000000000e+00  }
0x404: {  	s0 =	simm.s32 $0x0;
	v27 =	vadd.f32 v27, v35;
	v63 =	vmul.f32 v60, v59;
	v33 =	vmin.f32 v62, $5.000000000e+00  }
0x405: {  	v41 =	vadd.s32 s0, v0;
	v33 =	vmul.f32 $1.442695020e+00, v33  }
0x406: {  	v32 =	vld.idx.msk [tilespmem:v32+s28+$0x0], $0xffff;
	v35 =	vand.u32 $0x1F, v41;
	v27 =	vadd.f32 v63, v27  }
0x407: {  	v45 =	vor.u32 v1, v35;
	v44 =	vld.idx.msk [tilespmem:v61+s26+$0x0], $0xffff;
	(erf) = vpow2.f32 v33  }
0x408: {  	v46 =	vld.idx.msk [tilespmem:v61+s28+$0x0], $0xffff;
	v27 =	vmul.f32 $8.838834610e-02, v27  }
0x409: {  	v30 =	vor.u32 v7, v30  }
0x40a: {  	v27 =	vmax.f32 v27, $-5.000000000e+00  }
0x40b: {  	v47 =	vadd.f32 v42, v43;
	v31 =	vmul.f32 v32, v31;
	v27 =	vmin.f32 v27, $5.000000000e+00  }
0x40c: {  	v48 =	vld.idx.msk [tilespmem:v45+s29+$0x0], $0xffff;
	v27 =	vmul.f32 $1.442695020e+00, v27  }
0x40d: {  	v31 =	vadd.f32 v31, v47;
	v49 =	vmul.f32 v46, v44  }
0x40e: {  	v50 =	vadd.s32 v2, v35;
	v51 =	vld.idx.msk [tilespmem:v30+s26+$0x0], $0xffff  }
0x40f: {  	v52 =	vor.u32 v5, v35;
	v30 =	vld.idx.msk [tilespmem:v30+s28+$0x0], $0xffff;
	v31 =	vadd.f32 v49, v31;
	(erf) = vpow2.f32 v27  }
0x410: {  	v27 =	vpop (erf)  }
0x411: {  	v31 =	vmul.f32 $8.838834610e-02, v31;
	v32 =	vmul.f32 v48, v27  }
0x412: {  	v36 =	vadd.f32 v37, v36;
	v28 =	vmul.f32 v29, v28  }
0x413: {  	v29 =	vmax.f32 v31, $-5.000000000e+00;
	[tilespmem:v50+s31+$0x0] =	vst.idx.msk $0xffff, v32  }
0x414: {  	v28 =	vadd.f32 v28, v36;
	v30 =	vmul.f32 v30, v51;
	v29 =	vmin.f32 v29, $5.000000000e+00;
	v31 =	vld.idx.msk [tilespmem:v52+s29+$0x0], $0xffff  }
0x415: {  	v29 =	vmul.f32 $1.442695020e+00, v29  }
0x416: {  	v53 =	vadd.s32 v8, v35;
	v30 =	vadd.f32 v30, v28  }
0x417: {  	(erf) = vpow2.f32 v29;
	v29 =	vor.u32 v6, v35  }
0x418: {  	v30 =	vmul.f32 $8.838834610e-02, v30;
	v28 =	vpop (erf)  }
0x419: {  	v31 =	vmul.f32 v31, v28  }
0x41a: {  	v30 =	vmax.f32 v30, $-5.000000000e+00  }
0x41b: {  	v30 =	vmin.f32 v30, $5.000000000e+00;
	[tilespmem:v53+s31+$0x0] =	vst.idx.msk $0xffff, v31  }
0x41c: {  	v31 =	vld.idx.msk [tilespmem:v29+s29+$0x0], $0xffff;
	v29 =	vmul.f32 $1.442695020e+00, v30;
	_ =	sdelay $0x1  }
0x41d: {  	v30 =	vadd.s32 v9, v35  }
0x41e: {  	v54 =	vor.u32 v7, v35;
	(erf) = vpow2.f32 v29  }
0x41f: {  	v29 =	vpop (erf)  }
0x420: {  	v31 =	vmul.f32 v31, v29;
	_ =	sdelay $0x1  }
0x421: {  	[tilespmem:v30+s31+$0x0] =	vst.idx.msk $0xffff, v31  }
0x422: {  	s22 =	simm.s32 $0x1;
	v31 =	vld.idx.msk [tilespmem:v54+s29+$0x0], $0xffff  }
0x423: {  	v30 =	vadd.s32 s22, v0  }
0x424: {  	v55 =	vadd.s32 v10, v35;
	v56 =	vand.u32 $0x1F, v30  }
0x425: {  	v57 =	vor.u32 v1, v56  }
0x426: {  	v30 =	vpop (erf)  }
0x427: {  	v31 =	vmul.f32 v31, v30;
	_ =	sdelay $0x1  }
0x428: {  	[tilespmem:v55+s31+$0x0] =	vst.idx.msk $0xffff, v31  }
0x429: {  	v31 =	vld.idx.msk [tilespmem:v57+s29+$0x0], $0xffff;
	_ =	sdelay $0x1  }
0x42a: {  	v58 =	vadd.s32 v2, v56  }
0x42b: {  	v59 =	vor.u32 v5, v56;
	_ =	sdelay $0x1  }
0x42c: {  	v31 =	vmul.f32 v31, v27;
	_ =	sdelay $0x1  }
0x42d: {  	[tilespmem:v58+s31+$0x0] =	vst.idx.msk $0xffff, v31  }
0x42e: {  	v31 =	vld.idx.msk [tilespmem:v59+s29+$0x0], $0xffff;
	_ =	sdelay $0x1  }
0x42f: {  	v60 =	vadd.s32 v8, v56  }
0x430: {  	v61 =	vor.u32 v6, v56;
	_ =	sdelay $0x1  }
0x431: {  	v31 =	vmul.f32 v31, v28;
	_ =	sdelay $0x1  }
0x432: {  	[tilespmem:v60+s31+$0x0] =	vst.idx.msk $0xffff, v31  }
0x433: {  	v31 =	vld.idx.msk [tilespmem:v61+s29+$0x0], $0xffff;
	_ =	sdelay $0x1  }
0x434: {  	v62 =	vadd.s32 v9, v56  }
0x435: {  	v63 =	vor.u32 v7, v56;
	_ =	sdelay $0x1  }
0x436: {  	v31 =	vmul.f32 v31, v29;
	_ =	sdelay $0x1  }
0x437: {  	[tilespmem:v62+s31+$0x0] =	vst.idx.msk $0xffff, v31  }
0x438: {  	s10 =	simm.s32 $0x2;
	v34 =	vld.idx.msk [tilespmem:v63+s29+$0x0], $0xffff  }
0x439: {  	v31 =	vadd.s32 s10, v0  }
0x43a: {  	v33 =	vadd.s32 v10, v56;
	v31 =	vand.u32 $0x1F, v31  }
0x43b: {  	v32 =	vor.u32 v1, v31;
	_ =	sdelay $0x1  }
0x43c: {  	s5 =	simm.s32 $0x4;
	s21 =	rddreg [dreg:$0x5];
	v34 =	vmul.f32 v34, v30  }
.LBB2_24:
0x43d: {  	_ = 	snop  }
0x43e: {  	p0 =	sne.s32 s5, $0x1E;
	s0 =	smov.u32 s5;
	s5 =	sadd.s32 $0x2, s5;
	[tilespmem:v33+s31+$0x0] =	vst.idx.msk $0xffff, v34  }
0x43f: {  	v32 =	vld.idx.msk [tilespmem:v32+s29+$0x0], $0xffff;
	_ =	sdelay $0x2  }
0x440: {  	v33 =	vadd.s32 v2, v31  }
0x441: {  	v34 =	vor.u32 v5, v31;
	_ =	sdelay $0x1  }
0x442: {  	v32 =	vmul.f32 v32, v27;
	_ =	sdelay $0x1  }
0x443: {  	[tilespmem:v33+s31+$0x0] =	vst.idx.msk $0xffff, v32  }
0x444: {  	v32 =	vld.idx.msk [tilespmem:v34+s29+$0x0], $0xffff;
	_ =	sdelay $0x2  }
0x445: {  	v33 =	vadd.s32 v8, v31  }
0x446: {  	v34 =	vor.u32 v6, v31;
	_ =	sdelay $0x1  }
0x447: {  	v32 =	vmul.f32 v32, v28;
	_ =	sdelay $0x1  }
0x448: {  	[tilespmem:v33+s31+$0x0] =	vst.idx.msk $0xffff, v32  }
0x449: {  	v32 =	vld.idx.msk [tilespmem:v34+s29+$0x0], $0xffff;
	_ =	sdelay $0x2  }
0x44a: {  	v33 =	vadd.s32 v9, v31  }
0x44b: {  	v34 =	vor.u32 v7, v31;
	_ =	sdelay $0x1  }
0x44c: {  	v32 =	vmul.f32 v32, v29;
	_ =	sdelay $0x1  }
0x44d: {  	[tilespmem:v33+s31+$0x0] =	vst.idx.msk $0xffff, v32  }
0x44e: {  	v32 =	vld.idx.msk [tilespmem:v34+s29+$0x0], $0xffff  }
0x44f: {  	s2 =	sadd.s32 $0x1, s10;
	s10 =	smov.u32 s0  }
0x450: {  	v33 =	vadd.s32 s2, v0  }
0x451: {  	v31 =	vadd.s32 v10, v31;
	v33 =	vand.u32 $0x1F, v33  }
0x452: {  	v34 =	vor.u32 v1, v33;
	_ =	sdelay $0x1  }
0x453: {  	v32 =	vmul.f32 v32, v30;
	_ =	sdelay $0x1  }
0x454: {  	[tilespmem:v31+s31+$0x0] =	vst.idx.msk $0xffff, v32  }
0x455: {  	v31 =	vld.idx.msk [tilespmem:v34+s29+$0x0], $0xffff;
	_ =	sdelay $0x2  }
0x456: {  	v32 =	vadd.s32 v2, v33  }
0x457: {  	v34 =	vor.u32 v5, v33;
	_ =	sdelay $0x1  }
0x458: {  	v31 =	vmul.f32 v31, v27;
	_ =	sdelay $0x1  }
0x459: {  	[tilespmem:v32+s31+$0x0] =	vst.idx.msk $0xffff, v31  }
0x45a: {  	v31 =	vld.idx.msk [tilespmem:v34+s29+$0x0], $0xffff;
	_ =	sdelay $0x2  }
0x45b: {  	v32 =	vadd.s32 v8, v33  }
0x45c: {  	v34 =	vor.u32 v6, v33;
	_ =	sdelay $0x1  }
0x45d: {  	v31 =	vmul.f32 v31, v28;
	_ =	sdelay $0x1  }
0x45e: {  	[tilespmem:v32+s31+$0x0] =	vst.idx.msk $0xffff, v31  }
0x45f: {  	v31 =	vld.idx.msk [tilespmem:v34+s29+$0x0], $0xffff;
	_ =	sdelay $0x2  }
0x460: {  	v32 =	vadd.s32 v9, v33  }
0x461: {  	v34 =	vor.u32 v7, v33;
	_ =	sdelay $0x1  }
0x462: {  	v31 =	vmul.f32 v31, v29;
	_ =	sdelay $0x1  }
0x463: {  	[tilespmem:v32+s31+$0x0] =	vst.idx.msk $0xffff, v31  }
0x464: {  	v34 =	vld.idx.msk [tilespmem:v34+s29+$0x0], $0xffff;
	_ =	sdelay $0x1  }
.Ltmp11:
0x465: {  	v31 =	vadd.s32 s10, v0;
	(pc) =	sbr.rel @p0 .LBB2_24-.Ltmp11, $3  }
0x466: {  	v33 =	vadd.s32 v10, v33;
	v31 =	vand.u32 $0x1F, v31  }
0x467: {  	v32 =	vor.u32 v1, v31;
	_ =	sdelay $0x1  }
0x468: {  	v34 =	vmul.f32 v34, v30  }
0x469: {  	_ =	sdelay $0x3  }
0x46a: {  	[tilespmem:v33+s31+$0x0] =	vst.idx.msk $0xffff, v34  }
0x46b: {  	v32 =	vld.idx.msk [tilespmem:v32+s29+$0x0], $0xffff;
	_ =	sdelay $0x1  }
0x46c: {  	v40 =	vadd.s32 v2, v31  }
0x46d: {  	v41 =	vor.u32 v5, v31;
	_ =	sdelay $0x1  }
0x46e: {  	v32 =	vmul.f32 v32, v27;
	_ =	sdelay $0x1  }
0x46f: {  	[tilespmem:v40+s31+$0x0] =	vst.idx.msk $0xffff, v32  }
0x470: {  	v32 =	vld.idx.msk [tilespmem:v41+s29+$0x0], $0xffff;
	_ =	sdelay $0x1  }
0x471: {  	v42 =	vadd.s32 v8, v31  }
0x472: {  	v43 =	vor.u32 v6, v31;
	_ =	sdelay $0x1  }
0x473: {  	v32 =	vmul.f32 v32, v28;
	_ =	sdelay $0x1  }
0x474: {  	[tilespmem:v42+s31+$0x0] =	vst.idx.msk $0xffff, v32  }
0x475: {  	v32 =	vld.idx.msk [tilespmem:v43+s29+$0x0], $0xffff;
	_ =	sdelay $0x1  }
0x476: {  	v44 =	vadd.s32 v9, v31  }
0x477: {  	v45 =	vor.u32 v7, v31;
	_ =	sdelay $0x1  }
0x478: {  	v32 =	vmul.f32 v32, v29;
	_ =	sdelay $0x1  }
0x479: {  	[tilespmem:v44+s31+$0x0] =	vst.idx.msk $0xffff, v32  }
0x47a: {  	s0 =	sadd.s32 $0x1, s10;
	v32 =	vld.idx.msk [tilespmem:v45+s29+$0x0], $0xffff  }
0x47b: {  	v46 =	vadd.s32 s0, v0  }
0x47c: {  	v31 =	vadd.s32 v10, v31;
	v33 =	vand.u32 $0x1F, v46  }
0x47d: {  	v47 =	vor.u32 v1, v33;
	_ =	sdelay $0x1  }
0x47e: {  	v32 =	vmul.f32 v32, v30;
	_ =	sdelay $0x1  }
0x47f: {  	[tilespmem:v31+s31+$0x0] =	vst.idx.msk $0xffff, v32  }
0x480: {  	v31 =	vld.idx.msk [tilespmem:v47+s29+$0x0], $0xffff;
	_ =	sdelay $0x1  }
0x481: {  	v48 =	vadd.s32 v2, v33  }
0x482: {  	v49 =	vor.u32 v5, v33;
	_ =	sdelay $0x1  }
0x483: {  	v31 =	vmul.f32 v31, v27;
	_ =	sdelay $0x1  }
0x484: {  	[tilespmem:v48+s31+$0x0] =	vst.idx.msk $0xffff, v31  }
0x485: {  	v31 =	vld.idx.msk [tilespmem:v49+s29+$0x0], $0xffff;
	_ =	sdelay $0x1  }
0x486: {  	v50 =	vadd.s32 v8, v33  }
0x487: {  	v51 =	vor.u32 v6, v33;
	_ =	sdelay $0x1  }
0x488: {  	v31 =	vmul.f32 v31, v28;
	_ =	sdelay $0x1  }
0x489: {  	[tilespmem:v50+s31+$0x0] =	vst.idx.msk $0xffff, v31  }
0x48a: {  	v31 =	vld.idx.msk [tilespmem:v51+s29+$0x0], $0xffff;
	_ =	sdelay $0x1  }
0x48b: {  	v52 =	vadd.s32 v9, v33  }
0x48c: {  	v53 =	vor.u32 v7, v33;
	_ =	sdelay $0x1  }
0x48d: {  	v31 =	vmul.f32 v31, v29;
	_ =	sdelay $0x1  }
0x48e: {  	[tilespmem:v52+s31+$0x0] =	vst.idx.msk $0xffff, v31  }
0x48f: {  	v31 =	vld.idx.msk [tilespmem:v53+s29+$0x0], $0xffff;
	_ =	sdelay $0x1  }
0x490: {  	v54 =	vadd.s32 v10, v33;
	_ =	sdelay $0x2  }
0x491: {  	s2 =	simm.s32 $0x0;
	v31 =	vmul.f32 v31, v30  }
0x492: {  	v55 =	vadd.s32 s2, v0  }
0x493: {  	s10 =	simm.s32 $0x2;
	[tilespmem:v54+s31+$0x0] =	vst.idx.msk $0xffff, v31;
	v31 =	vor.u32 v16, v55  }
0x494: {  	v58 =	vadd.s32 s10, v0;
	[tilespmem:v11+s31+$0x0] =	vst.idx.msk $0xffff, v27  }
0x495: {  	v40 =	vor.u32 v16, v58;
	[tilespmem:v12+s31+$0x0] =	vst.idx.msk $0xffff, v28  }
0x496: {  	v27 =	vor.u32 v18, v55;
	[tilespmem:v13+s31+$0x0] =	vst.idx.msk $0xffff, v29  }
0x497: {  	v28 =	vand.u32 $0x1F, v55;
	[tilespmem:v14+s31+$0x0] =	vst.idx.msk $0xffff, v30  }
0x498: {  	v29 =	vor.u32 v15, v28;
	v56 =	vld.idx.msk [tilespmem:v31+s26+$0x0], $0xffff  }
0x499: {  	s5 =	simm.s32 $0x1;
	v31 =	vld.idx.msk [tilespmem:v31+s28+$0x0], $0xffff  }
0x49a: {  	v28 =	vor.u32 v17, v28;
	v30 =	vadd.s32 s5, v0;
	v33 =	vld.idx.msk [tilespmem:v40+s26+$0x0], $0xffff  }
0x49b: {  	v30 =	vand.u32 $0x1F, v30;
	v35 =	vld.idx.msk [tilespmem:v27+s26+$0x0], $0xffff  }
0x49c: {  	v57 =	vor.u32 v15, v30;
	v36 =	vld.idx.msk [tilespmem:v27+s28+$0x0], $0xffff  }
0x49d: {  	v37 =	vld.idx.msk [tilespmem:v29+s26+$0x0], $0xffff  }
0x49e: {  	v27 =	vor.u32 v16, v30;
	v29 =	vld.idx.msk [tilespmem:v29+s28+$0x0], $0xffff  }
0x49f: {  	v38 =	vld.idx.msk [tilespmem:v28+s26+$0x0], $0xffff  }
0x4a0: {  	v39 =	vld.idx.msk [tilespmem:v28+s28+$0x0], $0xffff;
	v28 =	vor.u32 v17, v30  }
0x4a1: {  	v42 =	vld.idx.msk [tilespmem:v57+s26+$0x0], $0xffff  }
0x4a2: {  	v30 =	vor.u32 v18, v30;
	v43 =	vld.idx.msk [tilespmem:v57+s28+$0x0], $0xffff  }
0x4a3: {  	v44 =	vld.idx.msk [tilespmem:v27+s26+$0x0], $0xffff  }
0x4a4: {  	v45 =	vld.idx.msk [tilespmem:v27+s28+$0x0], $0xffff  }
0x4a5: {  	v47 =	vor.u32 v18, v58;
	v46 =	vld.idx.msk [tilespmem:v28+s26+$0x0], $0xffff  }
0x4a6: {  	v48 =	vld.idx.msk [tilespmem:v28+s28+$0x0], $0xffff;
	v28 =	vand.u32 $0x1F, v58  }
0x4a7: {  	s22 =	simm.s32 $0x3;
	v49 =	vld.idx.msk [tilespmem:v30+s26+$0x0], $0xffff;
	v50 =	vor.u32 v15, v28  }
0x4a8: {  	v52 =	vimm.f32 $0.0e+00;
	v31 =	vmul.f32 v31, v56;
	v27 =	vadd.s32 s22, v0;
	v51 =	vld.idx.msk [tilespmem:v30+s28+$0x0], $0xffff  }
0x4a9: {  	v35 =	vmul.f32 v36, v35;
	v30 =	vand.u32 $0x1F, v27;
	v27 =	vld.idx.msk [tilespmem:v40+s28+$0x0], $0xffff;
	v32 =	vor.u32 v17, v28  }
0x4aa: {  	v63 =	vadd.f32 v31, v52;
	v59 =	vmul.f32 v29, v37;
	v60 =	vmul.f32 v39, v38;
	v29 =	vld.idx.msk [tilespmem:v47+s28+$0x0], $0xffff  }
0x4ab: {  	v36 =	vadd.f32 v35, v52;
	v28 =	vld.idx.msk [tilespmem:v47+s26+$0x0], $0xffff;
	v41 =	vor.u32 v15, v30;
	v40 =	vor.u32 v16, v30  }
0x4ac: {  	v62 =	vadd.f32 v59, v52;
	v61 =	vmul.f32 v43, v42;
	v44 =	vmul.f32 v45, v44;
	v34 =	vld.idx.msk [tilespmem:v50+s26+$0x0], $0xffff  }
0x4ad: {  	v43 =	vadd.f32 v60, v52;
	v42 =	vmul.f32 v48, v46;
	v37 =	vmul.f32 v51, v49;
	v38 =	vld.idx.msk [tilespmem:v50+s28+$0x0], $0xffff  }
0x4ae: {  	s5 =	simm.s32 $0x4;
	s22 =	rddreg [dreg:$0x7];
	v39 =	vadd.f32 v61, v62;
	v35 =	vadd.f32 v44, v63;
	v31 =	vld.idx.msk [tilespmem:v32+s26+$0x0], $0xffff  }
.LBB2_26:
0x4af: {  	p0 =	sne.s32 s5, $0x1E;
	v44 =	vld.idx.msk [tilespmem:v32+s28+$0x0], $0xffff;
	v32 =	vor.u32 v17, v30;
	v43 =	vadd.f32 v42, v43;
	v36 =	vadd.f32 v37, v36  }
0x4b0: {  	v37 =	vld.idx.msk [tilespmem:v41+s26+$0x0], $0xffff  }
0x4b1: {  	v30 =	vor.u32 v18, v30;
	v42 =	vld.idx.msk [tilespmem:v41+s28+$0x0], $0xffff  }
0x4b2: {  	v41 =	vadd.s32 s5, v0;
	v45 =	vld.idx.msk [tilespmem:v40+s26+$0x0], $0xffff  }
0x4b3: {  	v46 =	vor.u32 v16, v41;
	v47 =	vld.idx.msk [tilespmem:v40+s28+$0x0], $0xffff  }
0x4b4: {  	v48 =	vld.idx.msk [tilespmem:v32+s26+$0x0], $0xffff  }
0x4b5: {  	v40 =	vor.u32 v18, v41;
	v49 =	vld.idx.msk [tilespmem:v32+s28+$0x0], $0xffff  }
0x4b6: {  	s0 =	sadd.s32 $0x1, s5;
	v32 =	vand.u32 $0x1F, v41;
	v50 =	vld.idx.msk [tilespmem:v30+s26+$0x0], $0xffff  }
0x4b7: {  	v41 =	vadd.s32 s0, v0;
	v51 =	vor.u32 v15, v32;
	v52 =	vld.idx.msk [tilespmem:v30+s28+$0x0], $0xffff  }
0x4b8: {  	v30 =	vand.u32 $0x1F, v41;
	v53 =	vld.idx.msk [tilespmem:v46+s26+$0x0], $0xffff  }
0x4b9: {  	v33 =	vmul.f32 v27, v33;
	v32 =	vor.u32 v17, v32;
	v27 =	vld.idx.msk [tilespmem:v46+s28+$0x0], $0xffff;
	v46 =	vmul.f32 v29, v28  }
.Ltmp12:
0x4ba: {  	v38 =	vmul.f32 v38, v34;
	v31 =	vmul.f32 v44, v31;
	v41 =	vor.u32 v15, v30;
	v28 =	vld.idx.msk [tilespmem:v40+s26+$0x0], $0xffff;
	(pc) =	sbr.rel @p0 .LBB2_26-.Ltmp12, $4  }
0x4bb: {  	v44 =	vmul.f32 v42, v37;
	v45 =	vmul.f32 v47, v45;
	v29 =	vld.idx.msk [tilespmem:v40+s28+$0x0], $0xffff;
	v40 =	vor.u32 v16, v30  }
0x4bc: {  	v39 =	vadd.f32 v38, v39;
	v47 =	vadd.f32 v33, v35;
	v42 =	vmul.f32 v49, v48;
	v34 =	vld.idx.msk [tilespmem:v51+s26+$0x0], $0xffff  }
0x4bd: {  	v43 =	vadd.f32 v31, v43;
	v36 =	vadd.f32 v46, v36;
	v37 =	vmul.f32 v52, v50;
	v38 =	vld.idx.msk [tilespmem:v51+s28+$0x0], $0xffff  }
0x4be: {  	s5 =	sadd.s32 $0x2, s5;
	v39 =	vadd.f32 v44, v39;
	v35 =	vadd.f32 v45, v47;
	v33 =	vmov v53;
	v31 =	vld.idx.msk [tilespmem:v32+s26+$0x0], $0xffff  }
0x4bf: {  	_ =	sdelay $0x3  }
0x4c0: {  	v44 =	vld.idx.msk [tilespmem:v41+s26+$0x0], $0xffff  }
0x4c1: {  	v57 =	vld.idx.msk [tilespmem:v41+s28+$0x0], $0xffff;
	_ =	sdelay $0x2  }
0x4c2: {  	v34 =	vmul.f32 v38, v34;
	_ =	sdelay $0x1  }
0x4c3: {  	v58 =	vmul.f32 v57, v44;
	v34 =	vadd.f32 v34, v39  }
0x4c4: {  	v59 =	vld.idx.msk [tilespmem:v40+s26+$0x0], $0xffff  }
0x4c5: {  	v60 =	vld.idx.msk [tilespmem:v40+s28+$0x0], $0xffff;
	v34 =	vadd.f32 v58, v34;
	_ =	sdelay $0x1  }
0x4c6: {  	v34 =	vmul.f32 $8.838834610e-02, v34  }
0x4c7: {  	v61 =	vor.u32 v17, v30;
	v27 =	vmul.f32 v27, v33  }
0x4c8: {  	v62 =	vmax.f32 v34, $-5.000000000e+00  }
0x4c9: {  	s0 =	simm.s32 $0x0;
	v27 =	vadd.f32 v27, v35;
	v63 =	vmul.f32 v60, v59;
	v33 =	vmin.f32 v62, $5.000000000e+00  }
0x4ca: {  	v41 =	vadd.s32 s0, v0;
	v33 =	vmul.f32 $1.442695020e+00, v33  }
0x4cb: {  	v32 =	vld.idx.msk [tilespmem:v32+s28+$0x0], $0xffff;
	v35 =	vand.u32 $0x1F, v41;
	v27 =	vadd.f32 v63, v27  }
0x4cc: {  	v45 =	vor.u32 v15, v35;
	v44 =	vld.idx.msk [tilespmem:v61+s26+$0x0], $0xffff;
	(erf) = vpow2.f32 v33  }
0x4cd: {  	v46 =	vld.idx.msk [tilespmem:v61+s28+$0x0], $0xffff;
	v27 =	vmul.f32 $8.838834610e-02, v27  }
0x4ce: {  	v30 =	vor.u32 v18, v30  }
0x4cf: {  	v27 =	vmax.f32 v27, $-5.000000000e+00  }
0x4d0: {  	v47 =	vadd.f32 v42, v43;
	v31 =	vmul.f32 v32, v31;
	v27 =	vmin.f32 v27, $5.000000000e+00  }
0x4d1: {  	v48 =	vld.idx.msk [tilespmem:v45+s29+$0x0], $0xffff;
	v27 =	vmul.f32 $1.442695020e+00, v27  }
0x4d2: {  	v31 =	vadd.f32 v31, v47;
	v49 =	vmul.f32 v46, v44  }
0x4d3: {  	v50 =	vadd.s32 v19, v35;
	v51 =	vld.idx.msk [tilespmem:v30+s26+$0x0], $0xffff  }
0x4d4: {  	v52 =	vor.u32 v16, v35;
	v30 =	vld.idx.msk [tilespmem:v30+s28+$0x0], $0xffff;
	v31 =	vadd.f32 v49, v31;
	(erf) = vpow2.f32 v27  }
0x4d5: {  	v27 =	vpop (erf)  }
0x4d6: {  	v31 =	vmul.f32 $8.838834610e-02, v31;
	v32 =	vmul.f32 v48, v27  }
0x4d7: {  	v36 =	vadd.f32 v37, v36;
	v28 =	vmul.f32 v29, v28  }
0x4d8: {  	v29 =	vmax.f32 v31, $-5.000000000e+00;
	[tilespmem:v50+s31+$0x0] =	vst.idx.msk $0xffff, v32  }
0x4d9: {  	v28 =	vadd.f32 v28, v36;
	v30 =	vmul.f32 v30, v51;
	v29 =	vmin.f32 v29, $5.000000000e+00;
	v31 =	vld.idx.msk [tilespmem:v52+s29+$0x0], $0xffff  }
0x4da: {  	v29 =	vmul.f32 $1.442695020e+00, v29  }
0x4db: {  	v53 =	vadd.s32 v20, v35;
	v30 =	vadd.f32 v30, v28  }
0x4dc: {  	(erf) = vpow2.f32 v29;
	v29 =	vor.u32 v17, v35  }
0x4dd: {  	v30 =	vmul.f32 $8.838834610e-02, v30;
	v28 =	vpop (erf)  }
0x4de: {  	v31 =	vmul.f32 v31, v28  }
0x4df: {  	v30 =	vmax.f32 v30, $-5.000000000e+00  }
0x4e0: {  	v30 =	vmin.f32 v30, $5.000000000e+00;
	[tilespmem:v53+s31+$0x0] =	vst.idx.msk $0xffff, v31  }
0x4e1: {  	v31 =	vld.idx.msk [tilespmem:v29+s29+$0x0], $0xffff;
	v29 =	vmul.f32 $1.442695020e+00, v30;
	_ =	sdelay $0x1  }
0x4e2: {  	v30 =	vadd.s32 v21, v35  }
0x4e3: {  	v54 =	vor.u32 v18, v35;
	(erf) = vpow2.f32 v29  }
0x4e4: {  	v29 =	vpop (erf)  }
0x4e5: {  	v31 =	vmul.f32 v31, v29;
	_ =	sdelay $0x1  }
0x4e6: {  	[tilespmem:v30+s31+$0x0] =	vst.idx.msk $0xffff, v31  }
0x4e7: {  	s10 =	simm.s32 $0x1;
	v31 =	vld.idx.msk [tilespmem:v54+s29+$0x0], $0xffff  }
0x4e8: {  	v30 =	vadd.s32 s10, v0  }
0x4e9: {  	v55 =	vadd.s32 v22, v35;
	v56 =	vand.u32 $0x1F, v30  }
0x4ea: {  	v57 =	vor.u32 v15, v56  }
0x4eb: {  	v30 =	vpop (erf)  }
0x4ec: {  	v31 =	vmul.f32 v31, v30;
	_ =	sdelay $0x1  }
0x4ed: {  	[tilespmem:v55+s31+$0x0] =	vst.idx.msk $0xffff, v31  }
0x4ee: {  	v31 =	vld.idx.msk [tilespmem:v57+s29+$0x0], $0xffff;
	_ =	sdelay $0x1  }
0x4ef: {  	v58 =	vadd.s32 v19, v56  }
0x4f0: {  	v59 =	vor.u32 v16, v56;
	_ =	sdelay $0x1  }
0x4f1: {  	v31 =	vmul.f32 v31, v27;
	_ =	sdelay $0x1  }
0x4f2: {  	[tilespmem:v58+s31+$0x0] =	vst.idx.msk $0xffff, v31  }
0x4f3: {  	v31 =	vld.idx.msk [tilespmem:v59+s29+$0x0], $0xffff;
	_ =	sdelay $0x1  }
0x4f4: {  	v60 =	vadd.s32 v20, v56  }
0x4f5: {  	v61 =	vor.u32 v17, v56;
	_ =	sdelay $0x1  }
0x4f6: {  	v31 =	vmul.f32 v31, v28;
	_ =	sdelay $0x1  }
0x4f7: {  	[tilespmem:v60+s31+$0x0] =	vst.idx.msk $0xffff, v31  }
0x4f8: {  	v31 =	vld.idx.msk [tilespmem:v61+s29+$0x0], $0xffff;
	_ =	sdelay $0x1  }
0x4f9: {  	v62 =	vadd.s32 v21, v56  }
0x4fa: {  	v63 =	vor.u32 v18, v56;
	_ =	sdelay $0x1  }
0x4fb: {  	v31 =	vmul.f32 v31, v29;
	_ =	sdelay $0x1  }
0x4fc: {  	[tilespmem:v62+s31+$0x0] =	vst.idx.msk $0xffff, v31  }
0x4fd: {  	s10 =	simm.s32 $0x2;
	v34 =	vld.idx.msk [tilespmem:v63+s29+$0x0], $0xffff  }
0x4fe: {  	v31 =	vadd.s32 s10, v0  }
0x4ff: {  	v33 =	vadd.s32 v22, v56;
	v31 =	vand.u32 $0x1F, v31  }
0x500: {  	v32 =	vor.u32 v15, v31;
	_ =	sdelay $0x1  }
0x501: {  	s5 =	simm.s32 $0x4;
	v34 =	vmul.f32 v34, v30  }
.LBB2_28:
0x502: {  	_ = 	snop  }
0x503: {  	p0 =	sne.s32 s5, $0x1E;
	s0 =	smov.u32 s5;
	s5 =	sadd.s32 $0x2, s5;
	[tilespmem:v33+s31+$0x0] =	vst.idx.msk $0xffff, v34  }
0x504: {  	v32 =	vld.idx.msk [tilespmem:v32+s29+$0x0], $0xffff;
	_ =	sdelay $0x2  }
0x505: {  	v33 =	vadd.s32 v19, v31  }
0x506: {  	v34 =	vor.u32 v16, v31;
	_ =	sdelay $0x1  }
0x507: {  	v32 =	vmul.f32 v32, v27;
	_ =	sdelay $0x1  }
0x508: {  	[tilespmem:v33+s31+$0x0] =	vst.idx.msk $0xffff, v32  }
0x509: {  	v32 =	vld.idx.msk [tilespmem:v34+s29+$0x0], $0xffff;
	_ =	sdelay $0x2  }
0x50a: {  	v33 =	vadd.s32 v20, v31  }
0x50b: {  	v34 =	vor.u32 v17, v31;
	_ =	sdelay $0x1  }
0x50c: {  	v32 =	vmul.f32 v32, v28;
	_ =	sdelay $0x1  }
0x50d: {  	[tilespmem:v33+s31+$0x0] =	vst.idx.msk $0xffff, v32  }
0x50e: {  	v32 =	vld.idx.msk [tilespmem:v34+s29+$0x0], $0xffff;
	_ =	sdelay $0x2  }
0x50f: {  	v33 =	vadd.s32 v21, v31  }
0x510: {  	v34 =	vor.u32 v18, v31;
	_ =	sdelay $0x1  }
0x511: {  	v32 =	vmul.f32 v32, v29;
	_ =	sdelay $0x1  }
0x512: {  	[tilespmem:v33+s31+$0x0] =	vst.idx.msk $0xffff, v32  }
0x513: {  	v32 =	vld.idx.msk [tilespmem:v34+s29+$0x0], $0xffff  }
0x514: {  	s2 =	sadd.s32 $0x1, s10;
	s10 =	smov.u32 s0  }
0x515: {  	v33 =	vadd.s32 s2, v0  }
0x516: {  	v31 =	vadd.s32 v22, v31;
	v33 =	vand.u32 $0x1F, v33  }
0x517: {  	v34 =	vor.u32 v15, v33;
	_ =	sdelay $0x1  }
0x518: {  	v32 =	vmul.f32 v32, v30;
	_ =	sdelay $0x1  }
0x519: {  	[tilespmem:v31+s31+$0x0] =	vst.idx.msk $0xffff, v32  }
0x51a: {  	v31 =	vld.idx.msk [tilespmem:v34+s29+$0x0], $0xffff;
	_ =	sdelay $0x2  }
0x51b: {  	v32 =	vadd.s32 v19, v33  }
0x51c: {  	v34 =	vor.u32 v16, v33;
	_ =	sdelay $0x1  }
0x51d: {  	v31 =	vmul.f32 v31, v27;
	_ =	sdelay $0x1  }
0x51e: {  	[tilespmem:v32+s31+$0x0] =	vst.idx.msk $0xffff, v31  }
0x51f: {  	v31 =	vld.idx.msk [tilespmem:v34+s29+$0x0], $0xffff;
	_ =	sdelay $0x2  }
0x520: {  	v32 =	vadd.s32 v20, v33  }
0x521: {  	v34 =	vor.u32 v17, v33;
	_ =	sdelay $0x1  }
0x522: {  	v31 =	vmul.f32 v31, v28;
	_ =	sdelay $0x1  }
0x523: {  	[tilespmem:v32+s31+$0x0] =	vst.idx.msk $0xffff, v31  }
0x524: {  	v31 =	vld.idx.msk [tilespmem:v34+s29+$0x0], $0xffff;
	_ =	sdelay $0x2  }
0x525: {  	v32 =	vadd.s32 v21, v33  }
0x526: {  	v34 =	vor.u32 v18, v33;
	_ =	sdelay $0x1  }
0x527: {  	v31 =	vmul.f32 v31, v29;
	_ =	sdelay $0x1  }
0x528: {  	[tilespmem:v32+s31+$0x0] =	vst.idx.msk $0xffff, v31  }
0x529: {  	v34 =	vld.idx.msk [tilespmem:v34+s29+$0x0], $0xffff;
	_ =	sdelay $0x1  }
.Ltmp13:
0x52a: {  	v31 =	vadd.s32 s10, v0;
	(pc) =	sbr.rel @p0 .LBB2_28-.Ltmp13, $3  }
0x52b: {  	v33 =	vadd.s32 v22, v33;
	v31 =	vand.u32 $0x1F, v31  }
0x52c: {  	v32 =	vor.u32 v15, v31;
	_ =	sdelay $0x1  }
0x52d: {  	v34 =	vmul.f32 v34, v30  }
0x52e: {  	_ =	sdelay $0x3  }
0x52f: {  	[tilespmem:v33+s31+$0x0] =	vst.idx.msk $0xffff, v34  }
0x530: {  	v32 =	vld.idx.msk [tilespmem:v32+s29+$0x0], $0xffff;
	_ =	sdelay $0x1  }
0x531: {  	v48 =	vadd.s32 v19, v31  }
0x532: {  	v49 =	vor.u32 v16, v31;
	_ =	sdelay $0x1  }
0x533: {  	v32 =	vmul.f32 v32, v27;
	_ =	sdelay $0x1  }
0x534: {  	[tilespmem:v48+s31+$0x0] =	vst.idx.msk $0xffff, v32  }
0x535: {  	v32 =	vld.idx.msk [tilespmem:v49+s29+$0x0], $0xffff;
	_ =	sdelay $0x1  }
0x536: {  	v50 =	vadd.s32 v20, v31  }
0x537: {  	v51 =	vor.u32 v17, v31;
	_ =	sdelay $0x1  }
0x538: {  	v32 =	vmul.f32 v32, v28;
	_ =	sdelay $0x1  }
0x539: {  	[tilespmem:v50+s31+$0x0] =	vst.idx.msk $0xffff, v32  }
0x53a: {  	v32 =	vld.idx.msk [tilespmem:v51+s29+$0x0], $0xffff;
	_ =	sdelay $0x1  }
0x53b: {  	v52 =	vadd.s32 v21, v31  }
0x53c: {  	v53 =	vor.u32 v18, v31;
	_ =	sdelay $0x1  }
0x53d: {  	v32 =	vmul.f32 v32, v29;
	_ =	sdelay $0x1  }
0x53e: {  	[tilespmem:v52+s31+$0x0] =	vst.idx.msk $0xffff, v32  }
0x53f: {  	s0 =	sadd.s32 $0x1, s10;
	v32 =	vld.idx.msk [tilespmem:v53+s29+$0x0], $0xffff  }
0x540: {  	v54 =	vadd.s32 s0, v0  }
0x541: {  	v55 =	vadd.s32 v22, v31;
	v33 =	vand.u32 $0x1F, v54  }
0x542: {  	v56 =	vor.u32 v15, v33;
	_ =	sdelay $0x1  }
0x543: {  	v32 =	vmul.f32 v32, v30;
	_ =	sdelay $0x1  }
0x544: {  	[tilespmem:v55+s31+$0x0] =	vst.idx.msk $0xffff, v32  }
0x545: {  	v31 =	vld.idx.msk [tilespmem:v56+s29+$0x0], $0xffff;
	_ =	sdelay $0x1  }
0x546: {  	v57 =	vadd.s32 v19, v33  }
0x547: {  	v58 =	vor.u32 v16, v33;
	_ =	sdelay $0x1  }
0x548: {  	v31 =	vmul.f32 v31, v27;
	_ =	sdelay $0x1  }
0x549: {  	[tilespmem:v57+s31+$0x0] =	vst.idx.msk $0xffff, v31  }
0x54a: {  	v31 =	vld.idx.msk [tilespmem:v58+s29+$0x0], $0xffff;
	_ =	sdelay $0x1  }
0x54b: {  	v59 =	vadd.s32 v20, v33  }
0x54c: {  	v60 =	vor.u32 v17, v33;
	_ =	sdelay $0x1  }
0x54d: {  	v31 =	vmul.f32 v31, v28;
	_ =	sdelay $0x1  }
0x54e: {  	[tilespmem:v59+s31+$0x0] =	vst.idx.msk $0xffff, v31  }
0x54f: {  	v31 =	vld.idx.msk [tilespmem:v60+s29+$0x0], $0xffff;
	_ =	sdelay $0x1  }
0x550: {  	v61 =	vadd.s32 v21, v33  }
0x551: {  	v62 =	vor.u32 v18, v33;
	_ =	sdelay $0x1  }
0x552: {  	v31 =	vmul.f32 v31, v29;
	_ =	sdelay $0x1  }
0x553: {  	[tilespmem:v61+s31+$0x0] =	vst.idx.msk $0xffff, v31  }
0x554: {  	v31 =	vld.idx.msk [tilespmem:v62+s29+$0x0], $0xffff;
	_ =	sdelay $0x1  }
0x555: {  	v63 =	vadd.s32 v22, v33;
	_ =	sdelay $0x2  }
0x556: {  	v31 =	vmul.f32 v31, v30;
	_ =	sdelay $0x1  }
0x557: {  	[tilespmem:v63+s31+$0x0] =	vst.idx.msk $0xffff, v31  }
0x558: {  	[tilespmem:v23+s31+$0x0] =	vst.idx.msk $0xffff, v27  }
0x559: {  	[tilespmem:v24+s31+$0x0] =	vst.idx.msk $0xffff, v28  }
0x55a: {  	[tilespmem:v25+s31+$0x0] =	vst.idx.msk $0xffff, v29  }
0x55b: {  	[tilespmem:v26+s31+$0x0] =	vst.idx.msk $0xffff, v30  }
0x55c: {  	[spmem:s4] =	stream.indirect.scatter.add.f32 [tilespmem:s31], [sflag:$0x5], $0x90, s30, s24, $0xb8;
	[tilespmem:$0x1E498] =	vst v63  }
0x55d: {  	_ =	swait.ge [sflag:s11], $0x1200  }
0x55e: {  	[sflag:s11] =	ssyncset.done $0x0  }
0x55f: {  	[sflag:s11] =	ssyncadd.s32 $0xFFFFEE00  }
0x560: {  	_ =	swait.ge [sflag:s19], $0x1200  }
0x561: {  	[sflag:s19] =	ssyncset.done $0x0  }
0x562: {  	[sflag:s19] =	ssyncadd.s32 $0xFFFFEE00  }
0x563: {  	_ =	swait.ge [sflag:s18], $0x1000  }
0x564: {  	[sflag:s18] =	ssyncset.done $0x0  }
0x565: {  	[sflag:s18] =	ssyncadd.s32 $0xFFFFF000  }
0x566: {  	_ =	swait.ge [sflag:s18], $0x1000  }
0x567: {  	[sflag:s18] =	ssyncset.done $0x0  }
0x568: {  	[sflag:s18] =	ssyncadd.s32 $0xFFFFF000  }
0x569: {  	_ =	swait.ge [sflag:s18], $0x1000  }
0x56a: {  	[sflag:s18] =	ssyncset.done $0x0  }
0x56b: {  	[sflag:s18] =	ssyncadd.s32 $0xFFFFF000  }
0x56c: {  	_ =	swait.ge [sflag:s20], $0x20  }
0x56d: {  	[sflag:s20] =	ssyncset.done $0x0  }
0x56e: {  	[sflag:s20] =	ssyncadd.s32 $0xFFFFFFE0  }
0x56f: {  	_ =	swait.ge [sflag:s20], $0x20  }
0x570: {  	[sflag:s20] =	ssyncset.done $0x0  }
0x571: {  	[sflag:s20] =	ssyncadd.s32 $0xFFFFFFE0  }
0x572: {  	[bflag:$0x0] =	sbarrier.arrive $0xFFFF  }
0x573: {  	s5 =	rddreg [dreg:$0xe]  }
0x574: {  	s2 =	rddreg [dreg:$0x10]  }
0x575: {  	[hbm:s5], [sflag:s22] =	dma.local [spmem:s2], $0x2BF2  }
0x576: {  	s5 =	simm.s32 $0x7  }
0x577: {  	_ =	swait.ge [sflag:s5], $0x2BF2  }
0x578: {  	s21 =	sadd.s32 $0x1, s21;
	s10 =	rddreg [dreg:$0xf]  }
0x579: {  	p0 =	sne.s32 s21, s10  }
.Ltmp14:
0x57a: {  	_ = 	snop;
	(pc) =	sbr.rel @p0 .LBB2_1-.Ltmp14, $3  }
0x57b: {  	_ =	sdelay $0x1  }
0x57c: {  	[sflag:s5] =	ssyncset.done $0x0  }
0x57d: {  	[sflag:s5] =	ssyncadd.s32 $0xFFFFD40E  }
0x57e: {  	_ =	sfence.sel $0x180000  }
0x57f: {  	[bflag:$0x0] =	sbarrier.arrive $0xFFFF  }
0x580: {  	_ =	strace $0x90000047  }
0x581: {  	s0 =	stileid.u32;
	[bflag:$0x2] =	sbarrier.arrive $0xFFFF  }
0x582: {  	p0 =	sne.s32 s0, $0x0;
	s0 =	rddreg [dreg:$0x4]  }
0x583: {  	s0 =	sadd.s32 @!p0 $0x100000, s0  }
0x584: {  	[sflag:s0] =	ssyncadd.tile.s32 @!p0 $0x1;
	_ =	shalt  }
.Lfunc_end2:
_tile_overlayer_lowered:
.L_overlay_start_2:
0x585: {  	(tag) =	ssettag $0x2  }
0x586: {  	s0 =	rddreg [dreg:$0x0];
	s2 =	stileid.u32  }
0x587: {  	s1 =	rddreg [dreg:$0x1];
	p0 =	sne.s32 s2, $0x0  }
0x588: {  	s3 =	rddreg [dreg:$0x2];
	[bflag:$0x3] =	sbarrier.arrive $0xFFFF;
	s2 =	simm.s32 @!p0 $0x1C07  }
0x589: {  	[timem:s3], [sflag:s2] =	dma.local @!p0 [hbm:s0], s1  }
0x58a: {  	s0 =	simm.s32 @!p0 $0x7  }
0x58b: {  	_ =	swait.ge @!p0 [sflag:s0], s1  }
0x58c: {  	s1 =	ssub.s32 @!p0 $0x0, s1;
	[sflag:s0] =	ssyncset.done @!p0 $0x0  }
0x58d: {  	[sflag:s0] =	ssyncadd.s32 @!p0 s1  }
0x58e: {  	[bflag:$0x3] =	sbarrier.arrive $0xFFFF  }
0x58f: {  	_ =	shalt  }

</sc_bundles>
